<compile_context>
chip_gen: v7x
topology: tpu7x:2x2x1
jax: 0.10.2.dev20260603
libtpu: 0.0.44.dev20260713+nightly
codegen_flags: <defaults>
</compile_context>

<pallas_src>
import functools

import jax
import jax.numpy as jnp
from jax import lax
from jax.experimental import pallas as pl
from jax.experimental.pallas import tpu as pltpu
from jax.experimental.pallas import tpu_sc as plsc

N = 10000
C = 128
OC = 64
E = 320000

NC, NS = 2, 16
NW = NC * NS
BLK = 128
NB = 80
NBC = 8
NPH = NB // NBC
EPW = NB * BLK
E_PAD = EPW * NW
NPAD = 10112
RPT = NPAD // NS
DEGW = 16

R = 1000
GRID = N // R


def _sc_mesh():
    return plsc.VectorSubcoreMesh(
        core_axis_name="c", subcore_axis_name="s",
        num_cores=NC, num_subcores=NS)


@functools.partial(
    pl.kernel,
    out_type=jax.ShapeDtypeStruct((NC, NPAD, DEGW), jnp.float32),
    mesh=_sc_mesh(),
    scratch_types=[
        pltpu.VMEM_SHARED((NPAD, DEGW), jnp.float32),
    ],
)
def _deg_kernel(dst_hbm, out_hbm, acc):
    cid = lax.axis_index("c")
    sid = lax.axis_index("s")
    wid = cid * NS + sid
    one = jnp.ones((16,), jnp.float32)
    zero = jnp.zeros((16,), jnp.float32)

    def body(dst_v, ones_v, zs_v, dsem):
        @pl.loop(0, BLK)
        def _(i):
            ones_v[i, :] = one

        @pl.loop(0, RPT)
        def _(i):
            zs_v[i, :] = zero

        base = sid * RPT
        pltpu.sync_copy(zs_v, acc.at[pl.ds(base, RPT)])
        pltpu.sync_copy(dst_hbm.at[wid], dst_v)
        plsc.subcore_barrier()

        @pl.loop(0, NB)
        def _(j):
            pltpu.sync_copy(ones_v, acc.at[dst_v.at[j]], add=True)

        plsc.subcore_barrier()
        pltpu.sync_copy(acc.at[pl.ds(base, RPT)],
                        out_hbm.at[cid, pl.ds(base, RPT)])

    pl.run_scoped(
        body,
        pltpu.VMEM((NB, BLK), jnp.int32),
        pltpu.VMEM((BLK, DEGW), jnp.float32),
        pltpu.VMEM((RPT, DEGW), jnp.float32),
        pltpu.SemaphoreType.DMA,
    )


@functools.partial(
    pl.kernel,
    out_type=jax.ShapeDtypeStruct((NC, NPAD, C), jnp.float32),
    mesh=_sc_mesh(),
    scratch_types=[
        pltpu.VMEM_SHARED((NPAD, C), jnp.float32),
    ],
)
def _scatter_kernel(xs_hbm, src_hbm, dst_hbm, out_hbm, acc):
    cid = lax.axis_index("c")
    sid = lax.axis_index("s")
    wid = cid * NS + sid
    zero = jnp.zeros((16,), jnp.float32)
    base = sid * RPT

    def body(src_v, dst_v, rows_v, sem0, sem1, osem0, osem1):
        osems = (osem0, osem1)
        @pl.loop(0, BLK)
        def _(i):
            for j in range(C // 16):
                rows_v[0, i, pl.ds(j * 16, 16)] = zero

        rem = RPT - (RPT // BLK) * BLK
        for t in range(RPT // BLK):
            pltpu.async_copy(rows_v.at[0], acc.at[pl.ds(base + t * BLK, BLK)],
                             sem0)
        pltpu.async_copy(rows_v.at[0, pl.ds(0, rem)],
                         acc.at[pl.ds(base + (RPT // BLK) * BLK, rem)], sem0)
        for t in range(RPT // BLK):
            pltpu.make_async_copy(rows_v.at[0],
                                  acc.at[pl.ds(base + t * BLK, BLK)],
                                  sem0).wait()
        pltpu.make_async_copy(rows_v.at[0, pl.ds(0, rem)],
                              acc.at[pl.ds(base + (RPT // BLK) * BLK, rem)],
                              sem0).wait()
        plsc.subcore_barrier()

        @pl.loop(0, NPH)
        def _(p):
            pltpu.sync_copy(src_hbm.at[wid, pl.ds(p * NBC, NBC)], src_v)
            pltpu.sync_copy(dst_hbm.at[wid, pl.ds(p * NBC, NBC)], dst_v)
            pltpu.async_copy(xs_hbm.at[src_v.at[0]], rows_v.at[0], sem0)
            pltpu.async_copy(xs_hbm.at[src_v.at[1]], rows_v.at[1], sem1)

            @pl.loop(0, NBC // 2 - 1)
            def _(i):
                j = 2 * i
                pltpu.make_async_copy(xs_hbm.at[src_v.at[j]], rows_v.at[0], sem0).wait()
                pltpu.sync_copy(rows_v.at[0], acc.at[dst_v.at[j]], add=True)
                pltpu.async_copy(xs_hbm.at[src_v.at[j + 2]], rows_v.at[0], sem0)
                pltpu.make_async_copy(xs_hbm.at[src_v.at[j + 1]], rows_v.at[1], sem1).wait()
                pltpu.sync_copy(rows_v.at[1], acc.at[dst_v.at[j + 1]], add=True)
                pltpu.async_copy(xs_hbm.at[src_v.at[j + 3]], rows_v.at[1], sem1)

            pltpu.make_async_copy(xs_hbm.at[src_v.at[NBC - 2]], rows_v.at[0], sem0).wait()
            pltpu.sync_copy(rows_v.at[0], acc.at[dst_v.at[NBC - 2]], add=True)
            pltpu.make_async_copy(xs_hbm.at[src_v.at[NBC - 1]], rows_v.at[1], sem1).wait()
            pltpu.sync_copy(rows_v.at[1], acc.at[dst_v.at[NBC - 1]], add=True)

        plsc.subcore_barrier()
        tail = base + (RPT // BLK) * BLK
        nfull = RPT // BLK
        sems = (sem0, sem1)

        def cp_in(t, b):
            if t < nfull:
                return (acc.at[pl.ds(base + t * BLK, BLK)], rows_v.at[b])
            return (acc.at[pl.ds(tail, rem)], rows_v.at[b, pl.ds(0, rem)])

        def cp_out(t, b):
            if t < nfull:
                return (rows_v.at[b], out_hbm.at[cid, pl.ds(base + t * BLK, BLK)])
            return (rows_v.at[b, pl.ds(0, rem)],
                    out_hbm.at[cid, pl.ds(tail, rem)])

        nchunk = nfull + 1
        for t in (0, 1):
            sin, din = cp_in(t, t)
            pltpu.async_copy(sin, din, sems[t])
        for t in range(nchunk):
            b = t % 2
            sin, din = cp_in(t, b)
            pltpu.make_async_copy(sin, din, sems[b]).wait()
            so_, do_ = cp_out(t, b)
            pltpu.async_copy(so_, do_, osems[b])
            if t + 2 < nchunk:
                pltpu.make_async_copy(so_, do_, osems[b]).wait()
                sin, din = cp_in(t + 2, b)
                pltpu.async_copy(sin, din, sems[b])
        for t in (nchunk - 2, nchunk - 1):
            b = t % 2
            so_, do_ = cp_out(t, b)
            pltpu.make_async_copy(so_, do_, osems[b]).wait()

    pl.run_scoped(
        body,
        pltpu.VMEM((NBC, BLK), jnp.int32),
        pltpu.VMEM((NBC, BLK), jnp.int32),
        pltpu.VMEM((2, BLK, C), jnp.float32),
        pltpu.SemaphoreType.DMA,
        pltpu.SemaphoreType.DMA,
        pltpu.SemaphoreType.DMA,
        pltpu.SemaphoreType.DMA,
    )


def _prep_body(dacc_ref, x_ref, xs_ref, dinv_ref):
    d = dacc_ref[0] + dacc_ref[1]
    dinv = lax.rsqrt(d[:, 0:1] + 1.0)
    xs_ref[...] = x_ref[...] * dinv
    dinv_ref[...] = dinv


_prep = pl.pallas_call(
    _prep_body,
    grid=(GRID,),
    in_specs=[
        pl.BlockSpec((NC, R, DEGW), lambda i: (0, i, 0)),
        pl.BlockSpec((R, C), lambda i: (i, 0)),
    ],
    out_specs=[
        pl.BlockSpec((R, C), lambda i: (i, 0)),
        pl.BlockSpec((R, 1), lambda i: (i, 0)),
    ],
    out_shape=[
        jax.ShapeDtypeStruct((N, C), jnp.float32),
        jax.ShapeDtypeStruct((N, 1), jnp.float32),
    ],
)


def _mid_body(s_ref, xs_ref, dinv_ref, w_ref, b_ref, hs_ref):
    g = (s_ref[0] + s_ref[1] + xs_ref[...]) * dinv_ref[...]
    h = jnp.dot(g, w_ref[...], preferred_element_type=jnp.float32) + b_ref[...]
    hs_ref[...] = jnp.maximum(h, 0.0) * dinv_ref[...]


_mid = pl.pallas_call(
    _mid_body,
    grid=(GRID,),
    in_specs=[
        pl.BlockSpec((NC, R, C), lambda i: (0, i, 0)),
        pl.BlockSpec((R, C), lambda i: (i, 0)),
        pl.BlockSpec((R, 1), lambda i: (i, 0)),
        pl.BlockSpec((C, C), lambda i: (0, 0)),
        pl.BlockSpec((1, C), lambda i: (0, 0)),
    ],
    out_specs=pl.BlockSpec((R, C), lambda i: (i, 0)),
    out_shape=jax.ShapeDtypeStruct((N, C), jnp.float32),
)


def _out_body(s_ref, hs_ref, dinv_ref, wmu_ref, bmu_ref, wls_ref, bls_ref,
              mu_ref, ls_ref):
    g = (s_ref[0] + s_ref[1] + hs_ref[...]) * dinv_ref[...]
    mu_ref[...] = jnp.dot(g, wmu_ref[...], preferred_element_type=jnp.float32) + bmu_ref[...]
    ls_ref[...] = jnp.dot(g, wls_ref[...], preferred_element_type=jnp.float32) + bls_ref[...]


_outk = pl.pallas_call(
    _out_body,
    grid=(GRID,),
    in_specs=[
        pl.BlockSpec((NC, R, C), lambda i: (0, i, 0)),
        pl.BlockSpec((R, C), lambda i: (i, 0)),
        pl.BlockSpec((R, 1), lambda i: (i, 0)),
        pl.BlockSpec((C, OC), lambda i: (0, 0)),
        pl.BlockSpec((1, OC), lambda i: (0, 0)),
        pl.BlockSpec((C, OC), lambda i: (0, 0)),
        pl.BlockSpec((1, OC), lambda i: (0, 0)),
    ],
    out_specs=[
        pl.BlockSpec((R, OC), lambda i: (i, 0)),
        pl.BlockSpec((R, OC), lambda i: (i, 0)),
    ],
    out_shape=[
        jax.ShapeDtypeStruct((N, OC), jnp.float32),
        jax.ShapeDtypeStruct((N, OC), jnp.float32),
    ],
)


def kernel(x, edge_index, W1, b1, W_mu, b_mu, W_ls, b_ls):
    ei = edge_index.astype(jnp.int32)
    src, dst = ei[0], ei[1]
    fill = jnp.arange(E_PAD - E, dtype=jnp.int32)
    src_p = jnp.concatenate([src, fill % N]).reshape(NW, NB, BLK)
    dst_p = jnp.concatenate([dst, N + fill % (NPAD - N)]).reshape(NW, NB, BLK)
    dacc = _deg_kernel(dst_p)
    xs, dinv = _prep(dacc, x)
    s0 = _scatter_kernel(xs, src_p, dst_p)
    hs = _mid(s0, xs, dinv, W1, b1.reshape(1, C))
    s1 = _scatter_kernel(hs, src_p, dst_p)
    mu, ls = _outk(s1, hs, dinv, W_mu, b_mu.reshape(1, OC),
                   W_ls, b_ls.reshape(1, OC))
    return (mu, ls)

# --- scband reference (transcript-rebuilt; emitter-appended) ---
"""Pipeline reference for scband-graph-encoder-26036091748568 (READ-ONLY COPY).

The authoritative reference and input builder live on the scoring server;
editing this copy changes nothing except your own understanding.
"""

import jax, jax.numpy as jnp
import numpy as np

N_NODES = 10000
IN_CH = 128
HID_CH = 128
OUT_CH = 64
N_EDGES = 320000


def setup_inputs(seed: int = 0) -> dict:
    key = jax.random.key(seed)
    k1, k2, k3, k4, k5 = jax.random.split(key, 5)
    x = jax.random.normal(k1, (N_NODES, IN_CH), dtype=jnp.float32)
    edge_index = jax.random.randint(k2, (2, N_EDGES), 0, N_NODES, dtype=jnp.int64)
    # Glorot-style init for GCN weights
    W1 = jax.random.normal(k3, (IN_CH, HID_CH), dtype=jnp.float32) * (2.0 / (IN_CH + HID_CH)) ** 0.5
    b1 = jnp.zeros((HID_CH,), dtype=jnp.float32)
    W_mu = jax.random.normal(k4, (HID_CH, OUT_CH), dtype=jnp.float32) * (2.0 / (HID_CH + OUT_CH)) ** 0.5
    b_mu = jnp.zeros((OUT_CH,), dtype=jnp.float32)
    W_ls = jax.random.normal(k5, (HID_CH, OUT_CH), dtype=jnp.float32) * (2.0 / (HID_CH + OUT_CH)) ** 0.5
    b_ls = jnp.zeros((OUT_CH,), dtype=jnp.float32)
    return {"x": x, "edge_index": edge_index, "W1": W1, "b1": b1,
            "W_mu": W_mu, "b_mu": b_mu, "W_ls": W_ls, "b_ls": b_ls}


def _gcn_conv(x, W, b, src, dst, n):
    # GCNConv (PyG semantics): add self-loops, symmetric normalization
    # out = D^{-1/2} (A + I) D^{-1/2} (X W) + b
    h = x @ W
    loop = jnp.arange(n, dtype=src.dtype)
    src_full = jnp.concatenate([src, loop])
    dst_full = jnp.concatenate([dst, loop])
    ones = jnp.ones(src_full.shape[0], dtype=h.dtype)
    deg = jax.ops.segment_sum(ones, dst_full, num_segments=n)
    dinv = jnp.where(deg > 0, jax.lax.rsqrt(deg), 0.0)
    norm = dinv[src_full] * dinv[dst_full]
    msg = h[src_full] * norm[:, None]
    out = jax.ops.segment_sum(msg, dst_full, num_segments=n)
    return out + b


def reference(x, edge_index, W1, b1, W_mu, b_mu, W_ls, b_ls):
    src = edge_index[0]
    dst = edge_index[1]
    n = x.shape[0]
    h = _gcn_conv(x, W1, b1, src, dst, n)
    h = jax.nn.relu(h)
    mu = _gcn_conv(h, W_mu, b_mu, src, dst, n)
    logstd = _gcn_conv(h, W_ls, b_ls, src, dst, n)
    return (mu, logstd)

if __name__ == "__main__":
    import jax
    _d = setup_inputs()
    print(jax.jit(kernel)(*tuple(_d.values())))

</pallas_src>

<mosaic_0001>
#map = affine_map<(d0, d1) -> (0, 0)>
#map1 = affine_map<(d0, d1) -> (0, 0, 0)>
module attributes {stable_mosaic.version = 14 : i64} {
  func.func @_scatter_kernel(%arg0: i32, %arg1: i32, %arg2: memref<10000x128xf32, #tpu.memory_space<hbm>>, %arg3: memref<32x80x128xi32, #tpu.memory_space<hbm>>, %arg4: memref<32x80x128xi32, #tpu.memory_space<hbm>>, %arg5: memref<2x10112x128xf32, #tpu.memory_space<hbm>>, %arg6: memref<10112x128xf32, #tpu.memory_space<vmem_shared>>) attributes {dimension_semantics = [#tpu.dimension_semantics<core_parallel>, #tpu.dimension_semantics<subcore_parallel>], iteration_bounds = array<i64: 2, 16>, scalar_prefetch = 0 : i64, scratch_operands = 1 : i64, tpu.core_type = #tpu.core_type<sc_vector_subcore>, window_params = [{transform_indices = #map}, {transform_indices = #map1}, {transform_indices = #map1}, {transform_indices = #map1}]} {
    %mul3A = arith.constant 16 : i32
    %mul3A_0 = arith.muli %arg0, %mul3A : i32
    %add3A = arith.addi %mul3A_0, %arg1 : i32
    %broadcast_in_dim3A = arith.constant 0.000000e+00 : f32
    %broadcast_in_dim3A_1 = vector.broadcast %broadcast_in_dim3A : f32 to vector<16xf32>
    %mul3A_2 = arith.constant 632 : i32
    %mul3A_3 = arith.muli %arg1, %mul3A_2 : i32
    "tpu.region"() ({
      %run_scoped3A = memref.alloca() : memref<8x128xi32, #tpu.memory_space<vmem>>
      %run_scoped3A_4 = memref.alloca() : memref<8x128xi32, #tpu.memory_space<vmem>>
      %run_scoped3A_5 = memref.alloca() : memref<2x128x128xf32, #tpu.memory_space<vmem>>
      %run_scoped3A_6 = tpu.sem_alloc : memref<!tpu.dma_semaphore, #tpu.memory_space<semaphore_mem>>
      %run_scoped3A_7 = tpu.sem_alloc : memref<!tpu.dma_semaphore, #tpu.memory_space<semaphore_mem>>
      %run_scoped3A_8 = tpu.sem_alloc : memref<!tpu.dma_semaphore, #tpu.memory_space<semaphore_mem>>
      %run_scoped3A_9 = tpu.sem_alloc : memref<!tpu.dma_semaphore, #tpu.memory_space<semaphore_mem>>
      %scan3A = arith.constant 0 : i32
      %scan3A_10 = arith.constant 128 : i32
      %scan3A_11 = arith.addi %scan3A, %scan3A_10 : i32
      %scan3A_12 = arith.constant 1 : i32
      scf.for %scan3A_476 = %scan3A to %scan3A_11 step %scan3A_12  : i32 {
        %mul3A_477 = arith.constant 1 : i32
        %mul3A_478 = arith.muli %scan3A_476, %mul3A_477 : i32
        %add3A_479 = arith.constant 0 : i32
        %add3A_480 = arith.addi %add3A_479, %mul3A_478 : i32
        %swap3A = arith.constant 0 : i32
        %swap3A_481 = arith.index_cast %swap3A : i32 to index
        %swap3A_482 = arith.index_cast %add3A_480 : i32 to index
        %swap3A_483 = arith.constant 0 : index
        %swap3A_484 = tpu.vector_load %run_scoped3A_5[%swap3A_481, %swap3A_482, %swap3A_483] {strides = array<i32>} : memref<2x128x128xf32, #tpu.memory_space<vmem>>, vector<1x1x16xf32>,
        %swap3A_485 = vector.shape_cast %swap3A_484 : vector<1x1x16xf32> to vector<16xf32>
        %swap3A_486 = vector.shape_cast %broadcast_in_dim3A_1 : vector<16xf32> to vector<1x1x16xf32>
        tpu.vector_store %run_scoped3A_5[%swap3A_481, %swap3A_482, %swap3A_483], %swap3A_486 {strides = array<i32>} : memref<2x128x128xf32, #tpu.memory_space<vmem>>, vector<1x1x16xf32>,
        %swap3A_487 = arith.constant 0 : i32
        %swap3A_488 = arith.index_cast %swap3A_487 : i32 to index
        %swap3A_489 = arith.index_cast %add3A_480 : i32 to index
        %swap3A_490 = arith.constant 16 : index
        %swap3A_491 = tpu.vector_load %run_scoped3A_5[%swap3A_488, %swap3A_489, %swap3A_490] {strides = array<i32>} : memref<2x128x128xf32, #tpu.memory_space<vmem>>, vector<1x1x16xf32>,
        %swap3A_492 = vector.shape_cast %swap3A_491 : vector<1x1x16xf32> to vector<16xf32>
        %swap3A_493 = vector.shape_cast %broadcast_in_dim3A_1 : vector<16xf32> to vector<1x1x16xf32>
        tpu.vector_store %run_scoped3A_5[%swap3A_488, %swap3A_489, %swap3A_490], %swap3A_493 {strides = array<i32>} : memref<2x128x128xf32, #tpu.memory_space<vmem>>, vector<1x1x16xf32>,
        %swap3A_494 = arith.constant 0 : i32
        %swap3A_495 = arith.index_cast %swap3A_494 : i32 to index
        %swap3A_496 = arith.index_cast %add3A_480 : i32 to index
        %swap3A_497 = arith.constant 32 : index
        %swap3A_498 = tpu.vector_load %run_scoped3A_5[%swap3A_495, %swap3A_496, %swap3A_497] {strides = array<i32>} : memref<2x128x128xf32, #tpu.memory_space<vmem>>, vector<1x1x16xf32>,
        %swap3A_499 = vector.shape_cast %swap3A_498 : vector<1x1x16xf32> to vector<16xf32>
        %swap3A_500 = vector.shape_cast %broadcast_in_dim3A_1 : vector<16xf32> to vector<1x1x16xf32>
        tpu.vector_store %run_scoped3A_5[%swap3A_495, %swap3A_496, %swap3A_497], %swap3A_500 {strides = array<i32>} : memref<2x128x128xf32, #tpu.memory_space<vmem>>, vector<1x1x16xf32>,
        %swap3A_501 = arith.constant 0 : i32
        %swap3A_502 = arith.index_cast %swap3A_501 : i32 to index
        %swap3A_503 = arith.index_cast %add3A_480 : i32 to index
        %swap3A_504 = arith.constant 48 : index
        %swap3A_505 = tpu.vector_load %run_scoped3A_5[%swap3A_502, %swap3A_503, %swap3A_504] {strides = array<i32>} : memref<2x128x128xf32, #tpu.memory_space<vmem>>, vector<1x1x16xf32>,
        %swap3A_506 = vector.shape_cast %swap3A_505 : vector<1x1x16xf32> to vector<16xf32>
        %swap3A_507 = vector.shape_cast %broadcast_in_dim3A_1 : vector<16xf32> to vector<1x1x16xf32>
        tpu.vector_store %run_scoped3A_5[%swap3A_502, %swap3A_503, %swap3A_504], %swap3A_507 {strides = array<i32>} : memref<2x128x128xf32, #tpu.memory_space<vmem>>, vector<1x1x16xf32>,
        %swap3A_508 = arith.constant 0 : i32
        %swap3A_509 = arith.index_cast %swap3A_508 : i32 to index
        %swap3A_510 = arith.index_cast %add3A_480 : i32 to index
        %swap3A_511 = arith.constant 64 : index
        %swap3A_512 = tpu.vector_load %run_scoped3A_5[%swap3A_509, %swap3A_510, %swap3A_511] {strides = array<i32>} : memref<2x128x128xf32, #tpu.memory_space<vmem>>, vector<1x1x16xf32>,
        %swap3A_513 = vector.shape_cast %swap3A_512 : vector<1x1x16xf32> to vector<16xf32>
        %swap3A_514 = vector.shape_cast %broadcast_in_dim3A_1 : vector<16xf32> to vector<1x1x16xf32>
        tpu.vector_store %run_scoped3A_5[%swap3A_509, %swap3A_510, %swap3A_511], %swap3A_514 {strides = array<i32>} : memref<2x128x128xf32, #tpu.memory_space<vmem>>, vector<1x1x16xf32>,
        %swap3A_515 = arith.constant 0 : i32
        %swap3A_516 = arith.index_cast %swap3A_515 : i32 to index
        %swap3A_517 = arith.index_cast %add3A_480 : i32 to index
        %swap3A_518 = arith.constant 80 : index
        %swap3A_519 = tpu.vector_load %run_scoped3A_5[%swap3A_516, %swap3A_517, %swap3A_518] {strides = array<i32>} : memref<2x128x128xf32, #tpu.memory_space<vmem>>, vector<1x1x16xf32>,
        %swap3A_520 = vector.shape_cast %swap3A_519 : vector<1x1x16xf32> to vector<16xf32>
        %swap3A_521 = vector.shape_cast %broadcast_in_dim3A_1 : vector<16xf32> to vector<1x1x16xf32>
        tpu.vector_store %run_scoped3A_5[%swap3A_516, %swap3A_517, %swap3A_518], %swap3A_521 {strides = array<i32>} : memref<2x128x128xf32, #tpu.memory_space<vmem>>, vector<1x1x16xf32>,
        %swap3A_522 = arith.constant 0 : i32
        %swap3A_523 = arith.index_cast %swap3A_522 : i32 to index
        %swap3A_524 = arith.index_cast %add3A_480 : i32 to index
        %swap3A_525 = arith.constant 96 : index
        %swap3A_526 = tpu.vector_load %run_scoped3A_5[%swap3A_523, %swap3A_524, %swap3A_525] {strides = array<i32>} : memref<2x128x128xf32, #tpu.memory_space<vmem>>, vector<1x1x16xf32>,
        %swap3A_527 = vector.shape_cast %swap3A_526 : vector<1x1x16xf32> to vector<16xf32>
        %swap3A_528 = vector.shape_cast %broadcast_in_dim3A_1 : vector<16xf32> to vector<1x1x16xf32>
        tpu.vector_store %run_scoped3A_5[%swap3A_523, %swap3A_524, %swap3A_525], %swap3A_528 {strides = array<i32>} : memref<2x128x128xf32, #tpu.memory_space<vmem>>, vector<1x1x16xf32>,
        %swap3A_529 = arith.constant 0 : i32
        %swap3A_530 = arith.index_cast %swap3A_529 : i32 to index
        %swap3A_531 = arith.index_cast %add3A_480 : i32 to index
        %swap3A_532 = arith.constant 112 : index
        %swap3A_533 = tpu.vector_load %run_scoped3A_5[%swap3A_530, %swap3A_531, %swap3A_532] {strides = array<i32>} : memref<2x128x128xf32, #tpu.memory_space<vmem>>, vector<1x1x16xf32>,
        %swap3A_534 = vector.shape_cast %swap3A_533 : vector<1x1x16xf32> to vector<16xf32>
        %swap3A_535 = vector.shape_cast %broadcast_in_dim3A_1 : vector<16xf32> to vector<1x1x16xf32>
        tpu.vector_store %run_scoped3A_5[%swap3A_530, %swap3A_531, %swap3A_532], %swap3A_535 {strides = array<i32>} : memref<2x128x128xf32, #tpu.memory_space<vmem>>, vector<1x1x16xf32>,
      }
      %scan3A_13 = arith.constant 128 : i32
      %add3A_14 = arith.constant 0 : i32
      %add3A_15 = arith.addi %mul3A_3, %add3A_14 : i32
      %dma_start3A = arith.constant 0 : i32
      %dma_start3A_16 = arith.constant 0 : i32
      %dma_start3A_17 = arith.constant 0 : i32
      %dma_start3A_18 = tpu.memref_slice %run_scoped3A_5[%dma_start3A, %dma_start3A_16, %dma_start3A_17] : memref<2x128x128xf32, #tpu.memory_space<vmem>> -> memref<1x128x128xf32, #tpu.memory_space<vmem>>
      %dma_start3A_19 = tpu.memref_squeeze %dma_start3A_18 : memref<1x128x128xf32, #tpu.memory_space<vmem>> -> memref<128x128xf32, #tpu.memory_space<vmem>>
      %dma_start3A_20 = arith.constant 0 : i32
      %dma_start3A_21 = tpu.memref_slice %arg6[%add3A_15, %dma_start3A_20] : memref<10112x128xf32, #tpu.memory_space<vmem_shared>> -> memref<128x128xf32, #tpu.memory_space<vmem_shared>>
      %dma_start3A_22 = arith.constant 0 : i32
      %dma_start3A_23 = tpu.memref_slice %arg6[%add3A_15, %dma_start3A_22] : memref<10112x128xf32, #tpu.memory_space<vmem_shared>> -> memref<128x128xf32, #tpu.memory_space<vmem_shared>>
      %dma_start3A_24 = arith.constant 0 : i32
      %dma_start3A_25 = arith.constant 0 : i32
      %dma_start3A_26 = tpu.memref_slice %run_scoped3A_5[%dma_start3A, %dma_start3A_24, %dma_start3A_25] : memref<2x128x128xf32, #tpu.memory_space<vmem>> -> memref<1x128x128xf32, #tpu.memory_space<vmem>>
      %dma_start3A_27 = tpu.memref_squeeze %dma_start3A_26 : memref<1x128x128xf32, #tpu.memory_space<vmem>> -> memref<128x128xf32, #tpu.memory_space<vmem>>
      tpu.enqueue_dma source(%dma_start3A_27 : memref<128x128xf32, #tpu.memory_space<vmem>>) target(%dma_start3A_23 : memref<128x128xf32, #tpu.memory_space<vmem_shared>>) target_semaphore(%run_scoped3A_6 : memref<!tpu.dma_semaphore, #tpu.memory_space<semaphore_mem>>)
      %add3A_28 = arith.constant 128 : i32
      %add3A_29 = arith.addi %mul3A_3, %add3A_28 : i32
      %dma_start3A_30 = arith.constant 0 : i32
      %dma_start3A_31 = arith.constant 0 : i32
      %dma_start3A_32 = arith.constant 0 : i32
      %dma_start3A_33 = tpu.memref_slice %run_scoped3A_5[%dma_start3A_30, %dma_start3A_31, %dma_start3A_32] : memref<2x128x128xf32, #tpu.memory_space<vmem>> -> memref<1x128x128xf32, #tpu.memory_space<vmem>>
      %dma_start3A_34 = tpu.memref_squeeze %dma_start3A_33 : memref<1x128x128xf32, #tpu.memory_space<vmem>> -> memref<128x128xf32, #tpu.memory_space<vmem>>
      %dma_start3A_35 = arith.constant 0 : i32
      %dma_start3A_36 = tpu.memref_slice %arg6[%add3A_29, %dma_start3A_35] : memref<10112x128xf32, #tpu.memory_space<vmem_shared>> -> memref<128x128xf32, #tpu.memory_space<vmem_shared>>
      %dma_start3A_37 = arith.constant 0 : i32
      %dma_start3A_38 = tpu.memref_slice %arg6[%add3A_29, %dma_start3A_37] : memref<10112x128xf32, #tpu.memory_space<vmem_shared>> -> memref<128x128xf32, #tpu.memory_space<vmem_shared>>
      %dma_start3A_39 = arith.constant 0 : i32
      %dma_start3A_40 = arith.constant 0 : i32
      %dma_start3A_41 = tpu.memref_slice %run_scoped3A_5[%dma_start3A_30, %dma_start3A_39, %dma_start3A_40] : memref<2x128x128xf32, #tpu.memory_space<vmem>> -> memref<1x128x128xf32, #tpu.memory_space<vmem>>
      %dma_start3A_42 = tpu.memref_squeeze %dma_start3A_41 : memref<1x128x128xf32, #tpu.memory_space<vmem>> -> memref<128x128xf32, #tpu.memory_space<vmem>>
      tpu.enqueue_dma source(%dma_start3A_42 : memref<128x128xf32, #tpu.memory_space<vmem>>) target(%dma_start3A_38 : memref<128x128xf32, #tpu.memory_space<vmem_shared>>) target_semaphore(%run_scoped3A_6 : memref<!tpu.dma_semaphore, #tpu.memory_space<semaphore_mem>>)
      %add3A_43 = arith.constant 256 : i32
      %add3A_44 = arith.addi %mul3A_3, %add3A_43 : i32
      %dma_start3A_45 = arith.constant 0 : i32
      %dma_start3A_46 = arith.constant 0 : i32
      %dma_start3A_47 = arith.constant 0 : i32
      %dma_start3A_48 = tpu.memref_slice %run_scoped3A_5[%dma_start3A_45, %dma_start3A_46, %dma_start3A_47] : memref<2x128x128xf32, #tpu.memory_space<vmem>> -> memref<1x128x128xf32, #tpu.memory_space<vmem>>
      %dma_start3A_49 = tpu.memref_squeeze %dma_start3A_48 : memref<1x128x128xf32, #tpu.memory_space<vmem>> -> memref<128x128xf32, #tpu.memory_space<vmem>>
      %dma_start3A_50 = arith.constant 0 : i32
      %dma_start3A_51 = tpu.memref_slice %arg6[%add3A_44, %dma_start3A_50] : memref<10112x128xf32, #tpu.memory_space<vmem_shared>> -> memref<128x128xf32, #tpu.memory_space<vmem_shared>>
      %dma_start3A_52 = arith.constant 0 : i32
      %dma_start3A_53 = tpu.memref_slice %arg6[%add3A_44, %dma_start3A_52] : memref<10112x128xf32, #tpu.memory_space<vmem_shared>> -> memref<128x128xf32, #tpu.memory_space<vmem_shared>>
      %dma_start3A_54 = arith.constant 0 : i32
      %dma_start3A_55 = arith.constant 0 : i32
      %dma_start3A_56 = tpu.memref_slice %run_scoped3A_5[%dma_start3A_45, %dma_start3A_54, %dma_start3A_55] : memref<2x128x128xf32, #tpu.memory_space<vmem>> -> memref<1x128x128xf32, #tpu.memory_space<vmem>>
      %dma_start3A_57 = tpu.memref_squeeze %dma_start3A_56 : memref<1x128x128xf32, #tpu.memory_space<vmem>> -> memref<128x128xf32, #tpu.memory_space<vmem>>
      tpu.enqueue_dma source(%dma_start3A_57 : memref<128x128xf32, #tpu.memory_space<vmem>>) target(%dma_start3A_53 : memref<128x128xf32, #tpu.memory_space<vmem_shared>>) target_semaphore(%run_scoped3A_6 : memref<!tpu.dma_semaphore, #tpu.memory_space<semaphore_mem>>)
      %add3A_58 = arith.constant 384 : i32
      %add3A_59 = arith.addi %mul3A_3, %add3A_58 : i32
      %dma_start3A_60 = arith.constant 0 : i32
      %dma_start3A_61 = arith.constant 0 : i32
      %dma_start3A_62 = arith.constant 0 : i32
      %dma_start3A_63 = tpu.memref_slice %run_scoped3A_5[%dma_start3A_60, %dma_start3A_61, %dma_start3A_62] : memref<2x128x128xf32, #tpu.memory_space<vmem>> -> memref<1x128x128xf32, #tpu.memory_space<vmem>>
      %dma_start3A_64 = tpu.memref_squeeze %dma_start3A_63 : memref<1x128x128xf32, #tpu.memory_space<vmem>> -> memref<128x128xf32, #tpu.memory_space<vmem>>
      %dma_start3A_65 = arith.constant 0 : i32
      %dma_start3A_66 = tpu.memref_slice %arg6[%add3A_59, %dma_start3A_65] : memref<10112x128xf32, #tpu.memory_space<vmem_shared>> -> memref<128x128xf32, #tpu.memory_space<vmem_shared>>
      %dma_start3A_67 = arith.constant 0 : i32
      %dma_start3A_68 = tpu.memref_slice %arg6[%add3A_59, %dma_start3A_67] : memref<10112x128xf32, #tpu.memory_space<vmem_shared>> -> memref<128x128xf32, #tpu.memory_space<vmem_shared>>
      %dma_start3A_69 = arith.constant 0 : i32
      %dma_start3A_70 = arith.constant 0 : i32
      %dma_start3A_71 = tpu.memref_slice %run_scoped3A_5[%dma_start3A_60, %dma_start3A_69, %dma_start3A_70] : memref<2x128x128xf32, #tpu.memory_space<vmem>> -> memref<1x128x128xf32, #tpu.memory_space<vmem>>
      %dma_start3A_72 = tpu.memref_squeeze %dma_start3A_71 : memref<1x128x128xf32, #tpu.memory_space<vmem>> -> memref<128x128xf32, #tpu.memory_space<vmem>>
      tpu.enqueue_dma source(%dma_start3A_72 : memref<128x128xf32, #tpu.memory_space<vmem>>) target(%dma_start3A_68 : memref<128x128xf32, #tpu.memory_space<vmem_shared>>) target_semaphore(%run_scoped3A_6 : memref<!tpu.dma_semaphore, #tpu.memory_space<semaphore_mem>>)
      %add3A_73 = arith.constant 512 : i32
      %add3A_74 = arith.addi %mul3A_3, %add3A_73 : i32
      %dma_start3A_75 = arith.constant 0 : i32
      %dma_start3A_76 = arith.constant 0 : i32
      %dma_start3A_77 = arith.constant 0 : i32
      %dma_start3A_78 = tpu.memref_slice %run_scoped3A_5[%dma_start3A_75, %dma_start3A_76, %dma_start3A_77] : memref<2x128x128xf32, #tpu.memory_space<vmem>> -> memref<1x120x128xf32, #tpu.memory_space<vmem>>
      %dma_start3A_79 = tpu.memref_squeeze %dma_start3A_78 : memref<1x120x128xf32, #tpu.memory_space<vmem>> -> memref<120x128xf32, #tpu.memory_space<vmem>>
      %dma_start3A_80 = arith.constant 0 : i32
      %dma_start3A_81 = tpu.memref_slice %arg6[%add3A_74, %dma_start3A_80] : memref<10112x128xf32, #tpu.memory_space<vmem_shared>> -> memref<120x128xf32, #tpu.memory_space<vmem_shared>>
      %dma_start3A_82 = arith.constant 0 : i32
      %dma_start3A_83 = tpu.memref_slice %arg6[%add3A_74, %dma_start3A_82] : memref<10112x128xf32, #tpu.memory_space<vmem_shared>> -> memref<120x128xf32, #tpu.memory_space<vmem_shared>>
      %dma_start3A_84 = arith.constant 0 : i32
      %dma_start3A_85 = arith.constant 0 : i32
      %dma_start3A_86 = tpu.memref_slice %run_scoped3A_5[%dma_start3A_75, %dma_start3A_84, %dma_start3A_85] : memref<2x128x128xf32, #tpu.memory_space<vmem>> -> memref<1x120x128xf32, #tpu.memory_space<vmem>>
      %dma_start3A_87 = tpu.memref_squeeze %dma_start3A_86 : memref<1x120x128xf32, #tpu.memory_space<vmem>> -> memref<120x128xf32, #tpu.memory_space<vmem>>
      tpu.enqueue_dma source(%dma_start3A_87 : memref<120x128xf32, #tpu.memory_space<vmem>>) target(%dma_start3A_83 : memref<120x128xf32, #tpu.memory_space<vmem_shared>>) target_semaphore(%run_scoped3A_6 : memref<!tpu.dma_semaphore, #tpu.memory_space<semaphore_mem>>)
      %add3A_88 = arith.constant 0 : i32
      %add3A_89 = arith.addi %mul3A_3, %add3A_88 : i32
      %dma_wait3A = arith.constant 0 : i32
      %dma_wait3A_90 = arith.constant 0 : i32
      %dma_wait3A_91 = arith.constant 0 : i32
      %dma_wait3A_92 = tpu.memref_slice %run_scoped3A_5[%dma_wait3A, %dma_wait3A_90, %dma_wait3A_91] : memref<2x128x128xf32, #tpu.memory_space<vmem>> -> memref<1x128x128xf32, #tpu.memory_space<vmem>>
      %dma_wait3A_93 = tpu.memref_squeeze %dma_wait3A_92 : memref<1x128x128xf32, #tpu.memory_space<vmem>> -> memref<128x128xf32, #tpu.memory_space<vmem>>
      %dma_wait3A_94 = arith.constant 0 : i32
      %dma_wait3A_95 = tpu.memref_slice %arg6[%add3A_89, %dma_wait3A_94] : memref<10112x128xf32, #tpu.memory_space<vmem_shared>> -> memref<128x128xf32, #tpu.memory_space<vmem_shared>>
      %dma_wait3A_96 = arith.constant 0 : i32
      %dma_wait3A_97 = tpu.memref_slice %arg6[%add3A_89, %dma_wait3A_96] : memref<10112x128xf32, #tpu.memory_space<vmem_shared>> -> memref<128x128xf32, #tpu.memory_space<vmem_shared>>
      %dma_wait3A_98 = arith.constant 0 : i32
      %dma_wait3A_99 = arith.constant 0 : i32
      %dma_wait3A_100 = tpu.memref_slice %run_scoped3A_5[%dma_wait3A, %dma_wait3A_98, %dma_wait3A_99] : memref<2x128x128xf32, #tpu.memory_space<vmem>> -> memref<1x128x128xf32, #tpu.memory_space<vmem>>
      %dma_wait3A_101 = tpu.memref_squeeze %dma_wait3A_100 : memref<1x128x128xf32, #tpu.memory_space<vmem>> -> memref<128x128xf32, #tpu.memory_space<vmem>>
      tpu.wait_dma2 semaphore(%run_scoped3A_6 : memref<!tpu.dma_semaphore, #tpu.memory_space<semaphore_mem>>) src(%dma_wait3A_101 : memref<128x128xf32, #tpu.memory_space<vmem>>) dst(%dma_wait3A_97 : memref<128x128xf32, #tpu.memory_space<vmem_shared>>)
      %add3A_102 = arith.constant 128 : i32
      %add3A_103 = arith.addi %mul3A_3, %add3A_102 : i32
      %dma_wait3A_104 = arith.constant 0 : i32
      %dma_wait3A_105 = arith.constant 0 : i32
      %dma_wait3A_106 = arith.constant 0 : i32
      %dma_wait3A_107 = tpu.memref_slice %run_scoped3A_5[%dma_wait3A_104, %dma_wait3A_105, %dma_wait3A_106] : memref<2x128x128xf32, #tpu.memory_space<vmem>> -> memref<1x128x128xf32, #tpu.memory_space<vmem>>
      %dma_wait3A_108 = tpu.memref_squeeze %dma_wait3A_107 : memref<1x128x128xf32, #tpu.memory_space<vmem>> -> memref<128x128xf32, #tpu.memory_space<vmem>>
      %dma_wait3A_109 = arith.constant 0 : i32
      %dma_wait3A_110 = tpu.memref_slice %arg6[%add3A_103, %dma_wait3A_109] : memref<10112x128xf32, #tpu.memory_space<vmem_shared>> -> memref<128x128xf32, #tpu.memory_space<vmem_shared>>
      %dma_wait3A_111 = arith.constant 0 : i32
      %dma_wait3A_112 = tpu.memref_slice %arg6[%add3A_103, %dma_wait3A_111] : memref<10112x128xf32, #tpu.memory_space<vmem_shared>> -> memref<128x128xf32, #tpu.memory_space<vmem_shared>>
      %dma_wait3A_113 = arith.constant 0 : i32
      %dma_wait3A_114 = arith.constant 0 : i32
      %dma_wait3A_115 = tpu.memref_slice %run_scoped3A_5[%dma_wait3A_104, %dma_wait3A_113, %dma_wait3A_114] : memref<2x128x128xf32, #tpu.memory_space<vmem>> -> memref<1x128x128xf32, #tpu.memory_space<vmem>>
      %dma_wait3A_116 = tpu.memref_squeeze %dma_wait3A_115 : memref<1x128x128xf32, #tpu.memory_space<vmem>> -> memref<128x128xf32, #tpu.memory_space<vmem>>
      tpu.wait_dma2 semaphore(%run_scoped3A_6 : memref<!tpu.dma_semaphore, #tpu.memory_space<semaphore_mem>>) src(%dma_wait3A_116 : memref<128x128xf32, #tpu.memory_space<vmem>>) dst(%dma_wait3A_112 : memref<128x128xf32, #tpu.memory_space<vmem_shared>>)
      %add3A_117 = arith.constant 256 : i32
      %add3A_118 = arith.addi %mul3A_3, %add3A_117 : i32
      %dma_wait3A_119 = arith.constant 0 : i32
      %dma_wait3A_120 = arith.constant 0 : i32
      %dma_wait3A_121 = arith.constant 0 : i32
      %dma_wait3A_122 = tpu.memref_slice %run_scoped3A_5[%dma_wait3A_119, %dma_wait3A_120, %dma_wait3A_121] : memref<2x128x128xf32, #tpu.memory_space<vmem>> -> memref<1x128x128xf32, #tpu.memory_space<vmem>>
      %dma_wait3A_123 = tpu.memref_squeeze %dma_wait3A_122 : memref<1x128x128xf32, #tpu.memory_space<vmem>> -> memref<128x128xf32, #tpu.memory_space<vmem>>
      %dma_wait3A_124 = arith.constant 0 : i32
      %dma_wait3A_125 = tpu.memref_slice %arg6[%add3A_118, %dma_wait3A_124] : memref<10112x128xf32, #tpu.memory_space<vmem_shared>> -> memref<128x128xf32, #tpu.memory_space<vmem_shared>>
      %dma_wait3A_126 = arith.constant 0 : i32
      %dma_wait3A_127 = tpu.memref_slice %arg6[%add3A_118, %dma_wait3A_126] : memref<10112x128xf32, #tpu.memory_space<vmem_shared>> -> memref<128x128xf32, #tpu.memory_space<vmem_shared>>
      %dma_wait3A_128 = arith.constant 0 : i32
      %dma_wait3A_129 = arith.constant 0 : i32
      %dma_wait3A_130 = tpu.memref_slice %run_scoped3A_5[%dma_wait3A_119, %dma_wait3A_128, %dma_wait3A_129] : memref<2x128x128xf32, #tpu.memory_space<vmem>> -> memref<1x128x128xf32, #tpu.memory_space<vmem>>
      %dma_wait3A_131 = tpu.memref_squeeze %dma_wait3A_130 : memref<1x128x128xf32, #tpu.memory_space<vmem>> -> memref<128x128xf32, #tpu.memory_space<vmem>>
      tpu.wait_dma2 semaphore(%run_scoped3A_6 : memref<!tpu.dma_semaphore, #tpu.memory_space<semaphore_mem>>) src(%dma_wait3A_131 : memref<128x128xf32, #tpu.memory_space<vmem>>) dst(%dma_wait3A_127 : memref<128x128xf32, #tpu.memory_space<vmem_shared>>)
      %add3A_132 = arith.constant 384 : i32
      %add3A_133 = arith.addi %mul3A_3, %add3A_132 : i32
      %dma_wait3A_134 = arith.constant 0 : i32
      %dma_wait3A_135 = arith.constant 0 : i32
      %dma_wait3A_136 = arith.constant 0 : i32
      %dma_wait3A_137 = tpu.memref_slice %run_scoped3A_5[%dma_wait3A_134, %dma_wait3A_135, %dma_wait3A_136] : memref<2x128x128xf32, #tpu.memory_space<vmem>> -> memref<1x128x128xf32, #tpu.memory_space<vmem>>
      %dma_wait3A_138 = tpu.memref_squeeze %dma_wait3A_137 : memref<1x128x128xf32, #tpu.memory_space<vmem>> -> memref<128x128xf32, #tpu.memory_space<vmem>>
      %dma_wait3A_139 = arith.constant 0 : i32
      %dma_wait3A_140 = tpu.memref_slice %arg6[%add3A_133, %dma_wait3A_139] : memref<10112x128xf32, #tpu.memory_space<vmem_shared>> -> memref<128x128xf32, #tpu.memory_space<vmem_shared>>
      %dma_wait3A_141 = arith.constant 0 : i32
      %dma_wait3A_142 = tpu.memref_slice %arg6[%add3A_133, %dma_wait3A_141] : memref<10112x128xf32, #tpu.memory_space<vmem_shared>> -> memref<128x128xf32, #tpu.memory_space<vmem_shared>>
      %dma_wait3A_143 = arith.constant 0 : i32
      %dma_wait3A_144 = arith.constant 0 : i32
      %dma_wait3A_145 = tpu.memref_slice %run_scoped3A_5[%dma_wait3A_134, %dma_wait3A_143, %dma_wait3A_144] : memref<2x128x128xf32, #tpu.memory_space<vmem>> -> memref<1x128x128xf32, #tpu.memory_space<vmem>>
      %dma_wait3A_146 = tpu.memref_squeeze %dma_wait3A_145 : memref<1x128x128xf32, #tpu.memory_space<vmem>> -> memref<128x128xf32, #tpu.memory_space<vmem>>
      tpu.wait_dma2 semaphore(%run_scoped3A_6 : memref<!tpu.dma_semaphore, #tpu.memory_space<semaphore_mem>>) src(%dma_wait3A_146 : memref<128x128xf32, #tpu.memory_space<vmem>>) dst(%dma_wait3A_142 : memref<128x128xf32, #tpu.memory_space<vmem_shared>>)
      %add3A_147 = arith.constant 512 : i32
      %add3A_148 = arith.addi %mul3A_3, %add3A_147 : i32
      %dma_wait3A_149 = arith.constant 0 : i32
      %dma_wait3A_150 = arith.constant 0 : i32
      %dma_wait3A_151 = arith.constant 0 : i32
      %dma_wait3A_152 = tpu.memref_slice %run_scoped3A_5[%dma_wait3A_149, %dma_wait3A_150, %dma_wait3A_151] : memref<2x128x128xf32, #tpu.memory_space<vmem>> -> memref<1x120x128xf32, #tpu.memory_space<vmem>>
      %dma_wait3A_153 = tpu.memref_squeeze %dma_wait3A_152 : memref<1x120x128xf32, #tpu.memory_space<vmem>> -> memref<120x128xf32, #tpu.memory_space<vmem>>
      %dma_wait3A_154 = arith.constant 0 : i32
      %dma_wait3A_155 = tpu.memref_slice %arg6[%add3A_148, %dma_wait3A_154] : memref<10112x128xf32, #tpu.memory_space<vmem_shared>> -> memref<120x128xf32, #tpu.memory_space<vmem_shared>>
      %dma_wait3A_156 = arith.constant 0 : i32
      %dma_wait3A_157 = tpu.memref_slice %arg6[%add3A_148, %dma_wait3A_156] : memref<10112x128xf32, #tpu.memory_space<vmem_shared>> -> memref<120x128xf32, #tpu.memory_space<vmem_shared>>
      %dma_wait3A_158 = arith.constant 0 : i32
      %dma_wait3A_159 = arith.constant 0 : i32
      %dma_wait3A_160 = tpu.memref_slice %run_scoped3A_5[%dma_wait3A_149, %dma_wait3A_158, %dma_wait3A_159] : memref<2x128x128xf32, #tpu.memory_space<vmem>> -> memref<1x120x128xf32, #tpu.memory_space<vmem>>
      %dma_wait3A_161 = tpu.memref_squeeze %dma_wait3A_160 : memref<1x120x128xf32, #tpu.memory_space<vmem>> -> memref<120x128xf32, #tpu.memory_space<vmem>>
      tpu.wait_dma2 semaphore(%run_scoped3A_6 : memref<!tpu.dma_semaphore, #tpu.memory_space<semaphore_mem>>) src(%dma_wait3A_161 : memref<120x128xf32, #tpu.memory_space<vmem>>) dst(%dma_wait3A_157 : memref<120x128xf32, #tpu.memory_space<vmem_shared>>)
      %barrier3A = arith.constant 0 : index
      tpu.barrier barrier_id(%barrier3A)
      %scan3A_162 = arith.constant 0 : i32
      %scan3A_163 = arith.constant 10 : i32
      %scan3A_164 = arith.addi %scan3A_162, %scan3A_163 : i32
      %scan3A_165 = arith.constant 1 : i32
      scf.for %scan3A_476 = %scan3A_162 to %scan3A_164 step %scan3A_165  : i32 {
        %mul3A_477 = arith.constant 1 : i32
        %mul3A_478 = arith.muli %scan3A_476, %mul3A_477 : i32
        %add3A_479 = arith.constant 0 : i32
        %add3A_480 = arith.addi %add3A_479, %mul3A_478 : i32
        %mul3A_481 = arith.constant 8 : i32
        %mul3A_482 = arith.muli %add3A_480, %mul3A_481 : i32
        "tpu.region"() ({
          %run_scoped3A_542 = tpu.sem_alloc : memref<!tpu.dma_semaphore, #tpu.memory_space<semaphore_mem>>
          %dma_start3A_543 = arith.constant 0 : i32
          %dma_start3A_544 = tpu.memref_slice %arg3[%add3A, %mul3A_482, %dma_start3A_543] : memref<32x80x128xi32, #tpu.memory_space<hbm>> -> memref<1x8x128xi32, #tpu.memory_space<hbm>>
          %dma_start3A_545 = tpu.memref_squeeze %dma_start3A_544 : memref<1x8x128xi32, #tpu.memory_space<hbm>> -> memref<8x128xi32, #tpu.memory_space<hbm>>
          %dma_start3A_546 = arith.constant 0 : i32
          %dma_start3A_547 = tpu.memref_slice %arg3[%add3A, %mul3A_482, %dma_start3A_546] : memref<32x80x128xi32, #tpu.memory_space<hbm>> -> memref<1x8x128xi32, #tpu.memory_space<hbm>>
          %dma_start3A_548 = tpu.memref_squeeze %dma_start3A_547 : memref<1x8x128xi32, #tpu.memory_space<hbm>> -> memref<8x128xi32, #tpu.memory_space<hbm>>
          tpu.enqueue_dma source(%dma_start3A_548 : memref<8x128xi32, #tpu.memory_space<hbm>>) target(%run_scoped3A : memref<8x128xi32, #tpu.memory_space<vmem>>) target_semaphore(%run_scoped3A_542 : memref<!tpu.dma_semaphore, #tpu.memory_space<semaphore_mem>>)
          %dma_wait3A_549 = arith.constant 0 : i32
          %dma_wait3A_550 = tpu.memref_slice %arg3[%add3A, %mul3A_482, %dma_wait3A_549] : memref<32x80x128xi32, #tpu.memory_space<hbm>> -> memref<1x8x128xi32, #tpu.memory_space<hbm>>
          %dma_wait3A_551 = tpu.memref_squeeze %dma_wait3A_550 : memref<1x8x128xi32, #tpu.memory_space<hbm>> -> memref<8x128xi32, #tpu.memory_space<hbm>>
          %dma_wait3A_552 = arith.constant 0 : i32
          %dma_wait3A_553 = tpu.memref_slice %arg3[%add3A, %mul3A_482, %dma_wait3A_552] : memref<32x80x128xi32, #tpu.memory_space<hbm>> -> memref<1x8x128xi32, #tpu.memory_space<hbm>>
          %dma_wait3A_554 = tpu.memref_squeeze %dma_wait3A_553 : memref<1x8x128xi32, #tpu.memory_space<hbm>> -> memref<8x128xi32, #tpu.memory_space<hbm>>
          tpu.wait_dma2 semaphore(%run_scoped3A_542 : memref<!tpu.dma_semaphore, #tpu.memory_space<semaphore_mem>>) src(%dma_wait3A_554 : memref<8x128xi32, #tpu.memory_space<hbm>>) dst(%run_scoped3A : memref<8x128xi32, #tpu.memory_space<vmem>>)
          tpu.yield
        }) : () -> ()
        %mul3A_483 = arith.constant 8 : i32
        %mul3A_484 = arith.muli %add3A_480, %mul3A_483 : i32
        "tpu.region"() ({
          %run_scoped3A_542 = tpu.sem_alloc : memref<!tpu.dma_semaphore, #tpu.memory_space<semaphore_mem>>
          %dma_start3A_543 = arith.constant 0 : i32
          %dma_start3A_544 = tpu.memref_slice %arg4[%add3A, %mul3A_484, %dma_start3A_543] : memref<32x80x128xi32, #tpu.memory_space<hbm>> -> memref<1x8x128xi32, #tpu.memory_space<hbm>>
          %dma_start3A_545 = tpu.memref_squeeze %dma_start3A_544 : memref<1x8x128xi32, #tpu.memory_space<hbm>> -> memref<8x128xi32, #tpu.memory_space<hbm>>
          %dma_start3A_546 = arith.constant 0 : i32
          %dma_start3A_547 = tpu.memref_slice %arg4[%add3A, %mul3A_484, %dma_start3A_546] : memref<32x80x128xi32, #tpu.memory_space<hbm>> -> memref<1x8x128xi32, #tpu.memory_space<hbm>>
          %dma_start3A_548 = tpu.memref_squeeze %dma_start3A_547 : memref<1x8x128xi32, #tpu.memory_space<hbm>> -> memref<8x128xi32, #tpu.memory_space<hbm>>
          tpu.enqueue_dma source(%dma_start3A_548 : memref<8x128xi32, #tpu.memory_space<hbm>>) target(%run_scoped3A_4 : memref<8x128xi32, #tpu.memory_space<vmem>>) target_semaphore(%run_scoped3A_542 : memref<!tpu.dma_semaphore, #tpu.memory_space<semaphore_mem>>)
          %dma_wait3A_549 = arith.constant 0 : i32
          %dma_wait3A_550 = tpu.memref_slice %arg4[%add3A, %mul3A_484, %dma_wait3A_549] : memref<32x80x128xi32, #tpu.memory_space<hbm>> -> memref<1x8x128xi32, #tpu.memory_space<hbm>>
          %dma_wait3A_551 = tpu.memref_squeeze %dma_wait3A_550 : memref<1x8x128xi32, #tpu.memory_space<hbm>> -> memref<8x128xi32, #tpu.memory_space<hbm>>
          %dma_wait3A_552 = arith.constant 0 : i32
          %dma_wait3A_553 = tpu.memref_slice %arg4[%add3A, %mul3A_484, %dma_wait3A_552] : memref<32x80x128xi32, #tpu.memory_space<hbm>> -> memref<1x8x128xi32, #tpu.memory_space<hbm>>
          %dma_wait3A_554 = tpu.memref_squeeze %dma_wait3A_553 : memref<1x8x128xi32, #tpu.memory_space<hbm>> -> memref<8x128xi32, #tpu.memory_space<hbm>>
          tpu.wait_dma2 semaphore(%run_scoped3A_542 : memref<!tpu.dma_semaphore, #tpu.memory_space<semaphore_mem>>) src(%dma_wait3A_554 : memref<8x128xi32, #tpu.memory_space<hbm>>) dst(%run_scoped3A_4 : memref<8x128xi32, #tpu.memory_space<vmem>>)
          tpu.yield
        }) : () -> ()
        %dma_start3A_485 = arith.constant 0 : i32
        %dma_start3A_486 = arith.constant 0 : i32
        %dma_start3A_487 = arith.constant 0 : i32
        %dma_start3A_488 = arith.constant 0 : i32
        %dma_start3A_489 = tpu.memref_slice %run_scoped3A_5[%dma_start3A_486, %dma_start3A_487, %dma_start3A_488] : memref<2x128x128xf32, #tpu.memory_space<vmem>> -> memref<1x128x128xf32, #tpu.memory_space<vmem>>
        %dma_start3A_490 = tpu.memref_squeeze %dma_start3A_489 : memref<1x128x128xf32, #tpu.memory_space<vmem>> -> memref<128x128xf32, #tpu.memory_space<vmem>>
        %dma_start3A_491 = arith.constant 0 : i32
        %dma_start3A_492 = tpu.memref_slice %run_scoped3A[%dma_start3A_485, %dma_start3A_491] : memref<8x128xi32, #tpu.memory_space<vmem>> -> memref<1x128xi32, #tpu.memory_space<vmem>>
        %dma_start3A_493 = tpu.memref_squeeze %dma_start3A_492 : memref<1x128xi32, #tpu.memory_space<vmem>> -> memref<128xi32, #tpu.memory_space<vmem>>
        %dma_start3A_494 = arith.constant 0 : i32
        %dma_start3A_495 = arith.constant 0 : i32
        %dma_start3A_496 = tpu.memref_slice %arg2[%dma_start3A_494, %dma_start3A_495] : memref<10000x128xf32, #tpu.memory_space<hbm>> -> memref<10000x128xf32, #tpu.memory_space<hbm>>
        tpu.enqueue_indirect_dma source(%dma_start3A_496 : memref<10000x128xf32, #tpu.memory_space<hbm>>) target(%dma_start3A_490 : memref<128x128xf32, #tpu.memory_space<vmem>>) offsets(%dma_start3A_493 : memref<128xi32, #tpu.memory_space<vmem>>) semaphore(%run_scoped3A_6 : memref<!tpu.dma_semaphore, #tpu.memory_space<semaphore_mem>>)
        %dma_start3A_497 = arith.constant 1 : i32
        %dma_start3A_498 = arith.constant 1 : i32
        %dma_start3A_499 = arith.constant 0 : i32
        %dma_start3A_500 = arith.constant 0 : i32
        %dma_start3A_501 = tpu.memref_slice %run_scoped3A_5[%dma_start3A_498, %dma_start3A_499, %dma_start3A_500] : memref<2x128x128xf32, #tpu.memory_space<vmem>> -> memref<1x128x128xf32, #tpu.memory_space<vmem>>
        %dma_start3A_502 = tpu.memref_squeeze %dma_start3A_501 : memref<1x128x128xf32, #tpu.memory_space<vmem>> -> memref<128x128xf32, #tpu.memory_space<vmem>>
        %dma_start3A_503 = arith.constant 0 : i32
        %dma_start3A_504 = tpu.memref_slice %run_scoped3A[%dma_start3A_497, %dma_start3A_503] : memref<8x128xi32, #tpu.memory_space<vmem>> -> memref<1x128xi32, #tpu.memory_space<vmem>>
        %dma_start3A_505 = tpu.memref_squeeze %dma_start3A_504 : memref<1x128xi32, #tpu.memory_space<vmem>> -> memref<128xi32, #tpu.memory_space<vmem>>
        %dma_start3A_506 = arith.constant 0 : i32
        %dma_start3A_507 = arith.constant 0 : i32
        %dma_start3A_508 = tpu.memref_slice %arg2[%dma_start3A_506, %dma_start3A_507] : memref<10000x128xf32, #tpu.memory_space<hbm>> -> memref<10000x128xf32, #tpu.memory_space<hbm>>
        tpu.enqueue_indirect_dma source(%dma_start3A_508 : memref<10000x128xf32, #tpu.memory_space<hbm>>) target(%dma_start3A_502 : memref<128x128xf32, #tpu.memory_space<vmem>>) offsets(%dma_start3A_505 : memref<128xi32, #tpu.memory_space<vmem>>) semaphore(%run_scoped3A_7 : memref<!tpu.dma_semaphore, #tpu.memory_space<semaphore_mem>>)
        %scan3A_509 = arith.constant 0 : i32
        %scan3A_510 = arith.constant 3 : i32
        %scan3A_511 = arith.addi %scan3A_509, %scan3A_510 : i32
        %scan3A_512 = arith.constant 1 : i32
        scf.for %scan3A_542 = %scan3A_509 to %scan3A_511 step %scan3A_512  : i32 {
          %mul3A_543 = arith.constant 1 : i32
          %mul3A_544 = arith.muli %scan3A_542, %mul3A_543 : i32
          %add3A_545 = arith.constant 0 : i32
          %add3A_546 = arith.addi %add3A_545, %mul3A_544 : i32
          %mul3A_547 = arith.constant 2 : i32
          %mul3A_548 = arith.muli %mul3A_547, %add3A_546 : i32
          %dma_wait3A_549 = arith.constant 0 : i32
          %dma_wait3A_550 = arith.constant 0 : i32
          %dma_wait3A_551 = arith.constant 0 : i32
          %dma_wait3A_552 = tpu.memref_slice %run_scoped3A_5[%dma_wait3A_549, %dma_wait3A_550, %dma_wait3A_551] : memref<2x128x128xf32, #tpu.memory_space<vmem>> -> memref<1x128x128xf32, #tpu.memory_space<vmem>>
          %dma_wait3A_553 = tpu.memref_squeeze %dma_wait3A_552 : memref<1x128x128xf32, #tpu.memory_space<vmem>> -> memref<128x128xf32, #tpu.memory_space<vmem>>
          %dma_wait3A_554 = arith.constant 0 : i32
          %dma_wait3A_555 = tpu.memref_slice %run_scoped3A[%mul3A_548, %dma_wait3A_554] : memref<8x128xi32, #tpu.memory_space<vmem>> -> memref<1x128xi32, #tpu.memory_space<vmem>>
          %dma_wait3A_556 = tpu.memref_squeeze %dma_wait3A_555 : memref<1x128xi32, #tpu.memory_space<vmem>> -> memref<128xi32, #tpu.memory_space<vmem>>
          %dma_wait3A_557 = arith.constant 0 : i32
          %dma_wait3A_558 = arith.constant 0 : i32
          %dma_wait3A_559 = tpu.memref_slice %arg2[%dma_wait3A_557, %dma_wait3A_558] : memref<10000x128xf32, #tpu.memory_space<hbm>> -> memref<10000x128xf32, #tpu.memory_space<hbm>>
          tpu.wait_indirect_dma semaphore(%run_scoped3A_6 : memref<!tpu.dma_semaphore, #tpu.memory_space<semaphore_mem>>) src(%dma_wait3A_559 : memref<10000x128xf32, #tpu.memory_space<hbm>>) dst(%dma_wait3A_553 : memref<128x128xf32, #tpu.memory_space<vmem>>)
          %run_scoped3A_560 = arith.constant 0 : i32
          "tpu.region"() ({
            %run_scoped3A_603 = tpu.sem_alloc : memref<!tpu.dma_semaphore, #tpu.memory_space<semaphore_mem>>
            %dma_start3A_604 = arith.constant 0 : i32
            %dma_start3A_605 = arith.constant 0 : i32
            %dma_start3A_606 = tpu.memref_slice %run_scoped3A_5[%run_scoped3A_560, %dma_start3A_604, %dma_start3A_605] : memref<2x128x128xf32, #tpu.memory_space<vmem>> -> memref<1x128x128xf32, #tpu.memory_space<vmem>>
            %dma_start3A_607 = tpu.memref_squeeze %dma_start3A_606 : memref<1x128x128xf32, #tpu.memory_space<vmem>> -> memref<128x128xf32, #tpu.memory_space<vmem>>
            %dma_start3A_608 = arith.constant 0 : i32
            %dma_start3A_609 = tpu.memref_slice %run_scoped3A_4[%mul3A_548, %dma_start3A_608] : memref<8x128xi32, #tpu.memory_space<vmem>> -> memref<1x128xi32, #tpu.memory_space<vmem>>
            %dma_start3A_610 = tpu.memref_squeeze %dma_start3A_609 : memref<1x128xi32, #tpu.memory_space<vmem>> -> memref<128xi32, #tpu.memory_space<vmem>>
            %dma_start3A_611 = arith.constant 0 : i32
            %dma_start3A_612 = arith.constant 0 : i32
            %dma_start3A_613 = tpu.memref_slice %arg6[%dma_start3A_611, %dma_start3A_612] : memref<10112x128xf32, #tpu.memory_space<vmem_shared>> -> memref<10112x128xf32, #tpu.memory_space<vmem_shared>>
            tpu.enqueue_indirect_dma source(%dma_start3A_607 : memref<128x128xf32, #tpu.memory_space<vmem>>) target(%dma_start3A_613 : memref<10112x128xf32, #tpu.memory_space<vmem_shared>>) offsets(%dma_start3A_610 : memref<128xi32, #tpu.memory_space<vmem>>) semaphore(%run_scoped3A_603 : memref<!tpu.dma_semaphore, #tpu.memory_space<semaphore_mem>>) {add = true}
            %dma_wait3A_614 = arith.constant 0 : i32
            %dma_wait3A_615 = arith.constant 0 : i32
            %dma_wait3A_616 = tpu.memref_slice %run_scoped3A_5[%run_scoped3A_560, %dma_wait3A_614, %dma_wait3A_615] : memref<2x128x128xf32, #tpu.memory_space<vmem>> -> memref<1x128x128xf32, #tpu.memory_space<vmem>>
            %dma_wait3A_617 = tpu.memref_squeeze %dma_wait3A_616 : memref<1x128x128xf32, #tpu.memory_space<vmem>> -> memref<128x128xf32, #tpu.memory_space<vmem>>
            %dma_wait3A_618 = arith.constant 0 : i32
            %dma_wait3A_619 = tpu.memref_slice %run_scoped3A_4[%mul3A_548, %dma_wait3A_618] : memref<8x128xi32, #tpu.memory_space<vmem>> -> memref<1x128xi32, #tpu.memory_space<vmem>>
            %dma_wait3A_620 = tpu.memref_squeeze %dma_wait3A_619 : memref<1x128xi32, #tpu.memory_space<vmem>> -> memref<128xi32, #tpu.memory_space<vmem>>
            %dma_wait3A_621 = arith.constant 0 : i32
            %dma_wait3A_622 = arith.constant 0 : i32
            %dma_wait3A_623 = tpu.memref_slice %arg6[%dma_wait3A_621, %dma_wait3A_622] : memref<10112x128xf32, #tpu.memory_space<vmem_shared>> -> memref<10112x128xf32, #tpu.memory_space<vmem_shared>>
            tpu.wait_indirect_dma semaphore(%run_scoped3A_603 : memref<!tpu.dma_semaphore, #tpu.memory_space<semaphore_mem>>) src(%dma_wait3A_617 : memref<128x128xf32, #tpu.memory_space<vmem>>) dst(%dma_wait3A_623 : memref<10112x128xf32, #tpu.memory_space<vmem_shared>>)
            tpu.yield
          }) : () -> ()
          %add3A_561 = arith.constant 2 : i32
          %add3A_562 = arith.addi %mul3A_548, %add3A_561 : i32
          %dma_start3A_563 = arith.constant 0 : i32
          %dma_start3A_564 = arith.constant 0 : i32
          %dma_start3A_565 = arith.constant 0 : i32
          %dma_start3A_566 = tpu.memref_slice %run_scoped3A_5[%dma_start3A_563, %dma_start3A_564, %dma_start3A_565] : memref<2x128x128xf32, #tpu.memory_space<vmem>> -> memref<1x128x128xf32, #tpu.memory_space<vmem>>
          %dma_start3A_567 = tpu.memref_squeeze %dma_start3A_566 : memref<1x128x128xf32, #tpu.memory_space<vmem>> -> memref<128x128xf32, #tpu.memory_space<vmem>>
          %dma_start3A_568 = arith.constant 0 : i32
          %dma_start3A_569 = tpu.memref_slice %run_scoped3A[%add3A_562, %dma_start3A_568] : memref<8x128xi32, #tpu.memory_space<vmem>> -> memref<1x128xi32, #tpu.memory_space<vmem>>
          %dma_start3A_570 = tpu.memref_squeeze %dma_start3A_569 : memref<1x128xi32, #tpu.memory_space<vmem>> -> memref<128xi32, #tpu.memory_space<vmem>>
          %dma_start3A_571 = arith.constant 0 : i32
          %dma_start3A_572 = arith.constant 0 : i32
          %dma_start3A_573 = tpu.memref_slice %arg2[%dma_start3A_571, %dma_start3A_572] : memref<10000x128xf32, #tpu.memory_space<hbm>> -> memref<10000x128xf32, #tpu.memory_space<hbm>>
          tpu.enqueue_indirect_dma source(%dma_start3A_573 : memref<10000x128xf32, #tpu.memory_space<hbm>>) target(%dma_start3A_567 : memref<128x128xf32, #tpu.memory_space<vmem>>) offsets(%dma_start3A_570 : memref<128xi32, #tpu.memory_space<vmem>>) semaphore(%run_scoped3A_6 : memref<!tpu.dma_semaphore, #tpu.memory_space<semaphore_mem>>)
          %add3A_574 = arith.constant 1 : i32
          %add3A_575 = arith.addi %mul3A_548, %add3A_574 : i32
          %dma_wait3A_576 = arith.constant 1 : i32
          %dma_wait3A_577 = arith.constant 0 : i32
          %dma_wait3A_578 = arith.constant 0 : i32
          %dma_wait3A_579 = tpu.memref_slice %run_scoped3A_5[%dma_wait3A_576, %dma_wait3A_577, %dma_wait3A_578] : memref<2x128x128xf32, #tpu.memory_space<vmem>> -> memref<1x128x128xf32, #tpu.memory_space<vmem>>
          %dma_wait3A_580 = tpu.memref_squeeze %dma_wait3A_579 : memref<1x128x128xf32, #tpu.memory_space<vmem>> -> memref<128x128xf32, #tpu.memory_space<vmem>>
          %dma_wait3A_581 = arith.constant 0 : i32
          %dma_wait3A_582 = tpu.memref_slice %run_scoped3A[%add3A_575, %dma_wait3A_581] : memref<8x128xi32, #tpu.memory_space<vmem>> -> memref<1x128xi32, #tpu.memory_space<vmem>>
          %dma_wait3A_583 = tpu.memref_squeeze %dma_wait3A_582 : memref<1x128xi32, #tpu.memory_space<vmem>> -> memref<128xi32, #tpu.memory_space<vmem>>
          %dma_wait3A_584 = arith.constant 0 : i32
          %dma_wait3A_585 = arith.constant 0 : i32
          %dma_wait3A_586 = tpu.memref_slice %arg2[%dma_wait3A_584, %dma_wait3A_585] : memref<10000x128xf32, #tpu.memory_space<hbm>> -> memref<10000x128xf32, #tpu.memory_space<hbm>>
          tpu.wait_indirect_dma semaphore(%run_scoped3A_7 : memref<!tpu.dma_semaphore, #tpu.memory_space<semaphore_mem>>) src(%dma_wait3A_586 : memref<10000x128xf32, #tpu.memory_space<hbm>>) dst(%dma_wait3A_580 : memref<128x128xf32, #tpu.memory_space<vmem>>)
          %add3A_587 = arith.constant 1 : i32
          %add3A_588 = arith.addi %mul3A_548, %add3A_587 : i32
          %run_scoped3A_589 = arith.constant 1 : i32
          "tpu.region"() ({
            %run_scoped3A_603 = tpu.sem_alloc : memref<!tpu.dma_semaphore, #tpu.memory_space<semaphore_mem>>
            %dma_start3A_604 = arith.constant 0 : i32
            %dma_start3A_605 = arith.constant 0 : i32
            %dma_start3A_606 = tpu.memref_slice %run_scoped3A_5[%run_scoped3A_589, %dma_start3A_604, %dma_start3A_605] : memref<2x128x128xf32, #tpu.memory_space<vmem>> -> memref<1x128x128xf32, #tpu.memory_space<vmem>>
            %dma_start3A_607 = tpu.memref_squeeze %dma_start3A_606 : memref<1x128x128xf32, #tpu.memory_space<vmem>> -> memref<128x128xf32, #tpu.memory_space<vmem>>
            %dma_start3A_608 = arith.constant 0 : i32
            %dma_start3A_609 = tpu.memref_slice %run_scoped3A_4[%add3A_588, %dma_start3A_608] : memref<8x128xi32, #tpu.memory_space<vmem>> -> memref<1x128xi32, #tpu.memory_space<vmem>>
            %dma_start3A_610 = tpu.memref_squeeze %dma_start3A_609 : memref<1x128xi32, #tpu.memory_space<vmem>> -> memref<128xi32, #tpu.memory_space<vmem>>
            %dma_start3A_611 = arith.constant 0 : i32
            %dma_start3A_612 = arith.constant 0 : i32
            %dma_start3A_613 = tpu.memref_slice %arg6[%dma_start3A_611, %dma_start3A_612] : memref<10112x128xf32, #tpu.memory_space<vmem_shared>> -> memref<10112x128xf32, #tpu.memory_space<vmem_shared>>
            tpu.enqueue_indirect_dma source(%dma_start3A_607 : memref<128x128xf32, #tpu.memory_space<vmem>>) target(%dma_start3A_613 : memref<10112x128xf32, #tpu.memory_space<vmem_shared>>) offsets(%dma_start3A_610 : memref<128xi32, #tpu.memory_space<vmem>>) semaphore(%run_scoped3A_603 : memref<!tpu.dma_semaphore, #tpu.memory_space<semaphore_mem>>) {add = true}
            %dma_wait3A_614 = arith.constant 0 : i32
            %dma_wait3A_615 = arith.constant 0 : i32
            %dma_wait3A_616 = tpu.memref_slice %run_scoped3A_5[%run_scoped3A_589, %dma_wait3A_614, %dma_wait3A_615] : memref<2x128x128xf32, #tpu.memory_space<vmem>> -> memref<1x128x128xf32, #tpu.memory_space<vmem>>
            %dma_wait3A_617 = tpu.memref_squeeze %dma_wait3A_616 : memref<1x128x128xf32, #tpu.memory_space<vmem>> -> memref<128x128xf32, #tpu.memory_space<vmem>>
            %dma_wait3A_618 = arith.constant 0 : i32
            %dma_wait3A_619 = tpu.memref_slice %run_scoped3A_4[%add3A_588, %dma_wait3A_618] : memref<8x128xi32, #tpu.memory_space<vmem>> -> memref<1x128xi32, #tpu.memory_space<vmem>>
            %dma_wait3A_620 = tpu.memref_squeeze %dma_wait3A_619 : memref<1x128xi32, #tpu.memory_space<vmem>> -> memref<128xi32, #tpu.memory_space<vmem>>
            %dma_wait3A_621 = arith.constant 0 : i32
            %dma_wait3A_622 = arith.constant 0 : i32
            %dma_wait3A_623 = tpu.memref_slice %arg6[%dma_wait3A_621, %dma_wait3A_622] : memref<10112x128xf32, #tpu.memory_space<vmem_shared>> -> memref<10112x128xf32, #tpu.memory_space<vmem_shared>>
            tpu.wait_indirect_dma semaphore(%run_scoped3A_603 : memref<!tpu.dma_semaphore, #tpu.memory_space<semaphore_mem>>) src(%dma_wait3A_617 : memref<128x128xf32, #tpu.memory_space<vmem>>) dst(%dma_wait3A_623 : memref<10112x128xf32, #tpu.memory_space<vmem_shared>>)
            tpu.yield
          }) : () -> ()
          %add3A_590 = arith.constant 3 : i32
          %add3A_591 = arith.addi %mul3A_548, %add3A_590 : i32
          %dma_start3A_592 = arith.constant 1 : i32
          %dma_start3A_593 = arith.constant 0 : i32
          %dma_start3A_594 = arith.constant 0 : i32
          %dma_start3A_595 = tpu.memref_slice %run_scoped3A_5[%dma_start3A_592, %dma_start3A_593, %dma_start3A_594] : memref<2x128x128xf32, #tpu.memory_space<vmem>> -> memref<1x128x128xf32, #tpu.memory_space<vmem>>
          %dma_start3A_596 = tpu.memref_squeeze %dma_start3A_595 : memref<1x128x128xf32, #tpu.memory_space<vmem>> -> memref<128x128xf32, #tpu.memory_space<vmem>>
          %dma_start3A_597 = arith.constant 0 : i32
          %dma_start3A_598 = tpu.memref_slice %run_scoped3A[%add3A_591, %dma_start3A_597] : memref<8x128xi32, #tpu.memory_space<vmem>> -> memref<1x128xi32, #tpu.memory_space<vmem>>
          %dma_start3A_599 = tpu.memref_squeeze %dma_start3A_598 : memref<1x128xi32, #tpu.memory_space<vmem>> -> memref<128xi32, #tpu.memory_space<vmem>>
          %dma_start3A_600 = arith.constant 0 : i32
          %dma_start3A_601 = arith.constant 0 : i32
          %dma_start3A_602 = tpu.memref_slice %arg2[%dma_start3A_600, %dma_start3A_601] : memref<10000x128xf32, #tpu.memory_space<hbm>> -> memref<10000x128xf32, #tpu.memory_space<hbm>>
          tpu.enqueue_indirect_dma source(%dma_start3A_602 : memref<10000x128xf32, #tpu.memory_space<hbm>>) target(%dma_start3A_596 : memref<128x128xf32, #tpu.memory_space<vmem>>) offsets(%dma_start3A_599 : memref<128xi32, #tpu.memory_space<vmem>>) semaphore(%run_scoped3A_7 : memref<!tpu.dma_semaphore, #tpu.memory_space<semaphore_mem>>)
        }
        %scan3A_513 = arith.constant 3 : i32
        %dma_wait3A_514 = arith.constant 6 : i32
        %dma_wait3A_515 = arith.constant 0 : i32
        %dma_wait3A_516 = arith.constant 0 : i32
        %dma_wait3A_517 = arith.constant 0 : i32
        %dma_wait3A_518 = tpu.memref_slice %run_scoped3A_5[%dma_wait3A_515, %dma_wait3A_516, %dma_wait3A_517] : memref<2x128x128xf32, #tpu.memory_space<vmem>> -> memref<1x128x128xf32, #tpu.memory_space<vmem>>
        %dma_wait3A_519 = tpu.memref_squeeze %dma_wait3A_518 : memref<1x128x128xf32, #tpu.memory_space<vmem>> -> memref<128x128xf32, #tpu.memory_space<vmem>>
        %dma_wait3A_520 = arith.constant 0 : i32
        %dma_wait3A_521 = tpu.memref_slice %run_scoped3A[%dma_wait3A_514, %dma_wait3A_520] : memref<8x128xi32, #tpu.memory_space<vmem>> -> memref<1x128xi32, #tpu.memory_space<vmem>>
        %dma_wait3A_522 = tpu.memref_squeeze %dma_wait3A_521 : memref<1x128xi32, #tpu.memory_space<vmem>> -> memref<128xi32, #tpu.memory_space<vmem>>
        %dma_wait3A_523 = arith.constant 0 : i32
        %dma_wait3A_524 = arith.constant 0 : i32
        %dma_wait3A_525 = tpu.memref_slice %arg2[%dma_wait3A_523, %dma_wait3A_524] : memref<10000x128xf32, #tpu.memory_space<hbm>> -> memref<10000x128xf32, #tpu.memory_space<hbm>>
        tpu.wait_indirect_dma semaphore(%run_scoped3A_6 : memref<!tpu.dma_semaphore, #tpu.memory_space<semaphore_mem>>) src(%dma_wait3A_525 : memref<10000x128xf32, #tpu.memory_space<hbm>>) dst(%dma_wait3A_519 : memref<128x128xf32, #tpu.memory_space<vmem>>)
        %run_scoped3A_526 = arith.constant 0 : i32
        %run_scoped3A_527 = arith.constant 6 : i32
        "tpu.region"() ({
          %run_scoped3A_542 = tpu.sem_alloc : memref<!tpu.dma_semaphore, #tpu.memory_space<semaphore_mem>>
          %dma_start3A_543 = arith.constant 0 : i32
          %dma_start3A_544 = arith.constant 0 : i32
          %dma_start3A_545 = tpu.memref_slice %run_scoped3A_5[%run_scoped3A_526, %dma_start3A_543, %dma_start3A_544] : memref<2x128x128xf32, #tpu.memory_space<vmem>> -> memref<1x128x128xf32, #tpu.memory_space<vmem>>
          %dma_start3A_546 = tpu.memref_squeeze %dma_start3A_545 : memref<1x128x128xf32, #tpu.memory_space<vmem>> -> memref<128x128xf32, #tpu.memory_space<vmem>>
          %dma_start3A_547 = arith.constant 0 : i32
          %dma_start3A_548 = tpu.memref_slice %run_scoped3A_4[%run_scoped3A_527, %dma_start3A_547] : memref<8x128xi32, #tpu.memory_space<vmem>> -> memref<1x128xi32, #tpu.memory_space<vmem>>
          %dma_start3A_549 = tpu.memref_squeeze %dma_start3A_548 : memref<1x128xi32, #tpu.memory_space<vmem>> -> memref<128xi32, #tpu.memory_space<vmem>>
          %dma_start3A_550 = arith.constant 0 : i32
          %dma_start3A_551 = arith.constant 0 : i32
          %dma_start3A_552 = tpu.memref_slice %arg6[%dma_start3A_550, %dma_start3A_551] : memref<10112x128xf32, #tpu.memory_space<vmem_shared>> -> memref<10112x128xf32, #tpu.memory_space<vmem_shared>>
          tpu.enqueue_indirect_dma source(%dma_start3A_546 : memref<128x128xf32, #tpu.memory_space<vmem>>) target(%dma_start3A_552 : memref<10112x128xf32, #tpu.memory_space<vmem_shared>>) offsets(%dma_start3A_549 : memref<128xi32, #tpu.memory_space<vmem>>) semaphore(%run_scoped3A_542 : memref<!tpu.dma_semaphore, #tpu.memory_space<semaphore_mem>>) {add = true}
          %dma_wait3A_553 = arith.constant 0 : i32
          %dma_wait3A_554 = arith.constant 0 : i32
          %dma_wait3A_555 = tpu.memref_slice %run_scoped3A_5[%run_scoped3A_526, %dma_wait3A_553, %dma_wait3A_554] : memref<2x128x128xf32, #tpu.memory_space<vmem>> -> memref<1x128x128xf32, #tpu.memory_space<vmem>>
          %dma_wait3A_556 = tpu.memref_squeeze %dma_wait3A_555 : memref<1x128x128xf32, #tpu.memory_space<vmem>> -> memref<128x128xf32, #tpu.memory_space<vmem>>
          %dma_wait3A_557 = arith.constant 0 : i32
          %dma_wait3A_558 = tpu.memref_slice %run_scoped3A_4[%run_scoped3A_527, %dma_wait3A_557] : memref<8x128xi32, #tpu.memory_space<vmem>> -> memref<1x128xi32, #tpu.memory_space<vmem>>
          %dma_wait3A_559 = tpu.memref_squeeze %dma_wait3A_558 : memref<1x128xi32, #tpu.memory_space<vmem>> -> memref<128xi32, #tpu.memory_space<vmem>>
          %dma_wait3A_560 = arith.constant 0 : i32
          %dma_wait3A_561 = arith.constant 0 : i32
          %dma_wait3A_562 = tpu.memref_slice %arg6[%dma_wait3A_560, %dma_wait3A_561] : memref<10112x128xf32, #tpu.memory_space<vmem_shared>> -> memref<10112x128xf32, #tpu.memory_space<vmem_shared>>
          tpu.wait_indirect_dma semaphore(%run_scoped3A_542 : memref<!tpu.dma_semaphore, #tpu.memory_space<semaphore_mem>>) src(%dma_wait3A_556 : memref<128x128xf32, #tpu.memory_space<vmem>>) dst(%dma_wait3A_562 : memref<10112x128xf32, #tpu.memory_space<vmem_shared>>)
          tpu.yield
        }) : () -> ()
        %dma_wait3A_528 = arith.constant 7 : i32
        %dma_wait3A_529 = arith.constant 1 : i32
        %dma_wait3A_530 = arith.constant 0 : i32
        %dma_wait3A_531 = arith.constant 0 : i32
        %dma_wait3A_532 = tpu.memref_slice %run_scoped3A_5[%dma_wait3A_529, %dma_wait3A_530, %dma_wait3A_531] : memref<2x128x128xf32, #tpu.memory_space<vmem>> -> memref<1x128x128xf32, #tpu.memory_space<vmem>>
        %dma_wait3A_533 = tpu.memref_squeeze %dma_wait3A_532 : memref<1x128x128xf32, #tpu.memory_space<vmem>> -> memref<128x128xf32, #tpu.memory_space<vmem>>
        %dma_wait3A_534 = arith.constant 0 : i32
        %dma_wait3A_535 = tpu.memref_slice %run_scoped3A[%dma_wait3A_528, %dma_wait3A_534] : memref<8x128xi32, #tpu.memory_space<vmem>> -> memref<1x128xi32, #tpu.memory_space<vmem>>
        %dma_wait3A_536 = tpu.memref_squeeze %dma_wait3A_535 : memref<1x128xi32, #tpu.memory_space<vmem>> -> memref<128xi32, #tpu.memory_space<vmem>>
        %dma_wait3A_537 = arith.constant 0 : i32
        %dma_wait3A_538 = arith.constant 0 : i32
        %dma_wait3A_539 = tpu.memref_slice %arg2[%dma_wait3A_537, %dma_wait3A_538] : memref<10000x128xf32, #tpu.memory_space<hbm>> -> memref<10000x128xf32, #tpu.memory_space<hbm>>
        tpu.wait_indirect_dma semaphore(%run_scoped3A_7 : memref<!tpu.dma_semaphore, #tpu.memory_space<semaphore_mem>>) src(%dma_wait3A_539 : memref<10000x128xf32, #tpu.memory_space<hbm>>) dst(%dma_wait3A_533 : memref<128x128xf32, #tpu.memory_space<vmem>>)
        %run_scoped3A_540 = arith.constant 1 : i32
        %run_scoped3A_541 = arith.constant 7 : i32
        "tpu.region"() ({
          %run_scoped3A_542 = tpu.sem_alloc : memref<!tpu.dma_semaphore, #tpu.memory_space<semaphore_mem>>
          %dma_start3A_543 = arith.constant 0 : i32
          %dma_start3A_544 = arith.constant 0 : i32
          %dma_start3A_545 = tpu.memref_slice %run_scoped3A_5[%run_scoped3A_540, %dma_start3A_543, %dma_start3A_544] : memref<2x128x128xf32, #tpu.memory_space<vmem>> -> memref<1x128x128xf32, #tpu.memory_space<vmem>>
          %dma_start3A_546 = tpu.memref_squeeze %dma_start3A_545 : memref<1x128x128xf32, #tpu.memory_space<vmem>> -> memref<128x128xf32, #tpu.memory_space<vmem>>
          %dma_start3A_547 = arith.constant 0 : i32
          %dma_start3A_548 = tpu.memref_slice %run_scoped3A_4[%run_scoped3A_541, %dma_start3A_547] : memref<8x128xi32, #tpu.memory_space<vmem>> -> memref<1x128xi32, #tpu.memory_space<vmem>>
          %dma_start3A_549 = tpu.memref_squeeze %dma_start3A_548 : memref<1x128xi32, #tpu.memory_space<vmem>> -> memref<128xi32, #tpu.memory_space<vmem>>
          %dma_start3A_550 = arith.constant 0 : i32
          %dma_start3A_551 = arith.constant 0 : i32
          %dma_start3A_552 = tpu.memref_slice %arg6[%dma_start3A_550, %dma_start3A_551] : memref<10112x128xf32, #tpu.memory_space<vmem_shared>> -> memref<10112x128xf32, #tpu.memory_space<vmem_shared>>
          tpu.enqueue_indirect_dma source(%dma_start3A_546 : memref<128x128xf32, #tpu.memory_space<vmem>>) target(%dma_start3A_552 : memref<10112x128xf32, #tpu.memory_space<vmem_shared>>) offsets(%dma_start3A_549 : memref<128xi32, #tpu.memory_space<vmem>>) semaphore(%run_scoped3A_542 : memref<!tpu.dma_semaphore, #tpu.memory_space<semaphore_mem>>) {add = true}
          %dma_wait3A_553 = arith.constant 0 : i32
          %dma_wait3A_554 = arith.constant 0 : i32
          %dma_wait3A_555 = tpu.memref_slice %run_scoped3A_5[%run_scoped3A_540, %dma_wait3A_553, %dma_wait3A_554] : memref<2x128x128xf32, #tpu.memory_space<vmem>> -> memref<1x128x128xf32, #tpu.memory_space<vmem>>
          %dma_wait3A_556 = tpu.memref_squeeze %dma_wait3A_555 : memref<1x128x128xf32, #tpu.memory_space<vmem>> -> memref<128x128xf32, #tpu.memory_space<vmem>>
          %dma_wait3A_557 = arith.constant 0 : i32
          %dma_wait3A_558 = tpu.memref_slice %run_scoped3A_4[%run_scoped3A_541, %dma_wait3A_557] : memref<8x128xi32, #tpu.memory_space<vmem>> -> memref<1x128xi32, #tpu.memory_space<vmem>>
          %dma_wait3A_559 = tpu.memref_squeeze %dma_wait3A_558 : memref<1x128xi32, #tpu.memory_space<vmem>> -> memref<128xi32, #tpu.memory_space<vmem>>
          %dma_wait3A_560 = arith.constant 0 : i32
          %dma_wait3A_561 = arith.constant 0 : i32
          %dma_wait3A_562 = tpu.memref_slice %arg6[%dma_wait3A_560, %dma_wait3A_561] : memref<10112x128xf32, #tpu.memory_space<vmem_shared>> -> memref<10112x128xf32, #tpu.memory_space<vmem_shared>>
          tpu.wait_indirect_dma semaphore(%run_scoped3A_542 : memref<!tpu.dma_semaphore, #tpu.memory_space<semaphore_mem>>) src(%dma_wait3A_556 : memref<128x128xf32, #tpu.memory_space<vmem>>) dst(%dma_wait3A_562 : memref<10112x128xf32, #tpu.memory_space<vmem_shared>>)
          tpu.yield
        }) : () -> ()
      }
      %scan3A_166 = arith.constant 10 : i32
      %barrier3A_167 = arith.constant 0 : index
      tpu.barrier barrier_id(%barrier3A_167)
      %add3A_168 = arith.constant 512 : i32
      %add3A_169 = arith.addi %mul3A_3, %add3A_168 : i32
      %add3A_170 = arith.constant 0 : i32
      %add3A_171 = arith.addi %mul3A_3, %add3A_170 : i32
      %dma_start3A_172 = arith.constant 0 : i32
      %dma_start3A_173 = arith.constant 0 : i32
      %dma_start3A_174 = arith.constant 0 : i32
      %dma_start3A_175 = tpu.memref_slice %run_scoped3A_5[%dma_start3A_172, %dma_start3A_173, %dma_start3A_174] : memref<2x128x128xf32, #tpu.memory_space<vmem>> -> memref<1x128x128xf32, #tpu.memory_space<vmem>>
      %dma_start3A_176 = tpu.memref_squeeze %dma_start3A_175 : memref<1x128x128xf32, #tpu.memory_space<vmem>> -> memref<128x128xf32, #tpu.memory_space<vmem>>
      %dma_start3A_177 = arith.constant 0 : i32
      %dma_start3A_178 = tpu.memref_slice %arg6[%add3A_171, %dma_start3A_177] : memref<10112x128xf32, #tpu.memory_space<vmem_shared>> -> memref<128x128xf32, #tpu.memory_space<vmem_shared>>
      %dma_start3A_179 = arith.constant 0 : i32
      %dma_start3A_180 = arith.constant 0 : i32
      %dma_start3A_181 = tpu.memref_slice %run_scoped3A_5[%dma_start3A_172, %dma_start3A_179, %dma_start3A_180] : memref<2x128x128xf32, #tpu.memory_space<vmem>> -> memref<1x128x128xf32, #tpu.memory_space<vmem>>
      %dma_start3A_182 = tpu.memref_squeeze %dma_start3A_181 : memref<1x128x128xf32, #tpu.memory_space<vmem>> -> memref<128x128xf32, #tpu.memory_space<vmem>>
      %dma_start3A_183 = arith.constant 0 : i32
      %dma_start3A_184 = tpu.memref_slice %arg6[%add3A_171, %dma_start3A_183] : memref<10112x128xf32, #tpu.memory_space<vmem_shared>> -> memref<128x128xf32, #tpu.memory_space<vmem_shared>>
      tpu.enqueue_dma source(%dma_start3A_184 : memref<128x128xf32, #tpu.memory_space<vmem_shared>>) target(%dma_start3A_182 : memref<128x128xf32, #tpu.memory_space<vmem>>) target_semaphore(%run_scoped3A_6 : memref<!tpu.dma_semaphore, #tpu.memory_space<semaphore_mem>>)
      %add3A_185 = arith.constant 128 : i32
      %add3A_186 = arith.addi %mul3A_3, %add3A_185 : i32
      %dma_start3A_187 = arith.constant 1 : i32
      %dma_start3A_188 = arith.constant 0 : i32
      %dma_start3A_189 = arith.constant 0 : i32
      %dma_start3A_190 = tpu.memref_slice %run_scoped3A_5[%dma_start3A_187, %dma_start3A_188, %dma_start3A_189] : memref<2x128x128xf32, #tpu.memory_space<vmem>> -> memref<1x128x128xf32, #tpu.memory_space<vmem>>
      %dma_start3A_191 = tpu.memref_squeeze %dma_start3A_190 : memref<1x128x128xf32, #tpu.memory_space<vmem>> -> memref<128x128xf32, #tpu.memory_space<vmem>>
      %dma_start3A_192 = arith.constant 0 : i32
      %dma_start3A_193 = tpu.memref_slice %arg6[%add3A_186, %dma_start3A_192] : memref<10112x128xf32, #tpu.memory_space<vmem_shared>> -> memref<128x128xf32, #tpu.memory_space<vmem_shared>>
      %dma_start3A_194 = arith.constant 0 : i32
      %dma_start3A_195 = arith.constant 0 : i32
      %dma_start3A_196 = tpu.memref_slice %run_scoped3A_5[%dma_start3A_187, %dma_start3A_194, %dma_start3A_195] : memref<2x128x128xf32, #tpu.memory_space<vmem>> -> memref<1x128x128xf32, #tpu.memory_space<vmem>>
      %dma_start3A_197 = tpu.memref_squeeze %dma_start3A_196 : memref<1x128x128xf32, #tpu.memory_space<vmem>> -> memref<128x128xf32, #tpu.memory_space<vmem>>
      %dma_start3A_198 = arith.constant 0 : i32
      %dma_start3A_199 = tpu.memref_slice %arg6[%add3A_186, %dma_start3A_198] : memref<10112x128xf32, #tpu.memory_space<vmem_shared>> -> memref<128x128xf32, #tpu.memory_space<vmem_shared>>
      tpu.enqueue_dma source(%dma_start3A_199 : memref<128x128xf32, #tpu.memory_space<vmem_shared>>) target(%dma_start3A_197 : memref<128x128xf32, #tpu.memory_space<vmem>>) target_semaphore(%run_scoped3A_7 : memref<!tpu.dma_semaphore, #tpu.memory_space<semaphore_mem>>)
      %add3A_200 = arith.constant 0 : i32
      %add3A_201 = arith.addi %mul3A_3, %add3A_200 : i32
      %dma_wait3A_202 = arith.constant 0 : i32
      %dma_wait3A_203 = arith.constant 0 : i32
      %dma_wait3A_204 = arith.constant 0 : i32
      %dma_wait3A_205 = tpu.memref_slice %run_scoped3A_5[%dma_wait3A_202, %dma_wait3A_203, %dma_wait3A_204] : memref<2x128x128xf32, #tpu.memory_space<vmem>> -> memref<1x128x128xf32, #tpu.memory_space<vmem>>
      %dma_wait3A_206 = tpu.memref_squeeze %dma_wait3A_205 : memref<1x128x128xf32, #tpu.memory_space<vmem>> -> memref<128x128xf32, #tpu.memory_space<vmem>>
      %dma_wait3A_207 = arith.constant 0 : i32
      %dma_wait3A_208 = tpu.memref_slice %arg6[%add3A_201, %dma_wait3A_207] : memref<10112x128xf32, #tpu.memory_space<vmem_shared>> -> memref<128x128xf32, #tpu.memory_space<vmem_shared>>
      %dma_wait3A_209 = arith.constant 0 : i32
      %dma_wait3A_210 = arith.constant 0 : i32
      %dma_wait3A_211 = tpu.memref_slice %run_scoped3A_5[%dma_wait3A_202, %dma_wait3A_209, %dma_wait3A_210] : memref<2x128x128xf32, #tpu.memory_space<vmem>> -> memref<1x128x128xf32, #tpu.memory_space<vmem>>
      %dma_wait3A_212 = tpu.memref_squeeze %dma_wait3A_211 : memref<1x128x128xf32, #tpu.memory_space<vmem>> -> memref<128x128xf32, #tpu.memory_space<vmem>>
      %dma_wait3A_213 = arith.constant 0 : i32
      %dma_wait3A_214 = tpu.memref_slice %arg6[%add3A_201, %dma_wait3A_213] : memref<10112x128xf32, #tpu.memory_space<vmem_shared>> -> memref<128x128xf32, #tpu.memory_space<vmem_shared>>
      tpu.wait_dma2 semaphore(%run_scoped3A_6 : memref<!tpu.dma_semaphore, #tpu.memory_space<semaphore_mem>>) src(%dma_wait3A_214 : memref<128x128xf32, #tpu.memory_space<vmem_shared>>) dst(%dma_wait3A_212 : memref<128x128xf32, #tpu.memory_space<vmem>>)
      %add3A_215 = arith.constant 0 : i32
      %add3A_216 = arith.addi %mul3A_3, %add3A_215 : i32
      %dma_start3A_217 = arith.constant 0 : i32
      %dma_start3A_218 = arith.constant 0 : i32
      %dma_start3A_219 = arith.constant 0 : i32
      %dma_start3A_220 = tpu.memref_slice %run_scoped3A_5[%dma_start3A_217, %dma_start3A_218, %dma_start3A_219] : memref<2x128x128xf32, #tpu.memory_space<vmem>> -> memref<1x128x128xf32, #tpu.memory_space<vmem>>
      %dma_start3A_221 = tpu.memref_squeeze %dma_start3A_220 : memref<1x128x128xf32, #tpu.memory_space<vmem>> -> memref<128x128xf32, #tpu.memory_space<vmem>>
      %dma_start3A_222 = arith.constant 0 : i32
      %dma_start3A_223 = tpu.memref_slice %arg5[%arg0, %add3A_216, %dma_start3A_222] : memref<2x10112x128xf32, #tpu.memory_space<hbm>> -> memref<1x128x128xf32, #tpu.memory_space<hbm>>
      %dma_start3A_224 = tpu.memref_squeeze %dma_start3A_223 : memref<1x128x128xf32, #tpu.memory_space<hbm>> -> memref<128x128xf32, #tpu.memory_space<hbm>>
      %dma_start3A_225 = arith.constant 0 : i32
      %dma_start3A_226 = tpu.memref_slice %arg5[%arg0, %add3A_216, %dma_start3A_225] : memref<2x10112x128xf32, #tpu.memory_space<hbm>> -> memref<1x128x128xf32, #tpu.memory_space<hbm>>
      %dma_start3A_227 = tpu.memref_squeeze %dma_start3A_226 : memref<1x128x128xf32, #tpu.memory_space<hbm>> -> memref<128x128xf32, #tpu.memory_space<hbm>>
      %dma_start3A_228 = arith.constant 0 : i32
      %dma_start3A_229 = arith.constant 0 : i32
      %dma_start3A_230 = tpu.memref_slice %run_scoped3A_5[%dma_start3A_217, %dma_start3A_228, %dma_start3A_229] : memref<2x128x128xf32, #tpu.memory_space<vmem>> -> memref<1x128x128xf32, #tpu.memory_space<vmem>>
      %dma_start3A_231 = tpu.memref_squeeze %dma_start3A_230 : memref<1x128x128xf32, #tpu.memory_space<vmem>> -> memref<128x128xf32, #tpu.memory_space<vmem>>
      tpu.enqueue_dma source(%dma_start3A_231 : memref<128x128xf32, #tpu.memory_space<vmem>>) target(%dma_start3A_227 : memref<128x128xf32, #tpu.memory_space<hbm>>) target_semaphore(%run_scoped3A_8 : memref<!tpu.dma_semaphore, #tpu.memory_space<semaphore_mem>>)
      %dma_wait3A_232 = arith.constant 0 : i32
      %dma_wait3A_233 = arith.constant 0 : i32
      %dma_wait3A_234 = arith.constant 0 : i32
      %dma_wait3A_235 = tpu.memref_slice %run_scoped3A_5[%dma_wait3A_232, %dma_wait3A_233, %dma_wait3A_234] : memref<2x128x128xf32, #tpu.memory_space<vmem>> -> memref<1x128x128xf32, #tpu.memory_space<vmem>>
      %dma_wait3A_236 = tpu.memref_squeeze %dma_wait3A_235 : memref<1x128x128xf32, #tpu.memory_space<vmem>> -> memref<128x128xf32, #tpu.memory_space<vmem>>
      %dma_wait3A_237 = arith.constant 0 : i32
      %dma_wait3A_238 = tpu.memref_slice %arg5[%arg0, %add3A_216, %dma_wait3A_237] : memref<2x10112x128xf32, #tpu.memory_space<hbm>> -> memref<1x128x128xf32, #tpu.memory_space<hbm>>
      %dma_wait3A_239 = tpu.memref_squeeze %dma_wait3A_238 : memref<1x128x128xf32, #tpu.memory_space<hbm>> -> memref<128x128xf32, #tpu.memory_space<hbm>>
      %dma_wait3A_240 = arith.constant 0 : i32
      %dma_wait3A_241 = tpu.memref_slice %arg5[%arg0, %add3A_216, %dma_wait3A_240] : memref<2x10112x128xf32, #tpu.memory_space<hbm>> -> memref<1x128x128xf32, #tpu.memory_space<hbm>>
      %dma_wait3A_242 = tpu.memref_squeeze %dma_wait3A_241 : memref<1x128x128xf32, #tpu.memory_space<hbm>> -> memref<128x128xf32, #tpu.memory_space<hbm>>
      %dma_wait3A_243 = arith.constant 0 : i32
      %dma_wait3A_244 = arith.constant 0 : i32
      %dma_wait3A_245 = tpu.memref_slice %run_scoped3A_5[%dma_wait3A_232, %dma_wait3A_243, %dma_wait3A_244] : memref<2x128x128xf32, #tpu.memory_space<vmem>> -> memref<1x128x128xf32, #tpu.memory_space<vmem>>
      %dma_wait3A_246 = tpu.memref_squeeze %dma_wait3A_245 : memref<1x128x128xf32, #tpu.memory_space<vmem>> -> memref<128x128xf32, #tpu.memory_space<vmem>>
      tpu.wait_dma2 semaphore(%run_scoped3A_8 : memref<!tpu.dma_semaphore, #tpu.memory_space<semaphore_mem>>) src(%dma_wait3A_246 : memref<128x128xf32, #tpu.memory_space<vmem>>) dst(%dma_wait3A_242 : memref<128x128xf32, #tpu.memory_space<hbm>>)
      %add3A_247 = arith.constant 256 : i32
      %add3A_248 = arith.addi %mul3A_3, %add3A_247 : i32
      %dma_start3A_249 = arith.constant 0 : i32
      %dma_start3A_250 = arith.constant 0 : i32
      %dma_start3A_251 = arith.constant 0 : i32
      %dma_start3A_252 = tpu.memref_slice %run_scoped3A_5[%dma_start3A_249, %dma_start3A_250, %dma_start3A_251] : memref<2x128x128xf32, #tpu.memory_space<vmem>> -> memref<1x128x128xf32, #tpu.memory_space<vmem>>
      %dma_start3A_253 = tpu.memref_squeeze %dma_start3A_252 : memref<1x128x128xf32, #tpu.memory_space<vmem>> -> memref<128x128xf32, #tpu.memory_space<vmem>>
      %dma_start3A_254 = arith.constant 0 : i32
      %dma_start3A_255 = tpu.memref_slice %arg6[%add3A_248, %dma_start3A_254] : memref<10112x128xf32, #tpu.memory_space<vmem_shared>> -> memref<128x128xf32, #tpu.memory_space<vmem_shared>>
      %dma_start3A_256 = arith.constant 0 : i32
      %dma_start3A_257 = arith.constant 0 : i32
      %dma_start3A_258 = tpu.memref_slice %run_scoped3A_5[%dma_start3A_249, %dma_start3A_256, %dma_start3A_257] : memref<2x128x128xf32, #tpu.memory_space<vmem>> -> memref<1x128x128xf32, #tpu.memory_space<vmem>>
      %dma_start3A_259 = tpu.memref_squeeze %dma_start3A_258 : memref<1x128x128xf32, #tpu.memory_space<vmem>> -> memref<128x128xf32, #tpu.memory_space<vmem>>
      %dma_start3A_260 = arith.constant 0 : i32
      %dma_start3A_261 = tpu.memref_slice %arg6[%add3A_248, %dma_start3A_260] : memref<10112x128xf32, #tpu.memory_space<vmem_shared>> -> memref<128x128xf32, #tpu.memory_space<vmem_shared>>
      tpu.enqueue_dma source(%dma_start3A_261 : memref<128x128xf32, #tpu.memory_space<vmem_shared>>) target(%dma_start3A_259 : memref<128x128xf32, #tpu.memory_space<vmem>>) target_semaphore(%run_scoped3A_6 : memref<!tpu.dma_semaphore, #tpu.memory_space<semaphore_mem>>)
      %add3A_262 = arith.constant 128 : i32
      %add3A_263 = arith.addi %mul3A_3, %add3A_262 : i32
      %dma_wait3A_264 = arith.constant 1 : i32
      %dma_wait3A_265 = arith.constant 0 : i32
      %dma_wait3A_266 = arith.constant 0 : i32
      %dma_wait3A_267 = tpu.memref_slice %run_scoped3A_5[%dma_wait3A_264, %dma_wait3A_265, %dma_wait3A_266] : memref<2x128x128xf32, #tpu.memory_space<vmem>> -> memref<1x128x128xf32, #tpu.memory_space<vmem>>
      %dma_wait3A_268 = tpu.memref_squeeze %dma_wait3A_267 : memref<1x128x128xf32, #tpu.memory_space<vmem>> -> memref<128x128xf32, #tpu.memory_space<vmem>>
      %dma_wait3A_269 = arith.constant 0 : i32
      %dma_wait3A_270 = tpu.memref_slice %arg6[%add3A_263, %dma_wait3A_269] : memref<10112x128xf32, #tpu.memory_space<vmem_shared>> -> memref<128x128xf32, #tpu.memory_space<vmem_shared>>
      %dma_wait3A_271 = arith.constant 0 : i32
      %dma_wait3A_272 = arith.constant 0 : i32
      %dma_wait3A_273 = tpu.memref_slice %run_scoped3A_5[%dma_wait3A_264, %dma_wait3A_271, %dma_wait3A_272] : memref<2x128x128xf32, #tpu.memory_space<vmem>> -> memref<1x128x128xf32, #tpu.memory_space<vmem>>
      %dma_wait3A_274 = tpu.memref_squeeze %dma_wait3A_273 : memref<1x128x128xf32, #tpu.memory_space<vmem>> -> memref<128x128xf32, #tpu.memory_space<vmem>>
      %dma_wait3A_275 = arith.constant 0 : i32
      %dma_wait3A_276 = tpu.memref_slice %arg6[%add3A_263, %dma_wait3A_275] : memref<10112x128xf32, #tpu.memory_space<vmem_shared>> -> memref<128x128xf32, #tpu.memory_space<vmem_shared>>
      tpu.wait_dma2 semaphore(%run_scoped3A_7 : memref<!tpu.dma_semaphore, #tpu.memory_space<semaphore_mem>>) src(%dma_wait3A_276 : memref<128x128xf32, #tpu.memory_space<vmem_shared>>) dst(%dma_wait3A_274 : memref<128x128xf32, #tpu.memory_space<vmem>>)
      %add3A_277 = arith.constant 128 : i32
      %add3A_278 = arith.addi %mul3A_3, %add3A_277 : i32
      %dma_start3A_279 = arith.constant 1 : i32
      %dma_start3A_280 = arith.constant 0 : i32
      %dma_start3A_281 = arith.constant 0 : i32
      %dma_start3A_282 = tpu.memref_slice %run_scoped3A_5[%dma_start3A_279, %dma_start3A_280, %dma_start3A_281] : memref<2x128x128xf32, #tpu.memory_space<vmem>> -> memref<1x128x128xf32, #tpu.memory_space<vmem>>
      %dma_start3A_283 = tpu.memref_squeeze %dma_start3A_282 : memref<1x128x128xf32, #tpu.memory_space<vmem>> -> memref<128x128xf32, #tpu.memory_space<vmem>>
      %dma_start3A_284 = arith.constant 0 : i32
      %dma_start3A_285 = tpu.memref_slice %arg5[%arg0, %add3A_278, %dma_start3A_284] : memref<2x10112x128xf32, #tpu.memory_space<hbm>> -> memref<1x128x128xf32, #tpu.memory_space<hbm>>
      %dma_start3A_286 = tpu.memref_squeeze %dma_start3A_285 : memref<1x128x128xf32, #tpu.memory_space<hbm>> -> memref<128x128xf32, #tpu.memory_space<hbm>>
      %dma_start3A_287 = arith.constant 0 : i32
      %dma_start3A_288 = tpu.memref_slice %arg5[%arg0, %add3A_278, %dma_start3A_287] : memref<2x10112x128xf32, #tpu.memory_space<hbm>> -> memref<1x128x128xf32, #tpu.memory_space<hbm>>
      %dma_start3A_289 = tpu.memref_squeeze %dma_start3A_288 : memref<1x128x128xf32, #tpu.memory_space<hbm>> -> memref<128x128xf32, #tpu.memory_space<hbm>>
      %dma_start3A_290 = arith.constant 0 : i32
      %dma_start3A_291 = arith.constant 0 : i32
      %dma_start3A_292 = tpu.memref_slice %run_scoped3A_5[%dma_start3A_279, %dma_start3A_290, %dma_start3A_291] : memref<2x128x128xf32, #tpu.memory_space<vmem>> -> memref<1x128x128xf32, #tpu.memory_space<vmem>>
      %dma_start3A_293 = tpu.memref_squeeze %dma_start3A_292 : memref<1x128x128xf32, #tpu.memory_space<vmem>> -> memref<128x128xf32, #tpu.memory_space<vmem>>
      tpu.enqueue_dma source(%dma_start3A_293 : memref<128x128xf32, #tpu.memory_space<vmem>>) target(%dma_start3A_289 : memref<128x128xf32, #tpu.memory_space<hbm>>) target_semaphore(%run_scoped3A_9 : memref<!tpu.dma_semaphore, #tpu.memory_space<semaphore_mem>>)
      %dma_wait3A_294 = arith.constant 1 : i32
      %dma_wait3A_295 = arith.constant 0 : i32
      %dma_wait3A_296 = arith.constant 0 : i32
      %dma_wait3A_297 = tpu.memref_slice %run_scoped3A_5[%dma_wait3A_294, %dma_wait3A_295, %dma_wait3A_296] : memref<2x128x128xf32, #tpu.memory_space<vmem>> -> memref<1x128x128xf32, #tpu.memory_space<vmem>>
      %dma_wait3A_298 = tpu.memref_squeeze %dma_wait3A_297 : memref<1x128x128xf32, #tpu.memory_space<vmem>> -> memref<128x128xf32, #tpu.memory_space<vmem>>
      %dma_wait3A_299 = arith.constant 0 : i32
      %dma_wait3A_300 = tpu.memref_slice %arg5[%arg0, %add3A_278, %dma_wait3A_299] : memref<2x10112x128xf32, #tpu.memory_space<hbm>> -> memref<1x128x128xf32, #tpu.memory_space<hbm>>
      %dma_wait3A_301 = tpu.memref_squeeze %dma_wait3A_300 : memref<1x128x128xf32, #tpu.memory_space<hbm>> -> memref<128x128xf32, #tpu.memory_space<hbm>>
      %dma_wait3A_302 = arith.constant 0 : i32
      %dma_wait3A_303 = tpu.memref_slice %arg5[%arg0, %add3A_278, %dma_wait3A_302] : memref<2x10112x128xf32, #tpu.memory_space<hbm>> -> memref<1x128x128xf32, #tpu.memory_space<hbm>>
      %dma_wait3A_304 = tpu.memref_squeeze %dma_wait3A_303 : memref<1x128x128xf32, #tpu.memory_space<hbm>> -> memref<128x128xf32, #tpu.memory_space<hbm>>
      %dma_wait3A_305 = arith.constant 0 : i32
      %dma_wait3A_306 = arith.constant 0 : i32
      %dma_wait3A_307 = tpu.memref_slice %run_scoped3A_5[%dma_wait3A_294, %dma_wait3A_305, %dma_wait3A_306] : memref<2x128x128xf32, #tpu.memory_space<vmem>> -> memref<1x128x128xf32, #tpu.memory_space<vmem>>
      %dma_wait3A_308 = tpu.memref_squeeze %dma_wait3A_307 : memref<1x128x128xf32, #tpu.memory_space<vmem>> -> memref<128x128xf32, #tpu.memory_space<vmem>>
      tpu.wait_dma2 semaphore(%run_scoped3A_9 : memref<!tpu.dma_semaphore, #tpu.memory_space<semaphore_mem>>) src(%dma_wait3A_308 : memref<128x128xf32, #tpu.memory_space<vmem>>) dst(%dma_wait3A_304 : memref<128x128xf32, #tpu.memory_space<hbm>>)
      %add3A_309 = arith.constant 384 : i32
      %add3A_310 = arith.addi %mul3A_3, %add3A_309 : i32
      %dma_start3A_311 = arith.constant 1 : i32
      %dma_start3A_312 = arith.constant 0 : i32
      %dma_start3A_313 = arith.constant 0 : i32
      %dma_start3A_314 = tpu.memref_slice %run_scoped3A_5[%dma_start3A_311, %dma_start3A_312, %dma_start3A_313] : memref<2x128x128xf32, #tpu.memory_space<vmem>> -> memref<1x128x128xf32, #tpu.memory_space<vmem>>
      %dma_start3A_315 = tpu.memref_squeeze %dma_start3A_314 : memref<1x128x128xf32, #tpu.memory_space<vmem>> -> memref<128x128xf32, #tpu.memory_space<vmem>>
      %dma_start3A_316 = arith.constant 0 : i32
      %dma_start3A_317 = tpu.memref_slice %arg6[%add3A_310, %dma_start3A_316] : memref<10112x128xf32, #tpu.memory_space<vmem_shared>> -> memref<128x128xf32, #tpu.memory_space<vmem_shared>>
      %dma_start3A_318 = arith.constant 0 : i32
      %dma_start3A_319 = arith.constant 0 : i32
      %dma_start3A_320 = tpu.memref_slice %run_scoped3A_5[%dma_start3A_311, %dma_start3A_318, %dma_start3A_319] : memref<2x128x128xf32, #tpu.memory_space<vmem>> -> memref<1x128x128xf32, #tpu.memory_space<vmem>>
      %dma_start3A_321 = tpu.memref_squeeze %dma_start3A_320 : memref<1x128x128xf32, #tpu.memory_space<vmem>> -> memref<128x128xf32, #tpu.memory_space<vmem>>
      %dma_start3A_322 = arith.constant 0 : i32
      %dma_start3A_323 = tpu.memref_slice %arg6[%add3A_310, %dma_start3A_322] : memref<10112x128xf32, #tpu.memory_space<vmem_shared>> -> memref<128x128xf32, #tpu.memory_space<vmem_shared>>
      tpu.enqueue_dma source(%dma_start3A_323 : memref<128x128xf32, #tpu.memory_space<vmem_shared>>) target(%dma_start3A_321 : memref<128x128xf32, #tpu.memory_space<vmem>>) target_semaphore(%run_scoped3A_7 : memref<!tpu.dma_semaphore, #tpu.memory_space<semaphore_mem>>)
      %add3A_324 = arith.constant 256 : i32
      %add3A_325 = arith.addi %mul3A_3, %add3A_324 : i32
      %dma_wait3A_326 = arith.constant 0 : i32
      %dma_wait3A_327 = arith.constant 0 : i32
      %dma_wait3A_328 = arith.constant 0 : i32
      %dma_wait3A_329 = tpu.memref_slice %run_scoped3A_5[%dma_wait3A_326, %dma_wait3A_327, %dma_wait3A_328] : memref<2x128x128xf32, #tpu.memory_space<vmem>> -> memref<1x128x128xf32, #tpu.memory_space<vmem>>
      %dma_wait3A_330 = tpu.memref_squeeze %dma_wait3A_329 : memref<1x128x128xf32, #tpu.memory_space<vmem>> -> memref<128x128xf32, #tpu.memory_space<vmem>>
      %dma_wait3A_331 = arith.constant 0 : i32
      %dma_wait3A_332 = tpu.memref_slice %arg6[%add3A_325, %dma_wait3A_331] : memref<10112x128xf32, #tpu.memory_space<vmem_shared>> -> memref<128x128xf32, #tpu.memory_space<vmem_shared>>
      %dma_wait3A_333 = arith.constant 0 : i32
      %dma_wait3A_334 = arith.constant 0 : i32
      %dma_wait3A_335 = tpu.memref_slice %run_scoped3A_5[%dma_wait3A_326, %dma_wait3A_333, %dma_wait3A_334] : memref<2x128x128xf32, #tpu.memory_space<vmem>> -> memref<1x128x128xf32, #tpu.memory_space<vmem>>
      %dma_wait3A_336 = tpu.memref_squeeze %dma_wait3A_335 : memref<1x128x128xf32, #tpu.memory_space<vmem>> -> memref<128x128xf32, #tpu.memory_space<vmem>>
      %dma_wait3A_337 = arith.constant 0 : i32
      %dma_wait3A_338 = tpu.memref_slice %arg6[%add3A_325, %dma_wait3A_337] : memref<10112x128xf32, #tpu.memory_space<vmem_shared>> -> memref<128x128xf32, #tpu.memory_space<vmem_shared>>
      tpu.wait_dma2 semaphore(%run_scoped3A_6 : memref<!tpu.dma_semaphore, #tpu.memory_space<semaphore_mem>>) src(%dma_wait3A_338 : memref<128x128xf32, #tpu.memory_space<vmem_shared>>) dst(%dma_wait3A_336 : memref<128x128xf32, #tpu.memory_space<vmem>>)
      %add3A_339 = arith.constant 256 : i32
      %add3A_340 = arith.addi %mul3A_3, %add3A_339 : i32
      %dma_start3A_341 = arith.constant 0 : i32
      %dma_start3A_342 = arith.constant 0 : i32
      %dma_start3A_343 = arith.constant 0 : i32
      %dma_start3A_344 = tpu.memref_slice %run_scoped3A_5[%dma_start3A_341, %dma_start3A_342, %dma_start3A_343] : memref<2x128x128xf32, #tpu.memory_space<vmem>> -> memref<1x128x128xf32, #tpu.memory_space<vmem>>
      %dma_start3A_345 = tpu.memref_squeeze %dma_start3A_344 : memref<1x128x128xf32, #tpu.memory_space<vmem>> -> memref<128x128xf32, #tpu.memory_space<vmem>>
      %dma_start3A_346 = arith.constant 0 : i32
      %dma_start3A_347 = tpu.memref_slice %arg5[%arg0, %add3A_340, %dma_start3A_346] : memref<2x10112x128xf32, #tpu.memory_space<hbm>> -> memref<1x128x128xf32, #tpu.memory_space<hbm>>
      %dma_start3A_348 = tpu.memref_squeeze %dma_start3A_347 : memref<1x128x128xf32, #tpu.memory_space<hbm>> -> memref<128x128xf32, #tpu.memory_space<hbm>>
      %dma_start3A_349 = arith.constant 0 : i32
      %dma_start3A_350 = tpu.memref_slice %arg5[%arg0, %add3A_340, %dma_start3A_349] : memref<2x10112x128xf32, #tpu.memory_space<hbm>> -> memref<1x128x128xf32, #tpu.memory_space<hbm>>
      %dma_start3A_351 = tpu.memref_squeeze %dma_start3A_350 : memref<1x128x128xf32, #tpu.memory_space<hbm>> -> memref<128x128xf32, #tpu.memory_space<hbm>>
      %dma_start3A_352 = arith.constant 0 : i32
      %dma_start3A_353 = arith.constant 0 : i32
      %dma_start3A_354 = tpu.memref_slice %run_scoped3A_5[%dma_start3A_341, %dma_start3A_352, %dma_start3A_353] : memref<2x128x128xf32, #tpu.memory_space<vmem>> -> memref<1x128x128xf32, #tpu.memory_space<vmem>>
      %dma_start3A_355 = tpu.memref_squeeze %dma_start3A_354 : memref<1x128x128xf32, #tpu.memory_space<vmem>> -> memref<128x128xf32, #tpu.memory_space<vmem>>
      tpu.enqueue_dma source(%dma_start3A_355 : memref<128x128xf32, #tpu.memory_space<vmem>>) target(%dma_start3A_351 : memref<128x128xf32, #tpu.memory_space<hbm>>) target_semaphore(%run_scoped3A_8 : memref<!tpu.dma_semaphore, #tpu.memory_space<semaphore_mem>>)
      %dma_wait3A_356 = arith.constant 0 : i32
      %dma_wait3A_357 = arith.constant 0 : i32
      %dma_wait3A_358 = arith.constant 0 : i32
      %dma_wait3A_359 = tpu.memref_slice %run_scoped3A_5[%dma_wait3A_356, %dma_wait3A_357, %dma_wait3A_358] : memref<2x128x128xf32, #tpu.memory_space<vmem>> -> memref<1x128x128xf32, #tpu.memory_space<vmem>>
      %dma_wait3A_360 = tpu.memref_squeeze %dma_wait3A_359 : memref<1x128x128xf32, #tpu.memory_space<vmem>> -> memref<128x128xf32, #tpu.memory_space<vmem>>
      %dma_wait3A_361 = arith.constant 0 : i32
      %dma_wait3A_362 = tpu.memref_slice %arg5[%arg0, %add3A_340, %dma_wait3A_361] : memref<2x10112x128xf32, #tpu.memory_space<hbm>> -> memref<1x128x128xf32, #tpu.memory_space<hbm>>
      %dma_wait3A_363 = tpu.memref_squeeze %dma_wait3A_362 : memref<1x128x128xf32, #tpu.memory_space<hbm>> -> memref<128x128xf32, #tpu.memory_space<hbm>>
      %dma_wait3A_364 = arith.constant 0 : i32
      %dma_wait3A_365 = tpu.memref_slice %arg5[%arg0, %add3A_340, %dma_wait3A_364] : memref<2x10112x128xf32, #tpu.memory_space<hbm>> -> memref<1x128x128xf32, #tpu.memory_space<hbm>>
      %dma_wait3A_366 = tpu.memref_squeeze %dma_wait3A_365 : memref<1x128x128xf32, #tpu.memory_space<hbm>> -> memref<128x128xf32, #tpu.memory_space<hbm>>
      %dma_wait3A_367 = arith.constant 0 : i32
      %dma_wait3A_368 = arith.constant 0 : i32
      %dma_wait3A_369 = tpu.memref_slice %run_scoped3A_5[%dma_wait3A_356, %dma_wait3A_367, %dma_wait3A_368] : memref<2x128x128xf32, #tpu.memory_space<vmem>> -> memref<1x128x128xf32, #tpu.memory_space<vmem>>
      %dma_wait3A_370 = tpu.memref_squeeze %dma_wait3A_369 : memref<1x128x128xf32, #tpu.memory_space<vmem>> -> memref<128x128xf32, #tpu.memory_space<vmem>>
      tpu.wait_dma2 semaphore(%run_scoped3A_8 : memref<!tpu.dma_semaphore, #tpu.memory_space<semaphore_mem>>) src(%dma_wait3A_370 : memref<128x128xf32, #tpu.memory_space<vmem>>) dst(%dma_wait3A_366 : memref<128x128xf32, #tpu.memory_space<hbm>>)
      %dma_start3A_371 = arith.constant 0 : i32
      %dma_start3A_372 = arith.constant 0 : i32
      %dma_start3A_373 = arith.constant 0 : i32
      %dma_start3A_374 = tpu.memref_slice %run_scoped3A_5[%dma_start3A_371, %dma_start3A_372, %dma_start3A_373] : memref<2x128x128xf32, #tpu.memory_space<vmem>> -> memref<1x120x128xf32, #tpu.memory_space<vmem>>
      %dma_start3A_375 = tpu.memref_squeeze %dma_start3A_374 : memref<1x120x128xf32, #tpu.memory_space<vmem>> -> memref<120x128xf32, #tpu.memory_space<vmem>>
      %dma_start3A_376 = arith.constant 0 : i32
      %dma_start3A_377 = tpu.memref_slice %arg6[%add3A_169, %dma_start3A_376] : memref<10112x128xf32, #tpu.memory_space<vmem_shared>> -> memref<120x128xf32, #tpu.memory_space<vmem_shared>>
      %dma_start3A_378 = arith.constant 0 : i32
      %dma_start3A_379 = arith.constant 0 : i32
      %dma_start3A_380 = tpu.memref_slice %run_scoped3A_5[%dma_start3A_371, %dma_start3A_378, %dma_start3A_379] : memref<2x128x128xf32, #tpu.memory_space<vmem>> -> memref<1x120x128xf32, #tpu.memory_space<vmem>>
      %dma_start3A_381 = tpu.memref_squeeze %dma_start3A_380 : memref<1x120x128xf32, #tpu.memory_space<vmem>> -> memref<120x128xf32, #tpu.memory_space<vmem>>
      %dma_start3A_382 = arith.constant 0 : i32
      %dma_start3A_383 = tpu.memref_slice %arg6[%add3A_169, %dma_start3A_382] : memref<10112x128xf32, #tpu.memory_space<vmem_shared>> -> memref<120x128xf32, #tpu.memory_space<vmem_shared>>
      tpu.enqueue_dma source(%dma_start3A_383 : memref<120x128xf32, #tpu.memory_space<vmem_shared>>) target(%dma_start3A_381 : memref<120x128xf32, #tpu.memory_space<vmem>>) target_semaphore(%run_scoped3A_6 : memref<!tpu.dma_semaphore, #tpu.memory_space<semaphore_mem>>)
      %add3A_384 = arith.constant 384 : i32
      %add3A_385 = arith.addi %mul3A_3, %add3A_384 : i32
      %dma_wait3A_386 = arith.constant 1 : i32
      %dma_wait3A_387 = arith.constant 0 : i32
      %dma_wait3A_388 = arith.constant 0 : i32
      %dma_wait3A_389 = tpu.memref_slice %run_scoped3A_5[%dma_wait3A_386, %dma_wait3A_387, %dma_wait3A_388] : memref<2x128x128xf32, #tpu.memory_space<vmem>> -> memref<1x128x128xf32, #tpu.memory_space<vmem>>
      %dma_wait3A_390 = tpu.memref_squeeze %dma_wait3A_389 : memref<1x128x128xf32, #tpu.memory_space<vmem>> -> memref<128x128xf32, #tpu.memory_space<vmem>>
      %dma_wait3A_391 = arith.constant 0 : i32
      %dma_wait3A_392 = tpu.memref_slice %arg6[%add3A_385, %dma_wait3A_391] : memref<10112x128xf32, #tpu.memory_space<vmem_shared>> -> memref<128x128xf32, #tpu.memory_space<vmem_shared>>
      %dma_wait3A_393 = arith.constant 0 : i32
      %dma_wait3A_394 = arith.constant 0 : i32
      %dma_wait3A_395 = tpu.memref_slice %run_scoped3A_5[%dma_wait3A_386, %dma_wait3A_393, %dma_wait3A_394] : memref<2x128x128xf32, #tpu.memory_space<vmem>> -> memref<1x128x128xf32, #tpu.memory_space<vmem>>
      %dma_wait3A_396 = tpu.memref_squeeze %dma_wait3A_395 : memref<1x128x128xf32, #tpu.memory_space<vmem>> -> memref<128x128xf32, #tpu.memory_space<vmem>>
      %dma_wait3A_397 = arith.constant 0 : i32
      %dma_wait3A_398 = tpu.memref_slice %arg6[%add3A_385, %dma_wait3A_397] : memref<10112x128xf32, #tpu.memory_space<vmem_shared>> -> memref<128x128xf32, #tpu.memory_space<vmem_shared>>
      tpu.wait_dma2 semaphore(%run_scoped3A_7 : memref<!tpu.dma_semaphore, #tpu.memory_space<semaphore_mem>>) src(%dma_wait3A_398 : memref<128x128xf32, #tpu.memory_space<vmem_shared>>) dst(%dma_wait3A_396 : memref<128x128xf32, #tpu.memory_space<vmem>>)
      %add3A_399 = arith.constant 384 : i32
      %add3A_400 = arith.addi %mul3A_3, %add3A_399 : i32
      %dma_start3A_401 = arith.constant 1 : i32
      %dma_start3A_402 = arith.constant 0 : i32
      %dma_start3A_403 = arith.constant 0 : i32
      %dma_start3A_404 = tpu.memref_slice %run_scoped3A_5[%dma_start3A_401, %dma_start3A_402, %dma_start3A_403] : memref<2x128x128xf32, #tpu.memory_space<vmem>> -> memref<1x128x128xf32, #tpu.memory_space<vmem>>
      %dma_start3A_405 = tpu.memref_squeeze %dma_start3A_404 : memref<1x128x128xf32, #tpu.memory_space<vmem>> -> memref<128x128xf32, #tpu.memory_space<vmem>>
      %dma_start3A_406 = arith.constant 0 : i32
      %dma_start3A_407 = tpu.memref_slice %arg5[%arg0, %add3A_400, %dma_start3A_406] : memref<2x10112x128xf32, #tpu.memory_space<hbm>> -> memref<1x128x128xf32, #tpu.memory_space<hbm>>
      %dma_start3A_408 = tpu.memref_squeeze %dma_start3A_407 : memref<1x128x128xf32, #tpu.memory_space<hbm>> -> memref<128x128xf32, #tpu.memory_space<hbm>>
      %dma_start3A_409 = arith.constant 0 : i32
      %dma_start3A_410 = tpu.memref_slice %arg5[%arg0, %add3A_400, %dma_start3A_409] : memref<2x10112x128xf32, #tpu.memory_space<hbm>> -> memref<1x128x128xf32, #tpu.memory_space<hbm>>
      %dma_start3A_411 = tpu.memref_squeeze %dma_start3A_410 : memref<1x128x128xf32, #tpu.memory_space<hbm>> -> memref<128x128xf32, #tpu.memory_space<hbm>>
      %dma_start3A_412 = arith.constant 0 : i32
      %dma_start3A_413 = arith.constant 0 : i32
      %dma_start3A_414 = tpu.memref_slice %run_scoped3A_5[%dma_start3A_401, %dma_start3A_412, %dma_start3A_413] : memref<2x128x128xf32, #tpu.memory_space<vmem>> -> memref<1x128x128xf32, #tpu.memory_space<vmem>>
      %dma_start3A_415 = tpu.memref_squeeze %dma_start3A_414 : memref<1x128x128xf32, #tpu.memory_space<vmem>> -> memref<128x128xf32, #tpu.memory_space<vmem>>
      tpu.enqueue_dma source(%dma_start3A_415 : memref<128x128xf32, #tpu.memory_space<vmem>>) target(%dma_start3A_411 : memref<128x128xf32, #tpu.memory_space<hbm>>) target_semaphore(%run_scoped3A_9 : memref<!tpu.dma_semaphore, #tpu.memory_space<semaphore_mem>>)
      %dma_wait3A_416 = arith.constant 0 : i32
      %dma_wait3A_417 = arith.constant 0 : i32
      %dma_wait3A_418 = arith.constant 0 : i32
      %dma_wait3A_419 = tpu.memref_slice %run_scoped3A_5[%dma_wait3A_416, %dma_wait3A_417, %dma_wait3A_418] : memref<2x128x128xf32, #tpu.memory_space<vmem>> -> memref<1x120x128xf32, #tpu.memory_space<vmem>>
      %dma_wait3A_420 = tpu.memref_squeeze %dma_wait3A_419 : memref<1x120x128xf32, #tpu.memory_space<vmem>> -> memref<120x128xf32, #tpu.memory_space<vmem>>
      %dma_wait3A_421 = arith.constant 0 : i32
      %dma_wait3A_422 = tpu.memref_slice %arg6[%add3A_169, %dma_wait3A_421] : memref<10112x128xf32, #tpu.memory_space<vmem_shared>> -> memref<120x128xf32, #tpu.memory_space<vmem_shared>>
      %dma_wait3A_423 = arith.constant 0 : i32
      %dma_wait3A_424 = arith.constant 0 : i32
      %dma_wait3A_425 = tpu.memref_slice %run_scoped3A_5[%dma_wait3A_416, %dma_wait3A_423, %dma_wait3A_424] : memref<2x128x128xf32, #tpu.memory_space<vmem>> -> memref<1x120x128xf32, #tpu.memory_space<vmem>>
      %dma_wait3A_426 = tpu.memref_squeeze %dma_wait3A_425 : memref<1x120x128xf32, #tpu.memory_space<vmem>> -> memref<120x128xf32, #tpu.memory_space<vmem>>
      %dma_wait3A_427 = arith.constant 0 : i32
      %dma_wait3A_428 = tpu.memref_slice %arg6[%add3A_169, %dma_wait3A_427] : memref<10112x128xf32, #tpu.memory_space<vmem_shared>> -> memref<120x128xf32, #tpu.memory_space<vmem_shared>>
      tpu.wait_dma2 semaphore(%run_scoped3A_6 : memref<!tpu.dma_semaphore, #tpu.memory_space<semaphore_mem>>) src(%dma_wait3A_428 : memref<120x128xf32, #tpu.memory_space<vmem_shared>>) dst(%dma_wait3A_426 : memref<120x128xf32, #tpu.memory_space<vmem>>)
      %dma_start3A_429 = arith.constant 0 : i32
      %dma_start3A_430 = arith.constant 0 : i32
      %dma_start3A_431 = arith.constant 0 : i32
      %dma_start3A_432 = tpu.memref_slice %run_scoped3A_5[%dma_start3A_429, %dma_start3A_430, %dma_start3A_431] : memref<2x128x128xf32, #tpu.memory_space<vmem>> -> memref<1x120x128xf32, #tpu.memory_space<vmem>>
      %dma_start3A_433 = tpu.memref_squeeze %dma_start3A_432 : memref<1x120x128xf32, #tpu.memory_space<vmem>> -> memref<120x128xf32, #tpu.memory_space<vmem>>
      %dma_start3A_434 = arith.constant 0 : i32
      %dma_start3A_435 = tpu.memref_slice %arg5[%arg0, %add3A_169, %dma_start3A_434] : memref<2x10112x128xf32, #tpu.memory_space<hbm>> -> memref<1x120x128xf32, #tpu.memory_space<hbm>>
      %dma_start3A_436 = tpu.memref_squeeze %dma_start3A_435 : memref<1x120x128xf32, #tpu.memory_space<hbm>> -> memref<120x128xf32, #tpu.memory_space<hbm>>
      %dma_start3A_437 = arith.constant 0 : i32
      %dma_start3A_438 = tpu.memref_slice %arg5[%arg0, %add3A_169, %dma_start3A_437] : memref<2x10112x128xf32, #tpu.memory_space<hbm>> -> memref<1x120x128xf32, #tpu.memory_space<hbm>>
      %dma_start3A_439 = tpu.memref_squeeze %dma_start3A_438 : memref<1x120x128xf32, #tpu.memory_space<hbm>> -> memref<120x128xf32, #tpu.memory_space<hbm>>
      %dma_start3A_440 = arith.constant 0 : i32
      %dma_start3A_441 = arith.constant 0 : i32
      %dma_start3A_442 = tpu.memref_slice %run_scoped3A_5[%dma_start3A_429, %dma_start3A_440, %dma_start3A_441] : memref<2x128x128xf32, #tpu.memory_space<vmem>> -> memref<1x120x128xf32, #tpu.memory_space<vmem>>
      %dma_start3A_443 = tpu.memref_squeeze %dma_start3A_442 : memref<1x120x128xf32, #tpu.memory_space<vmem>> -> memref<120x128xf32, #tpu.memory_space<vmem>>
      tpu.enqueue_dma source(%dma_start3A_443 : memref<120x128xf32, #tpu.memory_space<vmem>>) target(%dma_start3A_439 : memref<120x128xf32, #tpu.memory_space<hbm>>) target_semaphore(%run_scoped3A_8 : memref<!tpu.dma_semaphore, #tpu.memory_space<semaphore_mem>>)
      %add3A_444 = arith.constant 384 : i32
      %add3A_445 = arith.addi %mul3A_3, %add3A_444 : i32
      %dma_wait3A_446 = arith.constant 1 : i32
      %dma_wait3A_447 = arith.constant 0 : i32
      %dma_wait3A_448 = arith.constant 0 : i32
      %dma_wait3A_449 = tpu.memref_slice %run_scoped3A_5[%dma_wait3A_446, %dma_wait3A_447, %dma_wait3A_448] : memref<2x128x128xf32, #tpu.memory_space<vmem>> -> memref<1x128x128xf32, #tpu.memory_space<vmem>>
      %dma_wait3A_450 = tpu.memref_squeeze %dma_wait3A_449 : memref<1x128x128xf32, #tpu.memory_space<vmem>> -> memref<128x128xf32, #tpu.memory_space<vmem>>
      %dma_wait3A_451 = arith.constant 0 : i32
      %dma_wait3A_452 = tpu.memref_slice %arg5[%arg0, %add3A_445, %dma_wait3A_451] : memref<2x10112x128xf32, #tpu.memory_space<hbm>> -> memref<1x128x128xf32, #tpu.memory_space<hbm>>
      %dma_wait3A_453 = tpu.memref_squeeze %dma_wait3A_452 : memref<1x128x128xf32, #tpu.memory_space<hbm>> -> memref<128x128xf32, #tpu.memory_space<hbm>>
      %dma_wait3A_454 = arith.constant 0 : i32
      %dma_wait3A_455 = tpu.memref_slice %arg5[%arg0, %add3A_445, %dma_wait3A_454] : memref<2x10112x128xf32, #tpu.memory_space<hbm>> -> memref<1x128x128xf32, #tpu.memory_space<hbm>>
      %dma_wait3A_456 = tpu.memref_squeeze %dma_wait3A_455 : memref<1x128x128xf32, #tpu.memory_space<hbm>> -> memref<128x128xf32, #tpu.memory_space<hbm>>
      %dma_wait3A_457 = arith.constant 0 : i32
      %dma_wait3A_458 = arith.constant 0 : i32
      %dma_wait3A_459 = tpu.memref_slice %run_scoped3A_5[%dma_wait3A_446, %dma_wait3A_457, %dma_wait3A_458] : memref<2x128x128xf32, #tpu.memory_space<vmem>> -> memref<1x128x128xf32, #tpu.memory_space<vmem>>
      %dma_wait3A_460 = tpu.memref_squeeze %dma_wait3A_459 : memref<1x128x128xf32, #tpu.memory_space<vmem>> -> memref<128x128xf32, #tpu.memory_space<vmem>>
      tpu.wait_dma2 semaphore(%run_scoped3A_9 : memref<!tpu.dma_semaphore, #tpu.memory_space<semaphore_mem>>) src(%dma_wait3A_460 : memref<128x128xf32, #tpu.memory_space<vmem>>) dst(%dma_wait3A_456 : memref<128x128xf32, #tpu.memory_space<hbm>>)
      %dma_wait3A_461 = arith.constant 0 : i32
      %dma_wait3A_462 = arith.constant 0 : i32
      %dma_wait3A_463 = arith.constant 0 : i32
      %dma_wait3A_464 = tpu.memref_slice %run_scoped3A_5[%dma_wait3A_461, %dma_wait3A_462, %dma_wait3A_463] : memref<2x128x128xf32, #tpu.memory_space<vmem>> -> memref<1x120x128xf32, #tpu.memory_space<vmem>>
      %dma_wait3A_465 = tpu.memref_squeeze %dma_wait3A_464 : memref<1x120x128xf32, #tpu.memory_space<vmem>> -> memref<120x128xf32, #tpu.memory_space<vmem>>
      %dma_wait3A_466 = arith.constant 0 : i32
      %dma_wait3A_467 = tpu.memref_slice %arg5[%arg0, %add3A_169, %dma_wait3A_466] : memref<2x10112x128xf32, #tpu.memory_space<hbm>> -> memref<1x120x128xf32, #tpu.memory_space<hbm>>
      %dma_wait3A_468 = tpu.memref_squeeze %dma_wait3A_467 : memref<1x120x128xf32, #tpu.memory_space<hbm>> -> memref<120x128xf32, #tpu.memory_space<hbm>>
      %dma_wait3A_469 = arith.constant 0 : i32
      %dma_wait3A_470 = tpu.memref_slice %arg5[%arg0, %add3A_169, %dma_wait3A_469] : memref<2x10112x128xf32, #tpu.memory_space<hbm>> -> memref<1x120x128xf32, #tpu.memory_space<hbm>>
      %dma_wait3A_471 = tpu.memref_squeeze %dma_wait3A_470 : memref<1x120x128xf32, #tpu.memory_space<hbm>> -> memref<120x128xf32, #tpu.memory_space<hbm>>
      %dma_wait3A_472 = arith.constant 0 : i32
      %dma_wait3A_473 = arith.constant 0 : i32
      %dma_wait3A_474 = tpu.memref_slice %run_scoped3A_5[%dma_wait3A_461, %dma_wait3A_472, %dma_wait3A_473] : memref<2x128x128xf32, #tpu.memory_space<vmem>> -> memref<1x120x128xf32, #tpu.memory_space<vmem>>
      %dma_wait3A_475 = tpu.memref_squeeze %dma_wait3A_474 : memref<1x120x128xf32, #tpu.memory_space<vmem>> -> memref<120x128xf32, #tpu.memory_space<vmem>>
      tpu.wait_dma2 semaphore(%run_scoped3A_8 : memref<!tpu.dma_semaphore, #tpu.memory_space<semaphore_mem>>) src(%dma_wait3A_475 : memref<120x128xf32, #tpu.memory_space<vmem>>) dst(%dma_wait3A_471 : memref<120x128xf32, #tpu.memory_space<hbm>>)
      tpu.yield
    }) : () -> ()
    return
  }
}

#map = affine_map<(d0, d1) -> (0, 0)>
#map1 = affine_map<(d0, d1) -> (0, 0, 0)>
module attributes {stable_mosaic.version = 14 : i64} {
  func.func @_scatter_kernel(%arg0: i32, %arg1: i32, %arg2: memref<10000x128xf32, #tpu.memory_space<hbm>>, %arg3: memref<32x80x128xi32, #tpu.memory_space<hbm>>, %arg4: memref<32x80x128xi32, #tpu.memory_space<hbm>>, %arg5: memref<2x10112x128xf32, #tpu.memory_space<hbm>>, %arg6: memref<10112x128xf32, #tpu.memory_space<vmem_shared>>) attributes {dimension_semantics = [#tpu.dimension_semantics<core_parallel>, #tpu.dimension_semantics<subcore_parallel>], iteration_bounds = array<i64: 2, 16>, scalar_prefetch = 0 : i64, scratch_operands = 1 : i64, tpu.core_type = #tpu.core_type<sc_vector_subcore>, window_params = [{transform_indices = #map}, {transform_indices = #map1}, {transform_indices = #map1}, {transform_indices = #map1}]} {
    %mul3A = arith.constant 16 : i32
    %mul3A_0 = arith.muli %arg0, %mul3A : i32
    %add3A = arith.addi %mul3A_0, %arg1 : i32
    %broadcast_in_dim3A = arith.constant 0.000000e+00 : f32
    %broadcast_in_dim3A_1 = vector.broadcast %broadcast_in_dim3A : f32 to vector<16xf32>
    %mul3A_2 = arith.constant 632 : i32
    %mul3A_3 = arith.muli %arg1, %mul3A_2 : i32
    "tpu.region"() ({
      %run_scoped3A = memref.alloca() : memref<8x128xi32, #tpu.memory_space<vmem>>
      %run_scoped3A_4 = memref.alloca() : memref<8x128xi32, #tpu.memory_space<vmem>>
      %run_scoped3A_5 = memref.alloca() : memref<2x128x128xf32, #tpu.memory_space<vmem>>
      %run_scoped3A_6 = tpu.sem_alloc : memref<!tpu.dma_semaphore, #tpu.memory_space<semaphore_mem>>
      %run_scoped3A_7 = tpu.sem_alloc : memref<!tpu.dma_semaphore, #tpu.memory_space<semaphore_mem>>
      %run_scoped3A_8 = tpu.sem_alloc : memref<!tpu.dma_semaphore, #tpu.memory_space<semaphore_mem>>
      %run_scoped3A_9 = tpu.sem_alloc : memref<!tpu.dma_semaphore, #tpu.memory_space<semaphore_mem>>
      %scan3A = arith.constant 0 : i32
      %scan3A_10 = arith.constant 128 : i32
      %scan3A_11 = arith.addi %scan3A, %scan3A_10 : i32
      %scan3A_12 = arith.constant 1 : i32
      scf.for %scan3A_476 = %scan3A to %scan3A_11 step %scan3A_12  : i32 {
        %mul3A_477 = arith.constant 1 : i32
        %mul3A_478 = arith.muli %scan3A_476, %mul3A_477 : i32
        %add3A_479 = arith.constant 0 : i32
        %add3A_480 = arith.addi %add3A_479, %mul3A_478 : i32
        %swap3A = arith.constant 0 : i32
        %swap3A_481 = arith.index_cast %swap3A : i32 to index
        %swap3A_482 = arith.index_cast %add3A_480 : i32 to index
        %swap3A_483 = arith.constant 0 : index
        %swap3A_484 = tpu.vector_load %run_scoped3A_5[%swap3A_481, %swap3A_482, %swap3A_483] {strides = array<i32>} : memref<2x128x128xf32, #tpu.memory_space<vmem>>, vector<1x1x16xf32>,
        %swap3A_485 = vector.shape_cast %swap3A_484 : vector<1x1x16xf32> to vector<16xf32>
        %swap3A_486 = vector.shape_cast %broadcast_in_dim3A_1 : vector<16xf32> to vector<1x1x16xf32>
        tpu.vector_store %run_scoped3A_5[%swap3A_481, %swap3A_482, %swap3A_483], %swap3A_486 {strides = array<i32>} : memref<2x128x128xf32, #tpu.memory_space<vmem>>, vector<1x1x16xf32>,
        %swap3A_487 = arith.constant 0 : i32
        %swap3A_488 = arith.index_cast %swap3A_487 : i32 to index
        %swap3A_489 = arith.index_cast %add3A_480 : i32 to index
        %swap3A_490 = arith.constant 16 : index
        %swap3A_491 = tpu.vector_load %run_scoped3A_5[%swap3A_488, %swap3A_489, %swap3A_490] {strides = array<i32>} : memref<2x128x128xf32, #tpu.memory_space<vmem>>, vector<1x1x16xf32>,
        %swap3A_492 = vector.shape_cast %swap3A_491 : vector<1x1x16xf32> to vector<16xf32>
        %swap3A_493 = vector.shape_cast %broadcast_in_dim3A_1 : vector<16xf32> to vector<1x1x16xf32>
        tpu.vector_store %run_scoped3A_5[%swap3A_488, %swap3A_489, %swap3A_490], %swap3A_493 {strides = array<i32>} : memref<2x128x128xf32, #tpu.memory_space<vmem>>, vector<1x1x16xf32>,
        %swap3A_494 = arith.constant 0 : i32
        %swap3A_495 = arith.index_cast %swap3A_494 : i32 to index
        %swap3A_496 = arith.index_cast %add3A_480 : i32 to index
        %swap3A_497 = arith.constant 32 : index
        %swap3A_498 = tpu.vector_load %run_scoped3A_5[%swap3A_495, %swap3A_496, %swap3A_497] {strides = array<i32>} : memref<2x128x128xf32, #tpu.memory_space<vmem>>, vector<1x1x16xf32>,
        %swap3A_499 = vector.shape_cast %swap3A_498 : vector<1x1x16xf32> to vector<16xf32>
        %swap3A_500 = vector.shape_cast %broadcast_in_dim3A_1 : vector<16xf32> to vector<1x1x16xf32>
        tpu.vector_store %run_scoped3A_5[%swap3A_495, %swap3A_496, %swap3A_497], %swap3A_500 {strides = array<i32>} : memref<2x128x128xf32, #tpu.memory_space<vmem>>, vector<1x1x16xf32>,
        %swap3A_501 = arith.constant 0 : i32
        %swap3A_502 = arith.index_cast %swap3A_501 : i32 to index
        %swap3A_503 = arith.index_cast %add3A_480 : i32 to index
        %swap3A_504 = arith.constant 48 : index
        %swap3A_505 = tpu.vector_load %run_scoped3A_5[%swap3A_502, %swap3A_503, %swap3A_504] {strides = array<i32>} : memref<2x128x128xf32, #tpu.memory_space<vmem>>, vector<1x1x16xf32>,
        %swap3A_506 = vector.shape_cast %swap3A_505 : vector<1x1x16xf32> to vector<16xf32>
        %swap3A_507 = vector.shape_cast %broadcast_in_dim3A_1 : vector<16xf32> to vector<1x1x16xf32>
        tpu.vector_store %run_scoped3A_5[%swap3A_502, %swap3A_503, %swap3A_504], %swap3A_507 {strides = array<i32>} : memref<2x128x128xf32, #tpu.memory_space<vmem>>, vector<1x1x16xf32>,
        %swap3A_508 = arith.constant 0 : i32
        %swap3A_509 = arith.index_cast %swap3A_508 : i32 to index
        %swap3A_510 = arith.index_cast %add3A_480 : i32 to index
        %swap3A_511 = arith.constant 64 : index
        %swap3A_512 = tpu.vector_load %run_scoped3A_5[%swap3A_509, %swap3A_510, %swap3A_511] {strides = array<i32>} : memref<2x128x128xf32, #tpu.memory_space<vmem>>, vector<1x1x16xf32>,
        %swap3A_513 = vector.shape_cast %swap3A_512 : vector<1x1x16xf32> to vector<16xf32>
        %swap3A_514 = vector.shape_cast %broadcast_in_dim3A_1 : vector<16xf32> to vector<1x1x16xf32>
        tpu.vector_store %run_scoped3A_5[%swap3A_509, %swap3A_510, %swap3A_511], %swap3A_514 {strides = array<i32>} : memref<2x128x128xf32, #tpu.memory_space<vmem>>, vector<1x1x16xf32>,
        %swap3A_515 = arith.constant 0 : i32
        %swap3A_516 = arith.index_cast %swap3A_515 : i32 to index
        %swap3A_517 = arith.index_cast %add3A_480 : i32 to index
        %swap3A_518 = arith.constant 80 : index
        %swap3A_519 = tpu.vector_load %run_scoped3A_5[%swap3A_516, %swap3A_517, %swap3A_518] {strides = array<i32>} : memref<2x128x128xf32, #tpu.memory_space<vmem>>, vector<1x1x16xf32>,
        %swap3A_520 = vector.shape_cast %swap3A_519 : vector<1x1x16xf32> to vector<16xf32>
        %swap3A_521 = vector.shape_cast %broadcast_in_dim3A_1 : vector<16xf32> to vector<1x1x16xf32>
        tpu.vector_store %run_scoped3A_5[%swap3A_516, %swap3A_517, %swap3A_518], %swap3A_521 {strides = array<i32>} : memref<2x128x128xf32, #tpu.memory_space<vmem>>, vector<1x1x16xf32>,
        %swap3A_522 = arith.constant 0 : i32
        %swap3A_523 = arith.index_cast %swap3A_522 : i32 to index
        %swap3A_524 = arith.index_cast %add3A_480 : i32 to index
        %swap3A_525 = arith.constant 96 : index
        %swap3A_526 = tpu.vector_load %run_scoped3A_5[%swap3A_523, %swap3A_524, %swap3A_525] {strides = array<i32>} : memref<2x128x128xf32, #tpu.memory_space<vmem>>, vector<1x1x16xf32>,
        %swap3A_527 = vector.shape_cast %swap3A_526 : vector<1x1x16xf32> to vector<16xf32>
        %swap3A_528 = vector.shape_cast %broadcast_in_dim3A_1 : vector<16xf32> to vector<1x1x16xf32>
        tpu.vector_store %run_scoped3A_5[%swap3A_523, %swap3A_524, %swap3A_525], %swap3A_528 {strides = array<i32>} : memref<2x128x128xf32, #tpu.memory_space<vmem>>, vector<1x1x16xf32>,
        %swap3A_529 = arith.constant 0 : i32
        %swap3A_530 = arith.index_cast %swap3A_529 : i32 to index
        %swap3A_531 = arith.index_cast %add3A_480 : i32 to index
        %swap3A_532 = arith.constant 112 : index
        %swap3A_533 = tpu.vector_load %run_scoped3A_5[%swap3A_530, %swap3A_531, %swap3A_532] {strides = array<i32>} : memref<2x128x128xf32, #tpu.memory_space<vmem>>, vector<1x1x16xf32>,
        %swap3A_534 = vector.shape_cast %swap3A_533 : vector<1x1x16xf32> to vector<16xf32>
        %swap3A_535 = vector.shape_cast %broadcast_in_dim3A_1 : vector<16xf32> to vector<1x1x16xf32>
        tpu.vector_store %run_scoped3A_5[%swap3A_530, %swap3A_531, %swap3A_532], %swap3A_535 {strides = array<i32>} : memref<2x128x128xf32, #tpu.memory_space<vmem>>, vector<1x1x16xf32>,
      }
      %scan3A_13 = arith.constant 128 : i32
      %add3A_14 = arith.constant 0 : i32
      %add3A_15 = arith.addi %mul3A_3, %add3A_14 : i32
      %dma_start3A = arith.constant 0 : i32
      %dma_start3A_16 = arith.constant 0 : i32
      %dma_start3A_17 = arith.constant 0 : i32
      %dma_start3A_18 = tpu.memref_slice %run_scoped3A_5[%dma_start3A, %dma_start3A_16, %dma_start3A_17] : memref<2x128x128xf32, #tpu.memory_space<vmem>> -> memref<1x128x128xf32, #tpu.memory_space<vmem>>
      %dma_start3A_19 = tpu.memref_squeeze %dma_start3A_18 : memref<1x128x128xf32, #tpu.memory_space<vmem>> -> memref<128x128xf32, #tpu.memory_space<vmem>>
      %dma_start3A_20 = arith.constant 0 : i32
      %dma_start3A_21 = tpu.memref_slice %arg6[%add3A_15, %dma_start3A_20] : memref<10112x128xf32, #tpu.memory_space<vmem_shared>> -> memref<128x128xf32, #tpu.memory_space<vmem_shared>>
      %dma_start3A_22 = arith.constant 0 : i32
      %dma_start3A_23 = tpu.memref_slice %arg6[%add3A_15, %dma_start3A_22] : memref<10112x128xf32, #tpu.memory_space<vmem_shared>> -> memref<128x128xf32, #tpu.memory_space<vmem_shared>>
      %dma_start3A_24 = arith.constant 0 : i32
      %dma_start3A_25 = arith.constant 0 : i32
      %dma_start3A_26 = tpu.memref_slice %run_scoped3A_5[%dma_start3A, %dma_start3A_24, %dma_start3A_25] : memref<2x128x128xf32, #tpu.memory_space<vmem>> -> memref<1x128x128xf32, #tpu.memory_space<vmem>>
      %dma_start3A_27 = tpu.memref_squeeze %dma_start3A_26 : memref<1x128x128xf32, #tpu.memory_space<vmem>> -> memref<128x128xf32, #tpu.memory_space<vmem>>
      tpu.enqueue_dma source(%dma_start3A_27 : memref<128x128xf32, #tpu.memory_space<vmem>>) target(%dma_start3A_23 : memref<128x128xf32, #tpu.memory_space<vmem_shared>>) target_semaphore(%run_scoped3A_6 : memref<!tpu.dma_semaphore, #tpu.memory_space<semaphore_mem>>)
      %add3A_28 = arith.constant 128 : i32
      %add3A_29 = arith.addi %mul3A_3, %add3A_28 : i32
      %dma_start3A_30 = arith.constant 0 : i32
      %dma_start3A_31 = arith.constant 0 : i32
      %dma_start3A_32 = arith.constant 0 : i32
      %dma_start3A_33 = tpu.memref_slice %run_scoped3A_5[%dma_start3A_30, %dma_start3A_31, %dma_start3A_32] : memref<2x128x128xf32, #tpu.memory_space<vmem>> -> memref<1x128x128xf32, #tpu.memory_space<vmem>>
      %dma_start3A_34 = tpu.memref_squeeze %dma_start3A_33 : memref<1x128x128xf32, #tpu.memory_space<vmem>> -> memref<128x128xf32, #tpu.memory_space<vmem>>
      %dma_start3A_35 = arith.constant 0 : i32
      %dma_start3A_36 = tpu.memref_slice %arg6[%add3A_29, %dma_start3A_35] : memref<10112x128xf32, #tpu.memory_space<vmem_shared>> -> memref<128x128xf32, #tpu.memory_space<vmem_shared>>
      %dma_start3A_37 = arith.constant 0 : i32
      %dma_start3A_38 = tpu.memref_slice %arg6[%add3A_29, %dma_start3A_37] : memref<10112x128xf32, #tpu.memory_space<vmem_shared>> -> memref<128x128xf32, #tpu.memory_space<vmem_shared>>
      %dma_start3A_39 = arith.constant 0 : i32
      %dma_start3A_40 = arith.constant 0 : i32
      %dma_start3A_41 = tpu.memref_slice %run_scoped3A_5[%dma_start3A_30, %dma_start3A_39, %dma_start3A_40] : memref<2x128x128xf32, #tpu.memory_space<vmem>> -> memref<1x128x128xf32, #tpu.memory_space<vmem>>
      %dma_start3A_42 = tpu.memref_squeeze %dma_start3A_41 : memref<1x128x128xf32, #tpu.memory_space<vmem>> -> memref<128x128xf32, #tpu.memory_space<vmem>>
      tpu.enqueue_dma source(%dma_start3A_42 : memref<128x128xf32, #tpu.memory_space<vmem>>) target(%dma_start3A_38 : memref<128x128xf32, #tpu.memory_space<vmem_shared>>) target_semaphore(%run_scoped3A_6 : memref<!tpu.dma_semaphore, #tpu.memory_space<semaphore_mem>>)
      %add3A_43 = arith.constant 256 : i32
      %add3A_44 = arith.addi %mul3A_3, %add3A_43 : i32
      %dma_start3A_45 = arith.constant 0 : i32
      %dma_start3A_46 = arith.constant 0 : i32
      %dma_start3A_47 = arith.constant 0 : i32
      %dma_start3A_48 = tpu.memref_slice %run_scoped3A_5[%dma_start3A_45, %dma_start3A_46, %dma_start3A_47] : memref<2x128x128xf32, #tpu.memory_space<vmem>> -> memref<1x128x128xf32, #tpu.memory_space<vmem>>
      %dma_start3A_49 = tpu.memref_squeeze %dma_start3A_48 : memref<1x128x128xf32, #tpu.memory_space<vmem>> -> memref<128x128xf32, #tpu.memory_space<vmem>>
      %dma_start3A_50 = arith.constant 0 : i32
      %dma_start3A_51 = tpu.memref_slice %arg6[%add3A_44, %dma_start3A_50] : memref<10112x128xf32, #tpu.memory_space<vmem_shared>> -> memref<128x128xf32, #tpu.memory_space<vmem_shared>>
      %dma_start3A_52 = arith.constant 0 : i32
      %dma_start3A_53 = tpu.memref_slice %arg6[%add3A_44, %dma_start3A_52] : memref<10112x128xf32, #tpu.memory_space<vmem_shared>> -> memref<128x128xf32, #tpu.memory_space<vmem_shared>>
      %dma_start3A_54 = arith.constant 0 : i32
      %dma_start3A_55 = arith.constant 0 : i32
      %dma_start3A_56 = tpu.memref_slice %run_scoped3A_5[%dma_start3A_45, %dma_start3A_54, %dma_start3A_55] : memref<2x128x128xf32, #tpu.memory_space<vmem>> -> memref<1x128x128xf32, #tpu.memory_space<vmem>>
      %dma_start3A_57 = tpu.memref_squeeze %dma_start3A_56 : memref<1x128x128xf32, #tpu.memory_space<vmem>> -> memref<128x128xf32, #tpu.memory_space<vmem>>
      tpu.enqueue_dma source(%dma_start3A_57 : memref<128x128xf32, #tpu.memory_space<vmem>>) target(%dma_start3A_53 : memref<128x128xf32, #tpu.memory_space<vmem_shared>>) target_semaphore(%run_scoped3A_6 : memref<!tpu.dma_semaphore, #tpu.memory_space<semaphore_mem>>)
      %add3A_58 = arith.constant 384 : i32
      %add3A_59 = arith.addi %mul3A_3, %add3A_58 : i32
      %dma_start3A_60 = arith.constant 0 : i32
      %dma_start3A_61 = arith.constant 0 : i32
      %dma_start3A_62 = arith.constant 0 : i32
      %dma_start3A_63 = tpu.memref_slice %run_scoped3A_5[%dma_start3A_60, %dma_start3A_61, %dma_start3A_62] : memref<2x128x128xf32, #tpu.memory_space<vmem>> -> memref<1x128x128xf32, #tpu.memory_space<vmem>>
      %dma_start3A_64 = tpu.memref_squeeze %dma_start3A_63 : memref<1x128x128xf32, #tpu.memory_space<vmem>> -> memref<128x128xf32, #tpu.memory_space<vmem>>
      %dma_start3A_65 = arith.constant 0 : i32
      %dma_start3A_66 = tpu.memref_slice %arg6[%add3A_59, %dma_start3A_65] : memref<10112x128xf32, #tpu.memory_space<vmem_shared>> -> memref<128x128xf32, #tpu.memory_space<vmem_shared>>
      %dma_start3A_67 = arith.constant 0 : i32
      %dma_start3A_68 = tpu.memref_slice %arg6[%add3A_59, %dma_start3A_67] : memref<10112x128xf32, #tpu.memory_space<vmem_shared>> -> memref<128x128xf32, #tpu.memory_space<vmem_shared>>
      %dma_start3A_69 = arith.constant 0 : i32
      %dma_start3A_70 = arith.constant 0 : i32
      %dma_start3A_71 = tpu.memref_slice %run_scoped3A_5[%dma_start3A_60, %dma_start3A_69, %dma_start3A_70] : memref<2x128x128xf32, #tpu.memory_space<vmem>> -> memref<1x128x128xf32, #tpu.memory_space<vmem>>
      %dma_start3A_72 = tpu.memref_squeeze %dma_start3A_71 : memref<1x128x128xf32, #tpu.memory_space<vmem>> -> memref<128x128xf32, #tpu.memory_space<vmem>>
      tpu.enqueue_dma source(%dma_start3A_72 : memref<128x128xf32, #tpu.memory_space<vmem>>) target(%dma_start3A_68 : memref<128x128xf32, #tpu.memory_space<vmem_shared>>) target_semaphore(%run_scoped3A_6 : memref<!tpu.dma_semaphore, #tpu.memory_space<semaphore_mem>>)
      %add3A_73 = arith.constant 512 : i32
      %add3A_74 = arith.addi %mul3A_3, %add3A_73 : i32
      %dma_start3A_75 = arith.constant 0 : i32
      %dma_start3A_76 = arith.constant 0 : i32
      %dma_start3A_77 = arith.constant 0 : i32
      %dma_start3A_78 = tpu.memref_slice %run_scoped3A_5[%dma_start3A_75, %dma_start3A_76, %dma_start3A_77] : memref<2x128x128xf32, #tpu.memory_space<vmem>> -> memref<1x120x128xf32, #tpu.memory_space<vmem>>
      %dma_start3A_79 = tpu.memref_squeeze %dma_start3A_78 : memref<1x120x128xf32, #tpu.memory_space<vmem>> -> memref<120x128xf32, #tpu.memory_space<vmem>>
      %dma_start3A_80 = arith.constant 0 : i32
      %dma_start3A_81 = tpu.memref_slice %arg6[%add3A_74, %dma_start3A_80] : memref<10112x128xf32, #tpu.memory_space<vmem_shared>> -> memref<120x128xf32, #tpu.memory_space<vmem_shared>>
      %dma_start3A_82 = arith.constant 0 : i32
      %dma_start3A_83 = tpu.memref_slice %arg6[%add3A_74, %dma_start3A_82] : memref<10112x128xf32, #tpu.memory_space<vmem_shared>> -> memref<120x128xf32, #tpu.memory_space<vmem_shared>>
      %dma_start3A_84 = arith.constant 0 : i32
      %dma_start3A_85 = arith.constant 0 : i32
      %dma_start3A_86 = tpu.memref_slice %run_scoped3A_5[%dma_start3A_75, %dma_start3A_84, %dma_start3A_85] : memref<2x128x128xf32, #tpu.memory_space<vmem>> -> memref<1x120x128xf32, #tpu.memory_space<vmem>>
      %dma_start3A_87 = tpu.memref_squeeze %dma_start3A_86 : memref<1x120x128xf32, #tpu.memory_space<vmem>> -> memref<120x128xf32, #tpu.memory_space<vmem>>
      tpu.enqueue_dma source(%dma_start3A_87 : memref<120x128xf32, #tpu.memory_space<vmem>>) target(%dma_start3A_83 : memref<120x128xf32, #tpu.memory_space<vmem_shared>>) target_semaphore(%run_scoped3A_6 : memref<!tpu.dma_semaphore, #tpu.memory_space<semaphore_mem>>)
      %add3A_88 = arith.constant 0 : i32
      %add3A_89 = arith.addi %mul3A_3, %add3A_88 : i32
      %dma_wait3A = arith.constant 0 : i32
      %dma_wait3A_90 = arith.constant 0 : i32
      %dma_wait3A_91 = arith.constant 0 : i32
      %dma_wait3A_92 = tpu.memref_slice %run_scoped3A_5[%dma_wait3A, %dma_wait3A_90, %dma_wait3A_91] : memref<2x128x128xf32, #tpu.memory_space<vmem>> -> memref<1x128x128xf32, #tpu.memory_space<vmem>>
      %dma_wait3A_93 = tpu.memref_squeeze %dma_wait3A_92 : memref<1x128x128xf32, #tpu.memory_space<vmem>> -> memref<128x128xf32, #tpu.memory_space<vmem>>
      %dma_wait3A_94 = arith.constant 0 : i32
      %dma_wait3A_95 = tpu.memref_slice %arg6[%add3A_89, %dma_wait3A_94] : memref<10112x128xf32, #tpu.memory_space<vmem_shared>> -> memref<128x128xf32, #tpu.memory_space<vmem_shared>>
      %dma_wait3A_96 = arith.constant 0 : i32
      %dma_wait3A_97 = tpu.memref_slice %arg6[%add3A_89, %dma_wait3A_96] : memref<10112x128xf32, #tpu.memory_space<vmem_shared>> -> memref<128x128xf32, #tpu.memory_space<vmem_shared>>
      %dma_wait3A_98 = arith.constant 0 : i32
      %dma_wait3A_99 = arith.constant 0 : i32
      %dma_wait3A_100 = tpu.memref_slice %run_scoped3A_5[%dma_wait3A, %dma_wait3A_98, %dma_wait3A_99] : memref<2x128x128xf32, #tpu.memory_space<vmem>> -> memref<1x128x128xf32, #tpu.memory_space<vmem>>
      %dma_wait3A_101 = tpu.memref_squeeze %dma_wait3A_100 : memref<1x128x128xf32, #tpu.memory_space<vmem>> -> memref<128x128xf32, #tpu.memory_space<vmem>>
      tpu.wait_dma2 semaphore(%run_scoped3A_6 : memref<!tpu.dma_semaphore, #tpu.memory_space<semaphore_mem>>) src(%dma_wait3A_101 : memref<128x128xf32, #tpu.memory_space<vmem>>) dst(%dma_wait3A_97 : memref<128x128xf32, #tpu.memory_space<vmem_shared>>)
      %add3A_102 = arith.constant 128 : i32
      %add3A_103 = arith.addi %mul3A_3, %add3A_102 : i32
      %dma_wait3A_104 = arith.constant 0 : i32
      %dma_wait3A_105 = arith.constant 0 : i32
      %dma_wait3A_106 = arith.constant 0 : i32
      %dma_wait3A_107 = tpu.memref_slice %run_scoped3A_5[%dma_wait3A_104, %dma_wait3A_105, %dma_wait3A_106] : memref<2x128x128xf32, #tpu.memory_space<vmem>> -> memref<1x128x128xf32, #tpu.memory_space<vmem>>
      %dma_wait3A_108 = tpu.memref_squeeze %dma_wait3A_107 : memref<1x128x128xf32, #tpu.memory_space<vmem>> -> memref<128x128xf32, #tpu.memory_space<vmem>>
      %dma_wait3A_109 = arith.constant 0 : i32
      %dma_wait3A_110 = tpu.memref_slice %arg6[%add3A_103, %dma_wait3A_109] : memref<10112x128xf32, #tpu.memory_space<vmem_shared>> -> memref<128x128xf32, #tpu.memory_space<vmem_shared>>
      %dma_wait3A_111 = arith.constant 0 : i32
      %dma_wait3A_112 = tpu.memref_slice %arg6[%add3A_103, %dma_wait3A_111] : memref<10112x128xf32, #tpu.memory_space<vmem_shared>> -> memref<128x128xf32, #tpu.memory_space<vmem_shared>>
      %dma_wait3A_113 = arith.constant 0 : i32
      %dma_wait3A_114 = arith.constant 0 : i32
      %dma_wait3A_115 = tpu.memref_slice %run_scoped3A_5[%dma_wait3A_104, %dma_wait3A_113, %dma_wait3A_114] : memref<2x128x128xf32, #tpu.memory_space<vmem>> -> memref<1x128x128xf32, #tpu.memory_space<vmem>>
      %dma_wait3A_116 = tpu.memref_squeeze %dma_wait3A_115 : memref<1x128x128xf32, #tpu.memory_space<vmem>> -> memref<128x128xf32, #tpu.memory_space<vmem>>
      tpu.wait_dma2 semaphore(%run_scoped3A_6 : memref<!tpu.dma_semaphore, #tpu.memory_space<semaphore_mem>>) src(%dma_wait3A_116 : memref<128x128xf32, #tpu.memory_space<vmem>>) dst(%dma_wait3A_112 : memref<128x128xf32, #tpu.memory_space<vmem_shared>>)
      %add3A_117 = arith.constant 256 : i32
      %add3A_118 = arith.addi %mul3A_3, %add3A_117 : i32
      %dma_wait3A_119 = arith.constant 0 : i32
      %dma_wait3A_120 = arith.constant 0 : i32
      %dma_wait3A_121 = arith.constant 0 : i32
      %dma_wait3A_122 = tpu.memref_slice %run_scoped3A_5[%dma_wait3A_119, %dma_wait3A_120, %dma_wait3A_121] : memref<2x128x128xf32, #tpu.memory_space<vmem>> -> memref<1x128x128xf32, #tpu.memory_space<vmem>>
      %dma_wait3A_123 = tpu.memref_squeeze %dma_wait3A_122 : memref<1x128x128xf32, #tpu.memory_space<vmem>> -> memref<128x128xf32, #tpu.memory_space<vmem>>
      %dma_wait3A_124 = arith.constant 0 : i32
      %dma_wait3A_125 = tpu.memref_slice %arg6[%add3A_118, %dma_wait3A_124] : memref<10112x128xf32, #tpu.memory_space<vmem_shared>> -> memref<128x128xf32, #tpu.memory_space<vmem_shared>>
      %dma_wait3A_126 = arith.constant 0 : i32
      %dma_wait3A_127 = tpu.memref_slice %arg6[%add3A_118, %dma_wait3A_126] : memref<10112x128xf32, #tpu.memory_space<vmem_shared>> -> memref<128x128xf32, #tpu.memory_space<vmem_shared>>
      %dma_wait3A_128 = arith.constant 0 : i32
      %dma_wait3A_129 = arith.constant 0 : i32
      %dma_wait3A_130 = tpu.memref_slice %run_scoped3A_5[%dma_wait3A_119, %dma_wait3A_128, %dma_wait3A_129] : memref<2x128x128xf32, #tpu.memory_space<vmem>> -> memref<1x128x128xf32, #tpu.memory_space<vmem>>
      %dma_wait3A_131 = tpu.memref_squeeze %dma_wait3A_130 : memref<1x128x128xf32, #tpu.memory_space<vmem>> -> memref<128x128xf32, #tpu.memory_space<vmem>>
      tpu.wait_dma2 semaphore(%run_scoped3A_6 : memref<!tpu.dma_semaphore, #tpu.memory_space<semaphore_mem>>) src(%dma_wait3A_131 : memref<128x128xf32, #tpu.memory_space<vmem>>) dst(%dma_wait3A_127 : memref<128x128xf32, #tpu.memory_space<vmem_shared>>)
      %add3A_132 = arith.constant 384 : i32
      %add3A_133 = arith.addi %mul3A_3, %add3A_132 : i32
      %dma_wait3A_134 = arith.constant 0 : i32
      %dma_wait3A_135 = arith.constant 0 : i32
      %dma_wait3A_136 = arith.constant 0 : i32
      %dma_wait3A_137 = tpu.memref_slice %run_scoped3A_5[%dma_wait3A_134, %dma_wait3A_135, %dma_wait3A_136] : memref<2x128x128xf32, #tpu.memory_space<vmem>> -> memref<1x128x128xf32, #tpu.memory_space<vmem>>
      %dma_wait3A_138 = tpu.memref_squeeze %dma_wait3A_137 : memref<1x128x128xf32, #tpu.memory_space<vmem>> -> memref<128x128xf32, #tpu.memory_space<vmem>>
      %dma_wait3A_139 = arith.constant 0 : i32
      %dma_wait3A_140 = tpu.memref_slice %arg6[%add3A_133, %dma_wait3A_139] : memref<10112x128xf32, #tpu.memory_space<vmem_shared>> -> memref<128x128xf32, #tpu.memory_space<vmem_shared>>
      %dma_wait3A_141 = arith.constant 0 : i32
      %dma_wait3A_142 = tpu.memref_slice %arg6[%add3A_133, %dma_wait3A_141] : memref<10112x128xf32, #tpu.memory_space<vmem_shared>> -> memref<128x128xf32, #tpu.memory_space<vmem_shared>>
      %dma_wait3A_143 = arith.constant 0 : i32
      %dma_wait3A_144 = arith.constant 0 : i32
      %dma_wait3A_145 = tpu.memref_slice %run_scoped3A_5[%dma_wait3A_134, %dma_wait3A_143, %dma_wait3A_144] : memref<2x128x128xf32, #tpu.memory_space<vmem>> -> memref<1x128x128xf32, #tpu.memory_space<vmem>>
      %dma_wait3A_146 = tpu.memref_squeeze %dma_wait3A_145 : memref<1x128x128xf32, #tpu.memory_space<vmem>> -> memref<128x128xf32, #tpu.memory_space<vmem>>
      tpu.wait_dma2 semaphore(%run_scoped3A_6 : memref<!tpu.dma_semaphore, #tpu.memory_space<semaphore_mem>>) src(%dma_wait3A_146 : memref<128x128xf32, #tpu.memory_space<vmem>>) dst(%dma_wait3A_142 : memref<128x128xf32, #tpu.memory_space<vmem_shared>>)
      %add3A_147 = arith.constant 512 : i32
      %add3A_148 = arith.addi %mul3A_3, %add3A_147 : i32
      %dma_wait3A_149 = arith.constant 0 : i32
      %dma_wait3A_150 = arith.constant 0 : i32
      %dma_wait3A_151 = arith.constant 0 : i32
      %dma_wait3A_152 = tpu.memref_slice %run_scoped3A_5[%dma_wait3A_149, %dma_wait3A_150, %dma_wait3A_151] : memref<2x128x128xf32, #tpu.memory_space<vmem>> -> memref<1x120x128xf32, #tpu.memory_space<vmem>>
      %dma_wait3A_153 = tpu.memref_squeeze %dma_wait3A_152 : memref<1x120x128xf32, #tpu.memory_space<vmem>> -> memref<120x128xf32, #tpu.memory_space<vmem>>
      %dma_wait3A_154 = arith.constant 0 : i32
      %dma_wait3A_155 = tpu.memref_slice %arg6[%add3A_148, %dma_wait3A_154] : memref<10112x128xf32, #tpu.memory_space<vmem_shared>> -> memref<120x128xf32, #tpu.memory_space<vmem_shared>>
      %dma_wait3A_156 = arith.constant 0 : i32
      %dma_wait3A_157 = tpu.memref_slice %arg6[%add3A_148, %dma_wait3A_156] : memref<10112x128xf32, #tpu.memory_space<vmem_shared>> -> memref<120x128xf32, #tpu.memory_space<vmem_shared>>
      %dma_wait3A_158 = arith.constant 0 : i32
      %dma_wait3A_159 = arith.constant 0 : i32
      %dma_wait3A_160 = tpu.memref_slice %run_scoped3A_5[%dma_wait3A_149, %dma_wait3A_158, %dma_wait3A_159] : memref<2x128x128xf32, #tpu.memory_space<vmem>> -> memref<1x120x128xf32, #tpu.memory_space<vmem>>
      %dma_wait3A_161 = tpu.memref_squeeze %dma_wait3A_160 : memref<1x120x128xf32, #tpu.memory_space<vmem>> -> memref<120x128xf32, #tpu.memory_space<vmem>>
      tpu.wait_dma2 semaphore(%run_scoped3A_6 : memref<!tpu.dma_semaphore, #tpu.memory_space<semaphore_mem>>) src(%dma_wait3A_161 : memref<120x128xf32, #tpu.memory_space<vmem>>) dst(%dma_wait3A_157 : memref<120x128xf32, #tpu.memory_space<vmem_shared>>)
      %barrier3A = arith.constant 0 : index
      tpu.barrier barrier_id(%barrier3A)
      %scan3A_162 = arith.constant 0 : i32
      %scan3A_163 = arith.constant 10 : i32
      %scan3A_164 = arith.addi %scan3A_162, %scan3A_163 : i32
      %scan3A_165 = arith.constant 1 : i32
      scf.for %scan3A_476 = %scan3A_162 to %scan3A_164 step %scan3A_165  : i32 {
        %mul3A_477 = arith.constant 1 : i32
        %mul3A_478 = arith.muli %scan3A_476, %mul3A_477 : i32
        %add3A_479 = arith.constant 0 : i32
        %add3A_480 = arith.addi %add3A_479, %mul3A_478 : i32
        %mul3A_481 = arith.constant 8 : i32
        %mul3A_482 = arith.muli %add3A_480, %mul3A_481 : i32
        "tpu.region"() ({
          %run_scoped3A_542 = tpu.sem_alloc : memref<!tpu.dma_semaphore, #tpu.memory_space<semaphore_mem>>
          %dma_start3A_543 = arith.constant 0 : i32
          %dma_start3A_544 = tpu.memref_slice %arg3[%add3A, %mul3A_482, %dma_start3A_543] : memref<32x80x128xi32, #tpu.memory_space<hbm>> -> memref<1x8x128xi32, #tpu.memory_space<hbm>>
          %dma_start3A_545 = tpu.memref_squeeze %dma_start3A_544 : memref<1x8x128xi32, #tpu.memory_space<hbm>> -> memref<8x128xi32, #tpu.memory_space<hbm>>
          %dma_start3A_546 = arith.constant 0 : i32
          %dma_start3A_547 = tpu.memref_slice %arg3[%add3A, %mul3A_482, %dma_start3A_546] : memref<32x80x128xi32, #tpu.memory_space<hbm>> -> memref<1x8x128xi32, #tpu.memory_space<hbm>>
          %dma_start3A_548 = tpu.memref_squeeze %dma_start3A_547 : memref<1x8x128xi32, #tpu.memory_space<hbm>> -> memref<8x128xi32, #tpu.memory_space<hbm>>
          tpu.enqueue_dma source(%dma_start3A_548 : memref<8x128xi32, #tpu.memory_space<hbm>>) target(%run_scoped3A : memref<8x128xi32, #tpu.memory_space<vmem>>) target_semaphore(%run_scoped3A_542 : memref<!tpu.dma_semaphore, #tpu.memory_space<semaphore_mem>>)
          %dma_wait3A_549 = arith.constant 0 : i32
          %dma_wait3A_550 = tpu.memref_slice %arg3[%add3A, %mul3A_482, %dma_wait3A_549] : memref<32x80x128xi32, #tpu.memory_space<hbm>> -> memref<1x8x128xi32, #tpu.memory_space<hbm>>
          %dma_wait3A_551 = tpu.memref_squeeze %dma_wait3A_550 : memref<1x8x128xi32, #tpu.memory_space<hbm>> -> memref<8x128xi32, #tpu.memory_space<hbm>>
          %dma_wait3A_552 = arith.constant 0 : i32
          %dma_wait3A_553 = tpu.memref_slice %arg3[%add3A, %mul3A_482, %dma_wait3A_552] : memref<32x80x128xi32, #tpu.memory_space<hbm>> -> memref<1x8x128xi32, #tpu.memory_space<hbm>>
          %dma_wait3A_554 = tpu.memref_squeeze %dma_wait3A_553 : memref<1x8x128xi32, #tpu.memory_space<hbm>> -> memref<8x128xi32, #tpu.memory_space<hbm>>
          tpu.wait_dma2 semaphore(%run_scoped3A_542 : memref<!tpu.dma_semaphore, #tpu.memory_space<semaphore_mem>>) src(%dma_wait3A_554 : memref<8x128xi32, #tpu.memory_space<hbm>>) dst(%run_scoped3A : memref<8x128xi32, #tpu.memory_space<vmem>>)
          tpu.yield
        }) : () -> ()
        %mul3A_483 = arith.constant 8 : i32
        %mul3A_484 = arith.muli %add3A_480, %mul3A_483 : i32
        "tpu.region"() ({
          %run_scoped3A_542 = tpu.sem_alloc : memref<!tpu.dma_semaphore, #tpu.memory_space<semaphore_mem>>
          %dma_start3A_543 = arith.constant 0 : i32
          %dma_start3A_544 = tpu.memref_slice %arg4[%add3A, %mul3A_484, %dma_start3A_543] : memref<32x80x128xi32, #tpu.memory_space<hbm>> -> memref<1x8x128xi32, #tpu.memory_space<hbm>>
          %dma_start3A_545 = tpu.memref_squeeze %dma_start3A_544 : memref<1x8x128xi32, #tpu.memory_space<hbm>> -> memref<8x128xi32, #tpu.memory_space<hbm>>
          %dma_start3A_546 = arith.constant 0 : i32
          %dma_start3A_547 = tpu.memref_slice %arg4[%add3A, %mul3A_484, %dma_start3A_546] : memref<32x80x128xi32, #tpu.memory_space<hbm>> -> memref<1x8x128xi32, #tpu.memory_space<hbm>>
          %dma_start3A_548 = tpu.memref_squeeze %dma_start3A_547 : memref<1x8x128xi32, #tpu.memory_space<hbm>> -> memref<8x128xi32, #tpu.memory_space<hbm>>
          tpu.enqueue_dma source(%dma_start3A_548 : memref<8x128xi32, #tpu.memory_space<hbm>>) target(%run_scoped3A_4 : memref<8x128xi32, #tpu.memory_space<vmem>>) target_semaphore(%run_scoped3A_542 : memref<!tpu.dma_semaphore, #tpu.memory_space<semaphore_mem>>)
          %dma_wait3A_549 = arith.constant 0 : i32
          %dma_wait3A_550 = tpu.memref_slice %arg4[%add3A, %mul3A_484, %dma_wait3A_549] : memref<32x80x128xi32, #tpu.memory_space<hbm>> -> memref<1x8x128xi32, #tpu.memory_space<hbm>>
          %dma_wait3A_551 = tpu.memref_squeeze %dma_wait3A_550 : memref<1x8x128xi32, #tpu.memory_space<hbm>> -> memref<8x128xi32, #tpu.memory_space<hbm>>
          %dma_wait3A_552 = arith.constant 0 : i32
          %dma_wait3A_553 = tpu.memref_slice %arg4[%add3A, %mul3A_484, %dma_wait3A_552] : memref<32x80x128xi32, #tpu.memory_space<hbm>> -> memref<1x8x128xi32, #tpu.memory_space<hbm>>
          %dma_wait3A_554 = tpu.memref_squeeze %dma_wait3A_553 : memref<1x8x128xi32, #tpu.memory_space<hbm>> -> memref<8x128xi32, #tpu.memory_space<hbm>>
          tpu.wait_dma2 semaphore(%run_scoped3A_542 : memref<!tpu.dma_semaphore, #tpu.memory_space<semaphore_mem>>) src(%dma_wait3A_554 : memref<8x128xi32, #tpu.memory_space<hbm>>) dst(%run_scoped3A_4 : memref<8x128xi32, #tpu.memory_space<vmem>>)
          tpu.yield
        }) : () -> ()
        %dma_start3A_485 = arith.constant 0 : i32
        %dma_start3A_486 = arith.constant 0 : i32
        %dma_start3A_487 = arith.constant 0 : i32
        %dma_start3A_488 = arith.constant 0 : i32
        %dma_start3A_489 = tpu.memref_slice %run_scoped3A_5[%dma_start3A_486, %dma_start3A_487, %dma_start3A_488] : memref<2x128x128xf32, #tpu.memory_space<vmem>> -> memref<1x128x128xf32, #tpu.memory_space<vmem>>
        %dma_start3A_490 = tpu.memref_squeeze %dma_start3A_489 : memref<1x128x128xf32, #tpu.memory_space<vmem>> -> memref<128x128xf32, #tpu.memory_space<vmem>>
        %dma_start3A_491 = arith.constant 0 : i32
        %dma_start3A_492 = tpu.memref_slice %run_scoped3A[%dma_start3A_485, %dma_start3A_491] : memref<8x128xi32, #tpu.memory_space<vmem>> -> memref<1x128xi32, #tpu.memory_space<vmem>>
        %dma_start3A_493 = tpu.memref_squeeze %dma_start3A_492 : memref<1x128xi32, #tpu.memory_space<vmem>> -> memref<128xi32, #tpu.memory_space<vmem>>
        %dma_start3A_494 = arith.constant 0 : i32
        %dma_start3A_495 = arith.constant 0 : i32
        %dma_start3A_496 = tpu.memref_slice %arg2[%dma_start3A_494, %dma_start3A_495] : memref<10000x128xf32, #tpu.memory_space<hbm>> -> memref<10000x128xf32, #tpu.memory_space<hbm>>
        tpu.enqueue_indirect_dma source(%dma_start3A_496 : memref<10000x128xf32, #tpu.memory_space<hbm>>) target(%dma_start3A_490 : memref<128x128xf32, #tpu.memory_space<vmem>>) offsets(%dma_start3A_493 : memref<128xi32, #tpu.memory_space<vmem>>) semaphore(%run_scoped3A_6 : memref<!tpu.dma_semaphore, #tpu.memory_space<semaphore_mem>>)
        %dma_start3A_497 = arith.constant 1 : i32
        %dma_start3A_498 = arith.constant 1 : i32
        %dma_start3A_499 = arith.constant 0 : i32
        %dma_start3A_500 = arith.constant 0 : i32
        %dma_start3A_501 = tpu.memref_slice %run_scoped3A_5[%dma_start3A_498, %dma_start3A_499, %dma_start3A_500] : memref<2x128x128xf32, #tpu.memory_space<vmem>> -> memref<1x128x128xf32, #tpu.memory_space<vmem>>
        %dma_start3A_502 = tpu.memref_squeeze %dma_start3A_501 : memref<1x128x128xf32, #tpu.memory_space<vmem>> -> memref<128x128xf32, #tpu.memory_space<vmem>>
        %dma_start3A_503 = arith.constant 0 : i32
        %dma_start3A_504 = tpu.memref_slice %run_scoped3A[%dma_start3A_497, %dma_start3A_503] : memref<8x128xi32, #tpu.memory_space<vmem>> -> memref<1x128xi32, #tpu.memory_space<vmem>>
        %dma_start3A_505 = tpu.memref_squeeze %dma_start3A_504 : memref<1x128xi32, #tpu.memory_space<vmem>> -> memref<128xi32, #tpu.memory_space<vmem>>
        %dma_start3A_506 = arith.constant 0 : i32
        %dma_start3A_507 = arith.constant 0 : i32
        %dma_start3A_508 = tpu.memref_slice %arg2[%dma_start3A_506, %dma_start3A_507] : memref<10000x128xf32, #tpu.memory_space<hbm>> -> memref<10000x128xf32, #tpu.memory_space<hbm>>
        tpu.enqueue_indirect_dma source(%dma_start3A_508 : memref<10000x128xf32, #tpu.memory_space<hbm>>) target(%dma_start3A_502 : memref<128x128xf32, #tpu.memory_space<vmem>>) offsets(%dma_start3A_505 : memref<128xi32, #tpu.memory_space<vmem>>) semaphore(%run_scoped3A_7 : memref<!tpu.dma_semaphore, #tpu.memory_space<semaphore_mem>>)
        %scan3A_509 = arith.constant 0 : i32
        %scan3A_510 = arith.constant 3 : i32
        %scan3A_511 = arith.addi %scan3A_509, %scan3A_510 : i32
        %scan3A_512 = arith.constant 1 : i32
        scf.for %scan3A_542 = %scan3A_509 to %scan3A_511 step %scan3A_512  : i32 {
          %mul3A_543 = arith.constant 1 : i32
          %mul3A_544 = arith.muli %scan3A_542, %mul3A_543 : i32
          %add3A_545 = arith.constant 0 : i32
          %add3A_546 = arith.addi %add3A_545, %mul3A_544 : i32
          %mul3A_547 = arith.constant 2 : i32
          %mul3A_548 = arith.muli %mul3A_547, %add3A_546 : i32
          %dma_wait3A_549 = arith.constant 0 : i32
          %dma_wait3A_550 = arith.constant 0 : i32
          %dma_wait3A_551 = arith.constant 0 : i32
          %dma_wait3A_552 = tpu.memref_slice %run_scoped3A_5[%dma_wait3A_549, %dma_wait3A_550, %dma_wait3A_551] : memref<2x128x128xf32, #tpu.memory_space<vmem>> -> memref<1x128x128xf32, #tpu.memory_space<vmem>>
          %dma_wait3A_553 = tpu.memref_squeeze %dma_wait3A_552 : memref<1x128x128xf32, #tpu.memory_space<vmem>> -> memref<128x128xf32, #tpu.memory_space<vmem>>
          %dma_wait3A_554 = arith.constant 0 : i32
          %dma_wait3A_555 = tpu.memref_slice %run_scoped3A[%mul3A_548, %dma_wait3A_554] : memref<8x128xi32, #tpu.memory_space<vmem>> -> memref<1x128xi32, #tpu.memory_space<vmem>>
          %dma_wait3A_556 = tpu.memref_squeeze %dma_wait3A_555 : memref<1x128xi32, #tpu.memory_space<vmem>> -> memref<128xi32, #tpu.memory_space<vmem>>
          %dma_wait3A_557 = arith.constant 0 : i32
          %dma_wait3A_558 = arith.constant 0 : i32
          %dma_wait3A_559 = tpu.memref_slice %arg2[%dma_wait3A_557, %dma_wait3A_558] : memref<10000x128xf32, #tpu.memory_space<hbm>> -> memref<10000x128xf32, #tpu.memory_space<hbm>>
          tpu.wait_indirect_dma semaphore(%run_scoped3A_6 : memref<!tpu.dma_semaphore, #tpu.memory_space<semaphore_mem>>) src(%dma_wait3A_559 : memref<10000x128xf32, #tpu.memory_space<hbm>>) dst(%dma_wait3A_553 : memref<128x128xf32, #tpu.memory_space<vmem>>)
          %run_scoped3A_560 = arith.constant 0 : i32
          "tpu.region"() ({
            %run_scoped3A_603 = tpu.sem_alloc : memref<!tpu.dma_semaphore, #tpu.memory_space<semaphore_mem>>
            %dma_start3A_604 = arith.constant 0 : i32
            %dma_start3A_605 = arith.constant 0 : i32
            %dma_start3A_606 = tpu.memref_slice %run_scoped3A_5[%run_scoped3A_560, %dma_start3A_604, %dma_start3A_605] : memref<2x128x128xf32, #tpu.memory_space<vmem>> -> memref<1x128x128xf32, #tpu.memory_space<vmem>>
            %dma_start3A_607 = tpu.memref_squeeze %dma_start3A_606 : memref<1x128x128xf32, #tpu.memory_space<vmem>> -> memref<128x128xf32, #tpu.memory_space<vmem>>
            %dma_start3A_608 = arith.constant 0 : i32
            %dma_start3A_609 = tpu.memref_slice %run_scoped3A_4[%mul3A_548, %dma_start3A_608] : memref<8x128xi32, #tpu.memory_space<vmem>> -> memref<1x128xi32, #tpu.memory_space<vmem>>
            %dma_start3A_610 = tpu.memref_squeeze %dma_start3A_609 : memref<1x128xi32, #tpu.memory_space<vmem>> -> memref<128xi32, #tpu.memory_space<vmem>>
            %dma_start3A_611 = arith.constant 0 : i32
            %dma_start3A_612 = arith.constant 0 : i32
            %dma_start3A_613 = tpu.memref_slice %arg6[%dma_start3A_611, %dma_start3A_612] : memref<10112x128xf32, #tpu.memory_space<vmem_shared>> -> memref<10112x128xf32, #tpu.memory_space<vmem_shared>>
            tpu.enqueue_indirect_dma source(%dma_start3A_607 : memref<128x128xf32, #tpu.memory_space<vmem>>) target(%dma_start3A_613 : memref<10112x128xf32, #tpu.memory_space<vmem_shared>>) offsets(%dma_start3A_610 : memref<128xi32, #tpu.memory_space<vmem>>) semaphore(%run_scoped3A_603 : memref<!tpu.dma_semaphore, #tpu.memory_space<semaphore_mem>>) {add = true}
            %dma_wait3A_614 = arith.constant 0 : i32
            %dma_wait3A_615 = arith.constant 0 : i32
            %dma_wait3A_616 = tpu.memref_slice %run_scoped3A_5[%run_scoped3A_560, %dma_wait3A_614, %dma_wait3A_615] : memref<2x128x128xf32, #tpu.memory_space<vmem>> -> memref<1x128x128xf32, #tpu.memory_space<vmem>>
            %dma_wait3A_617 = tpu.memref_squeeze %dma_wait3A_616 : memref<1x128x128xf32, #tpu.memory_space<vmem>> -> memref<128x128xf32, #tpu.memory_space<vmem>>
            %dma_wait3A_618 = arith.constant 0 : i32
            %dma_wait3A_619 = tpu.memref_slice %run_scoped3A_4[%mul3A_548, %dma_wait3A_618] : memref<8x128xi32, #tpu.memory_space<vmem>> -> memref<1x128xi32, #tpu.memory_space<vmem>>
            %dma_wait3A_620 = tpu.memref_squeeze %dma_wait3A_619 : memref<1x128xi32, #tpu.memory_space<vmem>> -> memref<128xi32, #tpu.memory_space<vmem>>
            %dma_wait3A_621 = arith.constant 0 : i32
            %dma_wait3A_622 = arith.constant 0 : i32
            %dma_wait3A_623 = tpu.memref_slice %arg6[%dma_wait3A_621, %dma_wait3A_622] : memref<10112x128xf32, #tpu.memory_space<vmem_shared>> -> memref<10112x128xf32, #tpu.memory_space<vmem_shared>>
            tpu.wait_indirect_dma semaphore(%run_scoped3A_603 : memref<!tpu.dma_semaphore, #tpu.memory_space<semaphore_mem>>) src(%dma_wait3A_617 : memref<128x128xf32, #tpu.memory_space<vmem>>) dst(%dma_wait3A_623 : memref<10112x128xf32, #tpu.memory_space<vmem_shared>>)
            tpu.yield
          }) : () -> ()
          %add3A_561 = arith.constant 2 : i32
          %add3A_562 = arith.addi %mul3A_548, %add3A_561 : i32
          %dma_start3A_563 = arith.constant 0 : i32
          %dma_start3A_564 = arith.constant 0 : i32
          %dma_start3A_565 = arith.constant 0 : i32
          %dma_start3A_566 = tpu.memref_slice %run_scoped3A_5[%dma_start3A_563, %dma_start3A_564, %dma_start3A_565] : memref<2x128x128xf32, #tpu.memory_space<vmem>> -> memref<1x128x128xf32, #tpu.memory_space<vmem>>
          %dma_start3A_567 = tpu.memref_squeeze %dma_start3A_566 : memref<1x128x128xf32, #tpu.memory_space<vmem>> -> memref<128x128xf32, #tpu.memory_space<vmem>>
          %dma_start3A_568 = arith.constant 0 : i32
          %dma_start3A_569 = tpu.memref_slice %run_scoped3A[%add3A_562, %dma_start3A_568] : memref<8x128xi32, #tpu.memory_space<vmem>> -> memref<1x128xi32, #tpu.memory_space<vmem>>
          %dma_start3A_570 = tpu.memref_squeeze %dma_start3A_569 : memref<1x128xi32, #tpu.memory_space<vmem>> -> memref<128xi32, #tpu.memory_space<vmem>>
          %dma_start3A_571 = arith.constant 0 : i32
          %dma_start3A_572 = arith.constant 0 : i32
          %dma_start3A_573 = tpu.memref_slice %arg2[%dma_start3A_571, %dma_start3A_572] : memref<10000x128xf32, #tpu.memory_space<hbm>> -> memref<10000x128xf32, #tpu.memory_space<hbm>>
          tpu.enqueue_indirect_dma source(%dma_start3A_573 : memref<10000x128xf32, #tpu.memory_space<hbm>>) target(%dma_start3A_567 : memref<128x128xf32, #tpu.memory_space<vmem>>) offsets(%dma_start3A_570 : memref<128xi32, #tpu.memory_space<vmem>>) semaphore(%run_scoped3A_6 : memref<!tpu.dma_semaphore, #tpu.memory_space<semaphore_mem>>)
          %add3A_574 = arith.constant 1 : i32
          %add3A_575 = arith.addi %mul3A_548, %add3A_574 : i32
          %dma_wait3A_576 = arith.constant 1 : i32
          %dma_wait3A_577 = arith.constant 0 : i32
          %dma_wait3A_578 = arith.constant 0 : i32
          %dma_wait3A_579 = tpu.memref_slice %run_scoped3A_5[%dma_wait3A_576, %dma_wait3A_577, %dma_wait3A_578] : memref<2x128x128xf32, #tpu.memory_space<vmem>> -> memref<1x128x128xf32, #tpu.memory_space<vmem>>
          %dma_wait3A_580 = tpu.memref_squeeze %dma_wait3A_579 : memref<1x128x128xf32, #tpu.memory_space<vmem>> -> memref<128x128xf32, #tpu.memory_space<vmem>>
          %dma_wait3A_581 = arith.constant 0 : i32
          %dma_wait3A_582 = tpu.memref_slice %run_scoped3A[%add3A_575, %dma_wait3A_581] : memref<8x128xi32, #tpu.memory_space<vmem>> -> memref<1x128xi32, #tpu.memory_space<vmem>>
          %dma_wait3A_583 = tpu.memref_squeeze %dma_wait3A_582 : memref<1x128xi32, #tpu.memory_space<vmem>> -> memref<128xi32, #tpu.memory_space<vmem>>
          %dma_wait3A_584 = arith.constant 0 : i32
          %dma_wait3A_585 = arith.constant 0 : i32
          %dma_wait3A_586 = tpu.memref_slice %arg2[%dma_wait3A_584, %dma_wait3A_585] : memref<10000x128xf32, #tpu.memory_space<hbm>> -> memref<10000x128xf32, #tpu.memory_space<hbm>>
          tpu.wait_indirect_dma semaphore(%run_scoped3A_7 : memref<!tpu.dma_semaphore, #tpu.memory_space<semaphore_mem>>) src(%dma_wait3A_586 : memref<10000x128xf32, #tpu.memory_space<hbm>>) dst(%dma_wait3A_580 : memref<128x128xf32, #tpu.memory_space<vmem>>)
          %add3A_587 = arith.constant 1 : i32
          %add3A_588 = arith.addi %mul3A_548, %add3A_587 : i32
          %run_scoped3A_589 = arith.constant 1 : i32
          "tpu.region"() ({
            %run_scoped3A_603 = tpu.sem_alloc : memref<!tpu.dma_semaphore, #tpu.memory_space<semaphore_mem>>
            %dma_start3A_604 = arith.constant 0 : i32
            %dma_start3A_605 = arith.constant 0 : i32
            %dma_start3A_606 = tpu.memref_slice %run_scoped3A_5[%run_scoped3A_589, %dma_start3A_604, %dma_start3A_605] : memref<2x128x128xf32, #tpu.memory_space<vmem>> -> memref<1x128x128xf32, #tpu.memory_space<vmem>>
            %dma_start3A_607 = tpu.memref_squeeze %dma_start3A_606 : memref<1x128x128xf32, #tpu.memory_space<vmem>> -> memref<128x128xf32, #tpu.memory_space<vmem>>
            %dma_start3A_608 = arith.constant 0 : i32
            %dma_start3A_609 = tpu.memref_slice %run_scoped3A_4[%add3A_588, %dma_start3A_608] : memref<8x128xi32, #tpu.memory_space<vmem>> -> memref<1x128xi32, #tpu.memory_space<vmem>>
            %dma_start3A_610 = tpu.memref_squeeze %dma_start3A_609 : memref<1x128xi32, #tpu.memory_space<vmem>> -> memref<128xi32, #tpu.memory_space<vmem>>
            %dma_start3A_611 = arith.constant 0 : i32
            %dma_start3A_612 = arith.constant 0 : i32
            %dma_start3A_613 = tpu.memref_slice %arg6[%dma_start3A_611, %dma_start3A_612] : memref<10112x128xf32, #tpu.memory_space<vmem_shared>> -> memref<10112x128xf32, #tpu.memory_space<vmem_shared>>
            tpu.enqueue_indirect_dma source(%dma_start3A_607 : memref<128x128xf32, #tpu.memory_space<vmem>>) target(%dma_start3A_613 : memref<10112x128xf32, #tpu.memory_space<vmem_shared>>) offsets(%dma_start3A_610 : memref<128xi32, #tpu.memory_space<vmem>>) semaphore(%run_scoped3A_603 : memref<!tpu.dma_semaphore, #tpu.memory_space<semaphore_mem>>) {add = true}
            %dma_wait3A_614 = arith.constant 0 : i32
            %dma_wait3A_615 = arith.constant 0 : i32
            %dma_wait3A_616 = tpu.memref_slice %run_scoped3A_5[%run_scoped3A_589, %dma_wait3A_614, %dma_wait3A_615] : memref<2x128x128xf32, #tpu.memory_space<vmem>> -> memref<1x128x128xf32, #tpu.memory_space<vmem>>
            %dma_wait3A_617 = tpu.memref_squeeze %dma_wait3A_616 : memref<1x128x128xf32, #tpu.memory_space<vmem>> -> memref<128x128xf32, #tpu.memory_space<vmem>>
            %dma_wait3A_618 = arith.constant 0 : i32
            %dma_wait3A_619 = tpu.memref_slice %run_scoped3A_4[%add3A_588, %dma_wait3A_618] : memref<8x128xi32, #tpu.memory_space<vmem>> -> memref<1x128xi32, #tpu.memory_space<vmem>>
            %dma_wait3A_620 = tpu.memref_squeeze %dma_wait3A_619 : memref<1x128xi32, #tpu.memory_space<vmem>> -> memref<128xi32, #tpu.memory_space<vmem>>
            %dma_wait3A_621 = arith.constant 0 : i32
            %dma_wait3A_622 = arith.constant 0 : i32
            %dma_wait3A_623 = tpu.memref_slice %arg6[%dma_wait3A_621, %dma_wait3A_622] : memref<10112x128xf32, #tpu.memory_space<vmem_shared>> -> memref<10112x128xf32, #tpu.memory_space<vmem_shared>>
            tpu.wait_indirect_dma semaphore(%run_scoped3A_603 : memref<!tpu.dma_semaphore, #tpu.memory_space<semaphore_mem>>) src(%dma_wait3A_617 : memref<128x128xf32, #tpu.memory_space<vmem>>) dst(%dma_wait3A_623 : memref<10112x128xf32, #tpu.memory_space<vmem_shared>>)
            tpu.yield
          }) : () -> ()
          %add3A_590 = arith.constant 3 : i32
          %add3A_591 = arith.addi %mul3A_548, %add3A_590 : i32
          %dma_start3A_592 = arith.constant 1 : i32
          %dma_start3A_593 = arith.constant 0 : i32
          %dma_start3A_594 = arith.constant 0 : i32
          %dma_start3A_595 = tpu.memref_slice %run_scoped3A_5[%dma_start3A_592, %dma_start3A_593, %dma_start3A_594] : memref<2x128x128xf32, #tpu.memory_space<vmem>> -> memref<1x128x128xf32, #tpu.memory_space<vmem>>
          %dma_start3A_596 = tpu.memref_squeeze %dma_start3A_595 : memref<1x128x128xf32, #tpu.memory_space<vmem>> -> memref<128x128xf32, #tpu.memory_space<vmem>>
          %dma_start3A_597 = arith.constant 0 : i32
          %dma_start3A_598 = tpu.memref_slice %run_scoped3A[%add3A_591, %dma_start3A_597] : memref<8x128xi32, #tpu.memory_space<vmem>> -> memref<1x128xi32, #tpu.memory_space<vmem>>
          %dma_start3A_599 = tpu.memref_squeeze %dma_start3A_598 : memref<1x128xi32, #tpu.memory_space<vmem>> -> memref<128xi32, #tpu.memory_space<vmem>>
          %dma_start3A_600 = arith.constant 0 : i32
          %dma_start3A_601 = arith.constant 0 : i32
          %dma_start3A_602 = tpu.memref_slice %arg2[%dma_start3A_600, %dma_start3A_601] : memref<10000x128xf32, #tpu.memory_space<hbm>> -> memref<10000x128xf32, #tpu.memory_space<hbm>>
          tpu.enqueue_indirect_dma source(%dma_start3A_602 : memref<10000x128xf32, #tpu.memory_space<hbm>>) target(%dma_start3A_596 : memref<128x128xf32, #tpu.memory_space<vmem>>) offsets(%dma_start3A_599 : memref<128xi32, #tpu.memory_space<vmem>>) semaphore(%run_scoped3A_7 : memref<!tpu.dma_semaphore, #tpu.memory_space<semaphore_mem>>)
        }
        %scan3A_513 = arith.constant 3 : i32
        %dma_wait3A_514 = arith.constant 6 : i32
        %dma_wait3A_515 = arith.constant 0 : i32
        %dma_wait3A_516 = arith.constant 0 : i32
        %dma_wait3A_517 = arith.constant 0 : i32
        %dma_wait3A_518 = tpu.memref_slice %run_scoped3A_5[%dma_wait3A_515, %dma_wait3A_516, %dma_wait3A_517] : memref<2x128x128xf32, #tpu.memory_space<vmem>> -> memref<1x128x128xf32, #tpu.memory_space<vmem>>
        %dma_wait3A_519 = tpu.memref_squeeze %dma_wait3A_518 : memref<1x128x128xf32, #tpu.memory_space<vmem>> -> memref<128x128xf32, #tpu.memory_space<vmem>>
        %dma_wait3A_520 = arith.constant 0 : i32
        %dma_wait3A_521 = tpu.memref_slice %run_scoped3A[%dma_wait3A_514, %dma_wait3A_520] : memref<8x128xi32, #tpu.memory_space<vmem>> -> memref<1x128xi32, #tpu.memory_space<vmem>>
        %dma_wait3A_522 = tpu.memref_squeeze %dma_wait3A_521 : memref<1x128xi32, #tpu.memory_space<vmem>> -> memref<128xi32, #tpu.memory_space<vmem>>
        %dma_wait3A_523 = arith.constant 0 : i32
        %dma_wait3A_524 = arith.constant 0 : i32
        %dma_wait3A_525 = tpu.memref_slice %arg2[%dma_wait3A_523, %dma_wait3A_524] : memref<10000x128xf32, #tpu.memory_space<hbm>> -> memref<10000x128xf32, #tpu.memory_space<hbm>>
        tpu.wait_indirect_dma semaphore(%run_scoped3A_6 : memref<!tpu.dma_semaphore, #tpu.memory_space<semaphore_mem>>) src(%dma_wait3A_525 : memref<10000x128xf32, #tpu.memory_space<hbm>>) dst(%dma_wait3A_519 : memref<128x128xf32, #tpu.memory_space<vmem>>)
        %run_scoped3A_526 = arith.constant 0 : i32
        %run_scoped3A_527 = arith.constant 6 : i32
        "tpu.region"() ({
          %run_scoped3A_542 = tpu.sem_alloc : memref<!tpu.dma_semaphore, #tpu.memory_space<semaphore_mem>>
          %dma_start3A_543 = arith.constant 0 : i32
          %dma_start3A_544 = arith.constant 0 : i32
          %dma_start3A_545 = tpu.memref_slice %run_scoped3A_5[%run_scoped3A_526, %dma_start3A_543, %dma_start3A_544] : memref<2x128x128xf32, #tpu.memory_space<vmem>> -> memref<1x128x128xf32, #tpu.memory_space<vmem>>
          %dma_start3A_546 = tpu.memref_squeeze %dma_start3A_545 : memref<1x128x128xf32, #tpu.memory_space<vmem>> -> memref<128x128xf32, #tpu.memory_space<vmem>>
          %dma_start3A_547 = arith.constant 0 : i32
          %dma_start3A_548 = tpu.memref_slice %run_scoped3A_4[%run_scoped3A_527, %dma_start3A_547] : memref<8x128xi32, #tpu.memory_space<vmem>> -> memref<1x128xi32, #tpu.memory_space<vmem>>
          %dma_start3A_549 = tpu.memref_squeeze %dma_start3A_548 : memref<1x128xi32, #tpu.memory_space<vmem>> -> memref<128xi32, #tpu.memory_space<vmem>>
          %dma_start3A_550 = arith.constant 0 : i32
          %dma_start3A_551 = arith.constant 0 : i32
          %dma_start3A_552 = tpu.memref_slice %arg6[%dma_start3A_550, %dma_start3A_551] : memref<10112x128xf32, #tpu.memory_space<vmem_shared>> -> memref<10112x128xf32, #tpu.memory_space<vmem_shared>>
          tpu.enqueue_indirect_dma source(%dma_start3A_546 : memref<128x128xf32, #tpu.memory_space<vmem>>) target(%dma_start3A_552 : memref<10112x128xf32, #tpu.memory_space<vmem_shared>>) offsets(%dma_start3A_549 : memref<128xi32, #tpu.memory_space<vmem>>) semaphore(%run_scoped3A_542 : memref<!tpu.dma_semaphore, #tpu.memory_space<semaphore_mem>>) {add = true}
          %dma_wait3A_553 = arith.constant 0 : i32
          %dma_wait3A_554 = arith.constant 0 : i32
          %dma_wait3A_555 = tpu.memref_slice %run_scoped3A_5[%run_scoped3A_526, %dma_wait3A_553, %dma_wait3A_554] : memref<2x128x128xf32, #tpu.memory_space<vmem>> -> memref<1x128x128xf32, #tpu.memory_space<vmem>>
          %dma_wait3A_556 = tpu.memref_squeeze %dma_wait3A_555 : memref<1x128x128xf32, #tpu.memory_space<vmem>> -> memref<128x128xf32, #tpu.memory_space<vmem>>
          %dma_wait3A_557 = arith.constant 0 : i32
          %dma_wait3A_558 = tpu.memref_slice %run_scoped3A_4[%run_scoped3A_527, %dma_wait3A_557] : memref<8x128xi32, #tpu.memory_space<vmem>> -> memref<1x128xi32, #tpu.memory_space<vmem>>
          %dma_wait3A_559 = tpu.memref_squeeze %dma_wait3A_558 : memref<1x128xi32, #tpu.memory_space<vmem>> -> memref<128xi32, #tpu.memory_space<vmem>>
          %dma_wait3A_560 = arith.constant 0 : i32
          %dma_wait3A_561 = arith.constant 0 : i32
          %dma_wait3A_562 = tpu.memref_slice %arg6[%dma_wait3A_560, %dma_wait3A_561] : memref<10112x128xf32, #tpu.memory_space<vmem_shared>> -> memref<10112x128xf32, #tpu.memory_space<vmem_shared>>
          tpu.wait_indirect_dma semaphore(%run_scoped3A_542 : memref<!tpu.dma_semaphore, #tpu.memory_space<semaphore_mem>>) src(%dma_wait3A_556 : memref<128x128xf32, #tpu.memory_space<vmem>>) dst(%dma_wait3A_562 : memref<10112x128xf32, #tpu.memory_space<vmem_shared>>)
          tpu.yield
        }) : () -> ()
        %dma_wait3A_528 = arith.constant 7 : i32
        %dma_wait3A_529 = arith.constant 1 : i32
        %dma_wait3A_530 = arith.constant 0 : i32
        %dma_wait3A_531 = arith.constant 0 : i32
        %dma_wait3A_532 = tpu.memref_slice %run_scoped3A_5[%dma_wait3A_529, %dma_wait3A_530, %dma_wait3A_531] : memref<2x128x128xf32, #tpu.memory_space<vmem>> -> memref<1x128x128xf32, #tpu.memory_space<vmem>>
        %dma_wait3A_533 = tpu.memref_squeeze %dma_wait3A_532 : memref<1x128x128xf32, #tpu.memory_space<vmem>> -> memref<128x128xf32, #tpu.memory_space<vmem>>
        %dma_wait3A_534 = arith.constant 0 : i32
        %dma_wait3A_535 = tpu.memref_slice %run_scoped3A[%dma_wait3A_528, %dma_wait3A_534] : memref<8x128xi32, #tpu.memory_space<vmem>> -> memref<1x128xi32, #tpu.memory_space<vmem>>
        %dma_wait3A_536 = tpu.memref_squeeze %dma_wait3A_535 : memref<1x128xi32, #tpu.memory_space<vmem>> -> memref<128xi32, #tpu.memory_space<vmem>>
        %dma_wait3A_537 = arith.constant 0 : i32
        %dma_wait3A_538 = arith.constant 0 : i32
        %dma_wait3A_539 = tpu.memref_slice %arg2[%dma_wait3A_537, %dma_wait3A_538] : memref<10000x128xf32, #tpu.memory_space<hbm>> -> memref<10000x128xf32, #tpu.memory_space<hbm>>
        tpu.wait_indirect_dma semaphore(%run_scoped3A_7 : memref<!tpu.dma_semaphore, #tpu.memory_space<semaphore_mem>>) src(%dma_wait3A_539 : memref<10000x128xf32, #tpu.memory_space<hbm>>) dst(%dma_wait3A_533 : memref<128x128xf32, #tpu.memory_space<vmem>>)
        %run_scoped3A_540 = arith.constant 1 : i32
        %run_scoped3A_541 = arith.constant 7 : i32
        "tpu.region"() ({
          %run_scoped3A_542 = tpu.sem_alloc : memref<!tpu.dma_semaphore, #tpu.memory_space<semaphore_mem>>
          %dma_start3A_543 = arith.constant 0 : i32
          %dma_start3A_544 = arith.constant 0 : i32
          %dma_start3A_545 = tpu.memref_slice %run_scoped3A_5[%run_scoped3A_540, %dma_start3A_543, %dma_start3A_544] : memref<2x128x128xf32, #tpu.memory_space<vmem>> -> memref<1x128x128xf32, #tpu.memory_space<vmem>>
          %dma_start3A_546 = tpu.memref_squeeze %dma_start3A_545 : memref<1x128x128xf32, #tpu.memory_space<vmem>> -> memref<128x128xf32, #tpu.memory_space<vmem>>
          %dma_start3A_547 = arith.constant 0 : i32
          %dma_start3A_548 = tpu.memref_slice %run_scoped3A_4[%run_scoped3A_541, %dma_start3A_547] : memref<8x128xi32, #tpu.memory_space<vmem>> -> memref<1x128xi32, #tpu.memory_space<vmem>>
          %dma_start3A_549 = tpu.memref_squeeze %dma_start3A_548 : memref<1x128xi32, #tpu.memory_space<vmem>> -> memref<128xi32, #tpu.memory_space<vmem>>
          %dma_start3A_550 = arith.constant 0 : i32
          %dma_start3A_551 = arith.constant 0 : i32
          %dma_start3A_552 = tpu.memref_slice %arg6[%dma_start3A_550, %dma_start3A_551] : memref<10112x128xf32, #tpu.memory_space<vmem_shared>> -> memref<10112x128xf32, #tpu.memory_space<vmem_shared>>
          tpu.enqueue_indirect_dma source(%dma_start3A_546 : memref<128x128xf32, #tpu.memory_space<vmem>>) target(%dma_start3A_552 : memref<10112x128xf32, #tpu.memory_space<vmem_shared>>) offsets(%dma_start3A_549 : memref<128xi32, #tpu.memory_space<vmem>>) semaphore(%run_scoped3A_542 : memref<!tpu.dma_semaphore, #tpu.memory_space<semaphore_mem>>) {add = true}
          %dma_wait3A_553 = arith.constant 0 : i32
          %dma_wait3A_554 = arith.constant 0 : i32
          %dma_wait3A_555 = tpu.memref_slice %run_scoped3A_5[%run_scoped3A_540, %dma_wait3A_553, %dma_wait3A_554] : memref<2x128x128xf32, #tpu.memory_space<vmem>> -> memref<1x128x128xf32, #tpu.memory_space<vmem>>
          %dma_wait3A_556 = tpu.memref_squeeze %dma_wait3A_555 : memref<1x128x128xf32, #tpu.memory_space<vmem>> -> memref<128x128xf32, #tpu.memory_space<vmem>>
          %dma_wait3A_557 = arith.constant 0 : i32
          %dma_wait3A_558 = tpu.memref_slice %run_scoped3A_4[%run_scoped3A_541, %dma_wait3A_557] : memref<8x128xi32, #tpu.memory_space<vmem>> -> memref<1x128xi32, #tpu.memory_space<vmem>>
          %dma_wait3A_559 = tpu.memref_squeeze %dma_wait3A_558 : memref<1x128xi32, #tpu.memory_space<vmem>> -> memref<128xi32, #tpu.memory_space<vmem>>
          %dma_wait3A_560 = arith.constant 0 : i32
          %dma_wait3A_561 = arith.constant 0 : i32
          %dma_wait3A_562 = tpu.memref_slice %arg6[%dma_wait3A_560, %dma_wait3A_561] : memref<10112x128xf32, #tpu.memory_space<vmem_shared>> -> memref<10112x128xf32, #tpu.memory_space<vmem_shared>>
          tpu.wait_indirect_dma semaphore(%run_scoped3A_542 : memref<!tpu.dma_semaphore, #tpu.memory_space<semaphore_mem>>) src(%dma_wait3A_556 : memref<128x128xf32, #tpu.memory_space<vmem>>) dst(%dma_wait3A_562 : memref<10112x128xf32, #tpu.memory_space<vmem_shared>>)
          tpu.yield
        }) : () -> ()
      }
      %scan3A_166 = arith.constant 10 : i32
      %barrier3A_167 = arith.constant 0 : index
      tpu.barrier barrier_id(%barrier3A_167)
      %add3A_168 = arith.constant 512 : i32
      %add3A_169 = arith.addi %mul3A_3, %add3A_168 : i32
      %add3A_170 = arith.constant 0 : i32
      %add3A_171 = arith.addi %mul3A_3, %add3A_170 : i32
      %dma_start3A_172 = arith.constant 0 : i32
      %dma_start3A_173 = arith.constant 0 : i32
      %dma_start3A_174 = arith.constant 0 : i32
      %dma_start3A_175 = tpu.memref_slice %run_scoped3A_5[%dma_start3A_172, %dma_start3A_173, %dma_start3A_174] : memref<2x128x128xf32, #tpu.memory_space<vmem>> -> memref<1x128x128xf32, #tpu.memory_space<vmem>>
      %dma_start3A_176 = tpu.memref_squeeze %dma_start3A_175 : memref<1x128x128xf32, #tpu.memory_space<vmem>> -> memref<128x128xf32, #tpu.memory_space<vmem>>
      %dma_start3A_177 = arith.constant 0 : i32
      %dma_start3A_178 = tpu.memref_slice %arg6[%add3A_171, %dma_start3A_177] : memref<10112x128xf32, #tpu.memory_space<vmem_shared>> -> memref<128x128xf32, #tpu.memory_space<vmem_shared>>
      %dma_start3A_179 = arith.constant 0 : i32
      %dma_start3A_180 = arith.constant 0 : i32
      %dma_start3A_181 = tpu.memref_slice %run_scoped3A_5[%dma_start3A_172, %dma_start3A_179, %dma_start3A_180] : memref<2x128x128xf32, #tpu.memory_space<vmem>> -> memref<1x128x128xf32, #tpu.memory_space<vmem>>
      %dma_start3A_182 = tpu.memref_squeeze %dma_start3A_181 : memref<1x128x128xf32, #tpu.memory_space<vmem>> -> memref<128x128xf32, #tpu.memory_space<vmem>>
      %dma_start3A_183 = arith.constant 0 : i32
      %dma_start3A_184 = tpu.memref_slice %arg6[%add3A_171, %dma_start3A_183] : memref<10112x128xf32, #tpu.memory_space<vmem_shared>> -> memref<128x128xf32, #tpu.memory_space<vmem_shared>>
      tpu.enqueue_dma source(%dma_start3A_184 : memref<128x128xf32, #tpu.memory_space<vmem_shared>>) target(%dma_start3A_182 : memref<128x128xf32, #tpu.memory_space<vmem>>) target_semaphore(%run_scoped3A_6 : memref<!tpu.dma_semaphore, #tpu.memory_space<semaphore_mem>>)
      %add3A_185 = arith.constant 128 : i32
      %add3A_186 = arith.addi %mul3A_3, %add3A_185 : i32
      %dma_start3A_187 = arith.constant 1 : i32
      %dma_start3A_188 = arith.constant 0 : i32
      %dma_start3A_189 = arith.constant 0 : i32
      %dma_start3A_190 = tpu.memref_slice %run_scoped3A_5[%dma_start3A_187, %dma_start3A_188, %dma_start3A_189] : memref<2x128x128xf32, #tpu.memory_space<vmem>> -> memref<1x128x128xf32, #tpu.memory_space<vmem>>
      %dma_start3A_191 = tpu.memref_squeeze %dma_start3A_190 : memref<1x128x128xf32, #tpu.memory_space<vmem>> -> memref<128x128xf32, #tpu.memory_space<vmem>>
      %dma_start3A_192 = arith.constant 0 : i32
      %dma_start3A_193 = tpu.memref_slice %arg6[%add3A_186, %dma_start3A_192] : memref<10112x128xf32, #tpu.memory_space<vmem_shared>> -> memref<128x128xf32, #tpu.memory_space<vmem_shared>>
      %dma_start3A_194 = arith.constant 0 : i32
      %dma_start3A_195 = arith.constant 0 : i32
      %dma_start3A_196 = tpu.memref_slice %run_scoped3A_5[%dma_start3A_187, %dma_start3A_194, %dma_start3A_195] : memref<2x128x128xf32, #tpu.memory_space<vmem>> -> memref<1x128x128xf32, #tpu.memory_space<vmem>>
      %dma_start3A_197 = tpu.memref_squeeze %dma_start3A_196 : memref<1x128x128xf32, #tpu.memory_space<vmem>> -> memref<128x128xf32, #tpu.memory_space<vmem>>
      %dma_start3A_198 = arith.constant 0 : i32
      %dma_start3A_199 = tpu.memref_slice %arg6[%add3A_186, %dma_start3A_198] : memref<10112x128xf32, #tpu.memory_space<vmem_shared>> -> memref<128x128xf32, #tpu.memory_space<vmem_shared>>
      tpu.enqueue_dma source(%dma_start3A_199 : memref<128x128xf32, #tpu.memory_space<vmem_shared>>) target(%dma_start3A_197 : memref<128x128xf32, #tpu.memory_space<vmem>>) target_semaphore(%run_scoped3A_7 : memref<!tpu.dma_semaphore, #tpu.memory_space<semaphore_mem>>)
      %add3A_200 = arith.constant 0 : i32
      %add3A_201 = arith.addi %mul3A_3, %add3A_200 : i32
      %dma_wait3A_202 = arith.constant 0 : i32
      %dma_wait3A_203 = arith.constant 0 : i32
      %dma_wait3A_204 = arith.constant 0 : i32
      %dma_wait3A_205 = tpu.memref_slice %run_scoped3A_5[%dma_wait3A_202, %dma_wait3A_203, %dma_wait3A_204] : memref<2x128x128xf32, #tpu.memory_space<vmem>> -> memref<1x128x128xf32, #tpu.memory_space<vmem>>
      %dma_wait3A_206 = tpu.memref_squeeze %dma_wait3A_205 : memref<1x128x128xf32, #tpu.memory_space<vmem>> -> memref<128x128xf32, #tpu.memory_space<vmem>>
      %dma_wait3A_207 = arith.constant 0 : i32
      %dma_wait3A_208 = tpu.memref_slice %arg6[%add3A_201, %dma_wait3A_207] : memref<10112x128xf32, #tpu.memory_space<vmem_shared>> -> memref<128x128xf32, #tpu.memory_space<vmem_shared>>
      %dma_wait3A_209 = arith.constant 0 : i32
      %dma_wait3A_210 = arith.constant 0 : i32
      %dma_wait3A_211 = tpu.memref_slice %run_scoped3A_5[%dma_wait3A_202, %dma_wait3A_209, %dma_wait3A_210] : memref<2x128x128xf32, #tpu.memory_space<vmem>> -> memref<1x128x128xf32, #tpu.memory_space<vmem>>
      %dma_wait3A_212 = tpu.memref_squeeze %dma_wait3A_211 : memref<1x128x128xf32, #tpu.memory_space<vmem>> -> memref<128x128xf32, #tpu.memory_space<vmem>>
      %dma_wait3A_213 = arith.constant 0 : i32
      %dma_wait3A_214 = tpu.memref_slice %arg6[%add3A_201, %dma_wait3A_213] : memref<10112x128xf32, #tpu.memory_space<vmem_shared>> -> memref<128x128xf32, #tpu.memory_space<vmem_shared>>
      tpu.wait_dma2 semaphore(%run_scoped3A_6 : memref<!tpu.dma_semaphore, #tpu.memory_space<semaphore_mem>>) src(%dma_wait3A_214 : memref<128x128xf32, #tpu.memory_space<vmem_shared>>) dst(%dma_wait3A_212 : memref<128x128xf32, #tpu.memory_space<vmem>>)
      %add3A_215 = arith.constant 0 : i32
      %add3A_216 = arith.addi %mul3A_3, %add3A_215 : i32
      %dma_start3A_217 = arith.constant 0 : i32
      %dma_start3A_218 = arith.constant 0 : i32
      %dma_start3A_219 = arith.constant 0 : i32
      %dma_start3A_220 = tpu.memref_slice %run_scoped3A_5[%dma_start3A_217, %dma_start3A_218, %dma_start3A_219] : memref<2x128x128xf32, #tpu.memory_space<vmem>> -> memref<1x128x128xf32, #tpu.memory_space<vmem>>
      %dma_start3A_221 = tpu.memref_squeeze %dma_start3A_220 : memref<1x128x128xf32, #tpu.memory_space<vmem>> -> memref<128x128xf32, #tpu.memory_space<vmem>>
      %dma_start3A_222 = arith.constant 0 : i32
      %dma_start3A_223 = tpu.memref_slice %arg5[%arg0, %add3A_216, %dma_start3A_222] : memref<2x10112x128xf32, #tpu.memory_space<hbm>> -> memref<1x128x128xf32, #tpu.memory_space<hbm>>
      %dma_start3A_224 = tpu.memref_squeeze %dma_start3A_223 : memref<1x128x128xf32, #tpu.memory_space<hbm>> -> memref<128x128xf32, #tpu.memory_space<hbm>>
      %dma_start3A_225 = arith.constant 0 : i32
      %dma_start3A_226 = tpu.memref_slice %arg5[%arg0, %add3A_216, %dma_start3A_225] : memref<2x10112x128xf32, #tpu.memory_space<hbm>> -> memref<1x128x128xf32, #tpu.memory_space<hbm>>
      %dma_start3A_227 = tpu.memref_squeeze %dma_start3A_226 : memref<1x128x128xf32, #tpu.memory_space<hbm>> -> memref<128x128xf32, #tpu.memory_space<hbm>>
      %dma_start3A_228 = arith.constant 0 : i32
      %dma_start3A_229 = arith.constant 0 : i32
      %dma_start3A_230 = tpu.memref_slice %run_scoped3A_5[%dma_start3A_217, %dma_start3A_228, %dma_start3A_229] : memref<2x128x128xf32, #tpu.memory_space<vmem>> -> memref<1x128x128xf32, #tpu.memory_space<vmem>>
      %dma_start3A_231 = tpu.memref_squeeze %dma_start3A_230 : memref<1x128x128xf32, #tpu.memory_space<vmem>> -> memref<128x128xf32, #tpu.memory_space<vmem>>
      tpu.enqueue_dma source(%dma_start3A_231 : memref<128x128xf32, #tpu.memory_space<vmem>>) target(%dma_start3A_227 : memref<128x128xf32, #tpu.memory_space<hbm>>) target_semaphore(%run_scoped3A_8 : memref<!tpu.dma_semaphore, #tpu.memory_space<semaphore_mem>>)
      %dma_wait3A_232 = arith.constant 0 : i32
      %dma_wait3A_233 = arith.constant 0 : i32
      %dma_wait3A_234 = arith.constant 0 : i32
      %dma_wait3A_235 = tpu.memref_slice %run_scoped3A_5[%dma_wait3A_232, %dma_wait3A_233, %dma_wait3A_234] : memref<2x128x128xf32, #tpu.memory_space<vmem>> -> memref<1x128x128xf32, #tpu.memory_space<vmem>>
      %dma_wait3A_236 = tpu.memref_squeeze %dma_wait3A_235 : memref<1x128x128xf32, #tpu.memory_space<vmem>> -> memref<128x128xf32, #tpu.memory_space<vmem>>
      %dma_wait3A_237 = arith.constant 0 : i32
      %dma_wait3A_238 = tpu.memref_slice %arg5[%arg0, %add3A_216, %dma_wait3A_237] : memref<2x10112x128xf32, #tpu.memory_space<hbm>> -> memref<1x128x128xf32, #tpu.memory_space<hbm>>
      %dma_wait3A_239 = tpu.memref_squeeze %dma_wait3A_238 : memref<1x128x128xf32, #tpu.memory_space<hbm>> -> memref<128x128xf32, #tpu.memory_space<hbm>>
      %dma_wait3A_240 = arith.constant 0 : i32
      %dma_wait3A_241 = tpu.memref_slice %arg5[%arg0, %add3A_216, %dma_wait3A_240] : memref<2x10112x128xf32, #tpu.memory_space<hbm>> -> memref<1x128x128xf32, #tpu.memory_space<hbm>>
      %dma_wait3A_242 = tpu.memref_squeeze %dma_wait3A_241 : memref<1x128x128xf32, #tpu.memory_space<hbm>> -> memref<128x128xf32, #tpu.memory_space<hbm>>
      %dma_wait3A_243 = arith.constant 0 : i32
      %dma_wait3A_244 = arith.constant 0 : i32
      %dma_wait3A_245 = tpu.memref_slice %run_scoped3A_5[%dma_wait3A_232, %dma_wait3A_243, %dma_wait3A_244] : memref<2x128x128xf32, #tpu.memory_space<vmem>> -> memref<1x128x128xf32, #tpu.memory_space<vmem>>
      %dma_wait3A_246 = tpu.memref_squeeze %dma_wait3A_245 : memref<1x128x128xf32, #tpu.memory_space<vmem>> -> memref<128x128xf32, #tpu.memory_space<vmem>>
      tpu.wait_dma2 semaphore(%run_scoped3A_8 : memref<!tpu.dma_semaphore, #tpu.memory_space<semaphore_mem>>) src(%dma_wait3A_246 : memref<128x128xf32, #tpu.memory_space<vmem>>) dst(%dma_wait3A_242 : memref<128x128xf32, #tpu.memory_space<hbm>>)
      %add3A_247 = arith.constant 256 : i32
      %add3A_248 = arith.addi %mul3A_3, %add3A_247 : i32
      %dma_start3A_249 = arith.constant 0 : i32
      %dma_start3A_250 = arith.constant 0 : i32
      %dma_start3A_251 = arith.constant 0 : i32
      %dma_start3A_252 = tpu.memref_slice %run_scoped3A_5[%dma_start3A_249, %dma_start3A_250, %dma_start3A_251] : memref<2x128x128xf32, #tpu.memory_space<vmem>> -> memref<1x128x128xf32, #tpu.memory_space<vmem>>
      %dma_start3A_253 = tpu.memref_squeeze %dma_start3A_252 : memref<1x128x128xf32, #tpu.memory_space<vmem>> -> memref<128x128xf32, #tpu.memory_space<vmem>>
      %dma_start3A_254 = arith.constant 0 : i32
      %dma_start3A_255 = tpu.memref_slice %arg6[%add3A_248, %dma_start3A_254] : memref<10112x128xf32, #tpu.memory_space<vmem_shared>> -> memref<128x128xf32, #tpu.memory_space<vmem_shared>>
      %dma_start3A_256 = arith.constant 0 : i32
      %dma_start3A_257 = arith.constant 0 : i32
      %dma_start3A_258 = tpu.memref_slice %run_scoped3A_5[%dma_start3A_249, %dma_start3A_256, %dma_start3A_257] : memref<2x128x128xf32, #tpu.memory_space<vmem>> -> memref<1x128x128xf32, #tpu.memory_space<vmem>>
      %dma_start3A_259 = tpu.memref_squeeze %dma_start3A_258 : memref<1x128x128xf32, #tpu.memory_space<vmem>> -> memref<128x128xf32, #tpu.memory_space<vmem>>
      %dma_start3A_260 = arith.constant 0 : i32
      %dma_start3A_261 = tpu.memref_slice %arg6[%add3A_248, %dma_start3A_260] : memref<10112x128xf32, #tpu.memory_space<vmem_shared>> -> memref<128x128xf32, #tpu.memory_space<vmem_shared>>
      tpu.enqueue_dma source(%dma_start3A_261 : memref<128x128xf32, #tpu.memory_space<vmem_shared>>) target(%dma_start3A_259 : memref<128x128xf32, #tpu.memory_space<vmem>>) target_semaphore(%run_scoped3A_6 : memref<!tpu.dma_semaphore, #tpu.memory_space<semaphore_mem>>)
      %add3A_262 = arith.constant 128 : i32
      %add3A_263 = arith.addi %mul3A_3, %add3A_262 : i32
      %dma_wait3A_264 = arith.constant 1 : i32
      %dma_wait3A_265 = arith.constant 0 : i32
      %dma_wait3A_266 = arith.constant 0 : i32
      %dma_wait3A_267 = tpu.memref_slice %run_scoped3A_5[%dma_wait3A_264, %dma_wait3A_265, %dma_wait3A_266] : memref<2x128x128xf32, #tpu.memory_space<vmem>> -> memref<1x128x128xf32, #tpu.memory_space<vmem>>
      %dma_wait3A_268 = tpu.memref_squeeze %dma_wait3A_267 : memref<1x128x128xf32, #tpu.memory_space<vmem>> -> memref<128x128xf32, #tpu.memory_space<vmem>>
      %dma_wait3A_269 = arith.constant 0 : i32
      %dma_wait3A_270 = tpu.memref_slice %arg6[%add3A_263, %dma_wait3A_269] : memref<10112x128xf32, #tpu.memory_space<vmem_shared>> -> memref<128x128xf32, #tpu.memory_space<vmem_shared>>
      %dma_wait3A_271 = arith.constant 0 : i32
      %dma_wait3A_272 = arith.constant 0 : i32
      %dma_wait3A_273 = tpu.memref_slice %run_scoped3A_5[%dma_wait3A_264, %dma_wait3A_271, %dma_wait3A_272] : memref<2x128x128xf32, #tpu.memory_space<vmem>> -> memref<1x128x128xf32, #tpu.memory_space<vmem>>
      %dma_wait3A_274 = tpu.memref_squeeze %dma_wait3A_273 : memref<1x128x128xf32, #tpu.memory_space<vmem>> -> memref<128x128xf32, #tpu.memory_space<vmem>>
      %dma_wait3A_275 = arith.constant 0 : i32
      %dma_wait3A_276 = tpu.memref_slice %arg6[%add3A_263, %dma_wait3A_275] : memref<10112x128xf32, #tpu.memory_space<vmem_shared>> -> memref<128x128xf32, #tpu.memory_space<vmem_shared>>
      tpu.wait_dma2 semaphore(%run_scoped3A_7 : memref<!tpu.dma_semaphore, #tpu.memory_space<semaphore_mem>>) src(%dma_wait3A_276 : memref<128x128xf32, #tpu.memory_space<vmem_shared>>) dst(%dma_wait3A_274 : memref<128x128xf32, #tpu.memory_space<vmem>>)
      %add3A_277 = arith.constant 128 : i32
      %add3A_278 = arith.addi %mul3A_3, %add3A_277 : i32
      %dma_start3A_279 = arith.constant 1 : i32
      %dma_start3A_280 = arith.constant 0 : i32
      %dma_start3A_281 = arith.constant 0 : i32
      %dma_start3A_282 = tpu.memref_slice %run_scoped3A_5[%dma_start3A_279, %dma_start3A_280, %dma_start3A_281] : memref<2x128x128xf32, #tpu.memory_space<vmem>> -> memref<1x128x128xf32, #tpu.memory_space<vmem>>
      %dma_start3A_283 = tpu.memref_squeeze %dma_start3A_282 : memref<1x128x128xf32, #tpu.memory_space<vmem>> -> memref<128x128xf32, #tpu.memory_space<vmem>>
      %dma_start3A_284 = arith.constant 0 : i32
      %dma_start3A_285 = tpu.memref_slice %arg5[%arg0, %add3A_278, %dma_start3A_284] : memref<2x10112x128xf32, #tpu.memory_space<hbm>> -> memref<1x128x128xf32, #tpu.memory_space<hbm>>
      %dma_start3A_286 = tpu.memref_squeeze %dma_start3A_285 : memref<1x128x128xf32, #tpu.memory_space<hbm>> -> memref<128x128xf32, #tpu.memory_space<hbm>>
      %dma_start3A_287 = arith.constant 0 : i32
      %dma_start3A_288 = tpu.memref_slice %arg5[%arg0, %add3A_278, %dma_start3A_287] : memref<2x10112x128xf32, #tpu.memory_space<hbm>> -> memref<1x128x128xf32, #tpu.memory_space<hbm>>
      %dma_start3A_289 = tpu.memref_squeeze %dma_start3A_288 : memref<1x128x128xf32, #tpu.memory_space<hbm>> -> memref<128x128xf32, #tpu.memory_space<hbm>>
      %dma_start3A_290 = arith.constant 0 : i32
      %dma_start3A_291 = arith.constant 0 : i32
      %dma_start3A_292 = tpu.memref_slice %run_scoped3A_5[%dma_start3A_279, %dma_start3A_290, %dma_start3A_291] : memref<2x128x128xf32, #tpu.memory_space<vmem>> -> memref<1x128x128xf32, #tpu.memory_space<vmem>>
      %dma_start3A_293 = tpu.memref_squeeze %dma_start3A_292 : memref<1x128x128xf32, #tpu.memory_space<vmem>> -> memref<128x128xf32, #tpu.memory_space<vmem>>
      tpu.enqueue_dma source(%dma_start3A_293 : memref<128x128xf32, #tpu.memory_space<vmem>>) target(%dma_start3A_289 : memref<128x128xf32, #tpu.memory_space<hbm>>) target_semaphore(%run_scoped3A_9 : memref<!tpu.dma_semaphore, #tpu.memory_space<semaphore_mem>>)
      %dma_wait3A_294 = arith.constant 1 : i32
      %dma_wait3A_295 = arith.constant 0 : i32
      %dma_wait3A_296 = arith.constant 0 : i32
      %dma_wait3A_297 = tpu.memref_slice %run_scoped3A_5[%dma_wait3A_294, %dma_wait3A_295, %dma_wait3A_296] : memref<2x128x128xf32, #tpu.memory_space<vmem>> -> memref<1x128x128xf32, #tpu.memory_space<vmem>>
      %dma_wait3A_298 = tpu.memref_squeeze %dma_wait3A_297 : memref<1x128x128xf32, #tpu.memory_space<vmem>> -> memref<128x128xf32, #tpu.memory_space<vmem>>
      %dma_wait3A_299 = arith.constant 0 : i32
      %dma_wait3A_300 = tpu.memref_slice %arg5[%arg0, %add3A_278, %dma_wait3A_299] : memref<2x10112x128xf32, #tpu.memory_space<hbm>> -> memref<1x128x128xf32, #tpu.memory_space<hbm>>
      %dma_wait3A_301 = tpu.memref_squeeze %dma_wait3A_300 : memref<1x128x128xf32, #tpu.memory_space<hbm>> -> memref<128x128xf32, #tpu.memory_space<hbm>>
      %dma_wait3A_302 = arith.constant 0 : i32
      %dma_wait3A_303 = tpu.memref_slice %arg5[%arg0, %add3A_278, %dma_wait3A_302] : memref<2x10112x128xf32, #tpu.memory_space<hbm>> -> memref<1x128x128xf32, #tpu.memory_space<hbm>>
      %dma_wait3A_304 = tpu.memref_squeeze %dma_wait3A_303 : memref<1x128x128xf32, #tpu.memory_space<hbm>> -> memref<128x128xf32, #tpu.memory_space<hbm>>
      %dma_wait3A_305 = arith.constant 0 : i32
      %dma_wait3A_306 = arith.constant 0 : i32
      %dma_wait3A_307 = tpu.memref_slice %run_scoped3A_5[%dma_wait3A_294, %dma_wait3A_305, %dma_wait3A_306] : memref<2x128x128xf32, #tpu.memory_space<vmem>> -> memref<1x128x128xf32, #tpu.memory_space<vmem>>
      %dma_wait3A_308 = tpu.memref_squeeze %dma_wait3A_307 : memref<1x128x128xf32, #tpu.memory_space<vmem>> -> memref<128x128xf32, #tpu.memory_space<vmem>>
      tpu.wait_dma2 semaphore(%run_scoped3A_9 : memref<!tpu.dma_semaphore, #tpu.memory_space<semaphore_mem>>) src(%dma_wait3A_308 : memref<128x128xf32, #tpu.memory_space<vmem>>) dst(%dma_wait3A_304 : memref<128x128xf32, #tpu.memory_space<hbm>>)
      %add3A_309 = arith.constant 384 : i32
      %add3A_310 = arith.addi %mul3A_3, %add3A_309 : i32
      %dma_start3A_311 = arith.constant 1 : i32
      %dma_start3A_312 = arith.constant 0 : i32
      %dma_start3A_313 = arith.constant 0 : i32
      %dma_start3A_314 = tpu.memref_slice %run_scoped3A_5[%dma_start3A_311, %dma_start3A_312, %dma_start3A_313] : memref<2x128x128xf32, #tpu.memory_space<vmem>> -> memref<1x128x128xf32, #tpu.memory_space<vmem>>
      %dma_start3A_315 = tpu.memref_squeeze %dma_start3A_314 : memref<1x128x128xf32, #tpu.memory_space<vmem>> -> memref<128x128xf32, #tpu.memory_space<vmem>>
      %dma_start3A_316 = arith.constant 0 : i32
      %dma_start3A_317 = tpu.memref_slice %arg6[%add3A_310, %dma_start3A_316] : memref<10112x128xf32, #tpu.memory_space<vmem_shared>> -> memref<128x128xf32, #tpu.memory_space<vmem_shared>>
      %dma_start3A_318 = arith.constant 0 : i32
      %dma_start3A_319 = arith.constant 0 : i32
      %dma_start3A_320 = tpu.memref_slice %run_scoped3A_5[%dma_start3A_311, %dma_start3A_318, %dma_start3A_319] : memref<2x128x128xf32, #tpu.memory_space<vmem>> -> memref<1x128x128xf32, #tpu.memory_space<vmem>>
      %dma_start3A_321 = tpu.memref_squeeze %dma_start3A_320 : memref<1x128x128xf32, #tpu.memory_space<vmem>> -> memref<128x128xf32, #tpu.memory_space<vmem>>
      %dma_start3A_322 = arith.constant 0 : i32
      %dma_start3A_323 = tpu.memref_slice %arg6[%add3A_310, %dma_start3A_322] : memref<10112x128xf32, #tpu.memory_space<vmem_shared>> -> memref<128x128xf32, #tpu.memory_space<vmem_shared>>
      tpu.enqueue_dma source(%dma_start3A_323 : memref<128x128xf32, #tpu.memory_space<vmem_shared>>) target(%dma_start3A_321 : memref<128x128xf32, #tpu.memory_space<vmem>>) target_semaphore(%run_scoped3A_7 : memref<!tpu.dma_semaphore, #tpu.memory_space<semaphore_mem>>)
      %add3A_324 = arith.constant 256 : i32
      %add3A_325 = arith.addi %mul3A_3, %add3A_324 : i32
      %dma_wait3A_326 = arith.constant 0 : i32
      %dma_wait3A_327 = arith.constant 0 : i32
      %dma_wait3A_328 = arith.constant 0 : i32
      %dma_wait3A_329 = tpu.memref_slice %run_scoped3A_5[%dma_wait3A_326, %dma_wait3A_327, %dma_wait3A_328] : memref<2x128x128xf32, #tpu.memory_space<vmem>> -> memref<1x128x128xf32, #tpu.memory_space<vmem>>
      %dma_wait3A_330 = tpu.memref_squeeze %dma_wait3A_329 : memref<1x128x128xf32, #tpu.memory_space<vmem>> -> memref<128x128xf32, #tpu.memory_space<vmem>>
      %dma_wait3A_331 = arith.constant 0 : i32
      %dma_wait3A_332 = tpu.memref_slice %arg6[%add3A_325, %dma_wait3A_331] : memref<10112x128xf32, #tpu.memory_space<vmem_shared>> -> memref<128x128xf32, #tpu.memory_space<vmem_shared>>
      %dma_wait3A_333 = arith.constant 0 : i32
      %dma_wait3A_334 = arith.constant 0 : i32
      %dma_wait3A_335 = tpu.memref_slice %run_scoped3A_5[%dma_wait3A_326, %dma_wait3A_333, %dma_wait3A_334] : memref<2x128x128xf32, #tpu.memory_space<vmem>> -> memref<1x128x128xf32, #tpu.memory_space<vmem>>
      %dma_wait3A_336 = tpu.memref_squeeze %dma_wait3A_335 : memref<1x128x128xf32, #tpu.memory_space<vmem>> -> memref<128x128xf32, #tpu.memory_space<vmem>>
      %dma_wait3A_337 = arith.constant 0 : i32
      %dma_wait3A_338 = tpu.memref_slice %arg6[%add3A_325, %dma_wait3A_337] : memref<10112x128xf32, #tpu.memory_space<vmem_shared>> -> memref<128x128xf32, #tpu.memory_space<vmem_shared>>
      tpu.wait_dma2 semaphore(%run_scoped3A_6 : memref<!tpu.dma_semaphore, #tpu.memory_space<semaphore_mem>>) src(%dma_wait3A_338 : memref<128x128xf32, #tpu.memory_space<vmem_shared>>) dst(%dma_wait3A_336 : memref<128x128xf32, #tpu.memory_space<vmem>>)
      %add3A_339 = arith.constant 256 : i32
      %add3A_340 = arith.addi %mul3A_3, %add3A_339 : i32
      %dma_start3A_341 = arith.constant 0 : i32
      %dma_start3A_342 = arith.constant 0 : i32
      %dma_start3A_343 = arith.constant 0 : i32
      %dma_start3A_344 = tpu.memref_slice %run_scoped3A_5[%dma_start3A_341, %dma_start3A_342, %dma_start3A_343] : memref<2x128x128xf32, #tpu.memory_space<vmem>> -> memref<1x128x128xf32, #tpu.memory_space<vmem>>
      %dma_start3A_345 = tpu.memref_squeeze %dma_start3A_344 : memref<1x128x128xf32, #tpu.memory_space<vmem>> -> memref<128x128xf32, #tpu.memory_space<vmem>>
      %dma_start3A_346 = arith.constant 0 : i32
      %dma_start3A_347 = tpu.memref_slice %arg5[%arg0, %add3A_340, %dma_start3A_346] : memref<2x10112x128xf32, #tpu.memory_space<hbm>> -> memref<1x128x128xf32, #tpu.memory_space<hbm>>
      %dma_start3A_348 = tpu.memref_squeeze %dma_start3A_347 : memref<1x128x128xf32, #tpu.memory_space<hbm>> -> memref<128x128xf32, #tpu.memory_space<hbm>>
      %dma_start3A_349 = arith.constant 0 : i32
      %dma_start3A_350 = tpu.memref_slice %arg5[%arg0, %add3A_340, %dma_start3A_349] : memref<2x10112x128xf32, #tpu.memory_space<hbm>> -> memref<1x128x128xf32, #tpu.memory_space<hbm>>
      %dma_start3A_351 = tpu.memref_squeeze %dma_start3A_350 : memref<1x128x128xf32, #tpu.memory_space<hbm>> -> memref<128x128xf32, #tpu.memory_space<hbm>>
      %dma_start3A_352 = arith.constant 0 : i32
      %dma_start3A_353 = arith.constant 0 : i32
      %dma_start3A_354 = tpu.memref_slice %run_scoped3A_5[%dma_start3A_341, %dma_start3A_352, %dma_start3A_353] : memref<2x128x128xf32, #tpu.memory_space<vmem>> -> memref<1x128x128xf32, #tpu.memory_space<vmem>>
      %dma_start3A_355 = tpu.memref_squeeze %dma_start3A_354 : memref<1x128x128xf32, #tpu.memory_space<vmem>> -> memref<128x128xf32, #tpu.memory_space<vmem>>
      tpu.enqueue_dma source(%dma_start3A_355 : memref<128x128xf32, #tpu.memory_space<vmem>>) target(%dma_start3A_351 : memref<128x128xf32, #tpu.memory_space<hbm>>) target_semaphore(%run_scoped3A_8 : memref<!tpu.dma_semaphore, #tpu.memory_space<semaphore_mem>>)
      %dma_wait3A_356 = arith.constant 0 : i32
      %dma_wait3A_357 = arith.constant 0 : i32
      %dma_wait3A_358 = arith.constant 0 : i32
      %dma_wait3A_359 = tpu.memref_slice %run_scoped3A_5[%dma_wait3A_356, %dma_wait3A_357, %dma_wait3A_358] : memref<2x128x128xf32, #tpu.memory_space<vmem>> -> memref<1x128x128xf32, #tpu.memory_space<vmem>>
      %dma_wait3A_360 = tpu.memref_squeeze %dma_wait3A_359 : memref<1x128x128xf32, #tpu.memory_space<vmem>> -> memref<128x128xf32, #tpu.memory_space<vmem>>
      %dma_wait3A_361 = arith.constant 0 : i32
      %dma_wait3A_362 = tpu.memref_slice %arg5[%arg0, %add3A_340, %dma_wait3A_361] : memref<2x10112x128xf32, #tpu.memory_space<hbm>> -> memref<1x128x128xf32, #tpu.memory_space<hbm>>
      %dma_wait3A_363 = tpu.memref_squeeze %dma_wait3A_362 : memref<1x128x128xf32, #tpu.memory_space<hbm>> -> memref<128x128xf32, #tpu.memory_space<hbm>>
      %dma_wait3A_364 = arith.constant 0 : i32
      %dma_wait3A_365 = tpu.memref_slice %arg5[%arg0, %add3A_340, %dma_wait3A_364] : memref<2x10112x128xf32, #tpu.memory_space<hbm>> -> memref<1x128x128xf32, #tpu.memory_space<hbm>>
      %dma_wait3A_366 = tpu.memref_squeeze %dma_wait3A_365 : memref<1x128x128xf32, #tpu.memory_space<hbm>> -> memref<128x128xf32, #tpu.memory_space<hbm>>
      %dma_wait3A_367 = arith.constant 0 : i32
      %dma_wait3A_368 = arith.constant 0 : i32
      %dma_wait3A_369 = tpu.memref_slice %run_scoped3A_5[%dma_wait3A_356, %dma_wait3A_367, %dma_wait3A_368] : memref<2x128x128xf32, #tpu.memory_space<vmem>> -> memref<1x128x128xf32, #tpu.memory_space<vmem>>
      %dma_wait3A_370 = tpu.memref_squeeze %dma_wait3A_369 : memref<1x128x128xf32, #tpu.memory_space<vmem>> -> memref<128x128xf32, #tpu.memory_space<vmem>>
      tpu.wait_dma2 semaphore(%run_scoped3A_8 : memref<!tpu.dma_semaphore, #tpu.memory_space<semaphore_mem>>) src(%dma_wait3A_370 : memref<128x128xf32, #tpu.memory_space<vmem>>) dst(%dma_wait3A_366 : memref<128x128xf32, #tpu.memory_space<hbm>>)
      %dma_start3A_371 = arith.constant 0 : i32
      %dma_start3A_372 = arith.constant 0 : i32
      %dma_start3A_373 = arith.constant 0 : i32
      %dma_start3A_374 = tpu.memref_slice %run_scoped3A_5[%dma_start3A_371, %dma_start3A_372, %dma_start3A_373] : memref<2x128x128xf32, #tpu.memory_space<vmem>> -> memref<1x120x128xf32, #tpu.memory_space<vmem>>
      %dma_start3A_375 = tpu.memref_squeeze %dma_start3A_374 : memref<1x120x128xf32, #tpu.memory_space<vmem>> -> memref<120x128xf32, #tpu.memory_space<vmem>>
      %dma_start3A_376 = arith.constant 0 : i32
      %dma_start3A_377 = tpu.memref_slice %arg6[%add3A_169, %dma_start3A_376] : memref<10112x128xf32, #tpu.memory_space<vmem_shared>> -> memref<120x128xf32, #tpu.memory_space<vmem_shared>>
      %dma_start3A_378 = arith.constant 0 : i32
      %dma_start3A_379 = arith.constant 0 : i32
      %dma_start3A_380 = tpu.memref_slice %run_scoped3A_5[%dma_start3A_371, %dma_start3A_378, %dma_start3A_379] : memref<2x128x128xf32, #tpu.memory_space<vmem>> -> memref<1x120x128xf32, #tpu.memory_space<vmem>>
      %dma_start3A_381 = tpu.memref_squeeze %dma_start3A_380 : memref<1x120x128xf32, #tpu.memory_space<vmem>> -> memref<120x128xf32, #tpu.memory_space<vmem>>
      %dma_start3A_382 = arith.constant 0 : i32
      %dma_start3A_383 = tpu.memref_slice %arg6[%add3A_169, %dma_start3A_382] : memref<10112x128xf32, #tpu.memory_space<vmem_shared>> -> memref<120x128xf32, #tpu.memory_space<vmem_shared>>
      tpu.enqueue_dma source(%dma_start3A_383 : memref<120x128xf32, #tpu.memory_space<vmem_shared>>) target(%dma_start3A_381 : memref<120x128xf32, #tpu.memory_space<vmem>>) target_semaphore(%run_scoped3A_6 : memref<!tpu.dma_semaphore, #tpu.memory_space<semaphore_mem>>)
      %add3A_384 = arith.constant 384 : i32
      %add3A_385 = arith.addi %mul3A_3, %add3A_384 : i32
      %dma_wait3A_386 = arith.constant 1 : i32
      %dma_wait3A_387 = arith.constant 0 : i32
      %dma_wait3A_388 = arith.constant 0 : i32
      %dma_wait3A_389 = tpu.memref_slice %run_scoped3A_5[%dma_wait3A_386, %dma_wait3A_387, %dma_wait3A_388] : memref<2x128x128xf32, #tpu.memory_space<vmem>> -> memref<1x128x128xf32, #tpu.memory_space<vmem>>
      %dma_wait3A_390 = tpu.memref_squeeze %dma_wait3A_389 : memref<1x128x128xf32, #tpu.memory_space<vmem>> -> memref<128x128xf32, #tpu.memory_space<vmem>>
      %dma_wait3A_391 = arith.constant 0 : i32
      %dma_wait3A_392 = tpu.memref_slice %arg6[%add3A_385, %dma_wait3A_391] : memref<10112x128xf32, #tpu.memory_space<vmem_shared>> -> memref<128x128xf32, #tpu.memory_space<vmem_shared>>
      %dma_wait3A_393 = arith.constant 0 : i32
      %dma_wait3A_394 = arith.constant 0 : i32
      %dma_wait3A_395 = tpu.memref_slice %run_scoped3A_5[%dma_wait3A_386, %dma_wait3A_393, %dma_wait3A_394] : memref<2x128x128xf32, #tpu.memory_space<vmem>> -> memref<1x128x128xf32, #tpu.memory_space<vmem>>
      %dma_wait3A_396 = tpu.memref_squeeze %dma_wait3A_395 : memref<1x128x128xf32, #tpu.memory_space<vmem>> -> memref<128x128xf32, #tpu.memory_space<vmem>>
      %dma_wait3A_397 = arith.constant 0 : i32
      %dma_wait3A_398 = tpu.memref_slice %arg6[%add3A_385, %dma_wait3A_397] : memref<10112x128xf32, #tpu.memory_space<vmem_shared>> -> memref<128x128xf32, #tpu.memory_space<vmem_shared>>
      tpu.wait_dma2 semaphore(%run_scoped3A_7 : memref<!tpu.dma_semaphore, #tpu.memory_space<semaphore_mem>>) src(%dma_wait3A_398 : memref<128x128xf32, #tpu.memory_space<vmem_shared>>) dst(%dma_wait3A_396 : memref<128x128xf32, #tpu.memory_space<vmem>>)
      %add3A_399 = arith.constant 384 : i32
      %add3A_400 = arith.addi %mul3A_3, %add3A_399 : i32
      %dma_start3A_401 = arith.constant 1 : i32
      %dma_start3A_402 = arith.constant 0 : i32
      %dma_start3A_403 = arith.constant 0 : i32
      %dma_start3A_404 = tpu.memref_slice %run_scoped3A_5[%dma_start3A_401, %dma_start3A_402, %dma_start3A_403] : memref<2x128x128xf32, #tpu.memory_space<vmem>> -> memref<1x128x128xf32, #tpu.memory_space<vmem>>
      %dma_start3A_405 = tpu.memref_squeeze %dma_start3A_404 : memref<1x128x128xf32, #tpu.memory_space<vmem>> -> memref<128x128xf32, #tpu.memory_space<vmem>>
      %dma_start3A_406 = arith.constant 0 : i32
      %dma_start3A_407 = tpu.memref_slice %arg5[%arg0, %add3A_400, %dma_start3A_406] : memref<2x10112x128xf32, #tpu.memory_space<hbm>> -> memref<1x128x128xf32, #tpu.memory_space<hbm>>
      %dma_start3A_408 = tpu.memref_squeeze %dma_start3A_407 : memref<1x128x128xf32, #tpu.memory_space<hbm>> -> memref<128x128xf32, #tpu.memory_space<hbm>>
      %dma_start3A_409 = arith.constant 0 : i32
      %dma_start3A_410 = tpu.memref_slice %arg5[%arg0, %add3A_400, %dma_start3A_409] : memref<2x10112x128xf32, #tpu.memory_space<hbm>> -> memref<1x128x128xf32, #tpu.memory_space<hbm>>
      %dma_start3A_411 = tpu.memref_squeeze %dma_start3A_410 : memref<1x128x128xf32, #tpu.memory_space<hbm>> -> memref<128x128xf32, #tpu.memory_space<hbm>>
      %dma_start3A_412 = arith.constant 0 : i32
      %dma_start3A_413 = arith.constant 0 : i32
      %dma_start3A_414 = tpu.memref_slice %run_scoped3A_5[%dma_start3A_401, %dma_start3A_412, %dma_start3A_413] : memref<2x128x128xf32, #tpu.memory_space<vmem>> -> memref<1x128x128xf32, #tpu.memory_space<vmem>>
      %dma_start3A_415 = tpu.memref_squeeze %dma_start3A_414 : memref<1x128x128xf32, #tpu.memory_space<vmem>> -> memref<128x128xf32, #tpu.memory_space<vmem>>
      tpu.enqueue_dma source(%dma_start3A_415 : memref<128x128xf32, #tpu.memory_space<vmem>>) target(%dma_start3A_411 : memref<128x128xf32, #tpu.memory_space<hbm>>) target_semaphore(%run_scoped3A_9 : memref<!tpu.dma_semaphore, #tpu.memory_space<semaphore_mem>>)
      %dma_wait3A_416 = arith.constant 0 : i32
      %dma_wait3A_417 = arith.constant 0 : i32
      %dma_wait3A_418 = arith.constant 0 : i32
      %dma_wait3A_419 = tpu.memref_slice %run_scoped3A_5[%dma_wait3A_416, %dma_wait3A_417, %dma_wait3A_418] : memref<2x128x128xf32, #tpu.memory_space<vmem>> -> memref<1x120x128xf32, #tpu.memory_space<vmem>>
      %dma_wait3A_420 = tpu.memref_squeeze %dma_wait3A_419 : memref<1x120x128xf32, #tpu.memory_space<vmem>> -> memref<120x128xf32, #tpu.memory_space<vmem>>
      %dma_wait3A_421 = arith.constant 0 : i32
      %dma_wait3A_422 = tpu.memref_slice %arg6[%add3A_169, %dma_wait3A_421] : memref<10112x128xf32, #tpu.memory_space<vmem_shared>> -> memref<120x128xf32, #tpu.memory_space<vmem_shared>>
      %dma_wait3A_423 = arith.constant 0 : i32
      %dma_wait3A_424 = arith.constant 0 : i32
      %dma_wait3A_425 = tpu.memref_slice %run_scoped3A_5[%dma_wait3A_416, %dma_wait3A_423, %dma_wait3A_424] : memref<2x128x128xf32, #tpu.memory_space<vmem>> -> memref<1x120x128xf32, #tpu.memory_space<vmem>>
      %dma_wait3A_426 = tpu.memref_squeeze %dma_wait3A_425 : memref<1x120x128xf32, #tpu.memory_space<vmem>> -> memref<120x128xf32, #tpu.memory_space<vmem>>
      %dma_wait3A_427 = arith.constant 0 : i32
      %dma_wait3A_428 = tpu.memref_slice %arg6[%add3A_169, %dma_wait3A_427] : memref<10112x128xf32, #tpu.memory_space<vmem_shared>> -> memref<120x128xf32, #tpu.memory_space<vmem_shared>>
      tpu.wait_dma2 semaphore(%run_scoped3A_6 : memref<!tpu.dma_semaphore, #tpu.memory_space<semaphore_mem>>) src(%dma_wait3A_428 : memref<120x128xf32, #tpu.memory_space<vmem_shared>>) dst(%dma_wait3A_426 : memref<120x128xf32, #tpu.memory_space<vmem>>)
      %dma_start3A_429 = arith.constant 0 : i32
      %dma_start3A_430 = arith.constant 0 : i32
      %dma_start3A_431 = arith.constant 0 : i32
      %dma_start3A_432 = tpu.memref_slice %run_scoped3A_5[%dma_start3A_429, %dma_start3A_430, %dma_start3A_431] : memref<2x128x128xf32, #tpu.memory_space<vmem>> -> memref<1x120x128xf32, #tpu.memory_space<vmem>>
      %dma_start3A_433 = tpu.memref_squeeze %dma_start3A_432 : memref<1x120x128xf32, #tpu.memory_space<vmem>> -> memref<120x128xf32, #tpu.memory_space<vmem>>
      %dma_start3A_434 = arith.constant 0 : i32
      %dma_start3A_435 = tpu.memref_slice %arg5[%arg0, %add3A_169, %dma_start3A_434] : memref<2x10112x128xf32, #tpu.memory_space<hbm>> -> memref<1x120x128xf32, #tpu.memory_space<hbm>>
      %dma_start3A_436 = tpu.memref_squeeze %dma_start3A_435 : memref<1x120x128xf32, #tpu.memory_space<hbm>> -> memref<120x128xf32, #tpu.memory_space<hbm>>
      %dma_start3A_437 = arith.constant 0 : i32
      %dma_start3A_438 = tpu.memref_slice %arg5[%arg0, %add3A_169, %dma_start3A_437] : memref<2x10112x128xf32, #tpu.memory_space<hbm>> -> memref<1x120x128xf32, #tpu.memory_space<hbm>>
      %dma_start3A_439 = tpu.memref_squeeze %dma_start3A_438 : memref<1x120x128xf32, #tpu.memory_space<hbm>> -> memref<120x128xf32, #tpu.memory_space<hbm>>
      %dma_start3A_440 = arith.constant 0 : i32
      %dma_start3A_441 = arith.constant 0 : i32
      %dma_start3A_442 = tpu.memref_slice %run_scoped3A_5[%dma_start3A_429, %dma_start3A_440, %dma_start3A_441] : memref<2x128x128xf32, #tpu.memory_space<vmem>> -> memref<1x120x128xf32, #tpu.memory_space<vmem>>
      %dma_start3A_443 = tpu.memref_squeeze %dma_start3A_442 : memref<1x120x128xf32, #tpu.memory_space<vmem>> -> memref<120x128xf32, #tpu.memory_space<vmem>>
      tpu.enqueue_dma source(%dma_start3A_443 : memref<120x128xf32, #tpu.memory_space<vmem>>) target(%dma_start3A_439 : memref<120x128xf32, #tpu.memory_space<hbm>>) target_semaphore(%run_scoped3A_8 : memref<!tpu.dma_semaphore, #tpu.memory_space<semaphore_mem>>)
      %add3A_444 = arith.constant 384 : i32
      %add3A_445 = arith.addi %mul3A_3, %add3A_444 : i32
      %dma_wait3A_446 = arith.constant 1 : i32
      %dma_wait3A_447 = arith.constant 0 : i32
      %dma_wait3A_448 = arith.constant 0 : i32
      %dma_wait3A_449 = tpu.memref_slice %run_scoped3A_5[%dma_wait3A_446, %dma_wait3A_447, %dma_wait3A_448] : memref<2x128x128xf32, #tpu.memory_space<vmem>> -> memref<1x128x128xf32, #tpu.memory_space<vmem>>
      %dma_wait3A_450 = tpu.memref_squeeze %dma_wait3A_449 : memref<1x128x128xf32, #tpu.memory_space<vmem>> -> memref<128x128xf32, #tpu.memory_space<vmem>>
      %dma_wait3A_451 = arith.constant 0 : i32
      %dma_wait3A_452 = tpu.memref_slice %arg5[%arg0, %add3A_445, %dma_wait3A_451] : memref<2x10112x128xf32, #tpu.memory_space<hbm>> -> memref<1x128x128xf32, #tpu.memory_space<hbm>>
      %dma_wait3A_453 = tpu.memref_squeeze %dma_wait3A_452 : memref<1x128x128xf32, #tpu.memory_space<hbm>> -> memref<128x128xf32, #tpu.memory_space<hbm>>
      %dma_wait3A_454 = arith.constant 0 : i32
      %dma_wait3A_455 = tpu.memref_slice %arg5[%arg0, %add3A_445, %dma_wait3A_454] : memref<2x10112x128xf32, #tpu.memory_space<hbm>> -> memref<1x128x128xf32, #tpu.memory_space<hbm>>
      %dma_wait3A_456 = tpu.memref_squeeze %dma_wait3A_455 : memref<1x128x128xf32, #tpu.memory_space<hbm>> -> memref<128x128xf32, #tpu.memory_space<hbm>>
      %dma_wait3A_457 = arith.constant 0 : i32
      %dma_wait3A_458 = arith.constant 0 : i32
      %dma_wait3A_459 = tpu.memref_slice %run_scoped3A_5[%dma_wait3A_446, %dma_wait3A_457, %dma_wait3A_458] : memref<2x128x128xf32, #tpu.memory_space<vmem>> -> memref<1x128x128xf32, #tpu.memory_space<vmem>>
      %dma_wait3A_460 = tpu.memref_squeeze %dma_wait3A_459 : memref<1x128x128xf32, #tpu.memory_space<vmem>> -> memref<128x128xf32, #tpu.memory_space<vmem>>
      tpu.wait_dma2 semaphore(%run_scoped3A_9 : memref<!tpu.dma_semaphore, #tpu.memory_space<semaphore_mem>>) src(%dma_wait3A_460 : memref<128x128xf32, #tpu.memory_space<vmem>>) dst(%dma_wait3A_456 : memref<128x128xf32, #tpu.memory_space<hbm>>)
      %dma_wait3A_461 = arith.constant 0 : i32
      %dma_wait3A_462 = arith.constant 0 : i32
      %dma_wait3A_463 = arith.constant 0 : i32
      %dma_wait3A_464 = tpu.memref_slice %run_scoped3A_5[%dma_wait3A_461, %dma_wait3A_462, %dma_wait3A_463] : memref<2x128x128xf32, #tpu.memory_space<vmem>> -> memref<1x120x128xf32, #tpu.memory_space<vmem>>
      %dma_wait3A_465 = tpu.memref_squeeze %dma_wait3A_464 : memref<1x120x128xf32, #tpu.memory_space<vmem>> -> memref<120x128xf32, #tpu.memory_space<vmem>>
      %dma_wait3A_466 = arith.constant 0 : i32
      %dma_wait3A_467 = tpu.memref_slice %arg5[%arg0, %add3A_169, %dma_wait3A_466] : memref<2x10112x128xf32, #tpu.memory_space<hbm>> -> memref<1x120x128xf32, #tpu.memory_space<hbm>>
      %dma_wait3A_468 = tpu.memref_squeeze %dma_wait3A_467 : memref<1x120x128xf32, #tpu.memory_space<hbm>> -> memref<120x128xf32, #tpu.memory_space<hbm>>
      %dma_wait3A_469 = arith.constant 0 : i32
      %dma_wait3A_470 = tpu.memref_slice %arg5[%arg0, %add3A_169, %dma_wait3A_469] : memref<2x10112x128xf32, #tpu.memory_space<hbm>> -> memref<1x120x128xf32, #tpu.memory_space<hbm>>
      %dma_wait3A_471 = tpu.memref_squeeze %dma_wait3A_470 : memref<1x120x128xf32, #tpu.memory_space<hbm>> -> memref<120x128xf32, #tpu.memory_space<hbm>>
      %dma_wait3A_472 = arith.constant 0 : i32
      %dma_wait3A_473 = arith.constant 0 : i32
      %dma_wait3A_474 = tpu.memref_slice %run_scoped3A_5[%dma_wait3A_461, %dma_wait3A_472, %dma_wait3A_473] : memref<2x128x128xf32, #tpu.memory_space<vmem>> -> memref<1x120x128xf32, #tpu.memory_space<vmem>>
      %dma_wait3A_475 = tpu.memref_squeeze %dma_wait3A_474 : memref<1x120x128xf32, #tpu.memory_space<vmem>> -> memref<120x128xf32, #tpu.memory_space<vmem>>
      tpu.wait_dma2 semaphore(%run_scoped3A_8 : memref<!tpu.dma_semaphore, #tpu.memory_space<semaphore_mem>>) src(%dma_wait3A_475 : memref<120x128xf32, #tpu.memory_space<vmem>>) dst(%dma_wait3A_471 : memref<120x128xf32, #tpu.memory_space<hbm>>)
      tpu.yield
    }) : () -> ()
    return
  }
}

#map = affine_map<(d0, d1) -> (0, 0, 0)>
module attributes {stable_mosaic.version = 14 : i64} {
  func.func @_deg_kernel(%arg0: i32, %arg1: i32, %arg2: memref<32x80x128xi32, #tpu.memory_space<hbm>>, %arg3: memref<2x10112x16xf32, #tpu.memory_space<hbm>>, %arg4: memref<10112x16xf32, #tpu.memory_space<vmem_shared>>) attributes {dimension_semantics = [#tpu.dimension_semantics<core_parallel>, #tpu.dimension_semantics<subcore_parallel>], iteration_bounds = array<i64: 2, 16>, scalar_prefetch = 0 : i64, scratch_operands = 1 : i64, tpu.core_type = #tpu.core_type<sc_vector_subcore>, window_params = [{transform_indices = #map}, {transform_indices = #map}]} {
    %mul3A = arith.constant 16 : i32
    %mul3A_0 = arith.muli %arg0, %mul3A : i32
    %add3A = arith.addi %mul3A_0, %arg1 : i32
    %broadcast_in_dim3A = arith.constant 1.000000e+00 : f32
    %broadcast_in_dim3A_1 = vector.broadcast %broadcast_in_dim3A : f32 to vector<16xf32>
    %broadcast_in_dim3A_2 = arith.constant 0.000000e+00 : f32
    %broadcast_in_dim3A_3 = vector.broadcast %broadcast_in_dim3A_2 : f32 to vector<16xf32>
    "tpu.region"() ({
      %run_scoped3A = memref.alloca() : memref<80x128xi32, #tpu.memory_space<vmem>>
      %run_scoped3A_4 = memref.alloca() : memref<128x16xf32, #tpu.memory_space<vmem>>
      %run_scoped3A_5 = memref.alloca() : memref<632x16xf32, #tpu.memory_space<vmem>>
      %run_scoped3A_6 = tpu.sem_alloc : memref<!tpu.dma_semaphore, #tpu.memory_space<semaphore_mem>>
      %scan3A = arith.constant 0 : i32
      %scan3A_7 = arith.constant 128 : i32
      %scan3A_8 = arith.addi %scan3A, %scan3A_7 : i32
      %scan3A_9 = arith.constant 1 : i32
      scf.for %scan3A_24 = %scan3A to %scan3A_8 step %scan3A_9  : i32 {
        %mul3A_25 = arith.constant 1 : i32
        %mul3A_26 = arith.muli %scan3A_24, %mul3A_25 : i32
        %add3A_27 = arith.constant 0 : i32
        %add3A_28 = arith.addi %add3A_27, %mul3A_26 : i32
        %swap3A = arith.index_cast %add3A_28 : i32 to index
        %swap3A_29 = arith.constant 0 : index
        %swap3A_30 = tpu.vector_load %run_scoped3A_4[%swap3A, %swap3A_29] {strides = array<i32>} : memref<128x16xf32, #tpu.memory_space<vmem>>, vector<1x16xf32>,
        %swap3A_31 = vector.shape_cast %swap3A_30 : vector<1x16xf32> to vector<16xf32>
        %swap3A_32 = vector.shape_cast %broadcast_in_dim3A_1 : vector<16xf32> to vector<1x16xf32>
        tpu.vector_store %run_scoped3A_4[%swap3A, %swap3A_29], %swap3A_32 {strides = array<i32>} : memref<128x16xf32, #tpu.memory_space<vmem>>, vector<1x16xf32>,
      }
      %scan3A_10 = arith.constant 128 : i32
      %scan3A_11 = arith.constant 0 : i32
      %scan3A_12 = arith.constant 632 : i32
      %scan3A_13 = arith.addi %scan3A_11, %scan3A_12 : i32
      %scan3A_14 = arith.constant 1 : i32
      scf.for %scan3A_24 = %scan3A_11 to %scan3A_13 step %scan3A_14  : i32 {
        %mul3A_25 = arith.constant 1 : i32
        %mul3A_26 = arith.muli %scan3A_24, %mul3A_25 : i32
        %add3A_27 = arith.constant 0 : i32
        %add3A_28 = arith.addi %add3A_27, %mul3A_26 : i32
        %swap3A = arith.index_cast %add3A_28 : i32 to index
        %swap3A_29 = arith.constant 0 : index
        %swap3A_30 = tpu.vector_load %run_scoped3A_5[%swap3A, %swap3A_29] {strides = array<i32>} : memref<632x16xf32, #tpu.memory_space<vmem>>, vector<1x16xf32>,
        %swap3A_31 = vector.shape_cast %swap3A_30 : vector<1x16xf32> to vector<16xf32>
        %swap3A_32 = vector.shape_cast %broadcast_in_dim3A_3 : vector<16xf32> to vector<1x16xf32>
        tpu.vector_store %run_scoped3A_5[%swap3A, %swap3A_29], %swap3A_32 {strides = array<i32>} : memref<632x16xf32, #tpu.memory_space<vmem>>, vector<1x16xf32>,
      }
      %scan3A_15 = arith.constant 632 : i32
      %mul3A_16 = arith.constant 632 : i32
      %mul3A_17 = arith.muli %arg1, %mul3A_16 : i32
      "tpu.region"() ({
        %run_scoped3A_24 = tpu.sem_alloc : memref<!tpu.dma_semaphore, #tpu.memory_space<semaphore_mem>>
        %dma_start3A = arith.constant 0 : i32
        %dma_start3A_25 = tpu.memref_slice %arg4[%mul3A_17, %dma_start3A] : memref<10112x16xf32, #tpu.memory_space<vmem_shared>> -> memref<632x16xf32, #tpu.memory_space<vmem_shared>>
        %dma_start3A_26 = arith.constant 0 : i32
        %dma_start3A_27 = tpu.memref_slice %arg4[%mul3A_17, %dma_start3A_26] : memref<10112x16xf32, #tpu.memory_space<vmem_shared>> -> memref<632x16xf32, #tpu.memory_space<vmem_shared>>
        tpu.enqueue_dma source(%run_scoped3A_5 : memref<632x16xf32, #tpu.memory_space<vmem>>) target(%dma_start3A_27 : memref<632x16xf32, #tpu.memory_space<vmem_shared>>) target_semaphore(%run_scoped3A_24 : memref<!tpu.dma_semaphore, #tpu.memory_space<semaphore_mem>>)
        %dma_wait3A = arith.constant 0 : i32
        %dma_wait3A_28 = tpu.memref_slice %arg4[%mul3A_17, %dma_wait3A] : memref<10112x16xf32, #tpu.memory_space<vmem_shared>> -> memref<632x16xf32, #tpu.memory_space<vmem_shared>>
        %dma_wait3A_29 = arith.constant 0 : i32
        %dma_wait3A_30 = tpu.memref_slice %arg4[%mul3A_17, %dma_wait3A_29] : memref<10112x16xf32, #tpu.memory_space<vmem_shared>> -> memref<632x16xf32, #tpu.memory_space<vmem_shared>>
        tpu.wait_dma2 semaphore(%run_scoped3A_24 : memref<!tpu.dma_semaphore, #tpu.memory_space<semaphore_mem>>) src(%run_scoped3A_5 : memref<632x16xf32, #tpu.memory_space<vmem>>) dst(%dma_wait3A_30 : memref<632x16xf32, #tpu.memory_space<vmem_shared>>)
        tpu.yield
      }) : () -> ()
      "tpu.region"() ({
        %run_scoped3A_24 = tpu.sem_alloc : memref<!tpu.dma_semaphore, #tpu.memory_space<semaphore_mem>>
        %dma_start3A = arith.constant 0 : i32
        %dma_start3A_25 = arith.constant 0 : i32
        %dma_start3A_26 = tpu.memref_slice %arg2[%add3A, %dma_start3A, %dma_start3A_25] : memref<32x80x128xi32, #tpu.memory_space<hbm>> -> memref<1x80x128xi32, #tpu.memory_space<hbm>>
        %dma_start3A_27 = tpu.memref_squeeze %dma_start3A_26 : memref<1x80x128xi32, #tpu.memory_space<hbm>> -> memref<80x128xi32, #tpu.memory_space<hbm>>
        %dma_start3A_28 = arith.constant 0 : i32
        %dma_start3A_29 = arith.constant 0 : i32
        %dma_start3A_30 = tpu.memref_slice %arg2[%add3A, %dma_start3A_28, %dma_start3A_29] : memref<32x80x128xi32, #tpu.memory_space<hbm>> -> memref<1x80x128xi32, #tpu.memory_space<hbm>>
        %dma_start3A_31 = tpu.memref_squeeze %dma_start3A_30 : memref<1x80x128xi32, #tpu.memory_space<hbm>> -> memref<80x128xi32, #tpu.memory_space<hbm>>
        tpu.enqueue_dma source(%dma_start3A_31 : memref<80x128xi32, #tpu.memory_space<hbm>>) target(%run_scoped3A : memref<80x128xi32, #tpu.memory_space<vmem>>) target_semaphore(%run_scoped3A_24 : memref<!tpu.dma_semaphore, #tpu.memory_space<semaphore_mem>>)
        %dma_wait3A = arith.constant 0 : i32
        %dma_wait3A_32 = arith.constant 0 : i32
        %dma_wait3A_33 = tpu.memref_slice %arg2[%add3A, %dma_wait3A, %dma_wait3A_32] : memref<32x80x128xi32, #tpu.memory_space<hbm>> -> memref<1x80x128xi32, #tpu.memory_space<hbm>>
        %dma_wait3A_34 = tpu.memref_squeeze %dma_wait3A_33 : memref<1x80x128xi32, #tpu.memory_space<hbm>> -> memref<80x128xi32, #tpu.memory_space<hbm>>
        %dma_wait3A_35 = arith.constant 0 : i32
        %dma_wait3A_36 = arith.constant 0 : i32
        %dma_wait3A_37 = tpu.memref_slice %arg2[%add3A, %dma_wait3A_35, %dma_wait3A_36] : memref<32x80x128xi32, #tpu.memory_space<hbm>> -> memref<1x80x128xi32, #tpu.memory_space<hbm>>
        %dma_wait3A_38 = tpu.memref_squeeze %dma_wait3A_37 : memref<1x80x128xi32, #tpu.memory_space<hbm>> -> memref<80x128xi32, #tpu.memory_space<hbm>>
        tpu.wait_dma2 semaphore(%run_scoped3A_24 : memref<!tpu.dma_semaphore, #tpu.memory_space<semaphore_mem>>) src(%dma_wait3A_38 : memref<80x128xi32, #tpu.memory_space<hbm>>) dst(%run_scoped3A : memref<80x128xi32, #tpu.memory_space<vmem>>)
        tpu.yield
      }) : () -> ()
      %barrier3A = arith.constant 0 : index
      tpu.barrier barrier_id(%barrier3A)
      %scan3A_18 = arith.constant 0 : i32
      %scan3A_19 = arith.constant 80 : i32
      %scan3A_20 = arith.addi %scan3A_18, %scan3A_19 : i32
      %scan3A_21 = arith.constant 1 : i32
      scf.for %scan3A_24 = %scan3A_18 to %scan3A_20 step %scan3A_21  : i32 {
        %mul3A_25 = arith.constant 1 : i32
        %mul3A_26 = arith.muli %scan3A_24, %mul3A_25 : i32
        %add3A_27 = arith.constant 0 : i32
        %add3A_28 = arith.addi %add3A_27, %mul3A_26 : i32
        "tpu.region"() ({
          %run_scoped3A_29 = tpu.sem_alloc : memref<!tpu.dma_semaphore, #tpu.memory_space<semaphore_mem>>
          %dma_start3A = arith.constant 0 : i32
          %dma_start3A_30 = tpu.memref_slice %run_scoped3A[%add3A_28, %dma_start3A] : memref<80x128xi32, #tpu.memory_space<vmem>> -> memref<1x128xi32, #tpu.memory_space<vmem>>
          %dma_start3A_31 = tpu.memref_squeeze %dma_start3A_30 : memref<1x128xi32, #tpu.memory_space<vmem>> -> memref<128xi32, #tpu.memory_space<vmem>>
          %dma_start3A_32 = arith.constant 0 : i32
          %dma_start3A_33 = arith.constant 0 : i32
          %dma_start3A_34 = tpu.memref_slice %arg4[%dma_start3A_32, %dma_start3A_33] : memref<10112x16xf32, #tpu.memory_space<vmem_shared>> -> memref<10112x16xf32, #tpu.memory_space<vmem_shared>>
          tpu.enqueue_indirect_dma source(%run_scoped3A_4 : memref<128x16xf32, #tpu.memory_space<vmem>>) target(%dma_start3A_34 : memref<10112x16xf32, #tpu.memory_space<vmem_shared>>) offsets(%dma_start3A_31 : memref<128xi32, #tpu.memory_space<vmem>>) semaphore(%run_scoped3A_29 : memref<!tpu.dma_semaphore, #tpu.memory_space<semaphore_mem>>) {add = true}
          %dma_wait3A = arith.constant 0 : i32
          %dma_wait3A_35 = tpu.memref_slice %run_scoped3A[%add3A_28, %dma_wait3A] : memref<80x128xi32, #tpu.memory_space<vmem>> -> memref<1x128xi32, #tpu.memory_space<vmem>>
          %dma_wait3A_36 = tpu.memref_squeeze %dma_wait3A_35 : memref<1x128xi32, #tpu.memory_space<vmem>> -> memref<128xi32, #tpu.memory_space<vmem>>
          %dma_wait3A_37 = arith.constant 0 : i32
          %dma_wait3A_38 = arith.constant 0 : i32
          %dma_wait3A_39 = tpu.memref_slice %arg4[%dma_wait3A_37, %dma_wait3A_38] : memref<10112x16xf32, #tpu.memory_space<vmem_shared>> -> memref<10112x16xf32, #tpu.memory_space<vmem_shared>>
          tpu.wait_indirect_dma semaphore(%run_scoped3A_29 : memref<!tpu.dma_semaphore, #tpu.memory_space<semaphore_mem>>) src(%run_scoped3A_4 : memref<128x16xf32, #tpu.memory_space<vmem>>) dst(%dma_wait3A_39 : memref<10112x16xf32, #tpu.memory_space<vmem_shared>>)
          tpu.yield
        }) : () -> ()
      }
      %scan3A_22 = arith.constant 80 : i32
      %barrier3A_23 = arith.constant 0 : index
      tpu.barrier barrier_id(%barrier3A_23)
      "tpu.region"() ({
        %run_scoped3A_24 = tpu.sem_alloc : memref<!tpu.dma_semaphore, #tpu.memory_space<semaphore_mem>>
        %dma_start3A = arith.constant 0 : i32
        %dma_start3A_25 = tpu.memref_slice %arg3[%arg0, %mul3A_17, %dma_start3A] : memref<2x10112x16xf32, #tpu.memory_space<hbm>> -> memref<1x632x16xf32, #tpu.memory_space<hbm>>
        %dma_start3A_26 = tpu.memref_squeeze %dma_start3A_25 : memref<1x632x16xf32, #tpu.memory_space<hbm>> -> memref<632x16xf32, #tpu.memory_space<hbm>>
        %dma_start3A_27 = arith.constant 0 : i32
        %dma_start3A_28 = tpu.memref_slice %arg4[%mul3A_17, %dma_start3A_27] : memref<10112x16xf32, #tpu.memory_space<vmem_shared>> -> memref<632x16xf32, #tpu.memory_space<vmem_shared>>
        tpu.enqueue_dma source(%dma_start3A_28 : memref<632x16xf32, #tpu.memory_space<vmem_shared>>) target(%dma_start3A_26 : memref<632x16xf32, #tpu.memory_space<hbm>>) target_semaphore(%run_scoped3A_24 : memref<!tpu.dma_semaphore, #tpu.memory_space<semaphore_mem>>)
        %dma_wait3A = arith.constant 0 : i32
        %dma_wait3A_29 = tpu.memref_slice %arg3[%arg0, %mul3A_17, %dma_wait3A] : memref<2x10112x16xf32, #tpu.memory_space<hbm>> -> memref<1x632x16xf32, #tpu.memory_space<hbm>>
        %dma_wait3A_30 = tpu.memref_squeeze %dma_wait3A_29 : memref<1x632x16xf32, #tpu.memory_space<hbm>> -> memref<632x16xf32, #tpu.memory_space<hbm>>
        %dma_wait3A_31 = arith.constant 0 : i32
        %dma_wait3A_32 = tpu.memref_slice %arg4[%mul3A_17, %dma_wait3A_31] : memref<10112x16xf32, #tpu.memory_space<vmem_shared>> -> memref<632x16xf32, #tpu.memory_space<vmem_shared>>
        tpu.wait_dma2 semaphore(%run_scoped3A_24 : memref<!tpu.dma_semaphore, #tpu.memory_space<semaphore_mem>>) src(%dma_wait3A_32 : memref<632x16xf32, #tpu.memory_space<vmem_shared>>) dst(%dma_wait3A_30 : memref<632x16xf32, #tpu.memory_space<hbm>>)
        tpu.yield
      }) : () -> ()
      tpu.yield
    }) : () -> ()
    return
  }
}

module attributes {stable_mosaic.version = 14 : i64} {
  func.func @_prep_body(%arg0: i32, %arg1: memref<2x1000x16xf32, #tpu.memory_space<vmem>>, %arg2: memref<1000x128xf32, #tpu.memory_space<vmem>>, %arg3: memref<1000x128xf32, #tpu.memory_space<vmem>>, %arg4: memref<1000x1xf32, #tpu.memory_space<vmem>>) attributes {dimension_semantics = [#tpu.dimension_semantics<arbitrary>], iteration_bounds = array<i64: 10>, scalar_prefetch = 0 : i64, scratch_operands = 0 : i64, tpu.core_type = #tpu.core_type<tc>, window_params = [{transform_indices = @transform_0, window_bounds = array<i64: 2, 1000, 16>}, {transform_indices = @transform_1, window_bounds = array<i64: 1000, 128>}, {transform_indices = @transform_2, window_bounds = array<i64: 1000, 128>}, {transform_indices = @transform_3, window_bounds = array<i64: 1000, 1>}]} {
    %get3A = arith.constant 0 : index
    %get3A_0 = arith.constant 0 : index
    %get3A_1 = arith.constant 0 : index
    %get3A_2 = vector.load %arg1[%get3A, %get3A_0, %get3A_1] : memref<2x1000x16xf32, #tpu.memory_space<vmem>>, vector<1x1000x16xf32>
    %get3A_3 = vector.shape_cast %get3A_2 : vector<1x1000x16xf32> to vector<1000x16xf32>
    %get3A_4 = arith.constant 1 : index
    %get3A_5 = arith.constant 0 : index
    %get3A_6 = arith.constant 0 : index
    %get3A_7 = vector.load %arg1[%get3A_4, %get3A_5, %get3A_6] : memref<2x1000x16xf32, #tpu.memory_space<vmem>>, vector<1x1000x16xf32>
    %get3A_8 = vector.shape_cast %get3A_7 : vector<1x1000x16xf32> to vector<1000x16xf32>
    %add3A = arith.addf %get3A_3, %get3A_8 : vector<1000x16xf32>
    %slice3A = vector.extract_strided_slice %add3A {offsets = [0, 0], sizes = [1000, 1], strides = [1, 1]} : vector<1000x16xf32> to vector<1000x1xf32>
    %add3A_9 = arith.constant 1.000000e+00 : f32
    %add3A_10 = vector.broadcast %add3A_9 : f32 to vector<1000x1xf32>
    %add3A_11 = arith.addf %slice3A, %add3A_10 : vector<1000x1xf32>
    %rsqrt3A = math.rsqrt %add3A_11 : vector<1000x1xf32>
    %get3A_12 = arith.constant 0 : index
    %get3A_13 = arith.constant 0 : index
    %get3A_14 = vector.load %arg2[%get3A_12, %get3A_13] : memref<1000x128xf32, #tpu.memory_space<vmem>>, vector<1000x128xf32>
    %mul3A = vector.broadcast %rsqrt3A : vector<1000x1xf32> to vector<1000x128xf32>
    %mul3A_15 = arith.mulf %get3A_14, %mul3A : vector<1000x128xf32>
    %swap3A = arith.constant 0 : index
    %swap3A_16 = arith.constant 0 : index
    %swap3A_17 = vector.load %arg3[%swap3A, %swap3A_16] : memref<1000x128xf32, #tpu.memory_space<vmem>>, vector<1000x128xf32>
    tpu.vector_store %arg3[%swap3A, %swap3A_16], %mul3A_15 {strides = array<i32>} : memref<1000x128xf32, #tpu.memory_space<vmem>>, vector<1000x128xf32>,
    %swap3A_18 = arith.constant 0 : index
    %swap3A_19 = arith.constant 0 : index
    %swap3A_20 = vector.load %arg4[%swap3A_18, %swap3A_19] : memref<1000x1xf32, #tpu.memory_space<vmem>>, vector<1000x1xf32>
    tpu.vector_store %arg4[%swap3A_18, %swap3A_19], %rsqrt3A {strides = array<i32>} : memref<1000x1xf32, #tpu.memory_space<vmem>>, vector<1000x1xf32>,
    return
  }
  func.func @transform_0(%arg0: i32) -> (i32, i32, i32) {
    %c0_i32 = arith.constant 0 : i32
    %c0_i32_0 = arith.constant 0 : i32
    %c0_i32_1 = arith.constant 0 : i32
    return %c0_i32, %arg0, %c0_i32_0 : i32, i32, i32
  }
  func.func @transform_1(%arg0: i32) -> (i32, i32) {
    %c0_i32 = arith.constant 0 : i32
    %c0_i32_0 = arith.constant 0 : i32
    return %arg0, %c0_i32 : i32, i32
  }
  func.func @transform_2(%arg0: i32) -> (i32, i32) {
    %c0_i32 = arith.constant 0 : i32
    %c0_i32_0 = arith.constant 0 : i32
    return %arg0, %c0_i32 : i32, i32
  }
  func.func @transform_3(%arg0: i32) -> (i32, i32) {
    %c0_i32 = arith.constant 0 : i32
    %c0_i32_0 = arith.constant 0 : i32
    return %arg0, %c0_i32 : i32, i32
  }
}

module attributes {stable_mosaic.version = 14 : i64} {
  func.func @_mid_body(%arg0: i32, %arg1: memref<2x1000x128xf32, #tpu.memory_space<vmem>>, %arg2: memref<1000x128xf32, #tpu.memory_space<vmem>>, %arg3: memref<1000x1xf32, #tpu.memory_space<vmem>>, %arg4: memref<128x128xf32, #tpu.memory_space<vmem>>, %arg5: memref<1x128xf32, #tpu.memory_space<vmem>>, %arg6: memref<1000x128xf32, #tpu.memory_space<vmem>>) attributes {dimension_semantics = [#tpu.dimension_semantics<arbitrary>], iteration_bounds = array<i64: 10>, scalar_prefetch = 0 : i64, scratch_operands = 0 : i64, tpu.core_type = #tpu.core_type<tc>, window_params = [{transform_indices = @transform_0, window_bounds = array<i64: 2, 1000, 128>}, {transform_indices = @transform_1, window_bounds = array<i64: 1000, 128>}, {transform_indices = @transform_2, window_bounds = array<i64: 1000, 1>}, {pipeline_mode = #tpu.pipeline_mode<synchronous>, transform_indices = @transform_3, window_bounds = array<i64: 128, 128>}, {pipeline_mode = #tpu.pipeline_mode<synchronous>, transform_indices = @transform_4, window_bounds = array<i64: 1, 128>}, {transform_indices = @transform_5, window_bounds = array<i64: 1000, 128>}]} {
    %get3A = arith.constant 0 : index
    %get3A_0 = arith.constant 0 : index
    %get3A_1 = arith.constant 0 : index
    %get3A_2 = vector.load %arg1[%get3A, %get3A_0, %get3A_1] : memref<2x1000x128xf32, #tpu.memory_space<vmem>>, vector<1x1000x128xf32>
    %get3A_3 = vector.shape_cast %get3A_2 : vector<1x1000x128xf32> to vector<1000x128xf32>
    %get3A_4 = arith.constant 1 : index
    %get3A_5 = arith.constant 0 : index
    %get3A_6 = arith.constant 0 : index
    %get3A_7 = vector.load %arg1[%get3A_4, %get3A_5, %get3A_6] : memref<2x1000x128xf32, #tpu.memory_space<vmem>>, vector<1x1000x128xf32>
    %get3A_8 = vector.shape_cast %get3A_7 : vector<1x1000x128xf32> to vector<1000x128xf32>
    %add3A = arith.addf %get3A_3, %get3A_8 : vector<1000x128xf32>
    %get3A_9 = arith.constant 0 : index
    %get3A_10 = arith.constant 0 : index
    %get3A_11 = vector.load %arg2[%get3A_9, %get3A_10] : memref<1000x128xf32, #tpu.memory_space<vmem>>, vector<1000x128xf32>
    %add3A_12 = arith.addf %add3A, %get3A_11 : vector<1000x128xf32>
    %get3A_13 = arith.constant 0 : index
    %get3A_14 = arith.constant 0 : index
    %get3A_15 = vector.load %arg3[%get3A_13, %get3A_14] : memref<1000x1xf32, #tpu.memory_space<vmem>>, vector<1000x1xf32>
    %mul3A = vector.broadcast %get3A_15 : vector<1000x1xf32> to vector<1000x128xf32>
    %mul3A_16 = arith.mulf %add3A_12, %mul3A : vector<1000x128xf32>
    %get3A_17 = arith.constant 0 : index
    %get3A_18 = arith.constant 0 : index
    %get3A_19 = vector.load %arg4[%get3A_17, %get3A_18] : memref<128x128xf32, #tpu.memory_space<vmem>>, vector<128x128xf32>
    %dot_general3A = arith.constant dense<0.000000e+00> : vector<1000x128xf32>
    %dot_general3A_20 = tpu.matmul %mul3A_16, %get3A_19, %dot_general3A {dimension_numbers = #tpu.dot_dimension_numbers<[1], [0], [0], [1], [0, 0, 1, 1], [], []>, transpose_lhs_hint = false} : vector<1000x128xf32>, vector<128x128xf32>, vector<1000x128xf32> -> vector<1000x128xf32>
    %get3A_21 = arith.constant 0 : index
    %get3A_22 = arith.constant 0 : index
    %get3A_23 = vector.load %arg5[%get3A_21, %get3A_22] : memref<1x128xf32, #tpu.memory_space<vmem>>, vector<1x128xf32>
    %add3A_24 = vector.broadcast %get3A_23 : vector<1x128xf32> to vector<1000x128xf32>
    %add3A_25 = arith.addf %dot_general3A_20, %add3A_24 : vector<1000x128xf32>
    %max3A = arith.constant 0.000000e+00 : f32
    %max3A_26 = vector.broadcast %max3A : f32 to vector<1000x128xf32>
    %max3A_27 = arith.maximumf %add3A_25, %max3A_26 : vector<1000x128xf32>
    %get3A_28 = arith.constant 0 : index
    %get3A_29 = arith.constant 0 : index
    %get3A_30 = vector.load %arg3[%get3A_28, %get3A_29] : memref<1000x1xf32, #tpu.memory_space<vmem>>, vector<1000x1xf32>
    %mul3A_31 = vector.broadcast %get3A_30 : vector<1000x1xf32> to vector<1000x128xf32>
    %mul3A_32 = arith.mulf %max3A_27, %mul3A_31 : vector<1000x128xf32>
    %swap3A = arith.constant 0 : index
    %swap3A_33 = arith.constant 0 : index
    %swap3A_34 = vector.load %arg6[%swap3A, %swap3A_33] : memref<1000x128xf32, #tpu.memory_space<vmem>>, vector<1000x128xf32>
    tpu.vector_store %arg6[%swap3A, %swap3A_33], %mul3A_32 {strides = array<i32>} : memref<1000x128xf32, #tpu.memory_space<vmem>>, vector<1000x128xf32>,
    return
  }
  func.func @transform_0(%arg0: i32) -> (i32, i32, i32) {
    %c0_i32 = arith.constant 0 : i32
    %c0_i32_0 = arith.constant 0 : i32
    %c0_i32_1 = arith.constant 0 : i32
    return %c0_i32, %arg0, %c0_i32_0 : i32, i32, i32
  }
  func.func @transform_1(%arg0: i32) -> (i32, i32) {
    %c0_i32 = arith.constant 0 : i32
    %c0_i32_0 = arith.constant 0 : i32
    return %arg0, %c0_i32 : i32, i32
  }
  func.func @transform_2(%arg0: i32) -> (i32, i32) {
    %c0_i32 = arith.constant 0 : i32
    %c0_i32_0 = arith.constant 0 : i32
    return %arg0, %c0_i32 : i32, i32
  }
  func.func @transform_3(%arg0: i32) -> (i32, i32) {
    %c0_i32 = arith.constant 0 : i32
    %c0_i32_0 = arith.constant 0 : i32
    %c0_i32_1 = arith.constant 0 : i32
    return %c0_i32, %c0_i32_0 : i32, i32
  }
  func.func @transform_4(%arg0: i32) -> (i32, i32) {
    %c0_i32 = arith.constant 0 : i32
    %c0_i32_0 = arith.constant 0 : i32
    %c0_i32_1 = arith.constant 0 : i32
    return %c0_i32, %c0_i32_0 : i32, i32
  }
  func.func @transform_5(%arg0: i32) -> (i32, i32) {
    %c0_i32 = arith.constant 0 : i32
    %c0_i32_0 = arith.constant 0 : i32
    return %arg0, %c0_i32 : i32, i32
  }
}

module attributes {stable_mosaic.version = 14 : i64} {
  func.func @_out_body(%arg0: i32, %arg1: memref<2x1000x128xf32, #tpu.memory_space<vmem>>, %arg2: memref<1000x128xf32, #tpu.memory_space<vmem>>, %arg3: memref<1000x1xf32, #tpu.memory_space<vmem>>, %arg4: memref<128x64xf32, #tpu.memory_space<vmem>>, %arg5: memref<1x64xf32, #tpu.memory_space<vmem>>, %arg6: memref<128x64xf32, #tpu.memory_space<vmem>>, %arg7: memref<1x64xf32, #tpu.memory_space<vmem>>, %arg8: memref<1000x64xf32, #tpu.memory_space<vmem>>, %arg9: memref<1000x64xf32, #tpu.memory_space<vmem>>) attributes {dimension_semantics = [#tpu.dimension_semantics<arbitrary>], iteration_bounds = array<i64: 10>, scalar_prefetch = 0 : i64, scratch_operands = 0 : i64, tpu.core_type = #tpu.core_type<tc>, window_params = [{transform_indices = @transform_0, window_bounds = array<i64: 2, 1000, 128>}, {transform_indices = @transform_1, window_bounds = array<i64: 1000, 128>}, {transform_indices = @transform_2, window_bounds = array<i64: 1000, 1>}, {pipeline_mode = #tpu.pipeline_mode<synchronous>, transform_indices = @transform_3, window_bounds = array<i64: 128, 64>}, {pipeline_mode = #tpu.pipeline_mode<synchronous>, transform_indices = @transform_4, window_bounds = array<i64: 1, 64>}, {pipeline_mode = #tpu.pipeline_mode<synchronous>, transform_indices = @transform_5, window_bounds = array<i64: 128, 64>}, {pipeline_mode = #tpu.pipeline_mode<synchronous>, transform_indices = @transform_6, window_bounds = array<i64: 1, 64>}, {transform_indices = @transform_7, window_bounds = array<i64: 1000, 64>}, {transform_indices = @transform_8, window_bounds = array<i64: 1000, 64>}]} {
    %get3A = arith.constant 0 : index
    %get3A_0 = arith.constant 0 : index
    %get3A_1 = arith.constant 0 : index
    %get3A_2 = vector.load %arg1[%get3A, %get3A_0, %get3A_1] : memref<2x1000x128xf32, #tpu.memory_space<vmem>>, vector<1x1000x128xf32>
    %get3A_3 = vector.shape_cast %get3A_2 : vector<1x1000x128xf32> to vector<1000x128xf32>
    %get3A_4 = arith.constant 1 : index
    %get3A_5 = arith.constant 0 : index
    %get3A_6 = arith.constant 0 : index
    %get3A_7 = vector.load %arg1[%get3A_4, %get3A_5, %get3A_6] : memref<2x1000x128xf32, #tpu.memory_space<vmem>>, vector<1x1000x128xf32>
    %get3A_8 = vector.shape_cast %get3A_7 : vector<1x1000x128xf32> to vector<1000x128xf32>
    %add3A = arith.addf %get3A_3, %get3A_8 : vector<1000x128xf32>
    %get3A_9 = arith.constant 0 : index
    %get3A_10 = arith.constant 0 : index
    %get3A_11 = vector.load %arg2[%get3A_9, %get3A_10] : memref<1000x128xf32, #tpu.memory_space<vmem>>, vector<1000x128xf32>
    %add3A_12 = arith.addf %add3A, %get3A_11 : vector<1000x128xf32>
    %get3A_13 = arith.constant 0 : index
    %get3A_14 = arith.constant 0 : index
    %get3A_15 = vector.load %arg3[%get3A_13, %get3A_14] : memref<1000x1xf32, #tpu.memory_space<vmem>>, vector<1000x1xf32>
    %mul3A = vector.broadcast %get3A_15 : vector<1000x1xf32> to vector<1000x128xf32>
    %mul3A_16 = arith.mulf %add3A_12, %mul3A : vector<1000x128xf32>
    %get3A_17 = arith.constant 0 : index
    %get3A_18 = arith.constant 0 : index
    %get3A_19 = vector.load %arg4[%get3A_17, %get3A_18] : memref<128x64xf32, #tpu.memory_space<vmem>>, vector<128x64xf32>
    %dot_general3A = arith.constant dense<0.000000e+00> : vector<1000x64xf32>
    %dot_general3A_20 = tpu.matmul %mul3A_16, %get3A_19, %dot_general3A {dimension_numbers = #tpu.dot_dimension_numbers<[1], [0], [0], [1], [0, 0, 1, 1], [], []>, transpose_lhs_hint = false} : vector<1000x128xf32>, vector<128x64xf32>, vector<1000x64xf32> -> vector<1000x64xf32>
    %get3A_21 = arith.constant 0 : index
    %get3A_22 = arith.constant 0 : index
    %get3A_23 = vector.load %arg5[%get3A_21, %get3A_22] : memref<1x64xf32, #tpu.memory_space<vmem>>, vector<1x64xf32>
    %add3A_24 = vector.broadcast %get3A_23 : vector<1x64xf32> to vector<1000x64xf32>
    %add3A_25 = arith.addf %dot_general3A_20, %add3A_24 : vector<1000x64xf32>
    %swap3A = arith.constant 0 : index
    %swap3A_26 = arith.constant 0 : index
    %swap3A_27 = vector.load %arg8[%swap3A, %swap3A_26] : memref<1000x64xf32, #tpu.memory_space<vmem>>, vector<1000x64xf32>
    tpu.vector_store %arg8[%swap3A, %swap3A_26], %add3A_25 {strides = array<i32>} : memref<1000x64xf32, #tpu.memory_space<vmem>>, vector<1000x64xf32>,
    %get3A_28 = arith.constant 0 : index
    %get3A_29 = arith.constant 0 : index
    %get3A_30 = vector.load %arg6[%get3A_28, %get3A_29] : memref<128x64xf32, #tpu.memory_space<vmem>>, vector<128x64xf32>
    %dot_general3A_31 = arith.constant dense<0.000000e+00> : vector<1000x64xf32>
    %dot_general3A_32 = tpu.matmul %mul3A_16, %get3A_30, %dot_general3A_31 {dimension_numbers = #tpu.dot_dimension_numbers<[1], [0], [0], [1], [0, 0, 1, 1], [], []>, transpose_lhs_hint = false} : vector<1000x128xf32>, vector<128x64xf32>, vector<1000x64xf32> -> vector<1000x64xf32>
    %get3A_33 = arith.constant 0 : index
    %get3A_34 = arith.constant 0 : index
    %get3A_35 = vector.load %arg7[%get3A_33, %get3A_34] : memref<1x64xf32, #tpu.memory_space<vmem>>, vector<1x64xf32>
    %add3A_36 = vector.broadcast %get3A_35 : vector<1x64xf32> to vector<1000x64xf32>
    %add3A_37 = arith.addf %dot_general3A_32, %add3A_36 : vector<1000x64xf32>
    %swap3A_38 = arith.constant 0 : index
    %swap3A_39 = arith.constant 0 : index
    %swap3A_40 = vector.load %arg9[%swap3A_38, %swap3A_39] : memref<1000x64xf32, #tpu.memory_space<vmem>>, vector<1000x64xf32>
    tpu.vector_store %arg9[%swap3A_38, %swap3A_39], %add3A_37 {strides = array<i32>} : memref<1000x64xf32, #tpu.memory_space<vmem>>, vector<1000x64xf32>,
    return
  }
  func.func @transform_0(%arg0: i32) -> (i32, i32, i32) {
    %c0_i32 = arith.constant 0 : i32
    %c0_i32_0 = arith.constant 0 : i32
    %c0_i32_1 = arith.constant 0 : i32
    return %c0_i32, %arg0, %c0_i32_0 : i32, i32, i32
  }
  func.func @transform_1(%arg0: i32) -> (i32, i32) {
    %c0_i32 = arith.constant 0 : i32
    %c0_i32_0 = arith.constant 0 : i32
    return %arg0, %c0_i32 : i32, i32
  }
  func.func @transform_2(%arg0: i32) -> (i32, i32) {
    %c0_i32 = arith.constant 0 : i32
    %c0_i32_0 = arith.constant 0 : i32
    return %arg0, %c0_i32 : i32, i32
  }
  func.func @transform_3(%arg0: i32) -> (i32, i32) {
    %c0_i32 = arith.constant 0 : i32
    %c0_i32_0 = arith.constant 0 : i32
    %c0_i32_1 = arith.constant 0 : i32
    return %c0_i32, %c0_i32_0 : i32, i32
  }
  func.func @transform_4(%arg0: i32) -> (i32, i32) {
    %c0_i32 = arith.constant 0 : i32
    %c0_i32_0 = arith.constant 0 : i32
    %c0_i32_1 = arith.constant 0 : i32
    return %c0_i32, %c0_i32_0 : i32, i32
  }
  func.func @transform_5(%arg0: i32) -> (i32, i32) {
    %c0_i32 = arith.constant 0 : i32
    %c0_i32_0 = arith.constant 0 : i32
    %c0_i32_1 = arith.constant 0 : i32
    return %c0_i32, %c0_i32_0 : i32, i32
  }
  func.func @transform_6(%arg0: i32) -> (i32, i32) {
    %c0_i32 = arith.constant 0 : i32
    %c0_i32_0 = arith.constant 0 : i32
    %c0_i32_1 = arith.constant 0 : i32
    return %c0_i32, %c0_i32_0 : i32, i32
  }
  func.func @transform_7(%arg0: i32) -> (i32, i32) {
    %c0_i32 = arith.constant 0 : i32
    %c0_i32_0 = arith.constant 0 : i32
    return %arg0, %c0_i32 : i32, i32
  }
  func.func @transform_8(%arg0: i32) -> (i32, i32) {
    %c0_i32 = arith.constant 0 : i32
    %c0_i32_0 = arith.constant 0 : i32
    return %arg0, %c0_i32 : i32, i32
  }
}

</mosaic_0001>

<sc_bundles>
// kernel: kernel.11.cloned.1.call-start
scs
__scs_entry_jumppad:
0x0: {  	(pc) =	sbr.rel $0x88, $3  }
0x1: {  	(tag) =	ssettag $0x0;
	lr =	simm.s32 $0x1  }
0x2: {  	[smem:$0x3F99] =	sst lr;
	_ =	strace $0xD0000000  }
0x3: {  	_ = 	snop  }
0x4: {  	_ = 	snop  }
0x5: {  	_ = 	snop  }
0x6: {  	_ = 	snop  }
0x7: {  	_ = 	snop  }
__scs_overlays_trampoline_lowered:
0x8: {  	[smem:$0x3FA8] =	sst s0  }
0x9: {  	[smem:$0x3FA9] =	sst s1  }
0xa: {  	[smem:$0x3FAA] =	sst s2  }
0xb: {  	[smem:$0x3FAB] =	sst s3  }
0xc: {  	[smem:$0x3FAC] =	sst s4  }
0xd: {  	[smem:$0x3FAD] =	sst s5  }
0xe: {  	[smem:$0x3FAE] =	sst s6  }
0xf: {  	[smem:$0x3FAF] =	sst s7  }
0x10: {  	[smem:$0x3FB0] =	sst s8  }
0x11: {  	[smem:$0x3FB1] =	sst s9;
	s0 =	simm.s32 @!p0 $0x0  }
0x12: {  	s1 =	sld [smem:$0x3F97];
	s0 =	simm.s32 @p0 $0x1  }
0x13: {  	[smem:$0x3FB2] =	sst s0;
	s0 =	simm.s32 @!p1 $0x0  }
0x14: {  	s2 =	sld [smem:$0x3F96];
	s0 =	simm.s32 @p1 $0x1  }
0x15: {  	[smem:$0x3FB3] =	sst s0;
	s0 =	simm.s32 @!p2 $0x0  }
0x16: {  	s3 =	sld [smem:$0x3FDB];
	s0 =	simm.s32 @p2 $0x1  }
0x17: {  	s4 =	simm.s32 $0x1BF5;
	[smem:$0x3FB5] =	sst s0  }
0x18: {  	s0 =	sld [smem:$0x3F98];
	_ =	swait.ge [sflag:s4], $0x0  }
0x19: {  	s7 =	sld [smem:$0x3F99]  }
0x1a: {  	s8 =	sadd.s32 $0xFFFFE003, lr  }
0x1b: {  	s9 =	sadd.s32 $0xFFFFFEF7, lr;
	s5 =	simm.s32 $0xFFFFFFFF;
	p2 =	slt.u32 s8, $0xFFFFF086  }
0x1c: {  	p1 =	slt.u32 s9, $0xF7A;
	s5 =	simm.s32 @!p2 $0x0  }
0x1d: {  	s5 =	simm.s32 @p1 $0x1;
	p0 =	seq.s32 s7, s2  }
0x1e: {  	s7 =	smul.u32 @!p0 $0xF7A, s2;
	p2 =	seq.s32 @!p0 s5, $0x0  }
0x1f: {  	s9 =	smul.u32 $0xF7A, s1;
	s8 =	simm.s32 @!p0 $0x1BF5;
	p2 =	por !p2, p0  }
0x20: {  	[sflag:s8] =	ssyncset.s32 @!p0 $0xFFFFF086;
	s6 =	sadd.s32 @!p0 s3, s7;
	s7 =	simm.s32 @!p0 $0x108  }
0x21: {  	s3 =	sadd.s32 s3, s9;
	s6 =	sadd.s32 @!p0 $0x88, s6;
	s7 =	simm.s32 @p2 $0x1082  }
0x22: {  	[simem:s7], [sflag:s8] =	dma.local @!p0 [hbm:s6], $0xF7A  }
0x23: {  	s9 =	sor.u32 $0xD0000000, s2;
	s6 =	simm.s32 $0x108;
	_ =	swait.ge @!p0 [sflag:s8], $0x0  }
0x24: {  	s3 =	sadd.s32 $0x88, s3;
	s6 =	simm.s32 @!p1 $0x1082;
	[sflag:s4] =	ssyncset.s32 $0xFFFFF086  }
0x25: {  	[simem:s6], [sflag:s4] =	dma.local [hbm:s3], $0xF7A  }
0x26: {  	[smem:$0x3F99] =	sst s1;
	(tag) =	ssettag s2;
	_ =	strace s9  }
0x27: {  	s1 =	sld [smem:$0x3FA9]  }
0x28: {  	s2 =	sld [smem:$0x3FAA]  }
0x29: {  	s4 =	sld [smem:$0x3FAC]  }
0x2a: {  	p0 =	seq.s32 s5, $0x0;
	s5 =	sld [smem:$0x3FAD]  }
0x2b: {  	s6 =	sld [smem:$0x3FAE]  }
0x2c: {  	s7 =	sld [smem:$0x3FAF]  }
0x2d: {  	s3 =	simm.s32 $0x108;
	s8 =	sld [smem:$0x3FB0]  }
0x2e: {  	s3 =	simm.s32 @!p0 $0x1082;
	s9 =	sld [smem:$0x3FB1]  }
0x2f: {  	lr =	sadd.s32 s0, s3;
	s0 =	sld [smem:$0x3FA8]  }
0x30: {  	s3 =	sld [smem:$0x3FAB]  }
0x31: {  	[smem:$0x3FB4] =	sst s10  }
0x32: {  	s10 =	sld [smem:$0x3FB2];
	_ =	sdelay $0x3  }
0x33: {  	p0 =	seq.s32 s10, $0x1;
	s10 =	sld [smem:$0x3FB4];
	_ =	sdelay $0x3  }
0x34: {  	[smem:$0x3FB4] =	sst s10  }
0x35: {  	s10 =	sld [smem:$0x3FB3];
	_ =	sdelay $0x3  }
0x36: {  	p1 =	seq.s32 s10, $0x1;
	s10 =	sld [smem:$0x3FB4];
	_ =	sdelay $0x3  }
0x37: {  	[smem:$0x3FB4] =	sst s10  }
0x38: {  	s10 =	sld [smem:$0x3FB5]  }
0x39: {  	_ = 	snop;
	(pc) =	sbr.ind lr, $3  }
0x3a: {  	_ = 	snop  }
0x3b: {  	_ = 	snop  }
0x3c: {  	p2 =	seq.s32 s10, $0x1;
	s10 =	sld [smem:$0x3FB4]  }
0x3d: {  	_ =	shalt  }
0x3e: {  	_ =	shalt  }
0x3f: {  	_ =	shalt  }
0x40: {  	_ =	shalt  }
0x41: {  	_ =	shalt  }
0x42: {  	_ =	shalt  }
0x43: {  	_ =	shalt  }
0x44: {  	_ =	shalt  }
0x45: {  	_ =	shalt  }
0x46: {  	_ =	shalt  }
0x47: {  	_ =	shalt  }
0x48: {  	_ =	shalt  }
0x49: {  	_ =	shalt  }
0x4a: {  	_ =	shalt  }
0x4b: {  	_ =	shalt  }
0x4c: {  	_ =	shalt  }
0x4d: {  	_ =	shalt  }
0x4e: {  	_ =	shalt  }
0x4f: {  	_ =	shalt  }
0x50: {  	_ =	shalt  }
0x51: {  	_ =	shalt  }
0x52: {  	_ =	shalt  }
0x53: {  	_ =	shalt  }
0x54: {  	_ =	shalt  }
0x55: {  	_ =	shalt  }
0x56: {  	_ =	shalt  }
0x57: {  	_ =	shalt  }
0x58: {  	_ =	shalt  }
0x59: {  	_ =	shalt  }
0x5a: {  	_ =	shalt  }
0x5b: {  	_ =	shalt  }
0x5c: {  	_ =	shalt  }
0x5d: {  	_ =	shalt  }
0x5e: {  	_ =	shalt  }
0x5f: {  	_ =	shalt  }
0x60: {  	_ =	shalt  }
0x61: {  	_ =	shalt  }
0x62: {  	_ =	shalt  }
0x63: {  	_ =	shalt  }
0x64: {  	_ =	shalt  }
0x65: {  	_ =	shalt  }
0x66: {  	_ =	shalt  }
0x67: {  	_ =	shalt  }
0x68: {  	_ =	shalt  }
0x69: {  	_ =	shalt  }
0x6a: {  	_ =	shalt  }
0x6b: {  	_ =	shalt  }
0x6c: {  	_ =	shalt  }
0x6d: {  	_ =	shalt  }
0x6e: {  	_ =	shalt  }
0x6f: {  	_ =	shalt  }
0x70: {  	_ =	shalt  }
0x71: {  	_ =	shalt  }
0x72: {  	_ =	shalt  }
0x73: {  	_ =	shalt  }
0x74: {  	_ =	shalt  }
0x75: {  	_ =	shalt  }
0x76: {  	_ =	shalt  }
0x77: {  	_ =	shalt  }
0x78: {  	_ =	shalt  }
0x79: {  	_ =	shalt  }
0x7a: {  	_ =	shalt  }
0x7b: {  	_ =	shalt  }
0x7c: {  	_ =	shalt  }
0x7d: {  	_ =	shalt  }
0x7e: {  	_ =	shalt  }
0x7f: {  	_ =	shalt  }
0x80: {  	_ =	shalt  }
0x81: {  	_ =	shalt  }
0x82: {  	_ =	shalt  }
0x83: {  	_ =	shalt  }
0x84: {  	_ =	shalt  }
0x85: {  	_ =	shalt  }
0x86: {  	_ =	shalt  }
0x87: {  	_ =	shalt  }
.Lfunc_end0:
.L_simem_size_0:
called_computation.1_lowered:
.L_overlay_start_0:
0x88: {  	s2 =	sld [smem:$0x3FD9]  }
0x89: {  	s3 =	sld [smem:$0x3FFE];
	_ =	sdelay $0x1  }
0x8a: {  	s1 =	srdreg.scid  }
0x8b: {  	s0 =	sand.u32 $0x1, s1  }
0x8c: {  	s14 =	sshll.u32 s0, $0xA;
	s2 =	sadd.s32 s3, s2  }
0x8d: {  	s2 =	sadd.s32 s2, s14  }
0x8e: {  	[smem:$0x3FC0] =	sst s2  }
0x8f: {  	_ = 	snop  }
0x90: {  	s2 =	sld [smem:$0x3FD0];
	_ =	sdelay $0x2  }
0x91: {  	s15 =	simm.s32 $0xA;
	s4 =	simm.s32 $0x10  }
0x92: {  	[smem:s4], [sflag:s15] =	dma.local [hbm:s2], $0x1  }
0x93: {  	_ =	swait.eq [sflag:s15], $0x1  }
0x94: {  	[sflag:s15] =	ssyncset.done $0x0  }
0x95: {  	s16 =	sld [smem:$0x10];
	[sflag:s15] =	ssyncadd.s32 $0xFFFFFFFF  }
0x96: {  	s17 =	sld [smem:$0x11];
	(tm) =	ssettm $0x1  }
0x97: {  	s18 =	sld [smem:$0x3FFB];
	_ =	sdelay $0x3  }
0x98: {  	_ =	strace s18  }
0x99: {  	s4 =	sld [smem:$0x3FFC];
	_ =	sdelay $0x3  }
0x9a: {  	_ =	strace s4  }
0x9b: {  	s4 =	sld [smem:$0x3FFD];
	_ =	sdelay $0x3  }
0x9c: {  	_ =	strace s4  }
0x9d: {  	_ =	strace $0x8FFFFFFF  }
0x9e: {  	s19 =	sld [smem:$0x3FDB];
	_ =	sdelay $0x1  }
0x9f: {  	s5 =	simm.s32 $_scs_section_size  }
0xa0: {  	s6 =	simm.s32 $_size__tile_overlayer_lowered;
	s7 =	simm.s32 $_tile_overlayer_lowered  }
0xa1: {  	s22 =	simm.s32 $0x1BFF;
	s21 =	sshll.u32 s7, $0x1;
	s4 =	sadd.s32 s5, s19  }
0xa2: {  	s8 =	simm.s32 $0x0;
	s20 =	sshll.u32 s6, $0x1;
	s6 =	sadd.s32 s21, s4  }
0xa3: {  	[timem:s8], [sflag:s22] =	dma.local [hbm:s6], s20  }
0xa4: {  	_ =	swait.ge [sflag:s22], s20  }
0xa5: {  	s5 =	ssub.s32 $0x0, s20;
	[sflag:s22] =	ssyncset.done $0x0  }
0xa6: {  	[sflag:s22] =	ssyncadd.s32 s5;
	_ =	sdelay $0x1  }
0xa7: {  	s23 =	simm.s32 $0x1B8B  }
0xa8: {  	_ =	swait.ge [sflag:s23], $0x1  }
0xa9: {  	[sflag:s23] =	ssyncset.done $0x0  }
0xaa: {  	s25 =	simm.s32 $0x1B8E;
	s24 =	sld [smem:$0x3FFE];
	[sflag:s23] =	ssyncadd.s32 $0xFFFFFFFF  }
0xab: {  	s26 =	simm.s32 $execute0_lowered;
	[smem:$0x3FD2] =	sst s25  }
0xac: {  	s6 =	sshll.u32 s26, $0x1;
	_ =	strace $0x80000049;
	[dreg:$0x1] =	wrdreg $0xFFFFFFFF  }
0xad: {  	s28 =	simm.s32 $_size_execute0_lowered;
	s4 =	sadd.s32 s4, s6;
	[dreg:$0x0] =	wrdreg $0x0  }
0xae: {  	s6 =	sshll.u32 s28, $0x1;
	[dreg:$0x2] =	wrdreg s4  }
0xaf: {  	[dreg:$0x3] =	wrdreg s6  }
0xb0: {  	[dreg:$0x4] =	wrdreg $0xC0  }
0xb1: {  	_ =	task [dreg:s8], $0x5FFFF  }
0xb2: {  	[dreg:$0x1] =	wrdreg $0xFFFFFFFF  }
0xb3: {  	[dreg:$0x0] =	wrdreg $0x60  }
0xb4: {  	[dreg:$0x2] =	wrdreg s24  }
0xb5: {  	[dreg:$0x3] =	wrdreg s16  }
0xb6: {  	[dreg:$0x4] =	wrdreg s17  }
0xb7: {  	[dreg:$0x5] =	wrdreg $0x0  }
0xb8: {  	[dreg:$0x6] =	wrdreg $0x9  }
0xb9: {  	_ =	task.clear_ibuf [dreg:s8], $0x7FFFF;
	_ =	strace $0x90000049  }
0xba: {  	s29 =	simm.s32 $0x9;
	_ =	strace $0x8000004B  }
0xbb: {  	_ =	swait.ge [sflag:s29], $0x1  }
0xbc: {  	[sflag:s29] =	ssyncadd.s32 $0xFFFFFFFF  }
0xbd: {  	_ =	strace $0x9000004B  }
0xbe: {  	_ =	sfence  }
0xbf: {  	s30 =	sld [smem:$0x0];
	_ =	sdelay $0x2  }
0xc0: {  	s31 =	sshll.u32 s1, $0xD;
	s1 =	sshrl.u32 s1, $0x2  }
0xc1: {  	s3 =	sand.u32 $0x4000, s31;
	s1 =	sadd.s32 s1, s30  }
0xc2: {  	s0 =	sor.u32 s3, s0;
	s1 =	sshll.u32 s1, $0x11  }
0xc3: {  	s0 =	sor.u32 s1, s0  }
0xc4: {  	s0 =	sadd.s32 $0x8F2B, s0  }
0xc5: {  	[sflag:s0] =	ssyncadd.remote.s32 $0x1  }
0xc6: {  	_ =	sfence.sel $0xFFFF  }
0xc7: {  	[dreg:$0x0] =	wrdreg $0xFFFFFFFF;
	(pc) =	sbr.abs _section_cstart, $3  }
0xc8: {  	[dreg:$0x1] =	wrdreg $0xFFFFFFFF  }
0xc9: {  	_ =	task.clear_ibuf [dreg:s8], $0x2FFFF;
	_ =	strace $0x9FFFFFFF  }
0xca: {  	(tm) =	ssettm $0x7FFFFFFF  }
0xcb: {  	_ =	shalt  }
tec
execute0_lowered:
.L_overlay_start_1:
0x0: {  	(tag) =	ssettag $0x1  }
0x1: {  	s0 =	rddreg [dreg:$0x0]  }
0x2: {  	s2 =	rddreg [dreg:$0x1]  }
0x3: {  	s5 =	rddreg [dreg:$0x2]  }
0x4: {  	s1 =	rddreg [dreg:$0x3]  }
0x5: {  	s3 =	simm.s32 $0x0;
	s4 =	srdreg.scid;
	s14 =	stileid.u32  }
0x6: {  	s28 =	simm.s32 $0x14080;
	s29 =	simm.s32 $0x13D80;
	s30 =	simm.s32 $0x14100  }
0x7: {  	s31 =	simm.s32 $0x13E00;
	[smem:$0x7FF] =	sst s3;
	s8 =	smul.u32 $0x4F000, s14  }
0x8: {  	s6 =	sand.u32 $0x1, s4;
	s4 =	sadd.s32 $0x2C00, s0;
	s10 =	smul.u32 $0x13C00, s14  }
0x9: {  	s0 =	sadd.s32 $0x29E00, s0;
	s21 =	smul.u32 $0x2800, s14;
	s14 =	simm.s32 $0x14300  }
0xa: {  	_ =	strace $0x8000004A;
	s7 =	ssub.s32 $0x2, s6;
	s16 =	smul.u32 $0x13C000, s6  }
0xb: {  	s6 =	smul.u32 $0x28000, s6;
	s9 =	sshrl.u32 s7, $0x1;
	s8 =	sshrl.u32 s8, $0x2  }
0xc: {  	s17 =	sadd.s32 $0x4000, s10;
	s11 =	sadd.s32 $0x8000, s10;
	s13 =	sadd.s32 $0xC000, s10  }
0xd: {  	s7 =	ssub.s32 s7, s9;
	s8 =	sadd.s32 s8, s1;
	s12 =	sadd.s32 s17, s1  }
0xe: {  	s18 =	sadd.s32 s11, s1;
	s19 =	sadd.s32 s10, s16;
	s10 =	sadd.s32 $0x10000, s10  }
0xf: {  	s15 =	sadd.s32 s13, s1;
	s11 =	sadd.s32 s16, s11;
	[dreg:$0x6] =	wrdreg s8  }
0x10: {  	s23 =	sadd.s32 s16, s13;
	s6 =	sadd.s32 s21, s6;
	[dreg:$0x7] =	wrdreg s12  }
0x11: {  	s21 =	simm.s32 $0x14000;
	s13 =	simm.s32 $0x13F80;
	[dreg:$0x8] =	wrdreg s18  }
0x12: {  	s12 =	sshrl.u32 s19, $0x3;
	[dreg:$0x9] =	wrdreg s15;
	s20 =	sadd.s32 s10, s1  }
0x13: {  	s8 =	sadd.s32 s16, s17;
	s11 =	sshrl.u32 s11, $0x3;
	s9 =	sadd.s32 s16, s10  }
0x14: {  	s6 =	sshrl.u32 s6, $0x3;
	s25 =	smax.u32 s7, $0x1;
	s17 =	simm.s32 $0x14400  }
0x15: {  	s18 =	simm.s32 $0x1;
	s19 =	simm.s32 $0x13C00;
	s10 =	simm.s32 $0x14200  }
0x16: {  	s15 =	simm.s32 $0x14380;
	s7 =	simm.s32 $0x0;
	[dreg:$0xa] =	wrdreg s20  }
0x17: {  	s12 =	sadd.s32 s0, s12;
	s8 =	sshrl.u32 s8, $0x3;
	s22 =	sadd.s32 s0, s11  }
0x18: {  	s24 =	sshrl.u32 s9, $0x3;
	[dreg:$0x10] =	wrdreg s25;
	s26 =	sadd.s32 s6, s5  }
0x19: {  	s16 =	sadd.s32 s6, s2;
	s20 =	simm.s32 $0x5;
	[dreg:$0xb] =	wrdreg s12  }
0x1a: {  	s25 =	simm.s32 $0x13D00;
	s2 =	simm.s32 $0x13E80;
	[dreg:$0xd] =	wrdreg s22  }
0x1b: {  	s11 =	simm.s32 $0x13F00;
	s8 =	sadd.s32 s0, s8;
	[dreg:$0x5] =	wrdreg s26  }
0x1c: {  	s22 =	simm.s32 $0x80;
	[dreg:$0xc] =	wrdreg s8;
	s8 =	sshrl.u32 s23, $0x3  }
0x1d: {  	s26 =	simm.s32 $0x2;
	s12 =	simm.s32 $0x14280;
	s8 =	sadd.s32 s0, s8  }
0x1e: {  	s23 =	simm.s32 $0x13C80;
	s0 =	sadd.s32 s0, s24;
	[dreg:$0xe] =	wrdreg s8  }
0x1f: {  	v0 =	vimm.f32 $0.0e+00;
	s24 =	simm.s32 $0x18400;
	[dreg:$0xf] =	wrdreg s0;
	s0 =	simm.s32 $0x14180  }
.LBB2_1:
0x20: {  	s8 =	simm.s32 $0x0;
	s9 =	simm.s32 $0x200  }
.LBB2_2:
0x21: {  	p0 =	sne.s32 s9, $0xFE00;
	[tilespmem:s8+$0x14470] =	vst v0  }
0x22: {  	[tilespmem:s8+$0x14400] =	vst v0  }
0x23: {  	[tilespmem:s8+$0x14410] =	vst v0  }
.Ltmp0:
0x24: {  	[tilespmem:s8+$0x14420] =	vst v0;
	(pc) =	sbr.rel @p0 .LBB2_2-.Ltmp0, $4  }
0x25: {  	[tilespmem:s8+$0x14430] =	vst v0  }
0x26: {  	[tilespmem:s8+$0x14440] =	vst v0  }
0x27: {  	[tilespmem:s8+$0x14450] =	vst v0  }
0x28: {  	[tilespmem:s8+$0x14460] =	vst v0;
	s8 =	sshra.s32 s9, $0x2;
	s9 =	sadd.s32 $0x200, s9  }
0x29: {  	[tilespmem:s8+$0x14470] =	vst v0  }
0x2a: {  	[tilespmem:s8+$0x14400] =	vst v0  }
0x2b: {  	[tilespmem:s8+$0x14410] =	vst v0  }
0x2c: {  	[tilespmem:s8+$0x14420] =	vst v0  }
0x2d: {  	[tilespmem:s8+$0x14430] =	vst v0  }
0x2e: {  	[tilespmem:s8+$0x14440] =	vst v0  }
0x2f: {  	[dreg:$0x11] =	wrdreg s7;
	[tilespmem:s8+$0x14450] =	vst v0  }
0x30: {  	[tilespmem:s8+$0x14460] =	vst v0;
	s5 =	rddreg [dreg:$0x6]  }
0x31: {  	[spmem:s5] =	stream.linear.scatter [tilespmem:s17], [sflag:$0x1], $0x4000, $0x38;
	[tilespmem:$0x1C400] =	vst v63  }
0x32: {  	s9 =	rddreg [dreg:$0x7]  }
0x33: {  	[spmem:s9] =	stream.linear.scatter [tilespmem:s17], [sflag:$0x1], $0x4000, $0x38;
	[tilespmem:$0x1C400] =	vst v63  }
0x34: {  	s6 =	rddreg [dreg:$0x8]  }
0x35: {  	[spmem:s6] =	stream.linear.scatter [tilespmem:s17], [sflag:$0x1], $0x4000, $0x38;
	[tilespmem:$0x1C400] =	vst v63  }
0x36: {  	s7 =	rddreg [dreg:$0x9]  }
0x37: {  	[spmem:s7] =	stream.linear.scatter [tilespmem:s17], [sflag:$0x1], $0x4000, $0x38;
	[tilespmem:$0x1C400] =	vst v63  }
0x38: {  	s8 =	rddreg [dreg:$0xa]  }
0x39: {  	[spmem:s8] =	stream.linear.scatter [tilespmem:s17], [sflag:$0x1], $0x3C00, $0x38;
	[tilespmem:$0x1C400] =	vst v63  }
0x3a: {  	_ =	swait.ge [sflag:s18], $0x4000  }
0x3b: {  	[sflag:s18] =	ssyncset.done $0x0  }
0x3c: {  	[sflag:s18] =	ssyncadd.s32 $0xFFFFC000  }
0x3d: {  	_ =	swait.ge [sflag:s18], $0x4000  }
0x3e: {  	[sflag:s18] =	ssyncset.done $0x0  }
0x3f: {  	[sflag:s18] =	ssyncadd.s32 $0xFFFFC000  }
0x40: {  	_ =	swait.ge [sflag:s18], $0x4000  }
0x41: {  	[sflag:s18] =	ssyncset.done $0x0  }
0x42: {  	[sflag:s18] =	ssyncadd.s32 $0xFFFFC000  }
0x43: {  	_ =	swait.ge [sflag:s18], $0x4000  }
0x44: {  	[sflag:s18] =	ssyncset.done $0x0  }
0x45: {  	[sflag:s18] =	ssyncadd.s32 $0xFFFFC000  }
0x46: {  	_ =	swait.ge [sflag:s18], $0x3C00  }
0x47: {  	[sflag:s18] =	ssyncset.done $0x0  }
0x48: {  	[sflag:s18] =	ssyncadd.s32 $0xFFFFC400  }
0x49: {  	s6 =	sadd.s32 $0x0, s16;
	[bflag:$0x0] =	sbarrier.arrive $0xFFFF  }
0x4a: {  	[tilespmem:s19], [sflag:$0x5] =	stream.linear.gather [hbm4b:s6+s3], $0x400, $0x38;
	[tilespmem:$0x1C400] =	vst v63  }
0x4b: {  	_ =	swait.ge [sflag:s20], $0x400  }
0x4c: {  	s9 =	rddreg [dreg:$0x5];
	[sflag:s20] =	ssyncset.done $0x0  }
0x4d: {  	[sflag:s20] =	ssyncadd.s32 $0xFFFFFC00;
	s6 =	sadd.s32 $0x0, s9  }
0x4e: {  	[tilespmem:s21], [sflag:$0x5] =	stream.linear.gather [hbm4b:s6+s3], $0x400, $0x38;
	[tilespmem:$0x1C400] =	vst v63  }
0x4f: {  	_ =	swait.ge [sflag:s20], $0x400  }
0x50: {  	[sflag:s20] =	ssyncset.done $0x0  }
0x51: {  	[sflag:s20] =	ssyncadd.s32 $0xFFFFFC00  }
0x52: {  	[tilespmem:s17], [sflag:$0x1] =	stream.indirect.gather [hbm4b:s4+s22], $0x80, s19, s22, $0xb8;
	[tilespmem:$0x1C400] =	vst v63  }
0x53: {  	_ = 	snop  }
0x54: {  	[tilespmem:s24], [sflag:$0x2] =	stream.indirect.gather [hbm4b:s4+s22], $0x80, s23, s22, $0xb8;
	[tilespmem:$0x1C400] =	vst v63  }
0x55: {  	_ =	swait.ge [sflag:s18], $0x4000  }
0x56: {  	[sflag:s18] =	ssyncset.done $0x0  }
0x57: {  	[sflag:s18] =	ssyncadd.s32 $0xFFFFC000  }
0x58: {  	[spmem:s1] =	stream.indirect.scatter.add.f32 [tilespmem:s17], [sflag:$0x5], $0x80, s21, s22, $0xb8;
	[tilespmem:$0x1C400] =	vst v63  }
0x59: {  	_ =	swait.ge [sflag:s20], $0x4000  }
0x5a: {  	[sflag:s20] =	ssyncset.done $0x0  }
0x5b: {  	[sflag:s20] =	ssyncadd.s32 $0xFFFFC000  }
0x5c: {  	[tilespmem:s17], [sflag:$0x1] =	stream.indirect.gather [hbm4b:s4+s22], $0x80, s25, s22, $0xb8;
	[tilespmem:$0x1C400] =	vst v63  }
0x5d: {  	_ =	swait.ge [sflag:s26], $0x4000  }
0x5e: {  	[sflag:s26] =	ssyncset.done $0x0  }
0x5f: {  	[sflag:s26] =	ssyncadd.s32 $0xFFFFC000  }
0x60: {  	[spmem:s1] =	stream.indirect.scatter.add.f32 [tilespmem:s24], [sflag:$0x5], $0x80, s28, s22, $0xb8;
	[tilespmem:$0x1C400] =	vst v63  }
0x61: {  	_ =	swait.ge [sflag:s20], $0x4000  }
0x62: {  	[sflag:s20] =	ssyncset.done $0x0  }
0x63: {  	[sflag:s20] =	ssyncadd.s32 $0xFFFFC000  }
0x64: {  	[tilespmem:s24], [sflag:$0x2] =	stream.indirect.gather [hbm4b:s4+s22], $0x80, s29, s22, $0xb8;
	[tilespmem:$0x1C400] =	vst v63  }
0x65: {  	_ =	swait.ge [sflag:s18], $0x4000  }
0x66: {  	[sflag:s18] =	ssyncset.done $0x0  }
0x67: {  	[sflag:s18] =	ssyncadd.s32 $0xFFFFC000  }
0x68: {  	[spmem:s1] =	stream.indirect.scatter.add.f32 [tilespmem:s17], [sflag:$0x5], $0x80, s30, s22, $0xb8;
	[tilespmem:$0x1C400] =	vst v63  }
0x69: {  	_ =	swait.ge [sflag:s20], $0x4000  }
0x6a: {  	[sflag:s20] =	ssyncset.done $0x0  }
0x6b: {  	[sflag:s20] =	ssyncadd.s32 $0xFFFFC000  }
0x6c: {  	[tilespmem:s17], [sflag:$0x1] =	stream.indirect.gather [hbm4b:s4+s22], $0x80, s31, s22, $0xb8;
	[tilespmem:$0x1C400] =	vst v63  }
0x6d: {  	_ =	swait.ge [sflag:s26], $0x4000  }
0x6e: {  	[sflag:s26] =	ssyncset.done $0x0  }
0x6f: {  	[sflag:s26] =	ssyncadd.s32 $0xFFFFC000  }
0x70: {  	[spmem:s1] =	stream.indirect.scatter.add.f32 [tilespmem:s24], [sflag:$0x5], $0x80, s0, s22, $0xb8;
	[tilespmem:$0x1C400] =	vst v63  }
0x71: {  	_ =	swait.ge [sflag:s20], $0x4000  }
0x72: {  	[sflag:s20] =	ssyncset.done $0x0  }
0x73: {  	[sflag:s20] =	ssyncadd.s32 $0xFFFFC000  }
0x74: {  	[tilespmem:s24], [sflag:$0x2] =	stream.indirect.gather [hbm4b:s4+s22], $0x80, s2, s22, $0xb8;
	[tilespmem:$0x1C400] =	vst v63  }
0x75: {  	_ =	swait.ge [sflag:s18], $0x4000  }
0x76: {  	[sflag:s18] =	ssyncset.done $0x0  }
0x77: {  	[sflag:s18] =	ssyncadd.s32 $0xFFFFC000  }
0x78: {  	[spmem:s1] =	stream.indirect.scatter.add.f32 [tilespmem:s17], [sflag:$0x5], $0x80, s10, s22, $0xb8;
	[tilespmem:$0x1C400] =	vst v63  }
0x79: {  	_ =	swait.ge [sflag:s20], $0x4000  }
0x7a: {  	[sflag:s20] =	ssyncset.done $0x0  }
0x7b: {  	[sflag:s20] =	ssyncadd.s32 $0xFFFFC000  }
0x7c: {  	[tilespmem:s17], [sflag:$0x1] =	stream.indirect.gather [hbm4b:s4+s22], $0x80, s11, s22, $0xb8;
	[tilespmem:$0x1C400] =	vst v63  }
0x7d: {  	_ =	swait.ge [sflag:s26], $0x4000  }
0x7e: {  	[sflag:s26] =	ssyncset.done $0x0  }
0x7f: {  	[sflag:s26] =	ssyncadd.s32 $0xFFFFC000  }
0x80: {  	[spmem:s1] =	stream.indirect.scatter.add.f32 [tilespmem:s24], [sflag:$0x5], $0x80, s12, s22, $0xb8;
	[tilespmem:$0x1C400] =	vst v63  }
0x81: {  	_ =	swait.ge [sflag:s20], $0x4000  }
0x82: {  	[sflag:s20] =	ssyncset.done $0x0  }
0x83: {  	[sflag:s20] =	ssyncadd.s32 $0xFFFFC000  }
0x84: {  	[tilespmem:s24], [sflag:$0x2] =	stream.indirect.gather [hbm4b:s4+s22], $0x80, s13, s22, $0xb8;
	[tilespmem:$0x1C400] =	vst v63  }
0x85: {  	_ =	swait.ge [sflag:s18], $0x4000  }
0x86: {  	[sflag:s18] =	ssyncset.done $0x0  }
0x87: {  	[sflag:s18] =	ssyncadd.s32 $0xFFFFC000  }
0x88: {  	[spmem:s1] =	stream.indirect.scatter.add.f32 [tilespmem:s17], [sflag:$0x5], $0x80, s14, s22, $0xb8;
	[tilespmem:$0x1C400] =	vst v63  }
0x89: {  	_ =	swait.ge [sflag:s20], $0x4000  }
0x8a: {  	[sflag:s20] =	ssyncset.done $0x0  }
0x8b: {  	[sflag:s20] =	ssyncadd.s32 $0xFFFFC000  }
0x8c: {  	_ =	swait.ge [sflag:s26], $0x4000  }
0x8d: {  	[sflag:s26] =	ssyncset.done $0x0  }
0x8e: {  	[sflag:s26] =	ssyncadd.s32 $0xFFFFC000  }
0x8f: {  	[spmem:s1] =	stream.indirect.scatter.add.f32 [tilespmem:s24], [sflag:$0x5], $0x80, s15, s22, $0xb8;
	[tilespmem:$0x1C400] =	vst v63  }
0x90: {  	_ =	swait.ge [sflag:s20], $0x4000  }
0x91: {  	s8 =	simm.s32 $0x80;
	s9 =	simm.s32 $0x100;
	[sflag:s20] =	ssyncset.done $0x0  }
.LBB2_4:
0x92: {  	s5 =	sadd.s32 s8, s16;
	[sflag:s20] =	ssyncadd.s32 $0xFFFFC000  }
0x93: {  	[tilespmem:s19], [sflag:$0x5] =	stream.linear.gather [hbm4b:s5+s3], $0x400, $0x38;
	[tilespmem:$0x1C400] =	vst v63  }
0x94: {  	s7 =	smov.u32 s9;
	s6 =	sadd.s32 $0x80, s9;
	_ =	swait.ge [sflag:s20], $0x400  }
0x95: {  	p0 =	sne.s32 s9, $0x480;
	s9 =	rddreg [dreg:$0x5];
	[sflag:s20] =	ssyncset.done $0x0  }
0x96: {  	[sflag:s20] =	ssyncadd.s32 $0xFFFFFC00;
	s5 =	sadd.s32 s8, s9  }
0x97: {  	[tilespmem:s21], [sflag:$0x5] =	stream.linear.gather [hbm4b:s5+s3], $0x400, $0x38;
	[tilespmem:$0x1C400] =	vst v63  }
0x98: {  	_ =	swait.ge [sflag:s20], $0x400  }
0x99: {  	[sflag:s20] =	ssyncset.done $0x0  }
0x9a: {  	[sflag:s20] =	ssyncadd.s32 $0xFFFFFC00  }
0x9b: {  	[tilespmem:s17], [sflag:$0x1] =	stream.indirect.gather [hbm4b:s4+s22], $0x80, s19, s22, $0xb8;
	[tilespmem:$0x1C400] =	vst v63  }
0x9c: {  	_ = 	snop  }
0x9d: {  	[tilespmem:s24], [sflag:$0x2] =	stream.indirect.gather [hbm4b:s4+s22], $0x80, s23, s22, $0xb8;
	[tilespmem:$0x1C400] =	vst v63  }
0x9e: {  	_ =	swait.ge [sflag:s18], $0x4000  }
0x9f: {  	[sflag:s18] =	ssyncset.done $0x0  }
0xa0: {  	[sflag:s18] =	ssyncadd.s32 $0xFFFFC000  }
0xa1: {  	[spmem:s1] =	stream.indirect.scatter.add.f32 [tilespmem:s17], [sflag:$0x5], $0x80, s21, s22, $0xb8;
	[tilespmem:$0x1C400] =	vst v63  }
0xa2: {  	_ =	swait.ge [sflag:s20], $0x4000  }
0xa3: {  	[sflag:s20] =	ssyncset.done $0x0  }
0xa4: {  	[sflag:s20] =	ssyncadd.s32 $0xFFFFC000  }
0xa5: {  	[tilespmem:s17], [sflag:$0x1] =	stream.indirect.gather [hbm4b:s4+s22], $0x80, s25, s22, $0xb8;
	[tilespmem:$0x1C400] =	vst v63  }
0xa6: {  	_ =	swait.ge [sflag:s26], $0x4000  }
0xa7: {  	[sflag:s26] =	ssyncset.done $0x0  }
0xa8: {  	[sflag:s26] =	ssyncadd.s32 $0xFFFFC000  }
0xa9: {  	[spmem:s1] =	stream.indirect.scatter.add.f32 [tilespmem:s24], [sflag:$0x5], $0x80, s28, s22, $0xb8;
	[tilespmem:$0x1C400] =	vst v63  }
0xaa: {  	_ =	swait.ge [sflag:s20], $0x4000  }
0xab: {  	[sflag:s20] =	ssyncset.done $0x0  }
0xac: {  	[sflag:s20] =	ssyncadd.s32 $0xFFFFC000  }
0xad: {  	[tilespmem:s24], [sflag:$0x2] =	stream.indirect.gather [hbm4b:s4+s22], $0x80, s29, s22, $0xb8;
	[tilespmem:$0x1C400] =	vst v63  }
0xae: {  	_ =	swait.ge [sflag:s18], $0x4000  }
0xaf: {  	[sflag:s18] =	ssyncset.done $0x0  }
0xb0: {  	[sflag:s18] =	ssyncadd.s32 $0xFFFFC000  }
0xb1: {  	[spmem:s1] =	stream.indirect.scatter.add.f32 [tilespmem:s17], [sflag:$0x5], $0x80, s30, s22, $0xb8;
	[tilespmem:$0x1C400] =	vst v63  }
0xb2: {  	_ =	swait.ge [sflag:s20], $0x4000  }
0xb3: {  	[sflag:s20] =	ssyncset.done $0x0  }
0xb4: {  	[sflag:s20] =	ssyncadd.s32 $0xFFFFC000  }
0xb5: {  	[tilespmem:s17], [sflag:$0x1] =	stream.indirect.gather [hbm4b:s4+s22], $0x80, s31, s22, $0xb8;
	[tilespmem:$0x1C400] =	vst v63  }
0xb6: {  	_ =	swait.ge [sflag:s26], $0x4000  }
0xb7: {  	[sflag:s26] =	ssyncset.done $0x0  }
0xb8: {  	[sflag:s26] =	ssyncadd.s32 $0xFFFFC000  }
0xb9: {  	[spmem:s1] =	stream.indirect.scatter.add.f32 [tilespmem:s24], [sflag:$0x5], $0x80, s0, s22, $0xb8;
	[tilespmem:$0x1C400] =	vst v63  }
0xba: {  	_ =	swait.ge [sflag:s20], $0x4000  }
0xbb: {  	[sflag:s20] =	ssyncset.done $0x0  }
0xbc: {  	[sflag:s20] =	ssyncadd.s32 $0xFFFFC000  }
0xbd: {  	[tilespmem:s24], [sflag:$0x2] =	stream.indirect.gather [hbm4b:s4+s22], $0x80, s2, s22, $0xb8;
	[tilespmem:$0x1C400] =	vst v63  }
0xbe: {  	_ =	swait.ge [sflag:s18], $0x4000  }
0xbf: {  	[sflag:s18] =	ssyncset.done $0x0  }
0xc0: {  	[sflag:s18] =	ssyncadd.s32 $0xFFFFC000  }
0xc1: {  	[spmem:s1] =	stream.indirect.scatter.add.f32 [tilespmem:s17], [sflag:$0x5], $0x80, s10, s22, $0xb8;
	[tilespmem:$0x1C400] =	vst v63  }
0xc2: {  	_ =	swait.ge [sflag:s20], $0x4000  }
0xc3: {  	[sflag:s20] =	ssyncset.done $0x0  }
0xc4: {  	[sflag:s20] =	ssyncadd.s32 $0xFFFFC000  }
0xc5: {  	[tilespmem:s17], [sflag:$0x1] =	stream.indirect.gather [hbm4b:s4+s22], $0x80, s11, s22, $0xb8;
	[tilespmem:$0x1C400] =	vst v63  }
0xc6: {  	_ =	swait.ge [sflag:s26], $0x4000  }
0xc7: {  	[sflag:s26] =	ssyncset.done $0x0  }
0xc8: {  	[sflag:s26] =	ssyncadd.s32 $0xFFFFC000  }
0xc9: {  	[spmem:s1] =	stream.indirect.scatter.add.f32 [tilespmem:s24], [sflag:$0x5], $0x80, s12, s22, $0xb8;
	[tilespmem:$0x1C400] =	vst v63  }
0xca: {  	_ =	swait.ge [sflag:s20], $0x4000  }
0xcb: {  	[sflag:s20] =	ssyncset.done $0x0  }
0xcc: {  	[sflag:s20] =	ssyncadd.s32 $0xFFFFC000  }
0xcd: {  	[tilespmem:s24], [sflag:$0x2] =	stream.indirect.gather [hbm4b:s4+s22], $0x80, s13, s22, $0xb8;
	[tilespmem:$0x1C400] =	vst v63  }
0xce: {  	_ =	swait.ge [sflag:s18], $0x4000  }
0xcf: {  	[sflag:s18] =	ssyncset.done $0x0  }
0xd0: {  	[sflag:s18] =	ssyncadd.s32 $0xFFFFC000  }
0xd1: {  	[spmem:s1] =	stream.indirect.scatter.add.f32 [tilespmem:s17], [sflag:$0x5], $0x80, s14, s22, $0xb8;
	[tilespmem:$0x1C400] =	vst v63  }
0xd2: {  	_ =	swait.ge [sflag:s20], $0x4000  }
0xd3: {  	[sflag:s20] =	ssyncset.done $0x0  }
0xd4: {  	[sflag:s20] =	ssyncadd.s32 $0xFFFFC000  }
0xd5: {  	_ =	swait.ge [sflag:s26], $0x4000  }
.Ltmp1:
0xd6: {  	[sflag:s26] =	ssyncset.done $0x0;
	(pc) =	sbr.rel @p0 .LBB2_4-.Ltmp1, $4  }
0xd7: {  	[sflag:s26] =	ssyncadd.s32 $0xFFFFC000  }
0xd8: {  	[spmem:s1] =	stream.indirect.scatter.add.f32 [tilespmem:s24], [sflag:$0x5], $0x80, s15, s22, $0xb8;
	[tilespmem:$0x1C400] =	vst v63  }
0xd9: {  	_ =	swait.ge [sflag:s20], $0x4000  }
0xda: {  	s8 =	smov.u32 s7;
	s9 =	smov.u32 s6;
	[sflag:s20] =	ssyncset.done $0x0  }
0xdb: {  	s5 =	sadd.s32 s8, s16;
	[sflag:s20] =	ssyncadd.s32 $0xFFFFC000  }
0xdc: {  	[tilespmem:s19], [sflag:$0x5] =	stream.linear.gather [hbm4b:s5+s3], $0x400, $0x38;
	[tilespmem:$0x1C400] =	vst v63  }
0xdd: {  	_ =	swait.ge [sflag:s20], $0x400  }
0xde: {  	s7 =	rddreg [dreg:$0x5];
	[sflag:s20] =	ssyncset.done $0x0  }
0xdf: {  	s5 =	sadd.s32 s8, s7;
	[sflag:s20] =	ssyncadd.s32 $0xFFFFFC00  }
0xe0: {  	[tilespmem:s21], [sflag:$0x5] =	stream.linear.gather [hbm4b:s5+s3], $0x400, $0x38;
	[tilespmem:$0x1C400] =	vst v63  }
0xe1: {  	_ =	swait.ge [sflag:s20], $0x400  }
0xe2: {  	[sflag:s20] =	ssyncset.done $0x0  }
0xe3: {  	[sflag:s20] =	ssyncadd.s32 $0xFFFFFC00  }
0xe4: {  	[tilespmem:s17], [sflag:$0x1] =	stream.indirect.gather [hbm4b:s4+s22], $0x80, s19, s22, $0xb8;
	[tilespmem:$0x1C400] =	vst v63  }
0xe5: {  	_ = 	snop  }
0xe6: {  	[tilespmem:s24], [sflag:$0x2] =	stream.indirect.gather [hbm4b:s4+s22], $0x80, s23, s22, $0xb8;
	[tilespmem:$0x1C400] =	vst v63  }
0xe7: {  	_ =	swait.ge [sflag:s18], $0x4000  }
0xe8: {  	[sflag:s18] =	ssyncset.done $0x0  }
0xe9: {  	[sflag:s18] =	ssyncadd.s32 $0xFFFFC000  }
0xea: {  	[spmem:s1] =	stream.indirect.scatter.add.f32 [tilespmem:s17], [sflag:$0x5], $0x80, s21, s22, $0xb8;
	[tilespmem:$0x1C400] =	vst v63  }
0xeb: {  	_ =	swait.ge [sflag:s20], $0x4000  }
0xec: {  	[sflag:s20] =	ssyncset.done $0x0  }
0xed: {  	[sflag:s20] =	ssyncadd.s32 $0xFFFFC000  }
0xee: {  	[tilespmem:s17], [sflag:$0x1] =	stream.indirect.gather [hbm4b:s4+s22], $0x80, s25, s22, $0xb8;
	[tilespmem:$0x1C400] =	vst v63  }
0xef: {  	_ =	swait.ge [sflag:s26], $0x4000  }
0xf0: {  	[sflag:s26] =	ssyncset.done $0x0  }
0xf1: {  	[sflag:s26] =	ssyncadd.s32 $0xFFFFC000  }
0xf2: {  	[spmem:s1] =	stream.indirect.scatter.add.f32 [tilespmem:s24], [sflag:$0x5], $0x80, s28, s22, $0xb8;
	[tilespmem:$0x1C400] =	vst v63  }
0xf3: {  	_ =	swait.ge [sflag:s20], $0x4000  }
0xf4: {  	[sflag:s20] =	ssyncset.done $0x0  }
0xf5: {  	[sflag:s20] =	ssyncadd.s32 $0xFFFFC000  }
0xf6: {  	[tilespmem:s24], [sflag:$0x2] =	stream.indirect.gather [hbm4b:s4+s22], $0x80, s29, s22, $0xb8;
	[tilespmem:$0x1C400] =	vst v63  }
0xf7: {  	_ =	swait.ge [sflag:s18], $0x4000  }
0xf8: {  	[sflag:s18] =	ssyncset.done $0x0  }
0xf9: {  	[sflag:s18] =	ssyncadd.s32 $0xFFFFC000  }
0xfa: {  	[spmem:s1] =	stream.indirect.scatter.add.f32 [tilespmem:s17], [sflag:$0x5], $0x80, s30, s22, $0xb8;
	[tilespmem:$0x1C400] =	vst v63  }
0xfb: {  	_ =	swait.ge [sflag:s20], $0x4000  }
0xfc: {  	[sflag:s20] =	ssyncset.done $0x0  }
0xfd: {  	[sflag:s20] =	ssyncadd.s32 $0xFFFFC000  }
0xfe: {  	[tilespmem:s17], [sflag:$0x1] =	stream.indirect.gather [hbm4b:s4+s22], $0x80, s31, s22, $0xb8;
	[tilespmem:$0x1C400] =	vst v63  }
0xff: {  	_ =	swait.ge [sflag:s26], $0x4000  }
0x100: {  	[sflag:s26] =	ssyncset.done $0x0  }
0x101: {  	[sflag:s26] =	ssyncadd.s32 $0xFFFFC000  }
0x102: {  	[spmem:s1] =	stream.indirect.scatter.add.f32 [tilespmem:s24], [sflag:$0x5], $0x80, s0, s22, $0xb8;
	[tilespmem:$0x1C400] =	vst v63  }
0x103: {  	_ =	swait.ge [sflag:s20], $0x4000  }
0x104: {  	[sflag:s20] =	ssyncset.done $0x0  }
0x105: {  	[sflag:s20] =	ssyncadd.s32 $0xFFFFC000  }
0x106: {  	[tilespmem:s24], [sflag:$0x2] =	stream.indirect.gather [hbm4b:s4+s22], $0x80, s2, s22, $0xb8;
	[tilespmem:$0x1C400] =	vst v63  }
0x107: {  	_ =	swait.ge [sflag:s18], $0x4000  }
0x108: {  	[sflag:s18] =	ssyncset.done $0x0  }
0x109: {  	[sflag:s18] =	ssyncadd.s32 $0xFFFFC000  }
0x10a: {  	[spmem:s1] =	stream.indirect.scatter.add.f32 [tilespmem:s17], [sflag:$0x5], $0x80, s10, s22, $0xb8;
	[tilespmem:$0x1C400] =	vst v63  }
0x10b: {  	_ =	swait.ge [sflag:s20], $0x4000  }
0x10c: {  	[sflag:s20] =	ssyncset.done $0x0  }
0x10d: {  	[sflag:s20] =	ssyncadd.s32 $0xFFFFC000  }
0x10e: {  	[tilespmem:s17], [sflag:$0x1] =	stream.indirect.gather [hbm4b:s4+s22], $0x80, s11, s22, $0xb8;
	[tilespmem:$0x1C400] =	vst v63  }
0x10f: {  	_ =	swait.ge [sflag:s26], $0x4000  }
0x110: {  	[sflag:s26] =	ssyncset.done $0x0  }
0x111: {  	[sflag:s26] =	ssyncadd.s32 $0xFFFFC000  }
0x112: {  	[spmem:s1] =	stream.indirect.scatter.add.f32 [tilespmem:s24], [sflag:$0x5], $0x80, s12, s22, $0xb8;
	[tilespmem:$0x1C400] =	vst v63  }
0x113: {  	_ =	swait.ge [sflag:s20], $0x4000  }
0x114: {  	[sflag:s20] =	ssyncset.done $0x0  }
0x115: {  	[sflag:s20] =	ssyncadd.s32 $0xFFFFC000  }
0x116: {  	[tilespmem:s24], [sflag:$0x2] =	stream.indirect.gather [hbm4b:s4+s22], $0x80, s13, s22, $0xb8;
	[tilespmem:$0x1C400] =	vst v63  }
0x117: {  	_ =	swait.ge [sflag:s18], $0x4000  }
0x118: {  	[sflag:s18] =	ssyncset.done $0x0  }
0x119: {  	[sflag:s18] =	ssyncadd.s32 $0xFFFFC000  }
0x11a: {  	[spmem:s1] =	stream.indirect.scatter.add.f32 [tilespmem:s17], [sflag:$0x5], $0x80, s14, s22, $0xb8;
	[tilespmem:$0x1C400] =	vst v63  }
0x11b: {  	_ =	swait.ge [sflag:s20], $0x4000  }
0x11c: {  	[sflag:s20] =	ssyncset.done $0x0  }
0x11d: {  	[sflag:s20] =	ssyncadd.s32 $0xFFFFC000  }
0x11e: {  	_ =	swait.ge [sflag:s26], $0x4000  }
0x11f: {  	[sflag:s26] =	ssyncset.done $0x0  }
0x120: {  	[sflag:s26] =	ssyncadd.s32 $0xFFFFC000  }
0x121: {  	[spmem:s1] =	stream.indirect.scatter.add.f32 [tilespmem:s24], [sflag:$0x5], $0x80, s15, s22, $0xb8;
	[tilespmem:$0x1C400] =	vst v63  }
0x122: {  	_ =	swait.ge [sflag:s20], $0x4000  }
0x123: {  	[sflag:s20] =	ssyncset.done $0x0  }
0x124: {  	[sflag:s20] =	ssyncadd.s32 $0xFFFFC000  }
0x125: {  	[bflag:$0x0] =	sbarrier.arrive $0xFFFF  }
0x126: {  	s8 =	rddreg [dreg:$0x6]  }
0x127: {  	[tilespmem:s17], [sflag:$0x1] =	stream.linear.gather [spmem:s8], $0x4000, $0x38;
	[tilespmem:$0x1C400] =	vst v63  }
0x128: {  	s9 =	rddreg [dreg:$0x7]  }
0x129: {  	[tilespmem:s24], [sflag:$0x2] =	stream.linear.gather [spmem:s9], $0x4000, $0x38;
	[tilespmem:$0x1C400] =	vst v63  }
0x12a: {  	_ =	swait.ge [sflag:s18], $0x4000  }
0x12b: {  	[sflag:s18] =	ssyncset.done $0x0  }
0x12c: {  	s6 =	rddreg [dreg:$0xb];
	[sflag:s18] =	ssyncadd.s32 $0xFFFFC000  }
0x12d: {  	[hbm4b:s6+s3] =	stream.linear.scatter [tilespmem:s17], [sflag:$0x3], $0x4000, $0x38;
	[tilespmem:$0x1C400] =	vst v63  }
0x12e: {  	s6 =	simm.s32 $0x3  }
0x12f: {  	_ =	swait.ge [sflag:s6], $0x4000  }
0x130: {  	[sflag:s6] =	ssyncset.done $0x0  }
0x131: {  	s7 =	rddreg [dreg:$0x8];
	[sflag:s6] =	ssyncadd.s32 $0xFFFFC000  }
0x132: {  	[tilespmem:s17], [sflag:$0x1] =	stream.linear.gather [spmem:s7], $0x4000, $0x38;
	[tilespmem:$0x1C400] =	vst v63  }
0x133: {  	_ =	swait.ge [sflag:s26], $0x4000  }
0x134: {  	[sflag:s26] =	ssyncset.done $0x0  }
0x135: {  	s7 =	simm.s32 $0x4;
	s8 =	rddreg [dreg:$0xc];
	[sflag:s26] =	ssyncadd.s32 $0xFFFFC000  }
0x136: {  	[hbm4b:s8+s3] =	stream.linear.scatter [tilespmem:s24], [sflag:$0x4], $0x4000, $0x38;
	[tilespmem:$0x1C400] =	vst v63  }
0x137: {  	_ =	swait.ge [sflag:s7], $0x4000  }
0x138: {  	[sflag:s7] =	ssyncset.done $0x0  }
0x139: {  	s9 =	rddreg [dreg:$0x9];
	[sflag:s7] =	ssyncadd.s32 $0xFFFFC000  }
0x13a: {  	[tilespmem:s24], [sflag:$0x2] =	stream.linear.gather [spmem:s9], $0x4000, $0x38;
	[tilespmem:$0x1C400] =	vst v63  }
0x13b: {  	_ =	swait.ge [sflag:s18], $0x4000  }
0x13c: {  	[sflag:s18] =	ssyncset.done $0x0  }
0x13d: {  	s8 =	rddreg [dreg:$0xd];
	[sflag:s18] =	ssyncadd.s32 $0xFFFFC000  }
0x13e: {  	[hbm4b:s8+s3] =	stream.linear.scatter [tilespmem:s17], [sflag:$0x3], $0x4000, $0x38;
	[tilespmem:$0x1C400] =	vst v63  }
0x13f: {  	_ =	swait.ge [sflag:s6], $0x4000  }
0x140: {  	[sflag:s6] =	ssyncset.done $0x0  }
0x141: {  	s9 =	rddreg [dreg:$0xa];
	[sflag:s6] =	ssyncadd.s32 $0xFFFFC000  }
0x142: {  	[tilespmem:s17], [sflag:$0x1] =	stream.linear.gather [spmem:s9], $0x3C00, $0x38;
	[tilespmem:$0x1C400] =	vst v63  }
0x143: {  	_ =	swait.ge [sflag:s26], $0x4000  }
0x144: {  	[sflag:s26] =	ssyncset.done $0x0  }
0x145: {  	s8 =	rddreg [dreg:$0xe];
	[sflag:s26] =	ssyncadd.s32 $0xFFFFC000  }
0x146: {  	[hbm4b:s8+s3] =	stream.linear.scatter [tilespmem:s24], [sflag:$0x4], $0x4000, $0x38;
	[tilespmem:$0x1C400] =	vst v63  }
0x147: {  	_ =	swait.ge [sflag:s18], $0x3C00  }
0x148: {  	[sflag:s18] =	ssyncset.done $0x0  }
0x149: {  	s9 =	rddreg [dreg:$0xf];
	[sflag:s18] =	ssyncadd.s32 $0xFFFFC400  }
0x14a: {  	[hbm4b:s9+s3] =	stream.linear.scatter [tilespmem:s17], [sflag:$0x3], $0x3C00, $0x38;
	[tilespmem:$0x1C400] =	vst v63  }
0x14b: {  	_ =	swait.ge [sflag:s7], $0x4000  }
0x14c: {  	[sflag:s7] =	ssyncset.done $0x0  }
0x14d: {  	[sflag:s7] =	ssyncadd.s32 $0xFFFFC000  }
0x14e: {  	_ =	swait.ge [sflag:s6], $0x3C00  }
0x14f: {  	s8 =	rddreg [dreg:$0x11]  }
0x150: {  	s9 =	rddreg [dreg:$0x10];
	s7 =	sadd.s32 $0x1, s8  }
0x151: {  	p0 =	sne.s32 s7, s9  }
.Ltmp2:
0x152: {  	_ = 	snop;
	(pc) =	sbr.rel @p0 .LBB2_1-.Ltmp2, $3  }
0x153: {  	_ =	sdelay $0x1  }
0x154: {  	[sflag:s6] =	ssyncset.done $0x0  }
0x155: {  	[sflag:s6] =	ssyncadd.s32 $0xFFFFC400  }
0x156: {  	_ =	sfence.sel $0x180000  }
0x157: {  	[bflag:$0x0] =	sbarrier.arrive $0xFFFF  }
0x158: {  	_ =	strace $0x9000004A  }
0x159: {  	s0 =	stileid.u32;
	[bflag:$0x2] =	sbarrier.arrive $0xFFFF  }
0x15a: {  	p0 =	sne.s32 s0, $0x0;
	s0 =	rddreg [dreg:$0x4]  }
0x15b: {  	s0 =	sadd.s32 @!p0 $0x100000, s0  }
0x15c: {  	[sflag:s0] =	ssyncadd.tile.s32 @!p0 $0x1;
	_ =	shalt  }
.Lfunc_end2:
_tile_overlayer_lowered:
.L_overlay_start_2:
0x15d: {  	(tag) =	ssettag $0x2  }
0x15e: {  	s0 =	rddreg [dreg:$0x0];
	s2 =	stileid.u32  }
0x15f: {  	s1 =	rddreg [dreg:$0x1];
	p0 =	sne.s32 s2, $0x0  }
0x160: {  	s3 =	rddreg [dreg:$0x2];
	[bflag:$0x3] =	sbarrier.arrive $0xFFFF;
	s2 =	simm.s32 @!p0 $0x1C01  }
0x161: {  	[timem:s3], [sflag:s2] =	dma.local @!p0 [hbm:s0], s1  }
0x162: {  	s0 =	simm.s32 @!p0 $0x1  }
0x163: {  	_ =	swait.ge @!p0 [sflag:s0], s1  }
0x164: {  	s1 =	ssub.s32 @!p0 $0x0, s1;
	[sflag:s0] =	ssyncset.done @!p0 $0x0  }
0x165: {  	[sflag:s0] =	ssyncadd.s32 @!p0 s1  }
0x166: {  	[bflag:$0x3] =	sbarrier.arrive $0xFFFF  }
0x167: {  	_ =	shalt  }

// kernel: kernel.14.cloned.1.call-start
scs
__scs_entry_jumppad:
0x0: {  	(pc) =	sbr.rel $0x88, $3  }
0x1: {  	(tag) =	ssettag $0x0;
	lr =	simm.s32 $0x1  }
0x2: {  	[smem:$0x3F99] =	sst lr;
	_ =	strace $0xD0000000  }
0x3: {  	_ = 	snop  }
0x4: {  	_ = 	snop  }
0x5: {  	_ = 	snop  }
0x6: {  	_ = 	snop  }
0x7: {  	_ = 	snop  }
__scs_overlays_trampoline_lowered:
0x8: {  	[smem:$0x3FA8] =	sst s0  }
0x9: {  	[smem:$0x3FA9] =	sst s1  }
0xa: {  	[smem:$0x3FAA] =	sst s2  }
0xb: {  	[smem:$0x3FAB] =	sst s3  }
0xc: {  	[smem:$0x3FAC] =	sst s4  }
0xd: {  	[smem:$0x3FAD] =	sst s5  }
0xe: {  	[smem:$0x3FAE] =	sst s6  }
0xf: {  	[smem:$0x3FAF] =	sst s7  }
0x10: {  	[smem:$0x3FB0] =	sst s8  }
0x11: {  	[smem:$0x3FB1] =	sst s9;
	s0 =	simm.s32 @!p0 $0x0  }
0x12: {  	s1 =	sld [smem:$0x3F97];
	s0 =	simm.s32 @p0 $0x1  }
0x13: {  	[smem:$0x3FB2] =	sst s0;
	s0 =	simm.s32 @!p1 $0x0  }
0x14: {  	s2 =	sld [smem:$0x3F96];
	s0 =	simm.s32 @p1 $0x1  }
0x15: {  	[smem:$0x3FB3] =	sst s0;
	s0 =	simm.s32 @!p2 $0x0  }
0x16: {  	s3 =	sld [smem:$0x3FDB];
	s0 =	simm.s32 @p2 $0x1  }
0x17: {  	s4 =	simm.s32 $0x1BF5;
	[smem:$0x3FB5] =	sst s0  }
0x18: {  	s0 =	sld [smem:$0x3F98];
	_ =	swait.ge [sflag:s4], $0x0  }
0x19: {  	s7 =	sld [smem:$0x3F99]  }
0x1a: {  	s8 =	sadd.s32 $0xFFFFE003, lr  }
0x1b: {  	s9 =	sadd.s32 $0xFFFFFEF7, lr;
	s5 =	simm.s32 $0xFFFFFFFF;
	p2 =	slt.u32 s8, $0xFFFFF086  }
0x1c: {  	p1 =	slt.u32 s9, $0xF7A;
	s5 =	simm.s32 @!p2 $0x0  }
0x1d: {  	s5 =	simm.s32 @p1 $0x1;
	p0 =	seq.s32 s7, s2  }
0x1e: {  	s7 =	smul.u32 @!p0 $0xF7A, s2;
	p2 =	seq.s32 @!p0 s5, $0x0  }
0x1f: {  	s9 =	smul.u32 $0xF7A, s1;
	s8 =	simm.s32 @!p0 $0x1BF5;
	p2 =	por !p2, p0  }
0x20: {  	[sflag:s8] =	ssyncset.s32 @!p0 $0xFFFFF086;
	s6 =	sadd.s32 @!p0 s3, s7;
	s7 =	simm.s32 @!p0 $0x108  }
0x21: {  	s3 =	sadd.s32 s3, s9;
	s6 =	sadd.s32 @!p0 $0x88, s6;
	s7 =	simm.s32 @p2 $0x1082  }
0x22: {  	[simem:s7], [sflag:s8] =	dma.local @!p0 [hbm:s6], $0xF7A  }
0x23: {  	s9 =	sor.u32 $0xD0000000, s2;
	s6 =	simm.s32 $0x108;
	_ =	swait.ge @!p0 [sflag:s8], $0x0  }
0x24: {  	s3 =	sadd.s32 $0x88, s3;
	s6 =	simm.s32 @!p1 $0x1082;
	[sflag:s4] =	ssyncset.s32 $0xFFFFF086  }
0x25: {  	[simem:s6], [sflag:s4] =	dma.local [hbm:s3], $0xF7A  }
0x26: {  	[smem:$0x3F99] =	sst s1;
	(tag) =	ssettag s2;
	_ =	strace s9  }
0x27: {  	s1 =	sld [smem:$0x3FA9]  }
0x28: {  	s2 =	sld [smem:$0x3FAA]  }
0x29: {  	s4 =	sld [smem:$0x3FAC]  }
0x2a: {  	p0 =	seq.s32 s5, $0x0;
	s5 =	sld [smem:$0x3FAD]  }
0x2b: {  	s6 =	sld [smem:$0x3FAE]  }
0x2c: {  	s7 =	sld [smem:$0x3FAF]  }
0x2d: {  	s3 =	simm.s32 $0x108;
	s8 =	sld [smem:$0x3FB0]  }
0x2e: {  	s3 =	simm.s32 @!p0 $0x1082;
	s9 =	sld [smem:$0x3FB1]  }
0x2f: {  	lr =	sadd.s32 s0, s3;
	s0 =	sld [smem:$0x3FA8]  }
0x30: {  	s3 =	sld [smem:$0x3FAB]  }
0x31: {  	[smem:$0x3FB4] =	sst s10  }
0x32: {  	s10 =	sld [smem:$0x3FB2];
	_ =	sdelay $0x3  }
0x33: {  	p0 =	seq.s32 s10, $0x1;
	s10 =	sld [smem:$0x3FB4];
	_ =	sdelay $0x3  }
0x34: {  	[smem:$0x3FB4] =	sst s10  }
0x35: {  	s10 =	sld [smem:$0x3FB3];
	_ =	sdelay $0x3  }
0x36: {  	p1 =	seq.s32 s10, $0x1;
	s10 =	sld [smem:$0x3FB4];
	_ =	sdelay $0x3  }
0x37: {  	[smem:$0x3FB4] =	sst s10  }
0x38: {  	s10 =	sld [smem:$0x3FB5]  }
0x39: {  	_ = 	snop;
	(pc) =	sbr.ind lr, $3  }
0x3a: {  	_ = 	snop  }
0x3b: {  	_ = 	snop  }
0x3c: {  	p2 =	seq.s32 s10, $0x1;
	s10 =	sld [smem:$0x3FB4]  }
0x3d: {  	_ =	shalt  }
0x3e: {  	_ =	shalt  }
0x3f: {  	_ =	shalt  }
0x40: {  	_ =	shalt  }
0x41: {  	_ =	shalt  }
0x42: {  	_ =	shalt  }
0x43: {  	_ =	shalt  }
0x44: {  	_ =	shalt  }
0x45: {  	_ =	shalt  }
0x46: {  	_ =	shalt  }
0x47: {  	_ =	shalt  }
0x48: {  	_ =	shalt  }
0x49: {  	_ =	shalt  }
0x4a: {  	_ =	shalt  }
0x4b: {  	_ =	shalt  }
0x4c: {  	_ =	shalt  }
0x4d: {  	_ =	shalt  }
0x4e: {  	_ =	shalt  }
0x4f: {  	_ =	shalt  }
0x50: {  	_ =	shalt  }
0x51: {  	_ =	shalt  }
0x52: {  	_ =	shalt  }
0x53: {  	_ =	shalt  }
0x54: {  	_ =	shalt  }
0x55: {  	_ =	shalt  }
0x56: {  	_ =	shalt  }
0x57: {  	_ =	shalt  }
0x58: {  	_ =	shalt  }
0x59: {  	_ =	shalt  }
0x5a: {  	_ =	shalt  }
0x5b: {  	_ =	shalt  }
0x5c: {  	_ =	shalt  }
0x5d: {  	_ =	shalt  }
0x5e: {  	_ =	shalt  }
0x5f: {  	_ =	shalt  }
0x60: {  	_ =	shalt  }
0x61: {  	_ =	shalt  }
0x62: {  	_ =	shalt  }
0x63: {  	_ =	shalt  }
0x64: {  	_ =	shalt  }
0x65: {  	_ =	shalt  }
0x66: {  	_ =	shalt  }
0x67: {  	_ =	shalt  }
0x68: {  	_ =	shalt  }
0x69: {  	_ =	shalt  }
0x6a: {  	_ =	shalt  }
0x6b: {  	_ =	shalt  }
0x6c: {  	_ =	shalt  }
0x6d: {  	_ =	shalt  }
0x6e: {  	_ =	shalt  }
0x6f: {  	_ =	shalt  }
0x70: {  	_ =	shalt  }
0x71: {  	_ =	shalt  }
0x72: {  	_ =	shalt  }
0x73: {  	_ =	shalt  }
0x74: {  	_ =	shalt  }
0x75: {  	_ =	shalt  }
0x76: {  	_ =	shalt  }
0x77: {  	_ =	shalt  }
0x78: {  	_ =	shalt  }
0x79: {  	_ =	shalt  }
0x7a: {  	_ =	shalt  }
0x7b: {  	_ =	shalt  }
0x7c: {  	_ =	shalt  }
0x7d: {  	_ =	shalt  }
0x7e: {  	_ =	shalt  }
0x7f: {  	_ =	shalt  }
0x80: {  	_ =	shalt  }
0x81: {  	_ =	shalt  }
0x82: {  	_ =	shalt  }
0x83: {  	_ =	shalt  }
0x84: {  	_ =	shalt  }
0x85: {  	_ =	shalt  }
0x86: {  	_ =	shalt  }
0x87: {  	_ =	shalt  }
.Lfunc_end0:
.L_simem_size_0:
called_computation.2_lowered:
.L_overlay_start_0:
0x88: {  	s2 =	sld [smem:$0x3FD9]  }
0x89: {  	s3 =	sld [smem:$0x3FFE];
	_ =	sdelay $0x1  }
0x8a: {  	s1 =	srdreg.scid  }
0x8b: {  	s0 =	sand.u32 $0x1, s1  }
0x8c: {  	s14 =	sshll.u32 s0, $0xA;
	s2 =	sadd.s32 s3, s2  }
0x8d: {  	s2 =	sadd.s32 s2, s14  }
0x8e: {  	[smem:$0x3FC0] =	sst s2  }
0x8f: {  	_ = 	snop  }
0x90: {  	s2 =	sld [smem:$0x3FD0];
	_ =	sdelay $0x2  }
0x91: {  	s15 =	simm.s32 $0xA;
	s4 =	simm.s32 $0x10  }
0x92: {  	[smem:s4], [sflag:s15] =	dma.local [hbm:s2], $0x1  }
0x93: {  	_ =	swait.eq [sflag:s15], $0x1  }
0x94: {  	[sflag:s15] =	ssyncset.done $0x0  }
0x95: {  	s16 =	sld [smem:$0x10];
	[sflag:s15] =	ssyncadd.s32 $0xFFFFFFFF  }
0x96: {  	s17 =	sld [smem:$0x11];
	(tm) =	ssettm $0x1  }
0x97: {  	s18 =	sld [smem:$0x3FFB];
	_ =	sdelay $0x3  }
0x98: {  	_ =	strace s18  }
0x99: {  	s4 =	sld [smem:$0x3FFC];
	_ =	sdelay $0x3  }
0x9a: {  	_ =	strace s4  }
0x9b: {  	s4 =	sld [smem:$0x3FFD];
	_ =	sdelay $0x3  }
0x9c: {  	_ =	strace s4  }
0x9d: {  	_ =	strace $0x8FFFFFFF  }
0x9e: {  	s19 =	sld [smem:$0x3FDB];
	_ =	sdelay $0x1  }
0x9f: {  	s5 =	simm.s32 $_scs_section_size  }
0xa0: {  	s6 =	simm.s32 $_size__tile_overlayer_lowered;
	s7 =	simm.s32 $_tile_overlayer_lowered  }
0xa1: {  	s22 =	simm.s32 $0x1BFF;
	s21 =	sshll.u32 s7, $0x1;
	s4 =	sadd.s32 s5, s19  }
0xa2: {  	s8 =	simm.s32 $0x0;
	s20 =	sshll.u32 s6, $0x1;
	s6 =	sadd.s32 s21, s4  }
0xa3: {  	[timem:s8], [sflag:s22] =	dma.local [hbm:s6], s20  }
0xa4: {  	_ =	swait.ge [sflag:s22], s20  }
0xa5: {  	s5 =	ssub.s32 $0x0, s20;
	[sflag:s22] =	ssyncset.done $0x0  }
0xa6: {  	[sflag:s22] =	ssyncadd.s32 s5;
	_ =	sdelay $0x1  }
0xa7: {  	s23 =	simm.s32 $0x1B8B  }
0xa8: {  	_ =	swait.ge [sflag:s23], $0x1  }
0xa9: {  	[sflag:s23] =	ssyncset.done $0x0  }
0xaa: {  	s25 =	simm.s32 $0x1B8E;
	s24 =	sld [smem:$0x3FFE];
	[sflag:s23] =	ssyncadd.s32 $0xFFFFFFFF  }
0xab: {  	s26 =	simm.s32 $execute0_lowered;
	[smem:$0x3FD2] =	sst s25  }
0xac: {  	s6 =	sshll.u32 s26, $0x1;
	_ =	strace $0x8000004C;
	[dreg:$0x1] =	wrdreg $0xFFFFFFFF  }
0xad: {  	s28 =	simm.s32 $_size_execute0_lowered;
	s4 =	sadd.s32 s4, s6;
	[dreg:$0x0] =	wrdreg $0x0  }
0xae: {  	s6 =	sshll.u32 s28, $0x1;
	[dreg:$0x2] =	wrdreg s4  }
0xaf: {  	[dreg:$0x3] =	wrdreg s6  }
0xb0: {  	[dreg:$0x4] =	wrdreg $0xC0  }
0xb1: {  	_ =	task [dreg:s8], $0x5FFFF  }
0xb2: {  	[dreg:$0x1] =	wrdreg $0xFFFFFFFF  }
0xb3: {  	[dreg:$0x0] =	wrdreg $0x60  }
0xb4: {  	[dreg:$0x2] =	wrdreg s24  }
0xb5: {  	[dreg:$0x3] =	wrdreg s16  }
0xb6: {  	[dreg:$0x4] =	wrdreg s17  }
0xb7: {  	[dreg:$0x5] =	wrdreg $0x0  }
0xb8: {  	[dreg:$0x6] =	wrdreg $0x9  }
0xb9: {  	_ =	task.clear_ibuf [dreg:s8], $0x7FFFF;
	_ =	strace $0x9000004C  }
0xba: {  	s29 =	simm.s32 $0x9;
	_ =	strace $0x8000004E  }
0xbb: {  	_ =	swait.ge [sflag:s29], $0x1  }
0xbc: {  	[sflag:s29] =	ssyncadd.s32 $0xFFFFFFFF  }
0xbd: {  	_ =	strace $0x9000004E  }
0xbe: {  	_ =	sfence  }
0xbf: {  	s30 =	sld [smem:$0x0];
	_ =	sdelay $0x2  }
0xc0: {  	s31 =	sshll.u32 s1, $0xD;
	s1 =	sshrl.u32 s1, $0x2  }
0xc1: {  	s3 =	sand.u32 $0x4000, s31;
	s1 =	sadd.s32 s1, s30  }
0xc2: {  	s0 =	sor.u32 s3, s0;
	s1 =	sshll.u32 s1, $0x11  }
0xc3: {  	s0 =	sor.u32 s1, s0  }
0xc4: {  	s0 =	sadd.s32 $0x8F2B, s0  }
0xc5: {  	[sflag:s0] =	ssyncadd.remote.s32 $0x1  }
0xc6: {  	_ =	sfence.sel $0xFFFF  }
0xc7: {  	[dreg:$0x0] =	wrdreg $0xFFFFFFFF;
	(pc) =	sbr.abs _section_cstart, $3  }
0xc8: {  	[dreg:$0x1] =	wrdreg $0xFFFFFFFF  }
0xc9: {  	_ =	task.clear_ibuf [dreg:s8], $0x2FFFF;
	_ =	strace $0x9FFFFFFF  }
0xca: {  	(tm) =	ssettm $0x7FFFFFFF  }
0xcb: {  	_ =	shalt  }
tec
execute0_lowered:
.L_overlay_start_1:
0x0: {  	(tag) =	ssettag $0x1  }
0x1: {  	s0 =	rddreg [dreg:$0x0]  }
0x2: {  	s2 =	rddreg [dreg:$0x1]  }
0x3: {  	s5 =	rddreg [dreg:$0x2]  }
0x4: {  	s1 =	rddreg [dreg:$0x3]  }
0x5: {  	s3 =	simm.s32 $0x0;
	s4 =	srdreg.scid;
	s14 =	stileid.u32  }
0x6: {  	s28 =	simm.s32 $0x14080;
	s29 =	simm.s32 $0x13D80;
	s30 =	simm.s32 $0x14100  }
0x7: {  	s31 =	simm.s32 $0x13E00;
	[smem:$0x7FF] =	sst s3;
	s8 =	smul.u32 $0x4F000, s14  }
0x8: {  	s6 =	sand.u32 $0x1, s4;
	s4 =	sadd.s32 $0x2C00, s0;
	s10 =	smul.u32 $0x13C00, s14  }
0x9: {  	s0 =	sadd.s32 $0x29E00, s0;
	s21 =	smul.u32 $0x2800, s14;
	s14 =	simm.s32 $0x14300  }
0xa: {  	_ =	strace $0x8000004D;
	s7 =	ssub.s32 $0x2, s6;
	s16 =	smul.u32 $0x13C000, s6  }
0xb: {  	s6 =	smul.u32 $0x28000, s6;
	s9 =	sshrl.u32 s7, $0x1;
	s8 =	sshrl.u32 s8, $0x2  }
0xc: {  	s17 =	sadd.s32 $0x4000, s10;
	s11 =	sadd.s32 $0x8000, s10;
	s13 =	sadd.s32 $0xC000, s10  }
0xd: {  	s7 =	ssub.s32 s7, s9;
	s8 =	sadd.s32 s8, s1;
	s12 =	sadd.s32 s17, s1  }
0xe: {  	s18 =	sadd.s32 s11, s1;
	s19 =	sadd.s32 s10, s16;
	s10 =	sadd.s32 $0x10000, s10  }
0xf: {  	s15 =	sadd.s32 s13, s1;
	s11 =	sadd.s32 s16, s11;
	[dreg:$0x6] =	wrdreg s8  }
0x10: {  	s23 =	sadd.s32 s16, s13;
	s6 =	sadd.s32 s21, s6;
	[dreg:$0x7] =	wrdreg s12  }
0x11: {  	s21 =	simm.s32 $0x14000;
	s13 =	simm.s32 $0x13F80;
	[dreg:$0x8] =	wrdreg s18  }
0x12: {  	s12 =	sshrl.u32 s19, $0x3;
	[dreg:$0x9] =	wrdreg s15;
	s20 =	sadd.s32 s10, s1  }
0x13: {  	s8 =	sadd.s32 s16, s17;
	s11 =	sshrl.u32 s11, $0x3;
	s9 =	sadd.s32 s16, s10  }
0x14: {  	s6 =	sshrl.u32 s6, $0x3;
	s25 =	smax.u32 s7, $0x1;
	s17 =	simm.s32 $0x14400  }
0x15: {  	s18 =	simm.s32 $0x1;
	s19 =	simm.s32 $0x13C00;
	s10 =	simm.s32 $0x14200  }
0x16: {  	s15 =	simm.s32 $0x14380;
	s7 =	simm.s32 $0x0;
	[dreg:$0xa] =	wrdreg s20  }
0x17: {  	s12 =	sadd.s32 s0, s12;
	s8 =	sshrl.u32 s8, $0x3;
	s22 =	sadd.s32 s0, s11  }
0x18: {  	s24 =	sshrl.u32 s9, $0x3;
	[dreg:$0x10] =	wrdreg s25;
	s26 =	sadd.s32 s6, s5  }
0x19: {  	s16 =	sadd.s32 s6, s2;
	s20 =	simm.s32 $0x5;
	[dreg:$0xb] =	wrdreg s12  }
0x1a: {  	s25 =	simm.s32 $0x13D00;
	s2 =	simm.s32 $0x13E80;
	[dreg:$0xd] =	wrdreg s22  }
0x1b: {  	s11 =	simm.s32 $0x13F00;
	s8 =	sadd.s32 s0, s8;
	[dreg:$0x5] =	wrdreg s26  }
0x1c: {  	s22 =	simm.s32 $0x80;
	[dreg:$0xc] =	wrdreg s8;
	s8 =	sshrl.u32 s23, $0x3  }
0x1d: {  	s26 =	simm.s32 $0x2;
	s12 =	simm.s32 $0x14280;
	s8 =	sadd.s32 s0, s8  }
0x1e: {  	s23 =	simm.s32 $0x13C80;
	s0 =	sadd.s32 s0, s24;
	[dreg:$0xe] =	wrdreg s8  }
0x1f: {  	v0 =	vimm.f32 $0.0e+00;
	s24 =	simm.s32 $0x18400;
	[dreg:$0xf] =	wrdreg s0;
	s0 =	simm.s32 $0x14180  }
.LBB2_1:
0x20: {  	s8 =	simm.s32 $0x0;
	s9 =	simm.s32 $0x200  }
.LBB2_2:
0x21: {  	p0 =	sne.s32 s9, $0xFE00;
	[tilespmem:s8+$0x14470] =	vst v0  }
0x22: {  	[tilespmem:s8+$0x14400] =	vst v0  }
0x23: {  	[tilespmem:s8+$0x14410] =	vst v0  }
.Ltmp0:
0x24: {  	[tilespmem:s8+$0x14420] =	vst v0;
	(pc) =	sbr.rel @p0 .LBB2_2-.Ltmp0, $4  }
0x25: {  	[tilespmem:s8+$0x14430] =	vst v0  }
0x26: {  	[tilespmem:s8+$0x14440] =	vst v0  }
0x27: {  	[tilespmem:s8+$0x14450] =	vst v0  }
0x28: {  	[tilespmem:s8+$0x14460] =	vst v0;
	s8 =	sshra.s32 s9, $0x2;
	s9 =	sadd.s32 $0x200, s9  }
0x29: {  	[tilespmem:s8+$0x14470] =	vst v0  }
0x2a: {  	[tilespmem:s8+$0x14400] =	vst v0  }
0x2b: {  	[tilespmem:s8+$0x14410] =	vst v0  }
0x2c: {  	[tilespmem:s8+$0x14420] =	vst v0  }
0x2d: {  	[tilespmem:s8+$0x14430] =	vst v0  }
0x2e: {  	[tilespmem:s8+$0x14440] =	vst v0  }
0x2f: {  	[dreg:$0x11] =	wrdreg s7;
	[tilespmem:s8+$0x14450] =	vst v0  }
0x30: {  	[tilespmem:s8+$0x14460] =	vst v0;
	s5 =	rddreg [dreg:$0x6]  }
0x31: {  	[spmem:s5] =	stream.linear.scatter [tilespmem:s17], [sflag:$0x1], $0x4000, $0x38;
	[tilespmem:$0x1C400] =	vst v63  }
0x32: {  	s9 =	rddreg [dreg:$0x7]  }
0x33: {  	[spmem:s9] =	stream.linear.scatter [tilespmem:s17], [sflag:$0x1], $0x4000, $0x38;
	[tilespmem:$0x1C400] =	vst v63  }
0x34: {  	s6 =	rddreg [dreg:$0x8]  }
0x35: {  	[spmem:s6] =	stream.linear.scatter [tilespmem:s17], [sflag:$0x1], $0x4000, $0x38;
	[tilespmem:$0x1C400] =	vst v63  }
0x36: {  	s7 =	rddreg [dreg:$0x9]  }
0x37: {  	[spmem:s7] =	stream.linear.scatter [tilespmem:s17], [sflag:$0x1], $0x4000, $0x38;
	[tilespmem:$0x1C400] =	vst v63  }
0x38: {  	s8 =	rddreg [dreg:$0xa]  }
0x39: {  	[spmem:s8] =	stream.linear.scatter [tilespmem:s17], [sflag:$0x1], $0x3C00, $0x38;
	[tilespmem:$0x1C400] =	vst v63  }
0x3a: {  	_ =	swait.ge [sflag:s18], $0x4000  }
0x3b: {  	[sflag:s18] =	ssyncset.done $0x0  }
0x3c: {  	[sflag:s18] =	ssyncadd.s32 $0xFFFFC000  }
0x3d: {  	_ =	swait.ge [sflag:s18], $0x4000  }
0x3e: {  	[sflag:s18] =	ssyncset.done $0x0  }
0x3f: {  	[sflag:s18] =	ssyncadd.s32 $0xFFFFC000  }
0x40: {  	_ =	swait.ge [sflag:s18], $0x4000  }
0x41: {  	[sflag:s18] =	ssyncset.done $0x0  }
0x42: {  	[sflag:s18] =	ssyncadd.s32 $0xFFFFC000  }
0x43: {  	_ =	swait.ge [sflag:s18], $0x4000  }
0x44: {  	[sflag:s18] =	ssyncset.done $0x0  }
0x45: {  	[sflag:s18] =	ssyncadd.s32 $0xFFFFC000  }
0x46: {  	_ =	swait.ge [sflag:s18], $0x3C00  }
0x47: {  	[sflag:s18] =	ssyncset.done $0x0  }
0x48: {  	[sflag:s18] =	ssyncadd.s32 $0xFFFFC400  }
0x49: {  	s6 =	sadd.s32 $0x0, s16;
	[bflag:$0x0] =	sbarrier.arrive $0xFFFF  }
0x4a: {  	[tilespmem:s19], [sflag:$0x5] =	stream.linear.gather [hbm4b:s6+s3], $0x400, $0x38;
	[tilespmem:$0x1C400] =	vst v63  }
0x4b: {  	_ =	swait.ge [sflag:s20], $0x400  }
0x4c: {  	s9 =	rddreg [dreg:$0x5];
	[sflag:s20] =	ssyncset.done $0x0  }
0x4d: {  	[sflag:s20] =	ssyncadd.s32 $0xFFFFFC00;
	s6 =	sadd.s32 $0x0, s9  }
0x4e: {  	[tilespmem:s21], [sflag:$0x5] =	stream.linear.gather [hbm4b:s6+s3], $0x400, $0x38;
	[tilespmem:$0x1C400] =	vst v63  }
0x4f: {  	_ =	swait.ge [sflag:s20], $0x400  }
0x50: {  	[sflag:s20] =	ssyncset.done $0x0  }
0x51: {  	[sflag:s20] =	ssyncadd.s32 $0xFFFFFC00  }
0x52: {  	[tilespmem:s17], [sflag:$0x1] =	stream.indirect.gather [hbm4b:s4+s22], $0x80, s19, s22, $0xb8;
	[tilespmem:$0x1C400] =	vst v63  }
0x53: {  	_ = 	snop  }
0x54: {  	[tilespmem:s24], [sflag:$0x2] =	stream.indirect.gather [hbm4b:s4+s22], $0x80, s23, s22, $0xb8;
	[tilespmem:$0x1C400] =	vst v63  }
0x55: {  	_ =	swait.ge [sflag:s18], $0x4000  }
0x56: {  	[sflag:s18] =	ssyncset.done $0x0  }
0x57: {  	[sflag:s18] =	ssyncadd.s32 $0xFFFFC000  }
0x58: {  	[spmem:s1] =	stream.indirect.scatter.add.f32 [tilespmem:s17], [sflag:$0x5], $0x80, s21, s22, $0xb8;
	[tilespmem:$0x1C400] =	vst v63  }
0x59: {  	_ =	swait.ge [sflag:s20], $0x4000  }
0x5a: {  	[sflag:s20] =	ssyncset.done $0x0  }
0x5b: {  	[sflag:s20] =	ssyncadd.s32 $0xFFFFC000  }
0x5c: {  	[tilespmem:s17], [sflag:$0x1] =	stream.indirect.gather [hbm4b:s4+s22], $0x80, s25, s22, $0xb8;
	[tilespmem:$0x1C400] =	vst v63  }
0x5d: {  	_ =	swait.ge [sflag:s26], $0x4000  }
0x5e: {  	[sflag:s26] =	ssyncset.done $0x0  }
0x5f: {  	[sflag:s26] =	ssyncadd.s32 $0xFFFFC000  }
0x60: {  	[spmem:s1] =	stream.indirect.scatter.add.f32 [tilespmem:s24], [sflag:$0x5], $0x80, s28, s22, $0xb8;
	[tilespmem:$0x1C400] =	vst v63  }
0x61: {  	_ =	swait.ge [sflag:s20], $0x4000  }
0x62: {  	[sflag:s20] =	ssyncset.done $0x0  }
0x63: {  	[sflag:s20] =	ssyncadd.s32 $0xFFFFC000  }
0x64: {  	[tilespmem:s24], [sflag:$0x2] =	stream.indirect.gather [hbm4b:s4+s22], $0x80, s29, s22, $0xb8;
	[tilespmem:$0x1C400] =	vst v63  }
0x65: {  	_ =	swait.ge [sflag:s18], $0x4000  }
0x66: {  	[sflag:s18] =	ssyncset.done $0x0  }
0x67: {  	[sflag:s18] =	ssyncadd.s32 $0xFFFFC000  }
0x68: {  	[spmem:s1] =	stream.indirect.scatter.add.f32 [tilespmem:s17], [sflag:$0x5], $0x80, s30, s22, $0xb8;
	[tilespmem:$0x1C400] =	vst v63  }
0x69: {  	_ =	swait.ge [sflag:s20], $0x4000  }
0x6a: {  	[sflag:s20] =	ssyncset.done $0x0  }
0x6b: {  	[sflag:s20] =	ssyncadd.s32 $0xFFFFC000  }
0x6c: {  	[tilespmem:s17], [sflag:$0x1] =	stream.indirect.gather [hbm4b:s4+s22], $0x80, s31, s22, $0xb8;
	[tilespmem:$0x1C400] =	vst v63  }
0x6d: {  	_ =	swait.ge [sflag:s26], $0x4000  }
0x6e: {  	[sflag:s26] =	ssyncset.done $0x0  }
0x6f: {  	[sflag:s26] =	ssyncadd.s32 $0xFFFFC000  }
0x70: {  	[spmem:s1] =	stream.indirect.scatter.add.f32 [tilespmem:s24], [sflag:$0x5], $0x80, s0, s22, $0xb8;
	[tilespmem:$0x1C400] =	vst v63  }
0x71: {  	_ =	swait.ge [sflag:s20], $0x4000  }
0x72: {  	[sflag:s20] =	ssyncset.done $0x0  }
0x73: {  	[sflag:s20] =	ssyncadd.s32 $0xFFFFC000  }
0x74: {  	[tilespmem:s24], [sflag:$0x2] =	stream.indirect.gather [hbm4b:s4+s22], $0x80, s2, s22, $0xb8;
	[tilespmem:$0x1C400] =	vst v63  }
0x75: {  	_ =	swait.ge [sflag:s18], $0x4000  }
0x76: {  	[sflag:s18] =	ssyncset.done $0x0  }
0x77: {  	[sflag:s18] =	ssyncadd.s32 $0xFFFFC000  }
0x78: {  	[spmem:s1] =	stream.indirect.scatter.add.f32 [tilespmem:s17], [sflag:$0x5], $0x80, s10, s22, $0xb8;
	[tilespmem:$0x1C400] =	vst v63  }
0x79: {  	_ =	swait.ge [sflag:s20], $0x4000  }
0x7a: {  	[sflag:s20] =	ssyncset.done $0x0  }
0x7b: {  	[sflag:s20] =	ssyncadd.s32 $0xFFFFC000  }
0x7c: {  	[tilespmem:s17], [sflag:$0x1] =	stream.indirect.gather [hbm4b:s4+s22], $0x80, s11, s22, $0xb8;
	[tilespmem:$0x1C400] =	vst v63  }
0x7d: {  	_ =	swait.ge [sflag:s26], $0x4000  }
0x7e: {  	[sflag:s26] =	ssyncset.done $0x0  }
0x7f: {  	[sflag:s26] =	ssyncadd.s32 $0xFFFFC000  }
0x80: {  	[spmem:s1] =	stream.indirect.scatter.add.f32 [tilespmem:s24], [sflag:$0x5], $0x80, s12, s22, $0xb8;
	[tilespmem:$0x1C400] =	vst v63  }
0x81: {  	_ =	swait.ge [sflag:s20], $0x4000  }
0x82: {  	[sflag:s20] =	ssyncset.done $0x0  }
0x83: {  	[sflag:s20] =	ssyncadd.s32 $0xFFFFC000  }
0x84: {  	[tilespmem:s24], [sflag:$0x2] =	stream.indirect.gather [hbm4b:s4+s22], $0x80, s13, s22, $0xb8;
	[tilespmem:$0x1C400] =	vst v63  }
0x85: {  	_ =	swait.ge [sflag:s18], $0x4000  }
0x86: {  	[sflag:s18] =	ssyncset.done $0x0  }
0x87: {  	[sflag:s18] =	ssyncadd.s32 $0xFFFFC000  }
0x88: {  	[spmem:s1] =	stream.indirect.scatter.add.f32 [tilespmem:s17], [sflag:$0x5], $0x80, s14, s22, $0xb8;
	[tilespmem:$0x1C400] =	vst v63  }
0x89: {  	_ =	swait.ge [sflag:s20], $0x4000  }
0x8a: {  	[sflag:s20] =	ssyncset.done $0x0  }
0x8b: {  	[sflag:s20] =	ssyncadd.s32 $0xFFFFC000  }
0x8c: {  	_ =	swait.ge [sflag:s26], $0x4000  }
0x8d: {  	[sflag:s26] =	ssyncset.done $0x0  }
0x8e: {  	[sflag:s26] =	ssyncadd.s32 $0xFFFFC000  }
0x8f: {  	[spmem:s1] =	stream.indirect.scatter.add.f32 [tilespmem:s24], [sflag:$0x5], $0x80, s15, s22, $0xb8;
	[tilespmem:$0x1C400] =	vst v63  }
0x90: {  	_ =	swait.ge [sflag:s20], $0x4000  }
0x91: {  	s8 =	simm.s32 $0x80;
	s9 =	simm.s32 $0x100;
	[sflag:s20] =	ssyncset.done $0x0  }
.LBB2_4:
0x92: {  	s5 =	sadd.s32 s8, s16;
	[sflag:s20] =	ssyncadd.s32 $0xFFFFC000  }
0x93: {  	[tilespmem:s19], [sflag:$0x5] =	stream.linear.gather [hbm4b:s5+s3], $0x400, $0x38;
	[tilespmem:$0x1C400] =	vst v63  }
0x94: {  	s7 =	smov.u32 s9;
	s6 =	sadd.s32 $0x80, s9;
	_ =	swait.ge [sflag:s20], $0x400  }
0x95: {  	p0 =	sne.s32 s9, $0x480;
	s9 =	rddreg [dreg:$0x5];
	[sflag:s20] =	ssyncset.done $0x0  }
0x96: {  	[sflag:s20] =	ssyncadd.s32 $0xFFFFFC00;
	s5 =	sadd.s32 s8, s9  }
0x97: {  	[tilespmem:s21], [sflag:$0x5] =	stream.linear.gather [hbm4b:s5+s3], $0x400, $0x38;
	[tilespmem:$0x1C400] =	vst v63  }
0x98: {  	_ =	swait.ge [sflag:s20], $0x400  }
0x99: {  	[sflag:s20] =	ssyncset.done $0x0  }
0x9a: {  	[sflag:s20] =	ssyncadd.s32 $0xFFFFFC00  }
0x9b: {  	[tilespmem:s17], [sflag:$0x1] =	stream.indirect.gather [hbm4b:s4+s22], $0x80, s19, s22, $0xb8;
	[tilespmem:$0x1C400] =	vst v63  }
0x9c: {  	_ = 	snop  }
0x9d: {  	[tilespmem:s24], [sflag:$0x2] =	stream.indirect.gather [hbm4b:s4+s22], $0x80, s23, s22, $0xb8;
	[tilespmem:$0x1C400] =	vst v63  }
0x9e: {  	_ =	swait.ge [sflag:s18], $0x4000  }
0x9f: {  	[sflag:s18] =	ssyncset.done $0x0  }
0xa0: {  	[sflag:s18] =	ssyncadd.s32 $0xFFFFC000  }
0xa1: {  	[spmem:s1] =	stream.indirect.scatter.add.f32 [tilespmem:s17], [sflag:$0x5], $0x80, s21, s22, $0xb8;
	[tilespmem:$0x1C400] =	vst v63  }
0xa2: {  	_ =	swait.ge [sflag:s20], $0x4000  }
0xa3: {  	[sflag:s20] =	ssyncset.done $0x0  }
0xa4: {  	[sflag:s20] =	ssyncadd.s32 $0xFFFFC000  }
0xa5: {  	[tilespmem:s17], [sflag:$0x1] =	stream.indirect.gather [hbm4b:s4+s22], $0x80, s25, s22, $0xb8;
	[tilespmem:$0x1C400] =	vst v63  }
0xa6: {  	_ =	swait.ge [sflag:s26], $0x4000  }
0xa7: {  	[sflag:s26] =	ssyncset.done $0x0  }
0xa8: {  	[sflag:s26] =	ssyncadd.s32 $0xFFFFC000  }
0xa9: {  	[spmem:s1] =	stream.indirect.scatter.add.f32 [tilespmem:s24], [sflag:$0x5], $0x80, s28, s22, $0xb8;
	[tilespmem:$0x1C400] =	vst v63  }
0xaa: {  	_ =	swait.ge [sflag:s20], $0x4000  }
0xab: {  	[sflag:s20] =	ssyncset.done $0x0  }
0xac: {  	[sflag:s20] =	ssyncadd.s32 $0xFFFFC000  }
0xad: {  	[tilespmem:s24], [sflag:$0x2] =	stream.indirect.gather [hbm4b:s4+s22], $0x80, s29, s22, $0xb8;
	[tilespmem:$0x1C400] =	vst v63  }
0xae: {  	_ =	swait.ge [sflag:s18], $0x4000  }
0xaf: {  	[sflag:s18] =	ssyncset.done $0x0  }
0xb0: {  	[sflag:s18] =	ssyncadd.s32 $0xFFFFC000  }
0xb1: {  	[spmem:s1] =	stream.indirect.scatter.add.f32 [tilespmem:s17], [sflag:$0x5], $0x80, s30, s22, $0xb8;
	[tilespmem:$0x1C400] =	vst v63  }
0xb2: {  	_ =	swait.ge [sflag:s20], $0x4000  }
0xb3: {  	[sflag:s20] =	ssyncset.done $0x0  }
0xb4: {  	[sflag:s20] =	ssyncadd.s32 $0xFFFFC000  }
0xb5: {  	[tilespmem:s17], [sflag:$0x1] =	stream.indirect.gather [hbm4b:s4+s22], $0x80, s31, s22, $0xb8;
	[tilespmem:$0x1C400] =	vst v63  }
0xb6: {  	_ =	swait.ge [sflag:s26], $0x4000  }
0xb7: {  	[sflag:s26] =	ssyncset.done $0x0  }
0xb8: {  	[sflag:s26] =	ssyncadd.s32 $0xFFFFC000  }
0xb9: {  	[spmem:s1] =	stream.indirect.scatter.add.f32 [tilespmem:s24], [sflag:$0x5], $0x80, s0, s22, $0xb8;
	[tilespmem:$0x1C400] =	vst v63  }
0xba: {  	_ =	swait.ge [sflag:s20], $0x4000  }
0xbb: {  	[sflag:s20] =	ssyncset.done $0x0  }
0xbc: {  	[sflag:s20] =	ssyncadd.s32 $0xFFFFC000  }
0xbd: {  	[tilespmem:s24], [sflag:$0x2] =	stream.indirect.gather [hbm4b:s4+s22], $0x80, s2, s22, $0xb8;
	[tilespmem:$0x1C400] =	vst v63  }
0xbe: {  	_ =	swait.ge [sflag:s18], $0x4000  }
0xbf: {  	[sflag:s18] =	ssyncset.done $0x0  }
0xc0: {  	[sflag:s18] =	ssyncadd.s32 $0xFFFFC000  }
0xc1: {  	[spmem:s1] =	stream.indirect.scatter.add.f32 [tilespmem:s17], [sflag:$0x5], $0x80, s10, s22, $0xb8;
	[tilespmem:$0x1C400] =	vst v63  }
0xc2: {  	_ =	swait.ge [sflag:s20], $0x4000  }
0xc3: {  	[sflag:s20] =	ssyncset.done $0x0  }
0xc4: {  	[sflag:s20] =	ssyncadd.s32 $0xFFFFC000  }
0xc5: {  	[tilespmem:s17], [sflag:$0x1] =	stream.indirect.gather [hbm4b:s4+s22], $0x80, s11, s22, $0xb8;
	[tilespmem:$0x1C400] =	vst v63  }
0xc6: {  	_ =	swait.ge [sflag:s26], $0x4000  }
0xc7: {  	[sflag:s26] =	ssyncset.done $0x0  }
0xc8: {  	[sflag:s26] =	ssyncadd.s32 $0xFFFFC000  }
0xc9: {  	[spmem:s1] =	stream.indirect.scatter.add.f32 [tilespmem:s24], [sflag:$0x5], $0x80, s12, s22, $0xb8;
	[tilespmem:$0x1C400] =	vst v63  }
0xca: {  	_ =	swait.ge [sflag:s20], $0x4000  }
0xcb: {  	[sflag:s20] =	ssyncset.done $0x0  }
0xcc: {  	[sflag:s20] =	ssyncadd.s32 $0xFFFFC000  }
0xcd: {  	[tilespmem:s24], [sflag:$0x2] =	stream.indirect.gather [hbm4b:s4+s22], $0x80, s13, s22, $0xb8;
	[tilespmem:$0x1C400] =	vst v63  }
0xce: {  	_ =	swait.ge [sflag:s18], $0x4000  }
0xcf: {  	[sflag:s18] =	ssyncset.done $0x0  }
0xd0: {  	[sflag:s18] =	ssyncadd.s32 $0xFFFFC000  }
0xd1: {  	[spmem:s1] =	stream.indirect.scatter.add.f32 [tilespmem:s17], [sflag:$0x5], $0x80, s14, s22, $0xb8;
	[tilespmem:$0x1C400] =	vst v63  }
0xd2: {  	_ =	swait.ge [sflag:s20], $0x4000  }
0xd3: {  	[sflag:s20] =	ssyncset.done $0x0  }
0xd4: {  	[sflag:s20] =	ssyncadd.s32 $0xFFFFC000  }
0xd5: {  	_ =	swait.ge [sflag:s26], $0x4000  }
.Ltmp1:
0xd6: {  	[sflag:s26] =	ssyncset.done $0x0;
	(pc) =	sbr.rel @p0 .LBB2_4-.Ltmp1, $4  }
0xd7: {  	[sflag:s26] =	ssyncadd.s32 $0xFFFFC000  }
0xd8: {  	[spmem:s1] =	stream.indirect.scatter.add.f32 [tilespmem:s24], [sflag:$0x5], $0x80, s15, s22, $0xb8;
	[tilespmem:$0x1C400] =	vst v63  }
0xd9: {  	_ =	swait.ge [sflag:s20], $0x4000  }
0xda: {  	s8 =	smov.u32 s7;
	s9 =	smov.u32 s6;
	[sflag:s20] =	ssyncset.done $0x0  }
0xdb: {  	s5 =	sadd.s32 s8, s16;
	[sflag:s20] =	ssyncadd.s32 $0xFFFFC000  }
0xdc: {  	[tilespmem:s19], [sflag:$0x5] =	stream.linear.gather [hbm4b:s5+s3], $0x400, $0x38;
	[tilespmem:$0x1C400] =	vst v63  }
0xdd: {  	_ =	swait.ge [sflag:s20], $0x400  }
0xde: {  	s7 =	rddreg [dreg:$0x5];
	[sflag:s20] =	ssyncset.done $0x0  }
0xdf: {  	s5 =	sadd.s32 s8, s7;
	[sflag:s20] =	ssyncadd.s32 $0xFFFFFC00  }
0xe0: {  	[tilespmem:s21], [sflag:$0x5] =	stream.linear.gather [hbm4b:s5+s3], $0x400, $0x38;
	[tilespmem:$0x1C400] =	vst v63  }
0xe1: {  	_ =	swait.ge [sflag:s20], $0x400  }
0xe2: {  	[sflag:s20] =	ssyncset.done $0x0  }
0xe3: {  	[sflag:s20] =	ssyncadd.s32 $0xFFFFFC00  }
0xe4: {  	[tilespmem:s17], [sflag:$0x1] =	stream.indirect.gather [hbm4b:s4+s22], $0x80, s19, s22, $0xb8;
	[tilespmem:$0x1C400] =	vst v63  }
0xe5: {  	_ = 	snop  }
0xe6: {  	[tilespmem:s24], [sflag:$0x2] =	stream.indirect.gather [hbm4b:s4+s22], $0x80, s23, s22, $0xb8;
	[tilespmem:$0x1C400] =	vst v63  }
0xe7: {  	_ =	swait.ge [sflag:s18], $0x4000  }
0xe8: {  	[sflag:s18] =	ssyncset.done $0x0  }
0xe9: {  	[sflag:s18] =	ssyncadd.s32 $0xFFFFC000  }
0xea: {  	[spmem:s1] =	stream.indirect.scatter.add.f32 [tilespmem:s17], [sflag:$0x5], $0x80, s21, s22, $0xb8;
	[tilespmem:$0x1C400] =	vst v63  }
0xeb: {  	_ =	swait.ge [sflag:s20], $0x4000  }
0xec: {  	[sflag:s20] =	ssyncset.done $0x0  }
0xed: {  	[sflag:s20] =	ssyncadd.s32 $0xFFFFC000  }
0xee: {  	[tilespmem:s17], [sflag:$0x1] =	stream.indirect.gather [hbm4b:s4+s22], $0x80, s25, s22, $0xb8;
	[tilespmem:$0x1C400] =	vst v63  }
0xef: {  	_ =	swait.ge [sflag:s26], $0x4000  }
0xf0: {  	[sflag:s26] =	ssyncset.done $0x0  }
0xf1: {  	[sflag:s26] =	ssyncadd.s32 $0xFFFFC000  }
0xf2: {  	[spmem:s1] =	stream.indirect.scatter.add.f32 [tilespmem:s24], [sflag:$0x5], $0x80, s28, s22, $0xb8;
	[tilespmem:$0x1C400] =	vst v63  }
0xf3: {  	_ =	swait.ge [sflag:s20], $0x4000  }
0xf4: {  	[sflag:s20] =	ssyncset.done $0x0  }
0xf5: {  	[sflag:s20] =	ssyncadd.s32 $0xFFFFC000  }
0xf6: {  	[tilespmem:s24], [sflag:$0x2] =	stream.indirect.gather [hbm4b:s4+s22], $0x80, s29, s22, $0xb8;
	[tilespmem:$0x1C400] =	vst v63  }
0xf7: {  	_ =	swait.ge [sflag:s18], $0x4000  }
0xf8: {  	[sflag:s18] =	ssyncset.done $0x0  }
0xf9: {  	[sflag:s18] =	ssyncadd.s32 $0xFFFFC000  }
0xfa: {  	[spmem:s1] =	stream.indirect.scatter.add.f32 [tilespmem:s17], [sflag:$0x5], $0x80, s30, s22, $0xb8;
	[tilespmem:$0x1C400] =	vst v63  }
0xfb: {  	_ =	swait.ge [sflag:s20], $0x4000  }
0xfc: {  	[sflag:s20] =	ssyncset.done $0x0  }
0xfd: {  	[sflag:s20] =	ssyncadd.s32 $0xFFFFC000  }
0xfe: {  	[tilespmem:s17], [sflag:$0x1] =	stream.indirect.gather [hbm4b:s4+s22], $0x80, s31, s22, $0xb8;
	[tilespmem:$0x1C400] =	vst v63  }
0xff: {  	_ =	swait.ge [sflag:s26], $0x4000  }
0x100: {  	[sflag:s26] =	ssyncset.done $0x0  }
0x101: {  	[sflag:s26] =	ssyncadd.s32 $0xFFFFC000  }
0x102: {  	[spmem:s1] =	stream.indirect.scatter.add.f32 [tilespmem:s24], [sflag:$0x5], $0x80, s0, s22, $0xb8;
	[tilespmem:$0x1C400] =	vst v63  }
0x103: {  	_ =	swait.ge [sflag:s20], $0x4000  }
0x104: {  	[sflag:s20] =	ssyncset.done $0x0  }
0x105: {  	[sflag:s20] =	ssyncadd.s32 $0xFFFFC000  }
0x106: {  	[tilespmem:s24], [sflag:$0x2] =	stream.indirect.gather [hbm4b:s4+s22], $0x80, s2, s22, $0xb8;
	[tilespmem:$0x1C400] =	vst v63  }
0x107: {  	_ =	swait.ge [sflag:s18], $0x4000  }
0x108: {  	[sflag:s18] =	ssyncset.done $0x0  }
0x109: {  	[sflag:s18] =	ssyncadd.s32 $0xFFFFC000  }
0x10a: {  	[spmem:s1] =	stream.indirect.scatter.add.f32 [tilespmem:s17], [sflag:$0x5], $0x80, s10, s22, $0xb8;
	[tilespmem:$0x1C400] =	vst v63  }
0x10b: {  	_ =	swait.ge [sflag:s20], $0x4000  }
0x10c: {  	[sflag:s20] =	ssyncset.done $0x0  }
0x10d: {  	[sflag:s20] =	ssyncadd.s32 $0xFFFFC000  }
0x10e: {  	[tilespmem:s17], [sflag:$0x1] =	stream.indirect.gather [hbm4b:s4+s22], $0x80, s11, s22, $0xb8;
	[tilespmem:$0x1C400] =	vst v63  }
0x10f: {  	_ =	swait.ge [sflag:s26], $0x4000  }
0x110: {  	[sflag:s26] =	ssyncset.done $0x0  }
0x111: {  	[sflag:s26] =	ssyncadd.s32 $0xFFFFC000  }
0x112: {  	[spmem:s1] =	stream.indirect.scatter.add.f32 [tilespmem:s24], [sflag:$0x5], $0x80, s12, s22, $0xb8;
	[tilespmem:$0x1C400] =	vst v63  }
0x113: {  	_ =	swait.ge [sflag:s20], $0x4000  }
0x114: {  	[sflag:s20] =	ssyncset.done $0x0  }
0x115: {  	[sflag:s20] =	ssyncadd.s32 $0xFFFFC000  }
0x116: {  	[tilespmem:s24], [sflag:$0x2] =	stream.indirect.gather [hbm4b:s4+s22], $0x80, s13, s22, $0xb8;
	[tilespmem:$0x1C400] =	vst v63  }
0x117: {  	_ =	swait.ge [sflag:s18], $0x4000  }
0x118: {  	[sflag:s18] =	ssyncset.done $0x0  }
0x119: {  	[sflag:s18] =	ssyncadd.s32 $0xFFFFC000  }
0x11a: {  	[spmem:s1] =	stream.indirect.scatter.add.f32 [tilespmem:s17], [sflag:$0x5], $0x80, s14, s22, $0xb8;
	[tilespmem:$0x1C400] =	vst v63  }
0x11b: {  	_ =	swait.ge [sflag:s20], $0x4000  }
0x11c: {  	[sflag:s20] =	ssyncset.done $0x0  }
0x11d: {  	[sflag:s20] =	ssyncadd.s32 $0xFFFFC000  }
0x11e: {  	_ =	swait.ge [sflag:s26], $0x4000  }
0x11f: {  	[sflag:s26] =	ssyncset.done $0x0  }
0x120: {  	[sflag:s26] =	ssyncadd.s32 $0xFFFFC000  }
0x121: {  	[spmem:s1] =	stream.indirect.scatter.add.f32 [tilespmem:s24], [sflag:$0x5], $0x80, s15, s22, $0xb8;
	[tilespmem:$0x1C400] =	vst v63  }
0x122: {  	_ =	swait.ge [sflag:s20], $0x4000  }
0x123: {  	[sflag:s20] =	ssyncset.done $0x0  }
0x124: {  	[sflag:s20] =	ssyncadd.s32 $0xFFFFC000  }
0x125: {  	[bflag:$0x0] =	sbarrier.arrive $0xFFFF  }
0x126: {  	s8 =	rddreg [dreg:$0x6]  }
0x127: {  	[tilespmem:s17], [sflag:$0x1] =	stream.linear.gather [spmem:s8], $0x4000, $0x38;
	[tilespmem:$0x1C400] =	vst v63  }
0x128: {  	s9 =	rddreg [dreg:$0x7]  }
0x129: {  	[tilespmem:s24], [sflag:$0x2] =	stream.linear.gather [spmem:s9], $0x4000, $0x38;
	[tilespmem:$0x1C400] =	vst v63  }
0x12a: {  	_ =	swait.ge [sflag:s18], $0x4000  }
0x12b: {  	[sflag:s18] =	ssyncset.done $0x0  }
0x12c: {  	s6 =	rddreg [dreg:$0xb];
	[sflag:s18] =	ssyncadd.s32 $0xFFFFC000  }
0x12d: {  	[hbm4b:s6+s3] =	stream.linear.scatter [tilespmem:s17], [sflag:$0x3], $0x4000, $0x38;
	[tilespmem:$0x1C400] =	vst v63  }
0x12e: {  	s6 =	simm.s32 $0x3  }
0x12f: {  	_ =	swait.ge [sflag:s6], $0x4000  }
0x130: {  	[sflag:s6] =	ssyncset.done $0x0  }
0x131: {  	s7 =	rddreg [dreg:$0x8];
	[sflag:s6] =	ssyncadd.s32 $0xFFFFC000  }
0x132: {  	[tilespmem:s17], [sflag:$0x1] =	stream.linear.gather [spmem:s7], $0x4000, $0x38;
	[tilespmem:$0x1C400] =	vst v63  }
0x133: {  	_ =	swait.ge [sflag:s26], $0x4000  }
0x134: {  	[sflag:s26] =	ssyncset.done $0x0  }
0x135: {  	s7 =	simm.s32 $0x4;
	s8 =	rddreg [dreg:$0xc];
	[sflag:s26] =	ssyncadd.s32 $0xFFFFC000  }
0x136: {  	[hbm4b:s8+s3] =	stream.linear.scatter [tilespmem:s24], [sflag:$0x4], $0x4000, $0x38;
	[tilespmem:$0x1C400] =	vst v63  }
0x137: {  	_ =	swait.ge [sflag:s7], $0x4000  }
0x138: {  	[sflag:s7] =	ssyncset.done $0x0  }
0x139: {  	s9 =	rddreg [dreg:$0x9];
	[sflag:s7] =	ssyncadd.s32 $0xFFFFC000  }
0x13a: {  	[tilespmem:s24], [sflag:$0x2] =	stream.linear.gather [spmem:s9], $0x4000, $0x38;
	[tilespmem:$0x1C400] =	vst v63  }
0x13b: {  	_ =	swait.ge [sflag:s18], $0x4000  }
0x13c: {  	[sflag:s18] =	ssyncset.done $0x0  }
0x13d: {  	s8 =	rddreg [dreg:$0xd];
	[sflag:s18] =	ssyncadd.s32 $0xFFFFC000  }
0x13e: {  	[hbm4b:s8+s3] =	stream.linear.scatter [tilespmem:s17], [sflag:$0x3], $0x4000, $0x38;
	[tilespmem:$0x1C400] =	vst v63  }
0x13f: {  	_ =	swait.ge [sflag:s6], $0x4000  }
0x140: {  	[sflag:s6] =	ssyncset.done $0x0  }
0x141: {  	s9 =	rddreg [dreg:$0xa];
	[sflag:s6] =	ssyncadd.s32 $0xFFFFC000  }
0x142: {  	[tilespmem:s17], [sflag:$0x1] =	stream.linear.gather [spmem:s9], $0x3C00, $0x38;
	[tilespmem:$0x1C400] =	vst v63  }
0x143: {  	_ =	swait.ge [sflag:s26], $0x4000  }
0x144: {  	[sflag:s26] =	ssyncset.done $0x0  }
0x145: {  	s8 =	rddreg [dreg:$0xe];
	[sflag:s26] =	ssyncadd.s32 $0xFFFFC000  }
0x146: {  	[hbm4b:s8+s3] =	stream.linear.scatter [tilespmem:s24], [sflag:$0x4], $0x4000, $0x38;
	[tilespmem:$0x1C400] =	vst v63  }
0x147: {  	_ =	swait.ge [sflag:s18], $0x3C00  }
0x148: {  	[sflag:s18] =	ssyncset.done $0x0  }
0x149: {  	s9 =	rddreg [dreg:$0xf];
	[sflag:s18] =	ssyncadd.s32 $0xFFFFC400  }
0x14a: {  	[hbm4b:s9+s3] =	stream.linear.scatter [tilespmem:s17], [sflag:$0x3], $0x3C00, $0x38;
	[tilespmem:$0x1C400] =	vst v63  }
0x14b: {  	_ =	swait.ge [sflag:s7], $0x4000  }
0x14c: {  	[sflag:s7] =	ssyncset.done $0x0  }
0x14d: {  	[sflag:s7] =	ssyncadd.s32 $0xFFFFC000  }
0x14e: {  	_ =	swait.ge [sflag:s6], $0x3C00  }
0x14f: {  	s8 =	rddreg [dreg:$0x11]  }
0x150: {  	s9 =	rddreg [dreg:$0x10];
	s7 =	sadd.s32 $0x1, s8  }
0x151: {  	p0 =	sne.s32 s7, s9  }
.Ltmp2:
0x152: {  	_ = 	snop;
	(pc) =	sbr.rel @p0 .LBB2_1-.Ltmp2, $3  }
0x153: {  	_ =	sdelay $0x1  }
0x154: {  	[sflag:s6] =	ssyncset.done $0x0  }
0x155: {  	[sflag:s6] =	ssyncadd.s32 $0xFFFFC400  }
0x156: {  	_ =	sfence.sel $0x180000  }
0x157: {  	[bflag:$0x0] =	sbarrier.arrive $0xFFFF  }
0x158: {  	_ =	strace $0x9000004D  }
0x159: {  	s0 =	stileid.u32;
	[bflag:$0x2] =	sbarrier.arrive $0xFFFF  }
0x15a: {  	p0 =	sne.s32 s0, $0x0;
	s0 =	rddreg [dreg:$0x4]  }
0x15b: {  	s0 =	sadd.s32 @!p0 $0x100000, s0  }
0x15c: {  	[sflag:s0] =	ssyncadd.tile.s32 @!p0 $0x1;
	_ =	shalt  }
.Lfunc_end2:
_tile_overlayer_lowered:
.L_overlay_start_2:
0x15d: {  	(tag) =	ssettag $0x2  }
0x15e: {  	s0 =	rddreg [dreg:$0x0];
	s2 =	stileid.u32  }
0x15f: {  	s1 =	rddreg [dreg:$0x1];
	p0 =	sne.s32 s2, $0x0  }
0x160: {  	s3 =	rddreg [dreg:$0x2];
	[bflag:$0x3] =	sbarrier.arrive $0xFFFF;
	s2 =	simm.s32 @!p0 $0x1C01  }
0x161: {  	[timem:s3], [sflag:s2] =	dma.local @!p0 [hbm:s0], s1  }
0x162: {  	s0 =	simm.s32 @!p0 $0x1  }
0x163: {  	_ =	swait.ge @!p0 [sflag:s0], s1  }
0x164: {  	s1 =	ssub.s32 @!p0 $0x0, s1;
	[sflag:s0] =	ssyncset.done @!p0 $0x0  }
0x165: {  	[sflag:s0] =	ssyncadd.s32 @!p0 s1  }
0x166: {  	[bflag:$0x3] =	sbarrier.arrive $0xFFFF  }
0x167: {  	_ =	shalt  }

// kernel: kernel.8.cloned.1.call-start
scs
__scs_entry_jumppad:
0x0: {  	(pc) =	sbr.rel $0x88, $3  }
0x1: {  	(tag) =	ssettag $0x0;
	lr =	simm.s32 $0x1  }
0x2: {  	[smem:$0x3F99] =	sst lr;
	_ =	strace $0xD0000000  }
0x3: {  	_ = 	snop  }
0x4: {  	_ = 	snop  }
0x5: {  	_ = 	snop  }
0x6: {  	_ = 	snop  }
0x7: {  	_ = 	snop  }
__scs_overlays_trampoline_lowered:
0x8: {  	[smem:$0x3FA8] =	sst s0  }
0x9: {  	[smem:$0x3FA9] =	sst s1  }
0xa: {  	[smem:$0x3FAA] =	sst s2  }
0xb: {  	[smem:$0x3FAB] =	sst s3  }
0xc: {  	[smem:$0x3FAC] =	sst s4  }
0xd: {  	[smem:$0x3FAD] =	sst s5  }
0xe: {  	[smem:$0x3FAE] =	sst s6  }
0xf: {  	[smem:$0x3FAF] =	sst s7  }
0x10: {  	[smem:$0x3FB0] =	sst s8  }
0x11: {  	[smem:$0x3FB1] =	sst s9;
	s0 =	simm.s32 @!p0 $0x0  }
0x12: {  	s1 =	sld [smem:$0x3F97];
	s0 =	simm.s32 @p0 $0x1  }
0x13: {  	[smem:$0x3FB2] =	sst s0;
	s0 =	simm.s32 @!p1 $0x0  }
0x14: {  	s2 =	sld [smem:$0x3F96];
	s0 =	simm.s32 @p1 $0x1  }
0x15: {  	[smem:$0x3FB3] =	sst s0;
	s0 =	simm.s32 @!p2 $0x0  }
0x16: {  	s3 =	sld [smem:$0x3FDB];
	s0 =	simm.s32 @p2 $0x1  }
0x17: {  	s4 =	simm.s32 $0x1BF5;
	[smem:$0x3FB5] =	sst s0  }
0x18: {  	s0 =	sld [smem:$0x3F98];
	_ =	swait.ge [sflag:s4], $0x0  }
0x19: {  	s7 =	sld [smem:$0x3F99]  }
0x1a: {  	s8 =	sadd.s32 $0xFFFFE003, lr  }
0x1b: {  	s9 =	sadd.s32 $0xFFFFFEF7, lr;
	s5 =	simm.s32 $0xFFFFFFFF;
	p2 =	slt.u32 s8, $0xFFFFF086  }
0x1c: {  	p1 =	slt.u32 s9, $0xF7A;
	s5 =	simm.s32 @!p2 $0x0  }
0x1d: {  	s5 =	simm.s32 @p1 $0x1;
	p0 =	seq.s32 s7, s2  }
0x1e: {  	s7 =	smul.u32 @!p0 $0xF7A, s2;
	p2 =	seq.s32 @!p0 s5, $0x0  }
0x1f: {  	s9 =	smul.u32 $0xF7A, s1;
	s8 =	simm.s32 @!p0 $0x1BF5;
	p2 =	por !p2, p0  }
0x20: {  	[sflag:s8] =	ssyncset.s32 @!p0 $0xFFFFF086;
	s6 =	sadd.s32 @!p0 s3, s7;
	s7 =	simm.s32 @!p0 $0x108  }
0x21: {  	s3 =	sadd.s32 s3, s9;
	s6 =	sadd.s32 @!p0 $0x88, s6;
	s7 =	simm.s32 @p2 $0x1082  }
0x22: {  	[simem:s7], [sflag:s8] =	dma.local @!p0 [hbm:s6], $0xF7A  }
0x23: {  	s9 =	sor.u32 $0xD0000000, s2;
	s6 =	simm.s32 $0x108;
	_ =	swait.ge @!p0 [sflag:s8], $0x0  }
0x24: {  	s3 =	sadd.s32 $0x88, s3;
	s6 =	simm.s32 @!p1 $0x1082;
	[sflag:s4] =	ssyncset.s32 $0xFFFFF086  }
0x25: {  	[simem:s6], [sflag:s4] =	dma.local [hbm:s3], $0xF7A  }
0x26: {  	[smem:$0x3F99] =	sst s1;
	(tag) =	ssettag s2;
	_ =	strace s9  }
0x27: {  	s1 =	sld [smem:$0x3FA9]  }
0x28: {  	s2 =	sld [smem:$0x3FAA]  }
0x29: {  	s4 =	sld [smem:$0x3FAC]  }
0x2a: {  	p0 =	seq.s32 s5, $0x0;
	s5 =	sld [smem:$0x3FAD]  }
0x2b: {  	s6 =	sld [smem:$0x3FAE]  }
0x2c: {  	s7 =	sld [smem:$0x3FAF]  }
0x2d: {  	s3 =	simm.s32 $0x108;
	s8 =	sld [smem:$0x3FB0]  }
0x2e: {  	s3 =	simm.s32 @!p0 $0x1082;
	s9 =	sld [smem:$0x3FB1]  }
0x2f: {  	lr =	sadd.s32 s0, s3;
	s0 =	sld [smem:$0x3FA8]  }
0x30: {  	s3 =	sld [smem:$0x3FAB]  }
0x31: {  	[smem:$0x3FB4] =	sst s10  }
0x32: {  	s10 =	sld [smem:$0x3FB2];
	_ =	sdelay $0x3  }
0x33: {  	p0 =	seq.s32 s10, $0x1;
	s10 =	sld [smem:$0x3FB4];
	_ =	sdelay $0x3  }
0x34: {  	[smem:$0x3FB4] =	sst s10  }
0x35: {  	s10 =	sld [smem:$0x3FB3];
	_ =	sdelay $0x3  }
0x36: {  	p1 =	seq.s32 s10, $0x1;
	s10 =	sld [smem:$0x3FB4];
	_ =	sdelay $0x3  }
0x37: {  	[smem:$0x3FB4] =	sst s10  }
0x38: {  	s10 =	sld [smem:$0x3FB5]  }
0x39: {  	_ = 	snop;
	(pc) =	sbr.ind lr, $3  }
0x3a: {  	_ = 	snop  }
0x3b: {  	_ = 	snop  }
0x3c: {  	p2 =	seq.s32 s10, $0x1;
	s10 =	sld [smem:$0x3FB4]  }
0x3d: {  	_ =	shalt  }
0x3e: {  	_ =	shalt  }
0x3f: {  	_ =	shalt  }
0x40: {  	_ =	shalt  }
0x41: {  	_ =	shalt  }
0x42: {  	_ =	shalt  }
0x43: {  	_ =	shalt  }
0x44: {  	_ =	shalt  }
0x45: {  	_ =	shalt  }
0x46: {  	_ =	shalt  }
0x47: {  	_ =	shalt  }
0x48: {  	_ =	shalt  }
0x49: {  	_ =	shalt  }
0x4a: {  	_ =	shalt  }
0x4b: {  	_ =	shalt  }
0x4c: {  	_ =	shalt  }
0x4d: {  	_ =	shalt  }
0x4e: {  	_ =	shalt  }
0x4f: {  	_ =	shalt  }
0x50: {  	_ =	shalt  }
0x51: {  	_ =	shalt  }
0x52: {  	_ =	shalt  }
0x53: {  	_ =	shalt  }
0x54: {  	_ =	shalt  }
0x55: {  	_ =	shalt  }
0x56: {  	_ =	shalt  }
0x57: {  	_ =	shalt  }
0x58: {  	_ =	shalt  }
0x59: {  	_ =	shalt  }
0x5a: {  	_ =	shalt  }
0x5b: {  	_ =	shalt  }
0x5c: {  	_ =	shalt  }
0x5d: {  	_ =	shalt  }
0x5e: {  	_ =	shalt  }
0x5f: {  	_ =	shalt  }
0x60: {  	_ =	shalt  }
0x61: {  	_ =	shalt  }
0x62: {  	_ =	shalt  }
0x63: {  	_ =	shalt  }
0x64: {  	_ =	shalt  }
0x65: {  	_ =	shalt  }
0x66: {  	_ =	shalt  }
0x67: {  	_ =	shalt  }
0x68: {  	_ =	shalt  }
0x69: {  	_ =	shalt  }
0x6a: {  	_ =	shalt  }
0x6b: {  	_ =	shalt  }
0x6c: {  	_ =	shalt  }
0x6d: {  	_ =	shalt  }
0x6e: {  	_ =	shalt  }
0x6f: {  	_ =	shalt  }
0x70: {  	_ =	shalt  }
0x71: {  	_ =	shalt  }
0x72: {  	_ =	shalt  }
0x73: {  	_ =	shalt  }
0x74: {  	_ =	shalt  }
0x75: {  	_ =	shalt  }
0x76: {  	_ =	shalt  }
0x77: {  	_ =	shalt  }
0x78: {  	_ =	shalt  }
0x79: {  	_ =	shalt  }
0x7a: {  	_ =	shalt  }
0x7b: {  	_ =	shalt  }
0x7c: {  	_ =	shalt  }
0x7d: {  	_ =	shalt  }
0x7e: {  	_ =	shalt  }
0x7f: {  	_ =	shalt  }
0x80: {  	_ =	shalt  }
0x81: {  	_ =	shalt  }
0x82: {  	_ =	shalt  }
0x83: {  	_ =	shalt  }
0x84: {  	_ =	shalt  }
0x85: {  	_ =	shalt  }
0x86: {  	_ =	shalt  }
0x87: {  	_ =	shalt  }
.Lfunc_end0:
.L_simem_size_0:
called_computation_lowered:
.L_overlay_start_0:
0x88: {  	s2 =	sld [smem:$0x3FD9]  }
0x89: {  	s3 =	sld [smem:$0x3FFE];
	_ =	sdelay $0x1  }
0x8a: {  	s1 =	srdreg.scid  }
0x8b: {  	s0 =	sand.u32 $0x1, s1  }
0x8c: {  	s14 =	sshll.u32 s0, $0xA;
	s2 =	sadd.s32 s3, s2  }
0x8d: {  	s2 =	sadd.s32 s2, s14  }
0x8e: {  	[smem:$0x3FC0] =	sst s2  }
0x8f: {  	_ = 	snop  }
0x90: {  	s2 =	sld [smem:$0x3FD0];
	_ =	sdelay $0x2  }
0x91: {  	s15 =	simm.s32 $0xA;
	s4 =	simm.s32 $0x10  }
0x92: {  	[smem:s4], [sflag:s15] =	dma.local [hbm:s2], $0x1  }
0x93: {  	_ =	swait.eq [sflag:s15], $0x1  }
0x94: {  	[sflag:s15] =	ssyncset.done $0x0  }
0x95: {  	[sflag:s15] =	ssyncadd.s32 $0xFFFFFFFF  }
0x96: {  	s16 =	sld [smem:$0x11];
	(tm) =	ssettm $0x1  }
0x97: {  	s17 =	sld [smem:$0x3FFB];
	_ =	sdelay $0x3  }
0x98: {  	_ =	strace s17  }
0x99: {  	s3 =	sld [smem:$0x3FFC];
	_ =	sdelay $0x3  }
0x9a: {  	_ =	strace s3  }
0x9b: {  	s3 =	sld [smem:$0x3FFD];
	_ =	sdelay $0x3  }
0x9c: {  	_ =	strace s3  }
0x9d: {  	_ =	strace $0x8FFFFFFF  }
0x9e: {  	s18 =	sld [smem:$0x3FDB];
	_ =	sdelay $0x1  }
0x9f: {  	s19 =	simm.s32 $_scs_section_size  }
0xa0: {  	s5 =	simm.s32 $_size__tile_overlayer_lowered;
	s6 =	simm.s32 $_tile_overlayer_lowered  }
0xa1: {  	s22 =	simm.s32 $0x1BFF;
	s21 =	sshll.u32 s6, $0x1;
	s3 =	sadd.s32 s19, s18  }
0xa2: {  	s7 =	simm.s32 $0x0;
	s20 =	sshll.u32 s5, $0x1;
	s5 =	sadd.s32 s21, s3  }
0xa3: {  	[timem:s7], [sflag:s22] =	dma.local [hbm:s5], s20  }
0xa4: {  	_ =	swait.ge [sflag:s22], s20  }
0xa5: {  	s4 =	ssub.s32 $0x0, s20;
	[sflag:s22] =	ssyncset.done $0x0  }
0xa6: {  	[sflag:s22] =	ssyncadd.s32 s4;
	_ =	sdelay $0x1  }
0xa7: {  	s23 =	simm.s32 $0x1B8B  }
0xa8: {  	_ =	swait.ge [sflag:s23], $0x1  }
0xa9: {  	[sflag:s23] =	ssyncset.done $0x0  }
0xaa: {  	s25 =	simm.s32 $0x1B8E;
	s24 =	sld [smem:$0x3FFE];
	[sflag:s23] =	ssyncadd.s32 $0xFFFFFFFF  }
0xab: {  	s26 =	simm.s32 $execute0_lowered;
	[smem:$0x3FD2] =	sst s25  }
0xac: {  	s5 =	sshll.u32 s26, $0x1;
	_ =	strace $0x80000046;
	[dreg:$0x1] =	wrdreg $0xFFFFFFFF  }
0xad: {  	s28 =	simm.s32 $_size_execute0_lowered;
	s3 =	sadd.s32 s3, s5;
	[dreg:$0x0] =	wrdreg $0x0  }
0xae: {  	s5 =	sshll.u32 s28, $0x1;
	[dreg:$0x2] =	wrdreg s3  }
0xaf: {  	[dreg:$0x3] =	wrdreg s5  }
0xb0: {  	[dreg:$0x4] =	wrdreg $0xC0  }
0xb1: {  	_ =	task [dreg:s7], $0x5FFFF  }
0xb2: {  	[dreg:$0x1] =	wrdreg $0xFFFFFFFF  }
0xb3: {  	[dreg:$0x0] =	wrdreg $0x60  }
0xb4: {  	[dreg:$0x2] =	wrdreg s16  }
0xb5: {  	[dreg:$0x3] =	wrdreg s24  }
0xb6: {  	[dreg:$0x4] =	wrdreg $0x0  }
0xb7: {  	[dreg:$0x5] =	wrdreg $0x9  }
0xb8: {  	_ =	task.clear_ibuf [dreg:s7], $0x6FFFF;
	_ =	strace $0x90000046  }
0xb9: {  	s29 =	simm.s32 $0x9;
	_ =	strace $0x80000048  }
0xba: {  	_ =	swait.ge [sflag:s29], $0x1  }
0xbb: {  	[sflag:s29] =	ssyncadd.s32 $0xFFFFFFFF  }
0xbc: {  	_ =	strace $0x90000048  }
0xbd: {  	_ =	sfence  }
0xbe: {  	s30 =	sld [smem:$0x0];
	_ =	sdelay $0x2  }
0xbf: {  	s31 =	sshll.u32 s1, $0xD;
	s1 =	sshrl.u32 s1, $0x2  }
0xc0: {  	s3 =	sand.u32 $0x4000, s31;
	s1 =	sadd.s32 s1, s30  }
0xc1: {  	s0 =	sor.u32 s3, s0;
	s1 =	sshll.u32 s1, $0x11  }
0xc2: {  	s0 =	sor.u32 s1, s0  }
0xc3: {  	s0 =	sadd.s32 $0x8F2B, s0  }
0xc4: {  	[sflag:s0] =	ssyncadd.remote.s32 $0x1  }
0xc5: {  	_ =	sfence.sel $0xFFFF  }
0xc6: {  	[dreg:$0x0] =	wrdreg $0xFFFFFFFF;
	(pc) =	sbr.abs _section_cstart, $3  }
0xc7: {  	[dreg:$0x1] =	wrdreg $0xFFFFFFFF  }
0xc8: {  	_ =	task.clear_ibuf [dreg:s7], $0x2FFFF;
	_ =	strace $0x9FFFFFFF  }
0xc9: {  	(tm) =	ssettm $0x7FFFFFFF  }
tec
execute0_lowered:
.L_overlay_start_1:
0x0: {  	(tag) =	ssettag $0x1  }
0x1: {  	s5 =	rddreg [dreg:$0x0]  }
0x2: {  	s4 =	rddreg [dreg:$0x1];
	s0 =	srdreg.scid  }
0x3: {  	s2 =	rddreg [dreg:$0x2];
	s1 =	stileid.u32  }
0x4: {  	s3 =	simm.s32 $0x0;
	s11 =	simm.s32 $0x80;
	s12 =	simm.s32 $0x4F80  }
0x5: {  	s6 =	sand.u32 $0x1, s0;
	s0 =	rddreg [dreg:$0x3];
	s8 =	smul.u32 $0x13C00, s1  }
0x6: {  	[smem:$0x7FF] =	sst s3;
	s9 =	smul.u32 $0x4F000, s1;
	s13 =	sshll.u32 s1, $0x6  }
0x7: {  	s7 =	smul.u32 $0x13C000, s6;
	s30 =	sshll.u32 s6, $0x4;
	s6 =	ssub.s32 $0x2, s6  }
0x8: {  	_ =	strace $0x80000047;
	s13 =	sor.u32 $0x1C01, s13;
	s10 =	sshrl.u32 s6, $0x1  }
0x9: {  	s31 =	sshrl.u32 s9, $0x2;
	s7 =	sadd.s32 s8, s7;
	s8 =	sor.u32 s1, s30  }
0xa: {  	s9 =	simm.s32 $0x1;
	s7 =	sshrl.u32 s7, $0x3;
	s8 =	smul.u32 $0x500, s8  }
0xb: {  	s10 =	ssub.s32 s6, s10;
	s7 =	sadd.s32 s7, s4;
	s4 =	sadd.s32 s31, s2  }
0xc: {  	s5 =	sadd.s32 s5, s8;
	s6 =	sadd.s32 $0x2C00, s7;
	s7 =	smax.u32 s10, $0x1  }
0xd: {  	v0 =	vimm.f32 $1.000000000e+00;
	v1 =	vimm.f32 $0.0e+00;
	s8 =	simm.s32 $0x8F80;
	s10 =	simm.s32 $0x2780;
	s14 =	sshrl.u32 s4, $0x3  }
.LBB2_1:
0xe: {  	s15 =	simm.s32 $0x0  }
.LBB2_2:
0xf: {  	p0 =	sne.s32 s15, $0xFE00  }
.Ltmp0:
0x10: {  	_ = 	snop;
	(pc) =	sbr.rel @p0 .LBB2_2-.Ltmp0, $3  }
0x11: {  	_ =	sdelay $0x1  }
0x12: {  	s16 =	sshra.s32 s15, $0x2  }
0x13: {  	s15 =	sadd.s32 $0x200, s15;
	[tilespmem:s16+$0x4F80] =	vst v0  }
0x14: {  	s15 =	simm.s32 $0x200;
	s16 =	simm.s32 $0x0  }
.LBB2_4:
0x15: {  	p0 =	sne.s32 s15, $0x4EE00;
	[tilespmem:s16+$0x8F80] =	vst v1;
	s16 =	smov.u32 s15;
	s15 =	sadd.s32 $0x200, s15  }
.Ltmp1:
0x16: {  	(pc) =	sbr.rel @p0 .LBB2_4-.Ltmp1, $2  }
0x17: {  	_ =	sdelay $0x2  }
0x18: {  	s16 =	sshra.s32 s16, $0x2  }
0x19: {  	[tilespmem:s16+$0x8F80] =	vst v1  }
0x1a: {  	[spmem:s4] =	stream.linear.scatter [tilespmem:s8], [sflag:$0x1], $0x13C00, $0x38;
	[tilespmem:$0x1CB80] =	vst v63  }
0x1b: {  	_ =	swait.ge [sflag:s9], $0x13C00  }
0x1c: {  	[sflag:s9] =	ssyncset.done $0x0  }
0x1d: {  	s15 =	simm.s32 $0x0;
	[sflag:s9] =	ssyncadd.s32 $0xFFFEC400  }
0x1e: {  	[tilespmem:s10], [sflag:$0x1] =	stream.linear.gather [hbm4b:s5+s15], $0x2800, $0x38;
	[tilespmem:$0x1CB80] =	vst v63  }
0x1f: {  	_ =	swait.ge [sflag:s9], $0x2800  }
0x20: {  	[sflag:s9] =	ssyncset.done $0x0  }
0x21: {  	[sflag:s9] =	ssyncadd.s32 $0xFFFFD800  }
0x22: {  	s31 =	simm.s32 $0x2780;
	[bflag:$0x0] =	sbarrier.arrive $0xFFFF  }
0x23: {  	[spmem:s2] =	stream.indirect.scatter.add.f32 [tilespmem:s12], [sflag:$0x1], $0x10, s31, s11, $0xb8;
	[tilespmem:$0x1CB80] =	vst v63  }
0x24: {  	s15 =	simm.s32 $0x200;
	_ =	swait.ge [sflag:s9], $0x800  }
.LBB2_6:
0x25: {  	s16 =	sshra.s32 s15, $0x2;
	[sflag:s9] =	ssyncset.done $0x0;
	p0 =	sne.s32 s15, $0x9E00  }
.Ltmp2:
0x26: {  	s16 =	sadd.s32 $0x2780, s16;
	[sflag:s9] =	ssyncadd.s32 $0xFFFFF800;
	(pc) =	sbr.rel @p0 .LBB2_6-.Ltmp2, $3  }
0x27: {  	[spmem:s2] =	stream.indirect.scatter.add.f32 [tilespmem:s12], [sflag:$0x1], $0x10, s16, s11, $0xb8;
	[tilespmem:$0x1CB80] =	vst v63  }
0x28: {  	s15 =	sadd.s32 $0x200, s15;
	_ =	sdelay $0x1  }
0x29: {  	_ =	swait.ge [sflag:s9], $0x800  }
0x2a: {  	[sflag:s9] =	ssyncset.done $0x0;
	s3 =	sadd.s32 $0x1, s3  }
0x2b: {  	[sflag:s9] =	ssyncadd.s32 $0xFFFFF800;
	p0 =	sne.s32 s3, s7  }
.Ltmp3:
0x2c: {  	[bflag:$0x0] =	sbarrier.arrive $0xFFFF;
	(pc) =	sbr.rel @p0 .LBB2_1-.Ltmp3, $4  }
0x2d: {  	[hbm:s6], [sflag:s13] =	dma.local [spmem:s14], $0x2780  }
0x2e: {  	_ =	swait.ge [sflag:s9], $0x2780  }
0x2f: {  	[sflag:s9] =	ssyncset.done $0x0  }
0x30: {  	[sflag:s9] =	ssyncadd.s32 $0xFFFFD880  }
0x31: {  	_ =	sfence.sel $0x180000  }
0x32: {  	[bflag:$0x0] =	sbarrier.arrive $0xFFFF  }
0x33: {  	p0 =	sne.s32 s1, $0x0;
	_ =	strace $0x90000047  }
0x34: {  	s0 =	sadd.s32 @!p0 $0x100000, s0;
	[bflag:$0x2] =	sbarrier.arrive $0xFFFF  }
0x35: {  	[sflag:s0] =	ssyncadd.tile.s32 @!p0 $0x1;
	_ =	shalt  }
.Lfunc_end2:
_tile_overlayer_lowered:
.L_overlay_start_2:
0x36: {  	(tag) =	ssettag $0x2  }
0x37: {  	s0 =	rddreg [dreg:$0x0];
	s2 =	stileid.u32  }
0x38: {  	s1 =	rddreg [dreg:$0x1];
	p0 =	sne.s32 s2, $0x0  }
0x39: {  	s3 =	rddreg [dreg:$0x2];
	[bflag:$0x3] =	sbarrier.arrive $0xFFFF;
	s2 =	simm.s32 @!p0 $0x1C01  }
0x3a: {  	[timem:s3], [sflag:s2] =	dma.local @!p0 [hbm:s0], s1  }
0x3b: {  	s0 =	simm.s32 @!p0 $0x1  }
0x3c: {  	_ =	swait.ge @!p0 [sflag:s0], s1  }
0x3d: {  	s1 =	ssub.s32 @!p0 $0x0, s1;
	[sflag:s0] =	ssyncset.done @!p0 $0x0  }
0x3e: {  	[sflag:s0] =	ssyncadd.s32 @!p0 s1  }
0x3f: {  	[bflag:$0x3] =	sbarrier.arrive $0xFFFF  }
0x40: {  	_ =	shalt  }

</sc_bundles>
